<compile_context>
chip_gen: v7x
topology: tpu7x:2x2x1
jax: 0.10.2.dev20260603
libtpu: 0.0.44.dev20260713+nightly
codegen_flags: <defaults>
</compile_context>

<pallas_src>
import functools

import jax
import jax.numpy as jnp
from jax import lax
from jax.experimental import pallas as pl
from jax.experimental.pallas import tpu as pltpu
from jax.experimental.pallas import tpu_sc as plsc

N = 10000
E = 320000
D = 128
DW1 = 144

NC = 2
NS = 16
NW = NC * NS
EPW = E // NW
CH = 40
NCHUNK = EPW // CH
SCH = 5
NSUP = NCHUNK // SCH
ZR = 40
NPAD = 10240
RPT = NPAD // NS

_sc_mesh = plsc.VectorSubcoreMesh(
    core_axis_name="c", subcore_axis_name="s", num_cores=NC, num_subcores=NS)


def _sc_agg_body(dw, *refs):
    (y, src, dst, zfill, agg_out,
     acc, src_v, dst_v, rows_v, *sems) = refs
    gsems = sems[:SCH]
    ssems = sems[SCH:2 * SCH]
    isem0, isem1 = sems[2 * SCH], sems[2 * SCH + 1]

    cid = lax.axis_index("c")
    sid = lax.axis_index("s")
    wid = cid * NS + sid
    r0 = sid * RPT

    zb = rows_v.at[0].at[pl.ds(0, ZR)]
    pltpu.sync_copy(zfill, zb)
    for k in range(RPT // ZR):
        pltpu.sync_copy(zb, acc.at[pl.ds(r0 + k * ZR, ZR)])
    for j in range(SCH):
        pltpu.async_copy(zfill, rows_v.at[j].at[pl.ds(0, ZR)], ssems[j])
    plsc.subcore_barrier()

    crow0 = wid * NCHUNK

    def idx_start(sup_i, p, isem):
        cr = crow0 + sup_i * SCH
        pltpu.async_copy(src.at[pl.ds(cr, SCH)], src_v.at[p], isem)
        pltpu.async_copy(dst.at[pl.ds(cr, SCH)], dst_v.at[p], isem)

    def idx_wait(sup_i, p, isem):
        cr = crow0 + sup_i * SCH
        pltpu.make_async_copy(src.at[pl.ds(cr, SCH)], src_v.at[p], isem).wait()
        pltpu.make_async_copy(dst.at[pl.ds(cr, SCH)], dst_v.at[p], isem).wait()

    def slot_wait(j):
        pltpu.make_async_copy(
            zfill, rows_v.at[j].at[pl.ds(0, ZR)], ssems[j]).wait()

    def proc(sup_i, p, isem):
        idx_wait(sup_i, p, isem)
        gathers = []
        for j in range(SCH):
            slot_wait(j)
            gathers.append(pltpu.async_copy(
                y.at[src_v.at[p, j]], rows_v.at[j], gsems[j]))
        for j in range(SCH):
            gathers[j].wait()
            pltpu.async_copy(
                rows_v.at[j], acc.at[dst_v.at[p, j]], ssems[j], add=True)
        idx_start(sup_i + 2, p, isem)

    idx_start(0, 0, isem0)
    idx_start(1, 1, isem1)

    def step(t, carry):
        proc(2 * t, 0, isem0)
        proc(2 * t + 1, 1, isem1)
        return carry

    lax.fori_loop(0, NSUP // 2, step, 0)
    for j in range(SCH):
        slot_wait(j)
    idx_wait(NSUP, 0, isem0)
    idx_wait(NSUP + 1, 1, isem1)
    plsc.subcore_barrier()

    pltpu.sync_copy(acc.at[pl.ds(r0, RPT)], agg_out.at[cid, pl.ds(r0, RPT)])


def _make_sc_agg(dw):
    return pl.kernel(
        functools.partial(_sc_agg_body, dw),
        out_type=(jax.ShapeDtypeStruct((NC, NPAD, dw), jnp.float32),),
        mesh=_sc_mesh,
        scratch_types=[
            pltpu.VMEM_SHARED((NPAD, dw), jnp.float32),
            pltpu.VMEM((2, SCH, CH), jnp.int32),
            pltpu.VMEM((2, SCH, CH), jnp.int32),
            pltpu.VMEM((SCH, CH, dw), jnp.float32),
        ] + [pltpu.SemaphoreType.DMA] * (2 * SCH + 2),
        compiler_params=pltpu.CompilerParams(use_tc_tiling_on_sc=False),
    )


BN = 1000


def _tc_pre_body(x, w, o):
    mm = jnp.dot(x[...], w[...], preferred_element_type=jnp.float32)
    o[...] = jnp.concatenate(
        [mm, jnp.ones((BN, DW1 - D), jnp.float32)], axis=1)


def _tc_pre(x, w):
    return pl.pallas_call(
        _tc_pre_body,
        grid=(N // BN,),
        in_specs=[
            pl.BlockSpec((BN, D), lambda i: (i, 0)),
            pl.BlockSpec((D, D), lambda i: (0, 0)),
        ],
        out_specs=pl.BlockSpec((BN, DW1), lambda i: (i, 0)),
        out_shape=jax.ShapeDtypeStruct((N, DW1), jnp.float32),
    )(x, w)


def _tc_combine1_body(x, a0, a1, ws, b, wn2, h, y2, dego):
    aa = a0[0] + a1[0]
    degv = aa[:, D:D + 1]
    inv = 1.0 / jnp.maximum(degv, 1.0)
    hv = jnp.maximum(
        jnp.dot(x[...], ws[...], preferred_element_type=jnp.float32)
        + aa[:, :D] * inv + b[...], 0.0)
    h[...] = hv
    y2[...] = jnp.dot(hv, wn2[...], preferred_element_type=jnp.float32)
    dego[...] = degv


def _tc_combine1(x, agg, ws, b, wn2):
    blk = pl.BlockSpec((BN, D), lambda i: (i, 0))
    a0spec = pl.BlockSpec((1, BN, DW1), lambda i: (0, i, 0))
    a1spec = pl.BlockSpec((1, BN, DW1), lambda i: (1, i, 0))
    full = pl.BlockSpec((D, D), lambda i: (0, 0))
    return pl.pallas_call(
        _tc_combine1_body,
        grid=(N // BN,),
        in_specs=[blk, a0spec, a1spec, full,
                  pl.BlockSpec((1, D), lambda i: (0, 0)), full],
        out_specs=(blk, blk, pl.BlockSpec((BN, 1), lambda i: (i, 0))),
        out_shape=(jax.ShapeDtypeStruct((N, D), jnp.float32),
                   jax.ShapeDtypeStruct((N, D), jnp.float32),
                   jax.ShapeDtypeStruct((N, 1), jnp.float32)),
    )(x, agg, agg, ws, b, wn2)


def _tc_combine2_body(x, a0, a1, deg, ws, b, o):
    inv = 1.0 / jnp.maximum(deg[...], 1.0)
    o[...] = jnp.maximum(
        jnp.dot(x[...], ws[...], preferred_element_type=jnp.float32)
        + (a0[0] + a1[0]) * inv + b[...], 0.0)


def _tc_combine2(x, agg, deg, ws, b):
    blk = pl.BlockSpec((BN, D), lambda i: (i, 0))
    a0spec = pl.BlockSpec((1, BN, D), lambda i: (0, i, 0))
    a1spec = pl.BlockSpec((1, BN, D), lambda i: (1, i, 0))
    full = pl.BlockSpec((D, D), lambda i: (0, 0))
    return pl.pallas_call(
        _tc_combine2_body,
        grid=(N // BN,),
        in_specs=[blk, a0spec, a1spec,
                  pl.BlockSpec((BN, 1), lambda i: (i, 0)),
                  full,
                  pl.BlockSpec((1, D), lambda i: (0, 0))],
        out_specs=blk,
        out_shape=jax.ShapeDtypeStruct((N, D), jnp.float32),
    )(x, agg, agg, deg, ws, b)


def kernel(inputs, edge_index, W_self1, W_neigh1, b1, W_self2, W_neigh2, b2):
    x = inputs.astype(jnp.float32)
    src = jnp.pad(edge_index[0].astype(jnp.int32).reshape(E // CH, CH),
                  ((0, 2 * SCH), (0, 0)))
    dst = jnp.pad(edge_index[1].astype(jnp.int32).reshape(E // CH, CH),
                  ((0, 2 * SCH), (0, 0)))
    zfill1 = jnp.zeros((ZR, DW1), jnp.float32)
    zfill2 = jnp.zeros((ZR, D), jnp.float32)
    b1r = b1.reshape(1, D).astype(jnp.float32)
    b2r = b2.reshape(1, D).astype(jnp.float32)

    sc_agg1 = _make_sc_agg(DW1)
    sc_agg2 = _make_sc_agg(D)

    y1 = _tc_pre(x, W_neigh1)
    (agg1,) = sc_agg1(y1, src, dst, zfill1)
    h, y2, deg = _tc_combine1(x, agg1, W_self1, b1r, W_neigh2)

    (agg2,) = sc_agg2(y2, src, dst, zfill2)
    out = _tc_combine2(h, agg2, deg, W_self2, b2r)
    return out

# --- scband reference (transcript-rebuilt; emitter-appended) ---
"""Pipeline reference for scband-gcnstack-81870666596490 (READ-ONLY COPY).

The authoritative reference and input builder live on the scoring server;
editing this copy changes nothing except your own understanding.
"""

import jax, jax.numpy as jnp
import numpy as np

N = 10000
E = 320000
D = 128
H1 = 128
H2 = 128


def setup_inputs(seed: int = 0) -> dict:
    key = jax.random.key(seed)
    ks = jax.random.split(key, 10)
    inputs = jax.random.normal(ks[0], (N, D), dtype=jnp.float32)
    edge_index = jax.random.randint(ks[1], (2, E), 0, N)
    # SAGEConv-style parameters for two layers (mean aggregator):
    # out = relu(x @ W_self + mean_neigh(x) @ W_neigh + b)
    W_self1 = jax.random.normal(ks[2], (D, H1), dtype=jnp.float32) * 0.05
    W_neigh1 = jax.random.normal(ks[3], (D, H1), dtype=jnp.float32) * 0.05
    b1 = jnp.zeros((H1,), dtype=jnp.float32)
    W_self2 = jax.random.normal(ks[4], (H1, H2), dtype=jnp.float32) * 0.05
    W_neigh2 = jax.random.normal(ks[5], (H1, H2), dtype=jnp.float32) * 0.05
    b2 = jnp.zeros((H2,), dtype=jnp.float32)
    return {
        "inputs": inputs,
        "edge_index": edge_index,
        "W_self1": W_self1,
        "W_neigh1": W_neigh1,
        "b1": b1,
        "W_self2": W_self2,
        "W_neigh2": W_neigh2,
        "b2": b2,
    }


def _sage_layer(x, src, dst, W_self, W_neigh, b):
    # mean aggregation over incoming edges (dst receives from src)
    deg = jax.ops.segment_sum(jnp.ones((E,), dtype=jnp.float32), dst, num_segments=N)
    msg = jax.ops.segment_sum(jnp.take(x, src, axis=0), dst, num_segments=N)
    h_neigh = msg / jnp.maximum(deg, 1.0)[:, None]
    out = x @ W_self + h_neigh @ W_neigh + b
    return jax.nn.relu(out)


def reference(inputs, edge_index, W_self1, W_neigh1, b1, W_self2, W_neigh2, b2):
    src = edge_index[0]
    dst = edge_index[1]
    h = _sage_layer(inputs, src, dst, W_self1, W_neigh1, b1)
    h = _sage_layer(h, src, dst, W_self2, W_neigh2, b2)
    return h

if __name__ == "__main__":
    import jax
    _d = setup_inputs()
    print(jax.jit(kernel)(*tuple(_d.values())))

</pallas_src>

<mosaic_0001>
#map = affine_map<(d0, d1) -> (0, 0)>
#map1 = affine_map<(d0, d1) -> (0, 0, 0)>
module attributes {stable_mosaic.version = 14 : i64} {
  func.func @_sc_agg_body(%arg0: i32, %arg1: i32, %arg2: memref<10000x144xf32, #tpu.memory_space<hbm>>, %arg3: memref<8010x40xi32, #tpu.memory_space<hbm>>, %arg4: memref<8010x40xi32, #tpu.memory_space<hbm>>, %arg5: memref<40x144xf32, #tpu.memory_space<hbm>>, %arg6: memref<2x10240x144xf32, #tpu.memory_space<hbm>>, %arg7: memref<10240x144xf32, #tpu.memory_space<vmem_shared>>, %arg8: memref<2x5x40xi32, #tpu.memory_space<vmem>>, %arg9: memref<2x5x40xi32, #tpu.memory_space<vmem>>, %arg10: memref<5x40x144xf32, #tpu.memory_space<vmem>>, %arg11: memref<!tpu.dma_semaphore, #tpu.memory_space<semaphore_mem>>, %arg12: memref<!tpu.dma_semaphore, #tpu.memory_space<semaphore_mem>>, %arg13: memref<!tpu.dma_semaphore, #tpu.memory_space<semaphore_mem>>, %arg14: memref<!tpu.dma_semaphore, #tpu.memory_space<semaphore_mem>>, %arg15: memref<!tpu.dma_semaphore, #tpu.memory_space<semaphore_mem>>, %arg16: memref<!tpu.dma_semaphore, #tpu.memory_space<semaphore_mem>>, %arg17: memref<!tpu.dma_semaphore, #tpu.memory_space<semaphore_mem>>, %arg18: memref<!tpu.dma_semaphore, #tpu.memory_space<semaphore_mem>>, %arg19: memref<!tpu.dma_semaphore, #tpu.memory_space<semaphore_mem>>, %arg20: memref<!tpu.dma_semaphore, #tpu.memory_space<semaphore_mem>>, %arg21: memref<!tpu.dma_semaphore, #tpu.memory_space<semaphore_mem>>, %arg22: memref<!tpu.dma_semaphore, #tpu.memory_space<semaphore_mem>>) attributes {dimension_semantics = [#tpu.dimension_semantics<core_parallel>, #tpu.dimension_semantics<subcore_parallel>], iteration_bounds = array<i64: 2, 16>, scalar_prefetch = 0 : i64, scratch_operands = 16 : i64, tpu.core_type = #tpu.core_type<sc_vector_subcore>, window_params = [{transform_indices = #map}, {transform_indices = #map}, {transform_indices = #map}, {transform_indices = #map}, {transform_indices = #map1}]} {
    %mul3A = arith.constant 16 : i32
    %mul3A_0 = arith.muli %arg0, %mul3A : i32
    %add3A = arith.addi %mul3A_0, %arg1 : i32
    %mul3A_1 = arith.constant 640 : i32
    %mul3A_2 = arith.muli %arg1, %mul3A_1 : i32
    %run_scoped3A = arith.constant 0 : i32
    "tpu.region"() ({
      %run_scoped3A_319 = tpu.sem_alloc : memref<!tpu.dma_semaphore, #tpu.memory_space<semaphore_mem>>
      %dma_start3A_320 = arith.constant 0 : i32
      %dma_start3A_321 = arith.constant 0 : i32
      %dma_start3A_322 = tpu.memref_slice %arg10[%run_scoped3A, %dma_start3A_320, %dma_start3A_321] : memref<5x40x144xf32, #tpu.memory_space<vmem>> -> memref<1x40x144xf32, #tpu.memory_space<vmem>>
      %dma_start3A_323 = tpu.memref_squeeze %dma_start3A_322 : memref<1x40x144xf32, #tpu.memory_space<vmem>> -> memref<40x144xf32, #tpu.memory_space<vmem>>
      %dma_start3A_324 = arith.constant 0 : i32
      %dma_start3A_325 = arith.constant 0 : i32
      %dma_start3A_326 = tpu.memref_slice %dma_start3A_323[%dma_start3A_324, %dma_start3A_325] : memref<40x144xf32, #tpu.memory_space<vmem>> -> memref<40x144xf32, #tpu.memory_space<vmem>>
      %dma_start3A_327 = arith.constant 0 : i32
      %dma_start3A_328 = arith.constant 0 : i32
      %dma_start3A_329 = tpu.memref_slice %arg10[%run_scoped3A, %dma_start3A_327, %dma_start3A_328] : memref<5x40x144xf32, #tpu.memory_space<vmem>> -> memref<1x40x144xf32, #tpu.memory_space<vmem>>
      %dma_start3A_330 = tpu.memref_squeeze %dma_start3A_329 : memref<1x40x144xf32, #tpu.memory_space<vmem>> -> memref<40x144xf32, #tpu.memory_space<vmem>>
      %dma_start3A_331 = arith.constant 0 : i32
      %dma_start3A_332 = arith.constant 0 : i32
      %dma_start3A_333 = tpu.memref_slice %dma_start3A_330[%dma_start3A_331, %dma_start3A_332] : memref<40x144xf32, #tpu.memory_space<vmem>> -> memref<40x144xf32, #tpu.memory_space<vmem>>
      tpu.enqueue_dma source(%arg5 : memref<40x144xf32, #tpu.memory_space<hbm>>) target(%dma_start3A_333 : memref<40x144xf32, #tpu.memory_space<vmem>>) target_semaphore(%run_scoped3A_319 : memref<!tpu.dma_semaphore, #tpu.memory_space<semaphore_mem>>)
      %dma_wait3A_334 = arith.constant 0 : i32
      %dma_wait3A_335 = arith.constant 0 : i32
      %dma_wait3A_336 = tpu.memref_slice %arg10[%run_scoped3A, %dma_wait3A_334, %dma_wait3A_335] : memref<5x40x144xf32, #tpu.memory_space<vmem>> -> memref<1x40x144xf32, #tpu.memory_space<vmem>>
      %dma_wait3A_337 = tpu.memref_squeeze %dma_wait3A_336 : memref<1x40x144xf32, #tpu.memory_space<vmem>> -> memref<40x144xf32, #tpu.memory_space<vmem>>
      %dma_wait3A_338 = arith.constant 0 : i32
      %dma_wait3A_339 = arith.constant 0 : i32
      %dma_wait3A_340 = tpu.memref_slice %dma_wait3A_337[%dma_wait3A_338, %dma_wait3A_339] : memref<40x144xf32, #tpu.memory_space<vmem>> -> memref<40x144xf32, #tpu.memory_space<vmem>>
      %dma_wait3A_341 = arith.constant 0 : i32
      %dma_wait3A_342 = arith.constant 0 : i32
      %dma_wait3A_343 = tpu.memref_slice %arg10[%run_scoped3A, %dma_wait3A_341, %dma_wait3A_342] : memref<5x40x144xf32, #tpu.memory_space<vmem>> -> memref<1x40x144xf32, #tpu.memory_space<vmem>>
      %dma_wait3A_344 = tpu.memref_squeeze %dma_wait3A_343 : memref<1x40x144xf32, #tpu.memory_space<vmem>> -> memref<40x144xf32, #tpu.memory_space<vmem>>
      %dma_wait3A_345 = arith.constant 0 : i32
      %dma_wait3A_346 = arith.constant 0 : i32
      %dma_wait3A_347 = tpu.memref_slice %dma_wait3A_344[%dma_wait3A_345, %dma_wait3A_346] : memref<40x144xf32, #tpu.memory_space<vmem>> -> memref<40x144xf32, #tpu.memory_space<vmem>>
      tpu.wait_dma2 semaphore(%run_scoped3A_319 : memref<!tpu.dma_semaphore, #tpu.memory_space<semaphore_mem>>) src(%arg5 : memref<40x144xf32, #tpu.memory_space<hbm>>) dst(%dma_wait3A_347 : memref<40x144xf32, #tpu.memory_space<vmem>>)
      tpu.yield
    }) : () -> ()
    %add3A_3 = arith.constant 0 : i32
    %add3A_4 = arith.addi %mul3A_2, %add3A_3 : i32
    %run_scoped3A_5 = arith.constant 0 : i32
    "tpu.region"() ({
      %run_scoped3A_319 = tpu.sem_alloc : memref<!tpu.dma_semaphore, #tpu.memory_space<semaphore_mem>>
      %dma_start3A_320 = arith.constant 0 : i32
      %dma_start3A_321 = arith.constant 0 : i32
      %dma_start3A_322 = tpu.memref_slice %arg10[%run_scoped3A_5, %dma_start3A_320, %dma_start3A_321] : memref<5x40x144xf32, #tpu.memory_space<vmem>> -> memref<1x40x144xf32, #tpu.memory_space<vmem>>
      %dma_start3A_323 = tpu.memref_squeeze %dma_start3A_322 : memref<1x40x144xf32, #tpu.memory_space<vmem>> -> memref<40x144xf32, #tpu.memory_space<vmem>>
      %dma_start3A_324 = arith.constant 0 : i32
      %dma_start3A_325 = arith.constant 0 : i32
      %dma_start3A_326 = tpu.memref_slice %dma_start3A_323[%dma_start3A_324, %dma_start3A_325] : memref<40x144xf32, #tpu.memory_space<vmem>> -> memref<40x144xf32, #tpu.memory_space<vmem>>
      %dma_start3A_327 = arith.constant 0 : i32
      %dma_start3A_328 = tpu.memref_slice %arg7[%add3A_4, %dma_start3A_327] : memref<10240x144xf32, #tpu.memory_space<vmem_shared>> -> memref<40x144xf32, #tpu.memory_space<vmem_shared>>
      %dma_start3A_329 = arith.constant 0 : i32
      %dma_start3A_330 = tpu.memref_slice %arg7[%add3A_4, %dma_start3A_329] : memref<10240x144xf32, #tpu.memory_space<vmem_shared>> -> memref<40x144xf32, #tpu.memory_space<vmem_shared>>
      %dma_start3A_331 = arith.constant 0 : i32
      %dma_start3A_332 = arith.constant 0 : i32
      %dma_start3A_333 = tpu.memref_slice %arg10[%run_scoped3A_5, %dma_start3A_331, %dma_start3A_332] : memref<5x40x144xf32, #tpu.memory_space<vmem>> -> memref<1x40x144xf32, #tpu.memory_space<vmem>>
      %dma_start3A_334 = tpu.memref_squeeze %dma_start3A_333 : memref<1x40x144xf32, #tpu.memory_space<vmem>> -> memref<40x144xf32, #tpu.memory_space<vmem>>
      %dma_start3A_335 = arith.constant 0 : i32
      %dma_start3A_336 = arith.constant 0 : i32
      %dma_start3A_337 = tpu.memref_slice %dma_start3A_334[%dma_start3A_335, %dma_start3A_336] : memref<40x144xf32, #tpu.memory_space<vmem>> -> memref<40x144xf32, #tpu.memory_space<vmem>>
      tpu.enqueue_dma source(%dma_start3A_337 : memref<40x144xf32, #tpu.memory_space<vmem>>) target(%dma_start3A_330 : memref<40x144xf32, #tpu.memory_space<vmem_shared>>) target_semaphore(%run_scoped3A_319 : memref<!tpu.dma_semaphore, #tpu.memory_space<semaphore_mem>>)
      %dma_wait3A_338 = arith.constant 0 : i32
      %dma_wait3A_339 = arith.constant 0 : i32
      %dma_wait3A_340 = tpu.memref_slice %arg10[%run_scoped3A_5, %dma_wait3A_338, %dma_wait3A_339] : memref<5x40x144xf32, #tpu.memory_space<vmem>> -> memref<1x40x144xf32, #tpu.memory_space<vmem>>
      %dma_wait3A_341 = tpu.memref_squeeze %dma_wait3A_340 : memref<1x40x144xf32, #tpu.memory_space<vmem>> -> memref<40x144xf32, #tpu.memory_space<vmem>>
      %dma_wait3A_342 = arith.constant 0 : i32
      %dma_wait3A_343 = arith.constant 0 : i32
      %dma_wait3A_344 = tpu.memref_slice %dma_wait3A_341[%dma_wait3A_342, %dma_wait3A_343] : memref<40x144xf32, #tpu.memory_space<vmem>> -> memref<40x144xf32, #tpu.memory_space<vmem>>
      %dma_wait3A_345 = arith.constant 0 : i32
      %dma_wait3A_346 = tpu.memref_slice %arg7[%add3A_4, %dma_wait3A_345] : memref<10240x144xf32, #tpu.memory_space<vmem_shared>> -> memref<40x144xf32, #tpu.memory_space<vmem_shared>>
      %dma_wait3A_347 = arith.constant 0 : i32
      %dma_wait3A_348 = tpu.memref_slice %arg7[%add3A_4, %dma_wait3A_347] : memref<10240x144xf32, #tpu.memory_space<vmem_shared>> -> memref<40x144xf32, #tpu.memory_space<vmem_shared>>
      %dma_wait3A_349 = arith.constant 0 : i32
      %dma_wait3A_350 = arith.constant 0 : i32
      %dma_wait3A_351 = tpu.memref_slice %arg10[%run_scoped3A_5, %dma_wait3A_349, %dma_wait3A_350] : memref<5x40x144xf32, #tpu.memory_space<vmem>> -> memref<1x40x144xf32, #tpu.memory_space<vmem>>
      %dma_wait3A_352 = tpu.memref_squeeze %dma_wait3A_351 : memref<1x40x144xf32, #tpu.memory_space<vmem>> -> memref<40x144xf32, #tpu.memory_space<vmem>>
      %dma_wait3A_353 = arith.constant 0 : i32
      %dma_wait3A_354 = arith.constant 0 : i32
      %dma_wait3A_355 = tpu.memref_slice %dma_wait3A_352[%dma_wait3A_353, %dma_wait3A_354] : memref<40x144xf32, #tpu.memory_space<vmem>> -> memref<40x144xf32, #tpu.memory_space<vmem>>
      tpu.wait_dma2 semaphore(%run_scoped3A_319 : memref<!tpu.dma_semaphore, #tpu.memory_space<semaphore_mem>>) src(%dma_wait3A_355 : memref<40x144xf32, #tpu.memory_space<vmem>>) dst(%dma_wait3A_348 : memref<40x144xf32, #tpu.memory_space<vmem_shared>>)
      tpu.yield
    }) : () -> ()
    %add3A_6 = arith.constant 40 : i32
    %add3A_7 = arith.addi %mul3A_2, %add3A_6 : i32
    %run_scoped3A_8 = arith.constant 0 : i32
    "tpu.region"() ({
      %run_scoped3A_319 = tpu.sem_alloc : memref<!tpu.dma_semaphore, #tpu.memory_space<semaphore_mem>>
      %dma_start3A_320 = arith.constant 0 : i32
      %dma_start3A_321 = arith.constant 0 : i32
      %dma_start3A_322 = tpu.memref_slice %arg10[%run_scoped3A_8, %dma_start3A_320, %dma_start3A_321] : memref<5x40x144xf32, #tpu.memory_space<vmem>> -> memref<1x40x144xf32, #tpu.memory_space<vmem>>
      %dma_start3A_323 = tpu.memref_squeeze %dma_start3A_322 : memref<1x40x144xf32, #tpu.memory_space<vmem>> -> memref<40x144xf32, #tpu.memory_space<vmem>>
      %dma_start3A_324 = arith.constant 0 : i32
      %dma_start3A_325 = arith.constant 0 : i32
      %dma_start3A_326 = tpu.memref_slice %dma_start3A_323[%dma_start3A_324, %dma_start3A_325] : memref<40x144xf32, #tpu.memory_space<vmem>> -> memref<40x144xf32, #tpu.memory_space<vmem>>
      %dma_start3A_327 = arith.constant 0 : i32
      %dma_start3A_328 = tpu.memref_slice %arg7[%add3A_7, %dma_start3A_327] : memref<10240x144xf32, #tpu.memory_space<vmem_shared>> -> memref<40x144xf32, #tpu.memory_space<vmem_shared>>
      %dma_start3A_329 = arith.constant 0 : i32
      %dma_start3A_330 = tpu.memref_slice %arg7[%add3A_7, %dma_start3A_329] : memref<10240x144xf32, #tpu.memory_space<vmem_shared>> -> memref<40x144xf32, #tpu.memory_space<vmem_shared>>
      %dma_start3A_331 = arith.constant 0 : i32
      %dma_start3A_332 = arith.constant 0 : i32
      %dma_start3A_333 = tpu.memref_slice %arg10[%run_scoped3A_8, %dma_start3A_331, %dma_start3A_332] : memref<5x40x144xf32, #tpu.memory_space<vmem>> -> memref<1x40x144xf32, #tpu.memory_space<vmem>>
      %dma_start3A_334 = tpu.memref_squeeze %dma_start3A_333 : memref<1x40x144xf32, #tpu.memory_space<vmem>> -> memref<40x144xf32, #tpu.memory_space<vmem>>
      %dma_start3A_335 = arith.constant 0 : i32
      %dma_start3A_336 = arith.constant 0 : i32
      %dma_start3A_337 = tpu.memref_slice %dma_start3A_334[%dma_start3A_335, %dma_start3A_336] : memref<40x144xf32, #tpu.memory_space<vmem>> -> memref<40x144xf32, #tpu.memory_space<vmem>>
      tpu.enqueue_dma source(%dma_start3A_337 : memref<40x144xf32, #tpu.memory_space<vmem>>) target(%dma_start3A_330 : memref<40x144xf32, #tpu.memory_space<vmem_shared>>) target_semaphore(%run_scoped3A_319 : memref<!tpu.dma_semaphore, #tpu.memory_space<semaphore_mem>>)
      %dma_wait3A_338 = arith.constant 0 : i32
      %dma_wait3A_339 = arith.constant 0 : i32
      %dma_wait3A_340 = tpu.memref_slice %arg10[%run_scoped3A_8, %dma_wait3A_338, %dma_wait3A_339] : memref<5x40x144xf32, #tpu.memory_space<vmem>> -> memref<1x40x144xf32, #tpu.memory_space<vmem>>
      %dma_wait3A_341 = tpu.memref_squeeze %dma_wait3A_340 : memref<1x40x144xf32, #tpu.memory_space<vmem>> -> memref<40x144xf32, #tpu.memory_space<vmem>>
      %dma_wait3A_342 = arith.constant 0 : i32
      %dma_wait3A_343 = arith.constant 0 : i32
      %dma_wait3A_344 = tpu.memref_slice %dma_wait3A_341[%dma_wait3A_342, %dma_wait3A_343] : memref<40x144xf32, #tpu.memory_space<vmem>> -> memref<40x144xf32, #tpu.memory_space<vmem>>
      %dma_wait3A_345 = arith.constant 0 : i32
      %dma_wait3A_346 = tpu.memref_slice %arg7[%add3A_7, %dma_wait3A_345] : memref<10240x144xf32, #tpu.memory_space<vmem_shared>> -> memref<40x144xf32, #tpu.memory_space<vmem_shared>>
      %dma_wait3A_347 = arith.constant 0 : i32
      %dma_wait3A_348 = tpu.memref_slice %arg7[%add3A_7, %dma_wait3A_347] : memref<10240x144xf32, #tpu.memory_space<vmem_shared>> -> memref<40x144xf32, #tpu.memory_space<vmem_shared>>
      %dma_wait3A_349 = arith.constant 0 : i32
      %dma_wait3A_350 = arith.constant 0 : i32
      %dma_wait3A_351 = tpu.memref_slice %arg10[%run_scoped3A_8, %dma_wait3A_349, %dma_wait3A_350] : memref<5x40x144xf32, #tpu.memory_space<vmem>> -> memref<1x40x144xf32, #tpu.memory_space<vmem>>
      %dma_wait3A_352 = tpu.memref_squeeze %dma_wait3A_351 : memref<1x40x144xf32, #tpu.memory_space<vmem>> -> memref<40x144xf32, #tpu.memory_space<vmem>>
      %dma_wait3A_353 = arith.constant 0 : i32
      %dma_wait3A_354 = arith.constant 0 : i32
      %dma_wait3A_355 = tpu.memref_slice %dma_wait3A_352[%dma_wait3A_353, %dma_wait3A_354] : memref<40x144xf32, #tpu.memory_space<vmem>> -> memref<40x144xf32, #tpu.memory_space<vmem>>
      tpu.wait_dma2 semaphore(%run_scoped3A_319 : memref<!tpu.dma_semaphore, #tpu.memory_space<semaphore_mem>>) src(%dma_wait3A_355 : memref<40x144xf32, #tpu.memory_space<vmem>>) dst(%dma_wait3A_348 : memref<40x144xf32, #tpu.memory_space<vmem_shared>>)
      tpu.yield
    }) : () -> ()
    %add3A_9 = arith.constant 80 : i32
    %add3A_10 = arith.addi %mul3A_2, %add3A_9 : i32
    %run_scoped3A_11 = arith.constant 0 : i32
    "tpu.region"() ({
      %run_scoped3A_319 = tpu.sem_alloc : memref<!tpu.dma_semaphore, #tpu.memory_space<semaphore_mem>>
      %dma_start3A_320 = arith.constant 0 : i32
      %dma_start3A_321 = arith.constant 0 : i32
      %dma_start3A_322 = tpu.memref_slice %arg10[%run_scoped3A_11, %dma_start3A_320, %dma_start3A_321] : memref<5x40x144xf32, #tpu.memory_space<vmem>> -> memref<1x40x144xf32, #tpu.memory_space<vmem>>
      %dma_start3A_323 = tpu.memref_squeeze %dma_start3A_322 : memref<1x40x144xf32, #tpu.memory_space<vmem>> -> memref<40x144xf32, #tpu.memory_space<vmem>>
      %dma_start3A_324 = arith.constant 0 : i32
      %dma_start3A_325 = arith.constant 0 : i32
      %dma_start3A_326 = tpu.memref_slice %dma_start3A_323[%dma_start3A_324, %dma_start3A_325] : memref<40x144xf32, #tpu.memory_space<vmem>> -> memref<40x144xf32, #tpu.memory_space<vmem>>
      %dma_start3A_327 = arith.constant 0 : i32
      %dma_start3A_328 = tpu.memref_slice %arg7[%add3A_10, %dma_start3A_327] : memref<10240x144xf32, #tpu.memory_space<vmem_shared>> -> memref<40x144xf32, #tpu.memory_space<vmem_shared>>
      %dma_start3A_329 = arith.constant 0 : i32
      %dma_start3A_330 = tpu.memref_slice %arg7[%add3A_10, %dma_start3A_329] : memref<10240x144xf32, #tpu.memory_space<vmem_shared>> -> memref<40x144xf32, #tpu.memory_space<vmem_shared>>
      %dma_start3A_331 = arith.constant 0 : i32
      %dma_start3A_332 = arith.constant 0 : i32
      %dma_start3A_333 = tpu.memref_slice %arg10[%run_scoped3A_11, %dma_start3A_331, %dma_start3A_332] : memref<5x40x144xf32, #tpu.memory_space<vmem>> -> memref<1x40x144xf32, #tpu.memory_space<vmem>>
      %dma_start3A_334 = tpu.memref_squeeze %dma_start3A_333 : memref<1x40x144xf32, #tpu.memory_space<vmem>> -> memref<40x144xf32, #tpu.memory_space<vmem>>
      %dma_start3A_335 = arith.constant 0 : i32
      %dma_start3A_336 = arith.constant 0 : i32
      %dma_start3A_337 = tpu.memref_slice %dma_start3A_334[%dma_start3A_335, %dma_start3A_336] : memref<40x144xf32, #tpu.memory_space<vmem>> -> memref<40x144xf32, #tpu.memory_space<vmem>>
      tpu.enqueue_dma source(%dma_start3A_337 : memref<40x144xf32, #tpu.memory_space<vmem>>) target(%dma_start3A_330 : memref<40x144xf32, #tpu.memory_space<vmem_shared>>) target_semaphore(%run_scoped3A_319 : memref<!tpu.dma_semaphore, #tpu.memory_space<semaphore_mem>>)
      %dma_wait3A_338 = arith.constant 0 : i32
      %dma_wait3A_339 = arith.constant 0 : i32
      %dma_wait3A_340 = tpu.memref_slice %arg10[%run_scoped3A_11, %dma_wait3A_338, %dma_wait3A_339] : memref<5x40x144xf32, #tpu.memory_space<vmem>> -> memref<1x40x144xf32, #tpu.memory_space<vmem>>
      %dma_wait3A_341 = tpu.memref_squeeze %dma_wait3A_340 : memref<1x40x144xf32, #tpu.memory_space<vmem>> -> memref<40x144xf32, #tpu.memory_space<vmem>>
      %dma_wait3A_342 = arith.constant 0 : i32
      %dma_wait3A_343 = arith.constant 0 : i32
      %dma_wait3A_344 = tpu.memref_slice %dma_wait3A_341[%dma_wait3A_342, %dma_wait3A_343] : memref<40x144xf32, #tpu.memory_space<vmem>> -> memref<40x144xf32, #tpu.memory_space<vmem>>
      %dma_wait3A_345 = arith.constant 0 : i32
      %dma_wait3A_346 = tpu.memref_slice %arg7[%add3A_10, %dma_wait3A_345] : memref<10240x144xf32, #tpu.memory_space<vmem_shared>> -> memref<40x144xf32, #tpu.memory_space<vmem_shared>>
      %dma_wait3A_347 = arith.constant 0 : i32
      %dma_wait3A_348 = tpu.memref_slice %arg7[%add3A_10, %dma_wait3A_347] : memref<10240x144xf32, #tpu.memory_space<vmem_shared>> -> memref<40x144xf32, #tpu.memory_space<vmem_shared>>
      %dma_wait3A_349 = arith.constant 0 : i32
      %dma_wait3A_350 = arith.constant 0 : i32
      %dma_wait3A_351 = tpu.memref_slice %arg10[%run_scoped3A_11, %dma_wait3A_349, %dma_wait3A_350] : memref<5x40x144xf32, #tpu.memory_space<vmem>> -> memref<1x40x144xf32, #tpu.memory_space<vmem>>
      %dma_wait3A_352 = tpu.memref_squeeze %dma_wait3A_351 : memref<1x40x144xf32, #tpu.memory_space<vmem>> -> memref<40x144xf32, #tpu.memory_space<vmem>>
      %dma_wait3A_353 = arith.constant 0 : i32
      %dma_wait3A_354 = arith.constant 0 : i32
      %dma_wait3A_355 = tpu.memref_slice %dma_wait3A_352[%dma_wait3A_353, %dma_wait3A_354] : memref<40x144xf32, #tpu.memory_space<vmem>> -> memref<40x144xf32, #tpu.memory_space<vmem>>
      tpu.wait_dma2 semaphore(%run_scoped3A_319 : memref<!tpu.dma_semaphore, #tpu.memory_space<semaphore_mem>>) src(%dma_wait3A_355 : memref<40x144xf32, #tpu.memory_space<vmem>>) dst(%dma_wait3A_348 : memref<40x144xf32, #tpu.memory_space<vmem_shared>>)
      tpu.yield
    }) : () -> ()
    %add3A_12 = arith.constant 120 : i32
    %add3A_13 = arith.addi %mul3A_2, %add3A_12 : i32
    %run_scoped3A_14 = arith.constant 0 : i32
    "tpu.region"() ({
      %run_scoped3A_319 = tpu.sem_alloc : memref<!tpu.dma_semaphore, #tpu.memory_space<semaphore_mem>>
      %dma_start3A_320 = arith.constant 0 : i32
      %dma_start3A_321 = arith.constant 0 : i32
      %dma_start3A_322 = tpu.memref_slice %arg10[%run_scoped3A_14, %dma_start3A_320, %dma_start3A_321] : memref<5x40x144xf32, #tpu.memory_space<vmem>> -> memref<1x40x144xf32, #tpu.memory_space<vmem>>
      %dma_start3A_323 = tpu.memref_squeeze %dma_start3A_322 : memref<1x40x144xf32, #tpu.memory_space<vmem>> -> memref<40x144xf32, #tpu.memory_space<vmem>>
      %dma_start3A_324 = arith.constant 0 : i32
      %dma_start3A_325 = arith.constant 0 : i32
      %dma_start3A_326 = tpu.memref_slice %dma_start3A_323[%dma_start3A_324, %dma_start3A_325] : memref<40x144xf32, #tpu.memory_space<vmem>> -> memref<40x144xf32, #tpu.memory_space<vmem>>
      %dma_start3A_327 = arith.constant 0 : i32
      %dma_start3A_328 = tpu.memref_slice %arg7[%add3A_13, %dma_start3A_327] : memref<10240x144xf32, #tpu.memory_space<vmem_shared>> -> memref<40x144xf32, #tpu.memory_space<vmem_shared>>
      %dma_start3A_329 = arith.constant 0 : i32
      %dma_start3A_330 = tpu.memref_slice %arg7[%add3A_13, %dma_start3A_329] : memref<10240x144xf32, #tpu.memory_space<vmem_shared>> -> memref<40x144xf32, #tpu.memory_space<vmem_shared>>
      %dma_start3A_331 = arith.constant 0 : i32
      %dma_start3A_332 = arith.constant 0 : i32
      %dma_start3A_333 = tpu.memref_slice %arg10[%run_scoped3A_14, %dma_start3A_331, %dma_start3A_332] : memref<5x40x144xf32, #tpu.memory_space<vmem>> -> memref<1x40x144xf32, #tpu.memory_space<vmem>>
      %dma_start3A_334 = tpu.memref_squeeze %dma_start3A_333 : memref<1x40x144xf32, #tpu.memory_space<vmem>> -> memref<40x144xf32, #tpu.memory_space<vmem>>
      %dma_start3A_335 = arith.constant 0 : i32
      %dma_start3A_336 = arith.constant 0 : i32
      %dma_start3A_337 = tpu.memref_slice %dma_start3A_334[%dma_start3A_335, %dma_start3A_336] : memref<40x144xf32, #tpu.memory_space<vmem>> -> memref<40x144xf32, #tpu.memory_space<vmem>>
      tpu.enqueue_dma source(%dma_start3A_337 : memref<40x144xf32, #tpu.memory_space<vmem>>) target(%dma_start3A_330 : memref<40x144xf32, #tpu.memory_space<vmem_shared>>) target_semaphore(%run_scoped3A_319 : memref<!tpu.dma_semaphore, #tpu.memory_space<semaphore_mem>>)
      %dma_wait3A_338 = arith.constant 0 : i32
      %dma_wait3A_339 = arith.constant 0 : i32
      %dma_wait3A_340 = tpu.memref_slice %arg10[%run_scoped3A_14, %dma_wait3A_338, %dma_wait3A_339] : memref<5x40x144xf32, #tpu.memory_space<vmem>> -> memref<1x40x144xf32, #tpu.memory_space<vmem>>
      %dma_wait3A_341 = tpu.memref_squeeze %dma_wait3A_340 : memref<1x40x144xf32, #tpu.memory_space<vmem>> -> memref<40x144xf32, #tpu.memory_space<vmem>>
      %dma_wait3A_342 = arith.constant 0 : i32
      %dma_wait3A_343 = arith.constant 0 : i32
      %dma_wait3A_344 = tpu.memref_slice %dma_wait3A_341[%dma_wait3A_342, %dma_wait3A_343] : memref<40x144xf32, #tpu.memory_space<vmem>> -> memref<40x144xf32, #tpu.memory_space<vmem>>
      %dma_wait3A_345 = arith.constant 0 : i32
      %dma_wait3A_346 = tpu.memref_slice %arg7[%add3A_13, %dma_wait3A_345] : memref<10240x144xf32, #tpu.memory_space<vmem_shared>> -> memref<40x144xf32, #tpu.memory_space<vmem_shared>>
      %dma_wait3A_347 = arith.constant 0 : i32
      %dma_wait3A_348 = tpu.memref_slice %arg7[%add3A_13, %dma_wait3A_347] : memref<10240x144xf32, #tpu.memory_space<vmem_shared>> -> memref<40x144xf32, #tpu.memory_space<vmem_shared>>
      %dma_wait3A_349 = arith.constant 0 : i32
      %dma_wait3A_350 = arith.constant 0 : i32
      %dma_wait3A_351 = tpu.memref_slice %arg10[%run_scoped3A_14, %dma_wait3A_349, %dma_wait3A_350] : memref<5x40x144xf32, #tpu.memory_space<vmem>> -> memref<1x40x144xf32, #tpu.memory_space<vmem>>
      %dma_wait3A_352 = tpu.memref_squeeze %dma_wait3A_351 : memref<1x40x144xf32, #tpu.memory_space<vmem>> -> memref<40x144xf32, #tpu.memory_space<vmem>>
      %dma_wait3A_353 = arith.constant 0 : i32
      %dma_wait3A_354 = arith.constant 0 : i32
      %dma_wait3A_355 = tpu.memref_slice %dma_wait3A_352[%dma_wait3A_353, %dma_wait3A_354] : memref<40x144xf32, #tpu.memory_space<vmem>> -> memref<40x144xf32, #tpu.memory_space<vmem>>
      tpu.wait_dma2 semaphore(%run_scoped3A_319 : memref<!tpu.dma_semaphore, #tpu.memory_space<semaphore_mem>>) src(%dma_wait3A_355 : memref<40x144xf32, #tpu.memory_space<vmem>>) dst(%dma_wait3A_348 : memref<40x144xf32, #tpu.memory_space<vmem_shared>>)
      tpu.yield
    }) : () -> ()
    %add3A_15 = arith.constant 160 : i32
    %add3A_16 = arith.addi %mul3A_2, %add3A_15 : i32
    %run_scoped3A_17 = arith.constant 0 : i32
    "tpu.region"() ({
      %run_scoped3A_319 = tpu.sem_alloc : memref<!tpu.dma_semaphore, #tpu.memory_space<semaphore_mem>>
      %dma_start3A_320 = arith.constant 0 : i32
      %dma_start3A_321 = arith.constant 0 : i32
      %dma_start3A_322 = tpu.memref_slice %arg10[%run_scoped3A_17, %dma_start3A_320, %dma_start3A_321] : memref<5x40x144xf32, #tpu.memory_space<vmem>> -> memref<1x40x144xf32, #tpu.memory_space<vmem>>
      %dma_start3A_323 = tpu.memref_squeeze %dma_start3A_322 : memref<1x40x144xf32, #tpu.memory_space<vmem>> -> memref<40x144xf32, #tpu.memory_space<vmem>>
      %dma_start3A_324 = arith.constant 0 : i32
      %dma_start3A_325 = arith.constant 0 : i32
      %dma_start3A_326 = tpu.memref_slice %dma_start3A_323[%dma_start3A_324, %dma_start3A_325] : memref<40x144xf32, #tpu.memory_space<vmem>> -> memref<40x144xf32, #tpu.memory_space<vmem>>
      %dma_start3A_327 = arith.constant 0 : i32
      %dma_start3A_328 = tpu.memref_slice %arg7[%add3A_16, %dma_start3A_327] : memref<10240x144xf32, #tpu.memory_space<vmem_shared>> -> memref<40x144xf32, #tpu.memory_space<vmem_shared>>
      %dma_start3A_329 = arith.constant 0 : i32
      %dma_start3A_330 = tpu.memref_slice %arg7[%add3A_16, %dma_start3A_329] : memref<10240x144xf32, #tpu.memory_space<vmem_shared>> -> memref<40x144xf32, #tpu.memory_space<vmem_shared>>
      %dma_start3A_331 = arith.constant 0 : i32
      %dma_start3A_332 = arith.constant 0 : i32
      %dma_start3A_333 = tpu.memref_slice %arg10[%run_scoped3A_17, %dma_start3A_331, %dma_start3A_332] : memref<5x40x144xf32, #tpu.memory_space<vmem>> -> memref<1x40x144xf32, #tpu.memory_space<vmem>>
      %dma_start3A_334 = tpu.memref_squeeze %dma_start3A_333 : memref<1x40x144xf32, #tpu.memory_space<vmem>> -> memref<40x144xf32, #tpu.memory_space<vmem>>
      %dma_start3A_335 = arith.constant 0 : i32
      %dma_start3A_336 = arith.constant 0 : i32
      %dma_start3A_337 = tpu.memref_slice %dma_start3A_334[%dma_start3A_335, %dma_start3A_336] : memref<40x144xf32, #tpu.memory_space<vmem>> -> memref<40x144xf32, #tpu.memory_space<vmem>>
      tpu.enqueue_dma source(%dma_start3A_337 : memref<40x144xf32, #tpu.memory_space<vmem>>) target(%dma_start3A_330 : memref<40x144xf32, #tpu.memory_space<vmem_shared>>) target_semaphore(%run_scoped3A_319 : memref<!tpu.dma_semaphore, #tpu.memory_space<semaphore_mem>>)
      %dma_wait3A_338 = arith.constant 0 : i32
      %dma_wait3A_339 = arith.constant 0 : i32
      %dma_wait3A_340 = tpu.memref_slice %arg10[%run_scoped3A_17, %dma_wait3A_338, %dma_wait3A_339] : memref<5x40x144xf32, #tpu.memory_space<vmem>> -> memref<1x40x144xf32, #tpu.memory_space<vmem>>
      %dma_wait3A_341 = tpu.memref_squeeze %dma_wait3A_340 : memref<1x40x144xf32, #tpu.memory_space<vmem>> -> memref<40x144xf32, #tpu.memory_space<vmem>>
      %dma_wait3A_342 = arith.constant 0 : i32
      %dma_wait3A_343 = arith.constant 0 : i32
      %dma_wait3A_344 = tpu.memref_slice %dma_wait3A_341[%dma_wait3A_342, %dma_wait3A_343] : memref<40x144xf32, #tpu.memory_space<vmem>> -> memref<40x144xf32, #tpu.memory_space<vmem>>
      %dma_wait3A_345 = arith.constant 0 : i32
      %dma_wait3A_346 = tpu.memref_slice %arg7[%add3A_16, %dma_wait3A_345] : memref<10240x144xf32, #tpu.memory_space<vmem_shared>> -> memref<40x144xf32, #tpu.memory_space<vmem_shared>>
      %dma_wait3A_347 = arith.constant 0 : i32
      %dma_wait3A_348 = tpu.memref_slice %arg7[%add3A_16, %dma_wait3A_347] : memref<10240x144xf32, #tpu.memory_space<vmem_shared>> -> memref<40x144xf32, #tpu.memory_space<vmem_shared>>
      %dma_wait3A_349 = arith.constant 0 : i32
      %dma_wait3A_350 = arith.constant 0 : i32
      %dma_wait3A_351 = tpu.memref_slice %arg10[%run_scoped3A_17, %dma_wait3A_349, %dma_wait3A_350] : memref<5x40x144xf32, #tpu.memory_space<vmem>> -> memref<1x40x144xf32, #tpu.memory_space<vmem>>
      %dma_wait3A_352 = tpu.memref_squeeze %dma_wait3A_351 : memref<1x40x144xf32, #tpu.memory_space<vmem>> -> memref<40x144xf32, #tpu.memory_space<vmem>>
      %dma_wait3A_353 = arith.constant 0 : i32
      %dma_wait3A_354 = arith.constant 0 : i32
      %dma_wait3A_355 = tpu.memref_slice %dma_wait3A_352[%dma_wait3A_353, %dma_wait3A_354] : memref<40x144xf32, #tpu.memory_space<vmem>> -> memref<40x144xf32, #tpu.memory_space<vmem>>
      tpu.wait_dma2 semaphore(%run_scoped3A_319 : memref<!tpu.dma_semaphore, #tpu.memory_space<semaphore_mem>>) src(%dma_wait3A_355 : memref<40x144xf32, #tpu.memory_space<vmem>>) dst(%dma_wait3A_348 : memref<40x144xf32, #tpu.memory_space<vmem_shared>>)
      tpu.yield
    }) : () -> ()
    %add3A_18 = arith.constant 200 : i32
    %add3A_19 = arith.addi %mul3A_2, %add3A_18 : i32
    %run_scoped3A_20 = arith.constant 0 : i32
    "tpu.region"() ({
      %run_scoped3A_319 = tpu.sem_alloc : memref<!tpu.dma_semaphore, #tpu.memory_space<semaphore_mem>>
      %dma_start3A_320 = arith.constant 0 : i32
      %dma_start3A_321 = arith.constant 0 : i32
      %dma_start3A_322 = tpu.memref_slice %arg10[%run_scoped3A_20, %dma_start3A_320, %dma_start3A_321] : memref<5x40x144xf32, #tpu.memory_space<vmem>> -> memref<1x40x144xf32, #tpu.memory_space<vmem>>
      %dma_start3A_323 = tpu.memref_squeeze %dma_start3A_322 : memref<1x40x144xf32, #tpu.memory_space<vmem>> -> memref<40x144xf32, #tpu.memory_space<vmem>>
      %dma_start3A_324 = arith.constant 0 : i32
      %dma_start3A_325 = arith.constant 0 : i32
      %dma_start3A_326 = tpu.memref_slice %dma_start3A_323[%dma_start3A_324, %dma_start3A_325] : memref<40x144xf32, #tpu.memory_space<vmem>> -> memref<40x144xf32, #tpu.memory_space<vmem>>
      %dma_start3A_327 = arith.constant 0 : i32
      %dma_start3A_328 = tpu.memref_slice %arg7[%add3A_19, %dma_start3A_327] : memref<10240x144xf32, #tpu.memory_space<vmem_shared>> -> memref<40x144xf32, #tpu.memory_space<vmem_shared>>
      %dma_start3A_329 = arith.constant 0 : i32
      %dma_start3A_330 = tpu.memref_slice %arg7[%add3A_19, %dma_start3A_329] : memref<10240x144xf32, #tpu.memory_space<vmem_shared>> -> memref<40x144xf32, #tpu.memory_space<vmem_shared>>
      %dma_start3A_331 = arith.constant 0 : i32
      %dma_start3A_332 = arith.constant 0 : i32
      %dma_start3A_333 = tpu.memref_slice %arg10[%run_scoped3A_20, %dma_start3A_331, %dma_start3A_332] : memref<5x40x144xf32, #tpu.memory_space<vmem>> -> memref<1x40x144xf32, #tpu.memory_space<vmem>>
      %dma_start3A_334 = tpu.memref_squeeze %dma_start3A_333 : memref<1x40x144xf32, #tpu.memory_space<vmem>> -> memref<40x144xf32, #tpu.memory_space<vmem>>
      %dma_start3A_335 = arith.constant 0 : i32
      %dma_start3A_336 = arith.constant 0 : i32
      %dma_start3A_337 = tpu.memref_slice %dma_start3A_334[%dma_start3A_335, %dma_start3A_336] : memref<40x144xf32, #tpu.memory_space<vmem>> -> memref<40x144xf32, #tpu.memory_space<vmem>>
      tpu.enqueue_dma source(%dma_start3A_337 : memref<40x144xf32, #tpu.memory_space<vmem>>) target(%dma_start3A_330 : memref<40x144xf32, #tpu.memory_space<vmem_shared>>) target_semaphore(%run_scoped3A_319 : memref<!tpu.dma_semaphore, #tpu.memory_space<semaphore_mem>>)
      %dma_wait3A_338 = arith.constant 0 : i32
      %dma_wait3A_339 = arith.constant 0 : i32
      %dma_wait3A_340 = tpu.memref_slice %arg10[%run_scoped3A_20, %dma_wait3A_338, %dma_wait3A_339] : memref<5x40x144xf32, #tpu.memory_space<vmem>> -> memref<1x40x144xf32, #tpu.memory_space<vmem>>
      %dma_wait3A_341 = tpu.memref_squeeze %dma_wait3A_340 : memref<1x40x144xf32, #tpu.memory_space<vmem>> -> memref<40x144xf32, #tpu.memory_space<vmem>>
      %dma_wait3A_342 = arith.constant 0 : i32
      %dma_wait3A_343 = arith.constant 0 : i32
      %dma_wait3A_344 = tpu.memref_slice %dma_wait3A_341[%dma_wait3A_342, %dma_wait3A_343] : memref<40x144xf32, #tpu.memory_space<vmem>> -> memref<40x144xf32, #tpu.memory_space<vmem>>
      %dma_wait3A_345 = arith.constant 0 : i32
      %dma_wait3A_346 = tpu.memref_slice %arg7[%add3A_19, %dma_wait3A_345] : memref<10240x144xf32, #tpu.memory_space<vmem_shared>> -> memref<40x144xf32, #tpu.memory_space<vmem_shared>>
      %dma_wait3A_347 = arith.constant 0 : i32
      %dma_wait3A_348 = tpu.memref_slice %arg7[%add3A_19, %dma_wait3A_347] : memref<10240x144xf32, #tpu.memory_space<vmem_shared>> -> memref<40x144xf32, #tpu.memory_space<vmem_shared>>
      %dma_wait3A_349 = arith.constant 0 : i32
      %dma_wait3A_350 = arith.constant 0 : i32
      %dma_wait3A_351 = tpu.memref_slice %arg10[%run_scoped3A_20, %dma_wait3A_349, %dma_wait3A_350] : memref<5x40x144xf32, #tpu.memory_space<vmem>> -> memref<1x40x144xf32, #tpu.memory_space<vmem>>
      %dma_wait3A_352 = tpu.memref_squeeze %dma_wait3A_351 : memref<1x40x144xf32, #tpu.memory_space<vmem>> -> memref<40x144xf32, #tpu.memory_space<vmem>>
      %dma_wait3A_353 = arith.constant 0 : i32
      %dma_wait3A_354 = arith.constant 0 : i32
      %dma_wait3A_355 = tpu.memref_slice %dma_wait3A_352[%dma_wait3A_353, %dma_wait3A_354] : memref<40x144xf32, #tpu.memory_space<vmem>> -> memref<40x144xf32, #tpu.memory_space<vmem>>
      tpu.wait_dma2 semaphore(%run_scoped3A_319 : memref<!tpu.dma_semaphore, #tpu.memory_space<semaphore_mem>>) src(%dma_wait3A_355 : memref<40x144xf32, #tpu.memory_space<vmem>>) dst(%dma_wait3A_348 : memref<40x144xf32, #tpu.memory_space<vmem_shared>>)
      tpu.yield
    }) : () -> ()
    %add3A_21 = arith.constant 240 : i32
    %add3A_22 = arith.addi %mul3A_2, %add3A_21 : i32
    %run_scoped3A_23 = arith.constant 0 : i32
    "tpu.region"() ({
      %run_scoped3A_319 = tpu.sem_alloc : memref<!tpu.dma_semaphore, #tpu.memory_space<semaphore_mem>>
      %dma_start3A_320 = arith.constant 0 : i32
      %dma_start3A_321 = arith.constant 0 : i32
      %dma_start3A_322 = tpu.memref_slice %arg10[%run_scoped3A_23, %dma_start3A_320, %dma_start3A_321] : memref<5x40x144xf32, #tpu.memory_space<vmem>> -> memref<1x40x144xf32, #tpu.memory_space<vmem>>
      %dma_start3A_323 = tpu.memref_squeeze %dma_start3A_322 : memref<1x40x144xf32, #tpu.memory_space<vmem>> -> memref<40x144xf32, #tpu.memory_space<vmem>>
      %dma_start3A_324 = arith.constant 0 : i32
      %dma_start3A_325 = arith.constant 0 : i32
      %dma_start3A_326 = tpu.memref_slice %dma_start3A_323[%dma_start3A_324, %dma_start3A_325] : memref<40x144xf32, #tpu.memory_space<vmem>> -> memref<40x144xf32, #tpu.memory_space<vmem>>
      %dma_start3A_327 = arith.constant 0 : i32
      %dma_start3A_328 = tpu.memref_slice %arg7[%add3A_22, %dma_start3A_327] : memref<10240x144xf32, #tpu.memory_space<vmem_shared>> -> memref<40x144xf32, #tpu.memory_space<vmem_shared>>
      %dma_start3A_329 = arith.constant 0 : i32
      %dma_start3A_330 = tpu.memref_slice %arg7[%add3A_22, %dma_start3A_329] : memref<10240x144xf32, #tpu.memory_space<vmem_shared>> -> memref<40x144xf32, #tpu.memory_space<vmem_shared>>
      %dma_start3A_331 = arith.constant 0 : i32
      %dma_start3A_332 = arith.constant 0 : i32
      %dma_start3A_333 = tpu.memref_slice %arg10[%run_scoped3A_23, %dma_start3A_331, %dma_start3A_332] : memref<5x40x144xf32, #tpu.memory_space<vmem>> -> memref<1x40x144xf32, #tpu.memory_space<vmem>>
      %dma_start3A_334 = tpu.memref_squeeze %dma_start3A_333 : memref<1x40x144xf32, #tpu.memory_space<vmem>> -> memref<40x144xf32, #tpu.memory_space<vmem>>
      %dma_start3A_335 = arith.constant 0 : i32
      %dma_start3A_336 = arith.constant 0 : i32
      %dma_start3A_337 = tpu.memref_slice %dma_start3A_334[%dma_start3A_335, %dma_start3A_336] : memref<40x144xf32, #tpu.memory_space<vmem>> -> memref<40x144xf32, #tpu.memory_space<vmem>>
      tpu.enqueue_dma source(%dma_start3A_337 : memref<40x144xf32, #tpu.memory_space<vmem>>) target(%dma_start3A_330 : memref<40x144xf32, #tpu.memory_space<vmem_shared>>) target_semaphore(%run_scoped3A_319 : memref<!tpu.dma_semaphore, #tpu.memory_space<semaphore_mem>>)
      %dma_wait3A_338 = arith.constant 0 : i32
      %dma_wait3A_339 = arith.constant 0 : i32
      %dma_wait3A_340 = tpu.memref_slice %arg10[%run_scoped3A_23, %dma_wait3A_338, %dma_wait3A_339] : memref<5x40x144xf32, #tpu.memory_space<vmem>> -> memref<1x40x144xf32, #tpu.memory_space<vmem>>
      %dma_wait3A_341 = tpu.memref_squeeze %dma_wait3A_340 : memref<1x40x144xf32, #tpu.memory_space<vmem>> -> memref<40x144xf32, #tpu.memory_space<vmem>>
      %dma_wait3A_342 = arith.constant 0 : i32
      %dma_wait3A_343 = arith.constant 0 : i32
      %dma_wait3A_344 = tpu.memref_slice %dma_wait3A_341[%dma_wait3A_342, %dma_wait3A_343] : memref<40x144xf32, #tpu.memory_space<vmem>> -> memref<40x144xf32, #tpu.memory_space<vmem>>
      %dma_wait3A_345 = arith.constant 0 : i32
      %dma_wait3A_346 = tpu.memref_slice %arg7[%add3A_22, %dma_wait3A_345] : memref<10240x144xf32, #tpu.memory_space<vmem_shared>> -> memref<40x144xf32, #tpu.memory_space<vmem_shared>>
      %dma_wait3A_347 = arith.constant 0 : i32
      %dma_wait3A_348 = tpu.memref_slice %arg7[%add3A_22, %dma_wait3A_347] : memref<10240x144xf32, #tpu.memory_space<vmem_shared>> -> memref<40x144xf32, #tpu.memory_space<vmem_shared>>
      %dma_wait3A_349 = arith.constant 0 : i32
      %dma_wait3A_350 = arith.constant 0 : i32
      %dma_wait3A_351 = tpu.memref_slice %arg10[%run_scoped3A_23, %dma_wait3A_349, %dma_wait3A_350] : memref<5x40x144xf32, #tpu.memory_space<vmem>> -> memref<1x40x144xf32, #tpu.memory_space<vmem>>
      %dma_wait3A_352 = tpu.memref_squeeze %dma_wait3A_351 : memref<1x40x144xf32, #tpu.memory_space<vmem>> -> memref<40x144xf32, #tpu.memory_space<vmem>>
      %dma_wait3A_353 = arith.constant 0 : i32
      %dma_wait3A_354 = arith.constant 0 : i32
      %dma_wait3A_355 = tpu.memref_slice %dma_wait3A_352[%dma_wait3A_353, %dma_wait3A_354] : memref<40x144xf32, #tpu.memory_space<vmem>> -> memref<40x144xf32, #tpu.memory_space<vmem>>
      tpu.wait_dma2 semaphore(%run_scoped3A_319 : memref<!tpu.dma_semaphore, #tpu.memory_space<semaphore_mem>>) src(%dma_wait3A_355 : memref<40x144xf32, #tpu.memory_space<vmem>>) dst(%dma_wait3A_348 : memref<40x144xf32, #tpu.memory_space<vmem_shared>>)
      tpu.yield
    }) : () -> ()
    %add3A_24 = arith.constant 280 : i32
    %add3A_25 = arith.addi %mul3A_2, %add3A_24 : i32
    %run_scoped3A_26 = arith.constant 0 : i32
    "tpu.region"() ({
      %run_scoped3A_319 = tpu.sem_alloc : memref<!tpu.dma_semaphore, #tpu.memory_space<semaphore_mem>>
      %dma_start3A_320 = arith.constant 0 : i32
      %dma_start3A_321 = arith.constant 0 : i32
      %dma_start3A_322 = tpu.memref_slice %arg10[%run_scoped3A_26, %dma_start3A_320, %dma_start3A_321] : memref<5x40x144xf32, #tpu.memory_space<vmem>> -> memref<1x40x144xf32, #tpu.memory_space<vmem>>
      %dma_start3A_323 = tpu.memref_squeeze %dma_start3A_322 : memref<1x40x144xf32, #tpu.memory_space<vmem>> -> memref<40x144xf32, #tpu.memory_space<vmem>>
      %dma_start3A_324 = arith.constant 0 : i32
      %dma_start3A_325 = arith.constant 0 : i32
      %dma_start3A_326 = tpu.memref_slice %dma_start3A_323[%dma_start3A_324, %dma_start3A_325] : memref<40x144xf32, #tpu.memory_space<vmem>> -> memref<40x144xf32, #tpu.memory_space<vmem>>
      %dma_start3A_327 = arith.constant 0 : i32
      %dma_start3A_328 = tpu.memref_slice %arg7[%add3A_25, %dma_start3A_327] : memref<10240x144xf32, #tpu.memory_space<vmem_shared>> -> memref<40x144xf32, #tpu.memory_space<vmem_shared>>
      %dma_start3A_329 = arith.constant 0 : i32
      %dma_start3A_330 = tpu.memref_slice %arg7[%add3A_25, %dma_start3A_329] : memref<10240x144xf32, #tpu.memory_space<vmem_shared>> -> memref<40x144xf32, #tpu.memory_space<vmem_shared>>
      %dma_start3A_331 = arith.constant 0 : i32
      %dma_start3A_332 = arith.constant 0 : i32
      %dma_start3A_333 = tpu.memref_slice %arg10[%run_scoped3A_26, %dma_start3A_331, %dma_start3A_332] : memref<5x40x144xf32, #tpu.memory_space<vmem>> -> memref<1x40x144xf32, #tpu.memory_space<vmem>>
      %dma_start3A_334 = tpu.memref_squeeze %dma_start3A_333 : memref<1x40x144xf32, #tpu.memory_space<vmem>> -> memref<40x144xf32, #tpu.memory_space<vmem>>
      %dma_start3A_335 = arith.constant 0 : i32
      %dma_start3A_336 = arith.constant 0 : i32
      %dma_start3A_337 = tpu.memref_slice %dma_start3A_334[%dma_start3A_335, %dma_start3A_336] : memref<40x144xf32, #tpu.memory_space<vmem>> -> memref<40x144xf32, #tpu.memory_space<vmem>>
      tpu.enqueue_dma source(%dma_start3A_337 : memref<40x144xf32, #tpu.memory_space<vmem>>) target(%dma_start3A_330 : memref<40x144xf32, #tpu.memory_space<vmem_shared>>) target_semaphore(%run_scoped3A_319 : memref<!tpu.dma_semaphore, #tpu.memory_space<semaphore_mem>>)
      %dma_wait3A_338 = arith.constant 0 : i32
      %dma_wait3A_339 = arith.constant 0 : i32
      %dma_wait3A_340 = tpu.memref_slice %arg10[%run_scoped3A_26, %dma_wait3A_338, %dma_wait3A_339] : memref<5x40x144xf32, #tpu.memory_space<vmem>> -> memref<1x40x144xf32, #tpu.memory_space<vmem>>
      %dma_wait3A_341 = tpu.memref_squeeze %dma_wait3A_340 : memref<1x40x144xf32, #tpu.memory_space<vmem>> -> memref<40x144xf32, #tpu.memory_space<vmem>>
      %dma_wait3A_342 = arith.constant 0 : i32
      %dma_wait3A_343 = arith.constant 0 : i32
      %dma_wait3A_344 = tpu.memref_slice %dma_wait3A_341[%dma_wait3A_342, %dma_wait3A_343] : memref<40x144xf32, #tpu.memory_space<vmem>> -> memref<40x144xf32, #tpu.memory_space<vmem>>
      %dma_wait3A_345 = arith.constant 0 : i32
      %dma_wait3A_346 = tpu.memref_slice %arg7[%add3A_25, %dma_wait3A_345] : memref<10240x144xf32, #tpu.memory_space<vmem_shared>> -> memref<40x144xf32, #tpu.memory_space<vmem_shared>>
      %dma_wait3A_347 = arith.constant 0 : i32
      %dma_wait3A_348 = tpu.memref_slice %arg7[%add3A_25, %dma_wait3A_347] : memref<10240x144xf32, #tpu.memory_space<vmem_shared>> -> memref<40x144xf32, #tpu.memory_space<vmem_shared>>
      %dma_wait3A_349 = arith.constant 0 : i32
      %dma_wait3A_350 = arith.constant 0 : i32
      %dma_wait3A_351 = tpu.memref_slice %arg10[%run_scoped3A_26, %dma_wait3A_349, %dma_wait3A_350] : memref<5x40x144xf32, #tpu.memory_space<vmem>> -> memref<1x40x144xf32, #tpu.memory_space<vmem>>
      %dma_wait3A_352 = tpu.memref_squeeze %dma_wait3A_351 : memref<1x40x144xf32, #tpu.memory_space<vmem>> -> memref<40x144xf32, #tpu.memory_space<vmem>>
      %dma_wait3A_353 = arith.constant 0 : i32
      %dma_wait3A_354 = arith.constant 0 : i32
      %dma_wait3A_355 = tpu.memref_slice %dma_wait3A_352[%dma_wait3A_353, %dma_wait3A_354] : memref<40x144xf32, #tpu.memory_space<vmem>> -> memref<40x144xf32, #tpu.memory_space<vmem>>
      tpu.wait_dma2 semaphore(%run_scoped3A_319 : memref<!tpu.dma_semaphore, #tpu.memory_space<semaphore_mem>>) src(%dma_wait3A_355 : memref<40x144xf32, #tpu.memory_space<vmem>>) dst(%dma_wait3A_348 : memref<40x144xf32, #tpu.memory_space<vmem_shared>>)
      tpu.yield
    }) : () -> ()
    %add3A_27 = arith.constant 320 : i32
    %add3A_28 = arith.addi %mul3A_2, %add3A_27 : i32
    %run_scoped3A_29 = arith.constant 0 : i32
    "tpu.region"() ({
      %run_scoped3A_319 = tpu.sem_alloc : memref<!tpu.dma_semaphore, #tpu.memory_space<semaphore_mem>>
      %dma_start3A_320 = arith.constant 0 : i32
      %dma_start3A_321 = arith.constant 0 : i32
      %dma_start3A_322 = tpu.memref_slice %arg10[%run_scoped3A_29, %dma_start3A_320, %dma_start3A_321] : memref<5x40x144xf32, #tpu.memory_space<vmem>> -> memref<1x40x144xf32, #tpu.memory_space<vmem>>
      %dma_start3A_323 = tpu.memref_squeeze %dma_start3A_322 : memref<1x40x144xf32, #tpu.memory_space<vmem>> -> memref<40x144xf32, #tpu.memory_space<vmem>>
      %dma_start3A_324 = arith.constant 0 : i32
      %dma_start3A_325 = arith.constant 0 : i32
      %dma_start3A_326 = tpu.memref_slice %dma_start3A_323[%dma_start3A_324, %dma_start3A_325] : memref<40x144xf32, #tpu.memory_space<vmem>> -> memref<40x144xf32, #tpu.memory_space<vmem>>
      %dma_start3A_327 = arith.constant 0 : i32
      %dma_start3A_328 = tpu.memref_slice %arg7[%add3A_28, %dma_start3A_327] : memref<10240x144xf32, #tpu.memory_space<vmem_shared>> -> memref<40x144xf32, #tpu.memory_space<vmem_shared>>
      %dma_start3A_329 = arith.constant 0 : i32
      %dma_start3A_330 = tpu.memref_slice %arg7[%add3A_28, %dma_start3A_329] : memref<10240x144xf32, #tpu.memory_space<vmem_shared>> -> memref<40x144xf32, #tpu.memory_space<vmem_shared>>
      %dma_start3A_331 = arith.constant 0 : i32
      %dma_start3A_332 = arith.constant 0 : i32
      %dma_start3A_333 = tpu.memref_slice %arg10[%run_scoped3A_29, %dma_start3A_331, %dma_start3A_332] : memref<5x40x144xf32, #tpu.memory_space<vmem>> -> memref<1x40x144xf32, #tpu.memory_space<vmem>>
      %dma_start3A_334 = tpu.memref_squeeze %dma_start3A_333 : memref<1x40x144xf32, #tpu.memory_space<vmem>> -> memref<40x144xf32, #tpu.memory_space<vmem>>
      %dma_start3A_335 = arith.constant 0 : i32
      %dma_start3A_336 = arith.constant 0 : i32
      %dma_start3A_337 = tpu.memref_slice %dma_start3A_334[%dma_start3A_335, %dma_start3A_336] : memref<40x144xf32, #tpu.memory_space<vmem>> -> memref<40x144xf32, #tpu.memory_space<vmem>>
      tpu.enqueue_dma source(%dma_start3A_337 : memref<40x144xf32, #tpu.memory_space<vmem>>) target(%dma_start3A_330 : memref<40x144xf32, #tpu.memory_space<vmem_shared>>) target_semaphore(%run_scoped3A_319 : memref<!tpu.dma_semaphore, #tpu.memory_space<semaphore_mem>>)
      %dma_wait3A_338 = arith.constant 0 : i32
      %dma_wait3A_339 = arith.constant 0 : i32
      %dma_wait3A_340 = tpu.memref_slice %arg10[%run_scoped3A_29, %dma_wait3A_338, %dma_wait3A_339] : memref<5x40x144xf32, #tpu.memory_space<vmem>> -> memref<1x40x144xf32, #tpu.memory_space<vmem>>
      %dma_wait3A_341 = tpu.memref_squeeze %dma_wait3A_340 : memref<1x40x144xf32, #tpu.memory_space<vmem>> -> memref<40x144xf32, #tpu.memory_space<vmem>>
      %dma_wait3A_342 = arith.constant 0 : i32
      %dma_wait3A_343 = arith.constant 0 : i32
      %dma_wait3A_344 = tpu.memref_slice %dma_wait3A_341[%dma_wait3A_342, %dma_wait3A_343] : memref<40x144xf32, #tpu.memory_space<vmem>> -> memref<40x144xf32, #tpu.memory_space<vmem>>
      %dma_wait3A_345 = arith.constant 0 : i32
      %dma_wait3A_346 = tpu.memref_slice %arg7[%add3A_28, %dma_wait3A_345] : memref<10240x144xf32, #tpu.memory_space<vmem_shared>> -> memref<40x144xf32, #tpu.memory_space<vmem_shared>>
      %dma_wait3A_347 = arith.constant 0 : i32
      %dma_wait3A_348 = tpu.memref_slice %arg7[%add3A_28, %dma_wait3A_347] : memref<10240x144xf32, #tpu.memory_space<vmem_shared>> -> memref<40x144xf32, #tpu.memory_space<vmem_shared>>
      %dma_wait3A_349 = arith.constant 0 : i32
      %dma_wait3A_350 = arith.constant 0 : i32
      %dma_wait3A_351 = tpu.memref_slice %arg10[%run_scoped3A_29, %dma_wait3A_349, %dma_wait3A_350] : memref<5x40x144xf32, #tpu.memory_space<vmem>> -> memref<1x40x144xf32, #tpu.memory_space<vmem>>
      %dma_wait3A_352 = tpu.memref_squeeze %dma_wait3A_351 : memref<1x40x144xf32, #tpu.memory_space<vmem>> -> memref<40x144xf32, #tpu.memory_space<vmem>>
      %dma_wait3A_353 = arith.constant 0 : i32
      %dma_wait3A_354 = arith.constant 0 : i32
      %dma_wait3A_355 = tpu.memref_slice %dma_wait3A_352[%dma_wait3A_353, %dma_wait3A_354] : memref<40x144xf32, #tpu.memory_space<vmem>> -> memref<40x144xf32, #tpu.memory_space<vmem>>
      tpu.wait_dma2 semaphore(%run_scoped3A_319 : memref<!tpu.dma_semaphore, #tpu.memory_space<semaphore_mem>>) src(%dma_wait3A_355 : memref<40x144xf32, #tpu.memory_space<vmem>>) dst(%dma_wait3A_348 : memref<40x144xf32, #tpu.memory_space<vmem_shared>>)
      tpu.yield
    }) : () -> ()
    %add3A_30 = arith.constant 360 : i32
    %add3A_31 = arith.addi %mul3A_2, %add3A_30 : i32
    %run_scoped3A_32 = arith.constant 0 : i32
    "tpu.region"() ({
      %run_scoped3A_319 = tpu.sem_alloc : memref<!tpu.dma_semaphore, #tpu.memory_space<semaphore_mem>>
      %dma_start3A_320 = arith.constant 0 : i32
      %dma_start3A_321 = arith.constant 0 : i32
      %dma_start3A_322 = tpu.memref_slice %arg10[%run_scoped3A_32, %dma_start3A_320, %dma_start3A_321] : memref<5x40x144xf32, #tpu.memory_space<vmem>> -> memref<1x40x144xf32, #tpu.memory_space<vmem>>
      %dma_start3A_323 = tpu.memref_squeeze %dma_start3A_322 : memref<1x40x144xf32, #tpu.memory_space<vmem>> -> memref<40x144xf32, #tpu.memory_space<vmem>>
      %dma_start3A_324 = arith.constant 0 : i32
      %dma_start3A_325 = arith.constant 0 : i32
      %dma_start3A_326 = tpu.memref_slice %dma_start3A_323[%dma_start3A_324, %dma_start3A_325] : memref<40x144xf32, #tpu.memory_space<vmem>> -> memref<40x144xf32, #tpu.memory_space<vmem>>
      %dma_start3A_327 = arith.constant 0 : i32
      %dma_start3A_328 = tpu.memref_slice %arg7[%add3A_31, %dma_start3A_327] : memref<10240x144xf32, #tpu.memory_space<vmem_shared>> -> memref<40x144xf32, #tpu.memory_space<vmem_shared>>
      %dma_start3A_329 = arith.constant 0 : i32
      %dma_start3A_330 = tpu.memref_slice %arg7[%add3A_31, %dma_start3A_329] : memref<10240x144xf32, #tpu.memory_space<vmem_shared>> -> memref<40x144xf32, #tpu.memory_space<vmem_shared>>
      %dma_start3A_331 = arith.constant 0 : i32
      %dma_start3A_332 = arith.constant 0 : i32
      %dma_start3A_333 = tpu.memref_slice %arg10[%run_scoped3A_32, %dma_start3A_331, %dma_start3A_332] : memref<5x40x144xf32, #tpu.memory_space<vmem>> -> memref<1x40x144xf32, #tpu.memory_space<vmem>>
      %dma_start3A_334 = tpu.memref_squeeze %dma_start3A_333 : memref<1x40x144xf32, #tpu.memory_space<vmem>> -> memref<40x144xf32, #tpu.memory_space<vmem>>
      %dma_start3A_335 = arith.constant 0 : i32
      %dma_start3A_336 = arith.constant 0 : i32
      %dma_start3A_337 = tpu.memref_slice %dma_start3A_334[%dma_start3A_335, %dma_start3A_336] : memref<40x144xf32, #tpu.memory_space<vmem>> -> memref<40x144xf32, #tpu.memory_space<vmem>>
      tpu.enqueue_dma source(%dma_start3A_337 : memref<40x144xf32, #tpu.memory_space<vmem>>) target(%dma_start3A_330 : memref<40x144xf32, #tpu.memory_space<vmem_shared>>) target_semaphore(%run_scoped3A_319 : memref<!tpu.dma_semaphore, #tpu.memory_space<semaphore_mem>>)
      %dma_wait3A_338 = arith.constant 0 : i32
      %dma_wait3A_339 = arith.constant 0 : i32
      %dma_wait3A_340 = tpu.memref_slice %arg10[%run_scoped3A_32, %dma_wait3A_338, %dma_wait3A_339] : memref<5x40x144xf32, #tpu.memory_space<vmem>> -> memref<1x40x144xf32, #tpu.memory_space<vmem>>
      %dma_wait3A_341 = tpu.memref_squeeze %dma_wait3A_340 : memref<1x40x144xf32, #tpu.memory_space<vmem>> -> memref<40x144xf32, #tpu.memory_space<vmem>>
      %dma_wait3A_342 = arith.constant 0 : i32
      %dma_wait3A_343 = arith.constant 0 : i32
      %dma_wait3A_344 = tpu.memref_slice %dma_wait3A_341[%dma_wait3A_342, %dma_wait3A_343] : memref<40x144xf32, #tpu.memory_space<vmem>> -> memref<40x144xf32, #tpu.memory_space<vmem>>
      %dma_wait3A_345 = arith.constant 0 : i32
      %dma_wait3A_346 = tpu.memref_slice %arg7[%add3A_31, %dma_wait3A_345] : memref<10240x144xf32, #tpu.memory_space<vmem_shared>> -> memref<40x144xf32, #tpu.memory_space<vmem_shared>>
      %dma_wait3A_347 = arith.constant 0 : i32
      %dma_wait3A_348 = tpu.memref_slice %arg7[%add3A_31, %dma_wait3A_347] : memref<10240x144xf32, #tpu.memory_space<vmem_shared>> -> memref<40x144xf32, #tpu.memory_space<vmem_shared>>
      %dma_wait3A_349 = arith.constant 0 : i32
      %dma_wait3A_350 = arith.constant 0 : i32
      %dma_wait3A_351 = tpu.memref_slice %arg10[%run_scoped3A_32, %dma_wait3A_349, %dma_wait3A_350] : memref<5x40x144xf32, #tpu.memory_space<vmem>> -> memref<1x40x144xf32, #tpu.memory_space<vmem>>
      %dma_wait3A_352 = tpu.memref_squeeze %dma_wait3A_351 : memref<1x40x144xf32, #tpu.memory_space<vmem>> -> memref<40x144xf32, #tpu.memory_space<vmem>>
      %dma_wait3A_353 = arith.constant 0 : i32
      %dma_wait3A_354 = arith.constant 0 : i32
      %dma_wait3A_355 = tpu.memref_slice %dma_wait3A_352[%dma_wait3A_353, %dma_wait3A_354] : memref<40x144xf32, #tpu.memory_space<vmem>> -> memref<40x144xf32, #tpu.memory_space<vmem>>
      tpu.wait_dma2 semaphore(%run_scoped3A_319 : memref<!tpu.dma_semaphore, #tpu.memory_space<semaphore_mem>>) src(%dma_wait3A_355 : memref<40x144xf32, #tpu.memory_space<vmem>>) dst(%dma_wait3A_348 : memref<40x144xf32, #tpu.memory_space<vmem_shared>>)
      tpu.yield
    }) : () -> ()
    %add3A_33 = arith.constant 400 : i32
    %add3A_34 = arith.addi %mul3A_2, %add3A_33 : i32
    %run_scoped3A_35 = arith.constant 0 : i32
    "tpu.region"() ({
      %run_scoped3A_319 = tpu.sem_alloc : memref<!tpu.dma_semaphore, #tpu.memory_space<semaphore_mem>>
      %dma_start3A_320 = arith.constant 0 : i32
      %dma_start3A_321 = arith.constant 0 : i32
      %dma_start3A_322 = tpu.memref_slice %arg10[%run_scoped3A_35, %dma_start3A_320, %dma_start3A_321] : memref<5x40x144xf32, #tpu.memory_space<vmem>> -> memref<1x40x144xf32, #tpu.memory_space<vmem>>
      %dma_start3A_323 = tpu.memref_squeeze %dma_start3A_322 : memref<1x40x144xf32, #tpu.memory_space<vmem>> -> memref<40x144xf32, #tpu.memory_space<vmem>>
      %dma_start3A_324 = arith.constant 0 : i32
      %dma_start3A_325 = arith.constant 0 : i32
      %dma_start3A_326 = tpu.memref_slice %dma_start3A_323[%dma_start3A_324, %dma_start3A_325] : memref<40x144xf32, #tpu.memory_space<vmem>> -> memref<40x144xf32, #tpu.memory_space<vmem>>
      %dma_start3A_327 = arith.constant 0 : i32
      %dma_start3A_328 = tpu.memref_slice %arg7[%add3A_34, %dma_start3A_327] : memref<10240x144xf32, #tpu.memory_space<vmem_shared>> -> memref<40x144xf32, #tpu.memory_space<vmem_shared>>
      %dma_start3A_329 = arith.constant 0 : i32
      %dma_start3A_330 = tpu.memref_slice %arg7[%add3A_34, %dma_start3A_329] : memref<10240x144xf32, #tpu.memory_space<vmem_shared>> -> memref<40x144xf32, #tpu.memory_space<vmem_shared>>
      %dma_start3A_331 = arith.constant 0 : i32
      %dma_start3A_332 = arith.constant 0 : i32
      %dma_start3A_333 = tpu.memref_slice %arg10[%run_scoped3A_35, %dma_start3A_331, %dma_start3A_332] : memref<5x40x144xf32, #tpu.memory_space<vmem>> -> memref<1x40x144xf32, #tpu.memory_space<vmem>>
      %dma_start3A_334 = tpu.memref_squeeze %dma_start3A_333 : memref<1x40x144xf32, #tpu.memory_space<vmem>> -> memref<40x144xf32, #tpu.memory_space<vmem>>
      %dma_start3A_335 = arith.constant 0 : i32
      %dma_start3A_336 = arith.constant 0 : i32
      %dma_start3A_337 = tpu.memref_slice %dma_start3A_334[%dma_start3A_335, %dma_start3A_336] : memref<40x144xf32, #tpu.memory_space<vmem>> -> memref<40x144xf32, #tpu.memory_space<vmem>>
      tpu.enqueue_dma source(%dma_start3A_337 : memref<40x144xf32, #tpu.memory_space<vmem>>) target(%dma_start3A_330 : memref<40x144xf32, #tpu.memory_space<vmem_shared>>) target_semaphore(%run_scoped3A_319 : memref<!tpu.dma_semaphore, #tpu.memory_space<semaphore_mem>>)
      %dma_wait3A_338 = arith.constant 0 : i32
      %dma_wait3A_339 = arith.constant 0 : i32
      %dma_wait3A_340 = tpu.memref_slice %arg10[%run_scoped3A_35, %dma_wait3A_338, %dma_wait3A_339] : memref<5x40x144xf32, #tpu.memory_space<vmem>> -> memref<1x40x144xf32, #tpu.memory_space<vmem>>
      %dma_wait3A_341 = tpu.memref_squeeze %dma_wait3A_340 : memref<1x40x144xf32, #tpu.memory_space<vmem>> -> memref<40x144xf32, #tpu.memory_space<vmem>>
      %dma_wait3A_342 = arith.constant 0 : i32
      %dma_wait3A_343 = arith.constant 0 : i32
      %dma_wait3A_344 = tpu.memref_slice %dma_wait3A_341[%dma_wait3A_342, %dma_wait3A_343] : memref<40x144xf32, #tpu.memory_space<vmem>> -> memref<40x144xf32, #tpu.memory_space<vmem>>
      %dma_wait3A_345 = arith.constant 0 : i32
      %dma_wait3A_346 = tpu.memref_slice %arg7[%add3A_34, %dma_wait3A_345] : memref<10240x144xf32, #tpu.memory_space<vmem_shared>> -> memref<40x144xf32, #tpu.memory_space<vmem_shared>>
      %dma_wait3A_347 = arith.constant 0 : i32
      %dma_wait3A_348 = tpu.memref_slice %arg7[%add3A_34, %dma_wait3A_347] : memref<10240x144xf32, #tpu.memory_space<vmem_shared>> -> memref<40x144xf32, #tpu.memory_space<vmem_shared>>
      %dma_wait3A_349 = arith.constant 0 : i32
      %dma_wait3A_350 = arith.constant 0 : i32
      %dma_wait3A_351 = tpu.memref_slice %arg10[%run_scoped3A_35, %dma_wait3A_349, %dma_wait3A_350] : memref<5x40x144xf32, #tpu.memory_space<vmem>> -> memref<1x40x144xf32, #tpu.memory_space<vmem>>
      %dma_wait3A_352 = tpu.memref_squeeze %dma_wait3A_351 : memref<1x40x144xf32, #tpu.memory_space<vmem>> -> memref<40x144xf32, #tpu.memory_space<vmem>>
      %dma_wait3A_353 = arith.constant 0 : i32
      %dma_wait3A_354 = arith.constant 0 : i32
      %dma_wait3A_355 = tpu.memref_slice %dma_wait3A_352[%dma_wait3A_353, %dma_wait3A_354] : memref<40x144xf32, #tpu.memory_space<vmem>> -> memref<40x144xf32, #tpu.memory_space<vmem>>
      tpu.wait_dma2 semaphore(%run_scoped3A_319 : memref<!tpu.dma_semaphore, #tpu.memory_space<semaphore_mem>>) src(%dma_wait3A_355 : memref<40x144xf32, #tpu.memory_space<vmem>>) dst(%dma_wait3A_348 : memref<40x144xf32, #tpu.memory_space<vmem_shared>>)
      tpu.yield
    }) : () -> ()
    %add3A_36 = arith.constant 440 : i32
    %add3A_37 = arith.addi %mul3A_2, %add3A_36 : i32
    %run_scoped3A_38 = arith.constant 0 : i32
    "tpu.region"() ({
      %run_scoped3A_319 = tpu.sem_alloc : memref<!tpu.dma_semaphore, #tpu.memory_space<semaphore_mem>>
      %dma_start3A_320 = arith.constant 0 : i32
      %dma_start3A_321 = arith.constant 0 : i32
      %dma_start3A_322 = tpu.memref_slice %arg10[%run_scoped3A_38, %dma_start3A_320, %dma_start3A_321] : memref<5x40x144xf32, #tpu.memory_space<vmem>> -> memref<1x40x144xf32, #tpu.memory_space<vmem>>
      %dma_start3A_323 = tpu.memref_squeeze %dma_start3A_322 : memref<1x40x144xf32, #tpu.memory_space<vmem>> -> memref<40x144xf32, #tpu.memory_space<vmem>>
      %dma_start3A_324 = arith.constant 0 : i32
      %dma_start3A_325 = arith.constant 0 : i32
      %dma_start3A_326 = tpu.memref_slice %dma_start3A_323[%dma_start3A_324, %dma_start3A_325] : memref<40x144xf32, #tpu.memory_space<vmem>> -> memref<40x144xf32, #tpu.memory_space<vmem>>
      %dma_start3A_327 = arith.constant 0 : i32
      %dma_start3A_328 = tpu.memref_slice %arg7[%add3A_37, %dma_start3A_327] : memref<10240x144xf32, #tpu.memory_space<vmem_shared>> -> memref<40x144xf32, #tpu.memory_space<vmem_shared>>
      %dma_start3A_329 = arith.constant 0 : i32
      %dma_start3A_330 = tpu.memref_slice %arg7[%add3A_37, %dma_start3A_329] : memref<10240x144xf32, #tpu.memory_space<vmem_shared>> -> memref<40x144xf32, #tpu.memory_space<vmem_shared>>
      %dma_start3A_331 = arith.constant 0 : i32
      %dma_start3A_332 = arith.constant 0 : i32
      %dma_start3A_333 = tpu.memref_slice %arg10[%run_scoped3A_38, %dma_start3A_331, %dma_start3A_332] : memref<5x40x144xf32, #tpu.memory_space<vmem>> -> memref<1x40x144xf32, #tpu.memory_space<vmem>>
      %dma_start3A_334 = tpu.memref_squeeze %dma_start3A_333 : memref<1x40x144xf32, #tpu.memory_space<vmem>> -> memref<40x144xf32, #tpu.memory_space<vmem>>
      %dma_start3A_335 = arith.constant 0 : i32
      %dma_start3A_336 = arith.constant 0 : i32
      %dma_start3A_337 = tpu.memref_slice %dma_start3A_334[%dma_start3A_335, %dma_start3A_336] : memref<40x144xf32, #tpu.memory_space<vmem>> -> memref<40x144xf32, #tpu.memory_space<vmem>>
      tpu.enqueue_dma source(%dma_start3A_337 : memref<40x144xf32, #tpu.memory_space<vmem>>) target(%dma_start3A_330 : memref<40x144xf32, #tpu.memory_space<vmem_shared>>) target_semaphore(%run_scoped3A_319 : memref<!tpu.dma_semaphore, #tpu.memory_space<semaphore_mem>>)
      %dma_wait3A_338 = arith.constant 0 : i32
      %dma_wait3A_339 = arith.constant 0 : i32
      %dma_wait3A_340 = tpu.memref_slice %arg10[%run_scoped3A_38, %dma_wait3A_338, %dma_wait3A_339] : memref<5x40x144xf32, #tpu.memory_space<vmem>> -> memref<1x40x144xf32, #tpu.memory_space<vmem>>
      %dma_wait3A_341 = tpu.memref_squeeze %dma_wait3A_340 : memref<1x40x144xf32, #tpu.memory_space<vmem>> -> memref<40x144xf32, #tpu.memory_space<vmem>>
      %dma_wait3A_342 = arith.constant 0 : i32
      %dma_wait3A_343 = arith.constant 0 : i32
      %dma_wait3A_344 = tpu.memref_slice %dma_wait3A_341[%dma_wait3A_342, %dma_wait3A_343] : memref<40x144xf32, #tpu.memory_space<vmem>> -> memref<40x144xf32, #tpu.memory_space<vmem>>
      %dma_wait3A_345 = arith.constant 0 : i32
      %dma_wait3A_346 = tpu.memref_slice %arg7[%add3A_37, %dma_wait3A_345] : memref<10240x144xf32, #tpu.memory_space<vmem_shared>> -> memref<40x144xf32, #tpu.memory_space<vmem_shared>>
      %dma_wait3A_347 = arith.constant 0 : i32
      %dma_wait3A_348 = tpu.memref_slice %arg7[%add3A_37, %dma_wait3A_347] : memref<10240x144xf32, #tpu.memory_space<vmem_shared>> -> memref<40x144xf32, #tpu.memory_space<vmem_shared>>
      %dma_wait3A_349 = arith.constant 0 : i32
      %dma_wait3A_350 = arith.constant 0 : i32
      %dma_wait3A_351 = tpu.memref_slice %arg10[%run_scoped3A_38, %dma_wait3A_349, %dma_wait3A_350] : memref<5x40x144xf32, #tpu.memory_space<vmem>> -> memref<1x40x144xf32, #tpu.memory_space<vmem>>
      %dma_wait3A_352 = tpu.memref_squeeze %dma_wait3A_351 : memref<1x40x144xf32, #tpu.memory_space<vmem>> -> memref<40x144xf32, #tpu.memory_space<vmem>>
      %dma_wait3A_353 = arith.constant 0 : i32
      %dma_wait3A_354 = arith.constant 0 : i32
      %dma_wait3A_355 = tpu.memref_slice %dma_wait3A_352[%dma_wait3A_353, %dma_wait3A_354] : memref<40x144xf32, #tpu.memory_space<vmem>> -> memref<40x144xf32, #tpu.memory_space<vmem>>
      tpu.wait_dma2 semaphore(%run_scoped3A_319 : memref<!tpu.dma_semaphore, #tpu.memory_space<semaphore_mem>>) src(%dma_wait3A_355 : memref<40x144xf32, #tpu.memory_space<vmem>>) dst(%dma_wait3A_348 : memref<40x144xf32, #tpu.memory_space<vmem_shared>>)
      tpu.yield
    }) : () -> ()
    %add3A_39 = arith.constant 480 : i32
    %add3A_40 = arith.addi %mul3A_2, %add3A_39 : i32
    %run_scoped3A_41 = arith.constant 0 : i32
    "tpu.region"() ({
      %run_scoped3A_319 = tpu.sem_alloc : memref<!tpu.dma_semaphore, #tpu.memory_space<semaphore_mem>>
      %dma_start3A_320 = arith.constant 0 : i32
      %dma_start3A_321 = arith.constant 0 : i32
      %dma_start3A_322 = tpu.memref_slice %arg10[%run_scoped3A_41, %dma_start3A_320, %dma_start3A_321] : memref<5x40x144xf32, #tpu.memory_space<vmem>> -> memref<1x40x144xf32, #tpu.memory_space<vmem>>
      %dma_start3A_323 = tpu.memref_squeeze %dma_start3A_322 : memref<1x40x144xf32, #tpu.memory_space<vmem>> -> memref<40x144xf32, #tpu.memory_space<vmem>>
      %dma_start3A_324 = arith.constant 0 : i32
      %dma_start3A_325 = arith.constant 0 : i32
      %dma_start3A_326 = tpu.memref_slice %dma_start3A_323[%dma_start3A_324, %dma_start3A_325] : memref<40x144xf32, #tpu.memory_space<vmem>> -> memref<40x144xf32, #tpu.memory_space<vmem>>
      %dma_start3A_327 = arith.constant 0 : i32
      %dma_start3A_328 = tpu.memref_slice %arg7[%add3A_40, %dma_start3A_327] : memref<10240x144xf32, #tpu.memory_space<vmem_shared>> -> memref<40x144xf32, #tpu.memory_space<vmem_shared>>
      %dma_start3A_329 = arith.constant 0 : i32
      %dma_start3A_330 = tpu.memref_slice %arg7[%add3A_40, %dma_start3A_329] : memref<10240x144xf32, #tpu.memory_space<vmem_shared>> -> memref<40x144xf32, #tpu.memory_space<vmem_shared>>
      %dma_start3A_331 = arith.constant 0 : i32
      %dma_start3A_332 = arith.constant 0 : i32
      %dma_start3A_333 = tpu.memref_slice %arg10[%run_scoped3A_41, %dma_start3A_331, %dma_start3A_332] : memref<5x40x144xf32, #tpu.memory_space<vmem>> -> memref<1x40x144xf32, #tpu.memory_space<vmem>>
      %dma_start3A_334 = tpu.memref_squeeze %dma_start3A_333 : memref<1x40x144xf32, #tpu.memory_space<vmem>> -> memref<40x144xf32, #tpu.memory_space<vmem>>
      %dma_start3A_335 = arith.constant 0 : i32
      %dma_start3A_336 = arith.constant 0 : i32
      %dma_start3A_337 = tpu.memref_slice %dma_start3A_334[%dma_start3A_335, %dma_start3A_336] : memref<40x144xf32, #tpu.memory_space<vmem>> -> memref<40x144xf32, #tpu.memory_space<vmem>>
      tpu.enqueue_dma source(%dma_start3A_337 : memref<40x144xf32, #tpu.memory_space<vmem>>) target(%dma_start3A_330 : memref<40x144xf32, #tpu.memory_space<vmem_shared>>) target_semaphore(%run_scoped3A_319 : memref<!tpu.dma_semaphore, #tpu.memory_space<semaphore_mem>>)
      %dma_wait3A_338 = arith.constant 0 : i32
      %dma_wait3A_339 = arith.constant 0 : i32
      %dma_wait3A_340 = tpu.memref_slice %arg10[%run_scoped3A_41, %dma_wait3A_338, %dma_wait3A_339] : memref<5x40x144xf32, #tpu.memory_space<vmem>> -> memref<1x40x144xf32, #tpu.memory_space<vmem>>
      %dma_wait3A_341 = tpu.memref_squeeze %dma_wait3A_340 : memref<1x40x144xf32, #tpu.memory_space<vmem>> -> memref<40x144xf32, #tpu.memory_space<vmem>>
      %dma_wait3A_342 = arith.constant 0 : i32
      %dma_wait3A_343 = arith.constant 0 : i32
      %dma_wait3A_344 = tpu.memref_slice %dma_wait3A_341[%dma_wait3A_342, %dma_wait3A_343] : memref<40x144xf32, #tpu.memory_space<vmem>> -> memref<40x144xf32, #tpu.memory_space<vmem>>
      %dma_wait3A_345 = arith.constant 0 : i32
      %dma_wait3A_346 = tpu.memref_slice %arg7[%add3A_40, %dma_wait3A_345] : memref<10240x144xf32, #tpu.memory_space<vmem_shared>> -> memref<40x144xf32, #tpu.memory_space<vmem_shared>>
      %dma_wait3A_347 = arith.constant 0 : i32
      %dma_wait3A_348 = tpu.memref_slice %arg7[%add3A_40, %dma_wait3A_347] : memref<10240x144xf32, #tpu.memory_space<vmem_shared>> -> memref<40x144xf32, #tpu.memory_space<vmem_shared>>
      %dma_wait3A_349 = arith.constant 0 : i32
      %dma_wait3A_350 = arith.constant 0 : i32
      %dma_wait3A_351 = tpu.memref_slice %arg10[%run_scoped3A_41, %dma_wait3A_349, %dma_wait3A_350] : memref<5x40x144xf32, #tpu.memory_space<vmem>> -> memref<1x40x144xf32, #tpu.memory_space<vmem>>
      %dma_wait3A_352 = tpu.memref_squeeze %dma_wait3A_351 : memref<1x40x144xf32, #tpu.memory_space<vmem>> -> memref<40x144xf32, #tpu.memory_space<vmem>>
      %dma_wait3A_353 = arith.constant 0 : i32
      %dma_wait3A_354 = arith.constant 0 : i32
      %dma_wait3A_355 = tpu.memref_slice %dma_wait3A_352[%dma_wait3A_353, %dma_wait3A_354] : memref<40x144xf32, #tpu.memory_space<vmem>> -> memref<40x144xf32, #tpu.memory_space<vmem>>
      tpu.wait_dma2 semaphore(%run_scoped3A_319 : memref<!tpu.dma_semaphore, #tpu.memory_space<semaphore_mem>>) src(%dma_wait3A_355 : memref<40x144xf32, #tpu.memory_space<vmem>>) dst(%dma_wait3A_348 : memref<40x144xf32, #tpu.memory_space<vmem_shared>>)
      tpu.yield
    }) : () -> ()
    %add3A_42 = arith.constant 520 : i32
    %add3A_43 = arith.addi %mul3A_2, %add3A_42 : i32
    %run_scoped3A_44 = arith.constant 0 : i32
    "tpu.region"() ({
      %run_scoped3A_319 = tpu.sem_alloc : memref<!tpu.dma_semaphore, #tpu.memory_space<semaphore_mem>>
      %dma_start3A_320 = arith.constant 0 : i32
      %dma_start3A_321 = arith.constant 0 : i32
      %dma_start3A_322 = tpu.memref_slice %arg10[%run_scoped3A_44, %dma_start3A_320, %dma_start3A_321] : memref<5x40x144xf32, #tpu.memory_space<vmem>> -> memref<1x40x144xf32, #tpu.memory_space<vmem>>
      %dma_start3A_323 = tpu.memref_squeeze %dma_start3A_322 : memref<1x40x144xf32, #tpu.memory_space<vmem>> -> memref<40x144xf32, #tpu.memory_space<vmem>>
      %dma_start3A_324 = arith.constant 0 : i32
      %dma_start3A_325 = arith.constant 0 : i32
      %dma_start3A_326 = tpu.memref_slice %dma_start3A_323[%dma_start3A_324, %dma_start3A_325] : memref<40x144xf32, #tpu.memory_space<vmem>> -> memref<40x144xf32, #tpu.memory_space<vmem>>
      %dma_start3A_327 = arith.constant 0 : i32
      %dma_start3A_328 = tpu.memref_slice %arg7[%add3A_43, %dma_start3A_327] : memref<10240x144xf32, #tpu.memory_space<vmem_shared>> -> memref<40x144xf32, #tpu.memory_space<vmem_shared>>
      %dma_start3A_329 = arith.constant 0 : i32
      %dma_start3A_330 = tpu.memref_slice %arg7[%add3A_43, %dma_start3A_329] : memref<10240x144xf32, #tpu.memory_space<vmem_shared>> -> memref<40x144xf32, #tpu.memory_space<vmem_shared>>
      %dma_start3A_331 = arith.constant 0 : i32
      %dma_start3A_332 = arith.constant 0 : i32
      %dma_start3A_333 = tpu.memref_slice %arg10[%run_scoped3A_44, %dma_start3A_331, %dma_start3A_332] : memref<5x40x144xf32, #tpu.memory_space<vmem>> -> memref<1x40x144xf32, #tpu.memory_space<vmem>>
      %dma_start3A_334 = tpu.memref_squeeze %dma_start3A_333 : memref<1x40x144xf32, #tpu.memory_space<vmem>> -> memref<40x144xf32, #tpu.memory_space<vmem>>
      %dma_start3A_335 = arith.constant 0 : i32
      %dma_start3A_336 = arith.constant 0 : i32
      %dma_start3A_337 = tpu.memref_slice %dma_start3A_334[%dma_start3A_335, %dma_start3A_336] : memref<40x144xf32, #tpu.memory_space<vmem>> -> memref<40x144xf32, #tpu.memory_space<vmem>>
      tpu.enqueue_dma source(%dma_start3A_337 : memref<40x144xf32, #tpu.memory_space<vmem>>) target(%dma_start3A_330 : memref<40x144xf32, #tpu.memory_space<vmem_shared>>) target_semaphore(%run_scoped3A_319 : memref<!tpu.dma_semaphore, #tpu.memory_space<semaphore_mem>>)
      %dma_wait3A_338 = arith.constant 0 : i32
      %dma_wait3A_339 = arith.constant 0 : i32
      %dma_wait3A_340 = tpu.memref_slice %arg10[%run_scoped3A_44, %dma_wait3A_338, %dma_wait3A_339] : memref<5x40x144xf32, #tpu.memory_space<vmem>> -> memref<1x40x144xf32, #tpu.memory_space<vmem>>
      %dma_wait3A_341 = tpu.memref_squeeze %dma_wait3A_340 : memref<1x40x144xf32, #tpu.memory_space<vmem>> -> memref<40x144xf32, #tpu.memory_space<vmem>>
      %dma_wait3A_342 = arith.constant 0 : i32
      %dma_wait3A_343 = arith.constant 0 : i32
      %dma_wait3A_344 = tpu.memref_slice %dma_wait3A_341[%dma_wait3A_342, %dma_wait3A_343] : memref<40x144xf32, #tpu.memory_space<vmem>> -> memref<40x144xf32, #tpu.memory_space<vmem>>
      %dma_wait3A_345 = arith.constant 0 : i32
      %dma_wait3A_346 = tpu.memref_slice %arg7[%add3A_43, %dma_wait3A_345] : memref<10240x144xf32, #tpu.memory_space<vmem_shared>> -> memref<40x144xf32, #tpu.memory_space<vmem_shared>>
      %dma_wait3A_347 = arith.constant 0 : i32
      %dma_wait3A_348 = tpu.memref_slice %arg7[%add3A_43, %dma_wait3A_347] : memref<10240x144xf32, #tpu.memory_space<vmem_shared>> -> memref<40x144xf32, #tpu.memory_space<vmem_shared>>
      %dma_wait3A_349 = arith.constant 0 : i32
      %dma_wait3A_350 = arith.constant 0 : i32
      %dma_wait3A_351 = tpu.memref_slice %arg10[%run_scoped3A_44, %dma_wait3A_349, %dma_wait3A_350] : memref<5x40x144xf32, #tpu.memory_space<vmem>> -> memref<1x40x144xf32, #tpu.memory_space<vmem>>
      %dma_wait3A_352 = tpu.memref_squeeze %dma_wait3A_351 : memref<1x40x144xf32, #tpu.memory_space<vmem>> -> memref<40x144xf32, #tpu.memory_space<vmem>>
      %dma_wait3A_353 = arith.constant 0 : i32
      %dma_wait3A_354 = arith.constant 0 : i32
      %dma_wait3A_355 = tpu.memref_slice %dma_wait3A_352[%dma_wait3A_353, %dma_wait3A_354] : memref<40x144xf32, #tpu.memory_space<vmem>> -> memref<40x144xf32, #tpu.memory_space<vmem>>
      tpu.wait_dma2 semaphore(%run_scoped3A_319 : memref<!tpu.dma_semaphore, #tpu.memory_space<semaphore_mem>>) src(%dma_wait3A_355 : memref<40x144xf32, #tpu.memory_space<vmem>>) dst(%dma_wait3A_348 : memref<40x144xf32, #tpu.memory_space<vmem_shared>>)
      tpu.yield
    }) : () -> ()
    %add3A_45 = arith.constant 560 : i32
    %add3A_46 = arith.addi %mul3A_2, %add3A_45 : i32
    %run_scoped3A_47 = arith.constant 0 : i32
    "tpu.region"() ({
      %run_scoped3A_319 = tpu.sem_alloc : memref<!tpu.dma_semaphore, #tpu.memory_space<semaphore_mem>>
      %dma_start3A_320 = arith.constant 0 : i32
      %dma_start3A_321 = arith.constant 0 : i32
      %dma_start3A_322 = tpu.memref_slice %arg10[%run_scoped3A_47, %dma_start3A_320, %dma_start3A_321] : memref<5x40x144xf32, #tpu.memory_space<vmem>> -> memref<1x40x144xf32, #tpu.memory_space<vmem>>
      %dma_start3A_323 = tpu.memref_squeeze %dma_start3A_322 : memref<1x40x144xf32, #tpu.memory_space<vmem>> -> memref<40x144xf32, #tpu.memory_space<vmem>>
      %dma_start3A_324 = arith.constant 0 : i32
      %dma_start3A_325 = arith.constant 0 : i32
      %dma_start3A_326 = tpu.memref_slice %dma_start3A_323[%dma_start3A_324, %dma_start3A_325] : memref<40x144xf32, #tpu.memory_space<vmem>> -> memref<40x144xf32, #tpu.memory_space<vmem>>
      %dma_start3A_327 = arith.constant 0 : i32
      %dma_start3A_328 = tpu.memref_slice %arg7[%add3A_46, %dma_start3A_327] : memref<10240x144xf32, #tpu.memory_space<vmem_shared>> -> memref<40x144xf32, #tpu.memory_space<vmem_shared>>
      %dma_start3A_329 = arith.constant 0 : i32
      %dma_start3A_330 = tpu.memref_slice %arg7[%add3A_46, %dma_start3A_329] : memref<10240x144xf32, #tpu.memory_space<vmem_shared>> -> memref<40x144xf32, #tpu.memory_space<vmem_shared>>
      %dma_start3A_331 = arith.constant 0 : i32
      %dma_start3A_332 = arith.constant 0 : i32
      %dma_start3A_333 = tpu.memref_slice %arg10[%run_scoped3A_47, %dma_start3A_331, %dma_start3A_332] : memref<5x40x144xf32, #tpu.memory_space<vmem>> -> memref<1x40x144xf32, #tpu.memory_space<vmem>>
      %dma_start3A_334 = tpu.memref_squeeze %dma_start3A_333 : memref<1x40x144xf32, #tpu.memory_space<vmem>> -> memref<40x144xf32, #tpu.memory_space<vmem>>
      %dma_start3A_335 = arith.constant 0 : i32
      %dma_start3A_336 = arith.constant 0 : i32
      %dma_start3A_337 = tpu.memref_slice %dma_start3A_334[%dma_start3A_335, %dma_start3A_336] : memref<40x144xf32, #tpu.memory_space<vmem>> -> memref<40x144xf32, #tpu.memory_space<vmem>>
      tpu.enqueue_dma source(%dma_start3A_337 : memref<40x144xf32, #tpu.memory_space<vmem>>) target(%dma_start3A_330 : memref<40x144xf32, #tpu.memory_space<vmem_shared>>) target_semaphore(%run_scoped3A_319 : memref<!tpu.dma_semaphore, #tpu.memory_space<semaphore_mem>>)
      %dma_wait3A_338 = arith.constant 0 : i32
      %dma_wait3A_339 = arith.constant 0 : i32
      %dma_wait3A_340 = tpu.memref_slice %arg10[%run_scoped3A_47, %dma_wait3A_338, %dma_wait3A_339] : memref<5x40x144xf32, #tpu.memory_space<vmem>> -> memref<1x40x144xf32, #tpu.memory_space<vmem>>
      %dma_wait3A_341 = tpu.memref_squeeze %dma_wait3A_340 : memref<1x40x144xf32, #tpu.memory_space<vmem>> -> memref<40x144xf32, #tpu.memory_space<vmem>>
      %dma_wait3A_342 = arith.constant 0 : i32
      %dma_wait3A_343 = arith.constant 0 : i32
      %dma_wait3A_344 = tpu.memref_slice %dma_wait3A_341[%dma_wait3A_342, %dma_wait3A_343] : memref<40x144xf32, #tpu.memory_space<vmem>> -> memref<40x144xf32, #tpu.memory_space<vmem>>
      %dma_wait3A_345 = arith.constant 0 : i32
      %dma_wait3A_346 = tpu.memref_slice %arg7[%add3A_46, %dma_wait3A_345] : memref<10240x144xf32, #tpu.memory_space<vmem_shared>> -> memref<40x144xf32, #tpu.memory_space<vmem_shared>>
      %dma_wait3A_347 = arith.constant 0 : i32
      %dma_wait3A_348 = tpu.memref_slice %arg7[%add3A_46, %dma_wait3A_347] : memref<10240x144xf32, #tpu.memory_space<vmem_shared>> -> memref<40x144xf32, #tpu.memory_space<vmem_shared>>
      %dma_wait3A_349 = arith.constant 0 : i32
      %dma_wait3A_350 = arith.constant 0 : i32
      %dma_wait3A_351 = tpu.memref_slice %arg10[%run_scoped3A_47, %dma_wait3A_349, %dma_wait3A_350] : memref<5x40x144xf32, #tpu.memory_space<vmem>> -> memref<1x40x144xf32, #tpu.memory_space<vmem>>
      %dma_wait3A_352 = tpu.memref_squeeze %dma_wait3A_351 : memref<1x40x144xf32, #tpu.memory_space<vmem>> -> memref<40x144xf32, #tpu.memory_space<vmem>>
      %dma_wait3A_353 = arith.constant 0 : i32
      %dma_wait3A_354 = arith.constant 0 : i32
      %dma_wait3A_355 = tpu.memref_slice %dma_wait3A_352[%dma_wait3A_353, %dma_wait3A_354] : memref<40x144xf32, #tpu.memory_space<vmem>> -> memref<40x144xf32, #tpu.memory_space<vmem>>
      tpu.wait_dma2 semaphore(%run_scoped3A_319 : memref<!tpu.dma_semaphore, #tpu.memory_space<semaphore_mem>>) src(%dma_wait3A_355 : memref<40x144xf32, #tpu.memory_space<vmem>>) dst(%dma_wait3A_348 : memref<40x144xf32, #tpu.memory_space<vmem_shared>>)
      tpu.yield
    }) : () -> ()
    %add3A_48 = arith.constant 600 : i32
    %add3A_49 = arith.addi %mul3A_2, %add3A_48 : i32
    %run_scoped3A_50 = arith.constant 0 : i32
    "tpu.region"() ({
      %run_scoped3A_319 = tpu.sem_alloc : memref<!tpu.dma_semaphore, #tpu.memory_space<semaphore_mem>>
      %dma_start3A_320 = arith.constant 0 : i32
      %dma_start3A_321 = arith.constant 0 : i32
      %dma_start3A_322 = tpu.memref_slice %arg10[%run_scoped3A_50, %dma_start3A_320, %dma_start3A_321] : memref<5x40x144xf32, #tpu.memory_space<vmem>> -> memref<1x40x144xf32, #tpu.memory_space<vmem>>
      %dma_start3A_323 = tpu.memref_squeeze %dma_start3A_322 : memref<1x40x144xf32, #tpu.memory_space<vmem>> -> memref<40x144xf32, #tpu.memory_space<vmem>>
      %dma_start3A_324 = arith.constant 0 : i32
      %dma_start3A_325 = arith.constant 0 : i32
      %dma_start3A_326 = tpu.memref_slice %dma_start3A_323[%dma_start3A_324, %dma_start3A_325] : memref<40x144xf32, #tpu.memory_space<vmem>> -> memref<40x144xf32, #tpu.memory_space<vmem>>
      %dma_start3A_327 = arith.constant 0 : i32
      %dma_start3A_328 = tpu.memref_slice %arg7[%add3A_49, %dma_start3A_327] : memref<10240x144xf32, #tpu.memory_space<vmem_shared>> -> memref<40x144xf32, #tpu.memory_space<vmem_shared>>
      %dma_start3A_329 = arith.constant 0 : i32
      %dma_start3A_330 = tpu.memref_slice %arg7[%add3A_49, %dma_start3A_329] : memref<10240x144xf32, #tpu.memory_space<vmem_shared>> -> memref<40x144xf32, #tpu.memory_space<vmem_shared>>
      %dma_start3A_331 = arith.constant 0 : i32
      %dma_start3A_332 = arith.constant 0 : i32
      %dma_start3A_333 = tpu.memref_slice %arg10[%run_scoped3A_50, %dma_start3A_331, %dma_start3A_332] : memref<5x40x144xf32, #tpu.memory_space<vmem>> -> memref<1x40x144xf32, #tpu.memory_space<vmem>>
      %dma_start3A_334 = tpu.memref_squeeze %dma_start3A_333 : memref<1x40x144xf32, #tpu.memory_space<vmem>> -> memref<40x144xf32, #tpu.memory_space<vmem>>
      %dma_start3A_335 = arith.constant 0 : i32
      %dma_start3A_336 = arith.constant 0 : i32
      %dma_start3A_337 = tpu.memref_slice %dma_start3A_334[%dma_start3A_335, %dma_start3A_336] : memref<40x144xf32, #tpu.memory_space<vmem>> -> memref<40x144xf32, #tpu.memory_space<vmem>>
      tpu.enqueue_dma source(%dma_start3A_337 : memref<40x144xf32, #tpu.memory_space<vmem>>) target(%dma_start3A_330 : memref<40x144xf32, #tpu.memory_space<vmem_shared>>) target_semaphore(%run_scoped3A_319 : memref<!tpu.dma_semaphore, #tpu.memory_space<semaphore_mem>>)
      %dma_wait3A_338 = arith.constant 0 : i32
      %dma_wait3A_339 = arith.constant 0 : i32
      %dma_wait3A_340 = tpu.memref_slice %arg10[%run_scoped3A_50, %dma_wait3A_338, %dma_wait3A_339] : memref<5x40x144xf32, #tpu.memory_space<vmem>> -> memref<1x40x144xf32, #tpu.memory_space<vmem>>
      %dma_wait3A_341 = tpu.memref_squeeze %dma_wait3A_340 : memref<1x40x144xf32, #tpu.memory_space<vmem>> -> memref<40x144xf32, #tpu.memory_space<vmem>>
      %dma_wait3A_342 = arith.constant 0 : i32
      %dma_wait3A_343 = arith.constant 0 : i32
      %dma_wait3A_344 = tpu.memref_slice %dma_wait3A_341[%dma_wait3A_342, %dma_wait3A_343] : memref<40x144xf32, #tpu.memory_space<vmem>> -> memref<40x144xf32, #tpu.memory_space<vmem>>
      %dma_wait3A_345 = arith.constant 0 : i32
      %dma_wait3A_346 = tpu.memref_slice %arg7[%add3A_49, %dma_wait3A_345] : memref<10240x144xf32, #tpu.memory_space<vmem_shared>> -> memref<40x144xf32, #tpu.memory_space<vmem_shared>>
      %dma_wait3A_347 = arith.constant 0 : i32
      %dma_wait3A_348 = tpu.memref_slice %arg7[%add3A_49, %dma_wait3A_347] : memref<10240x144xf32, #tpu.memory_space<vmem_shared>> -> memref<40x144xf32, #tpu.memory_space<vmem_shared>>
      %dma_wait3A_349 = arith.constant 0 : i32
      %dma_wait3A_350 = arith.constant 0 : i32
      %dma_wait3A_351 = tpu.memref_slice %arg10[%run_scoped3A_50, %dma_wait3A_349, %dma_wait3A_350] : memref<5x40x144xf32, #tpu.memory_space<vmem>> -> memref<1x40x144xf32, #tpu.memory_space<vmem>>
      %dma_wait3A_352 = tpu.memref_squeeze %dma_wait3A_351 : memref<1x40x144xf32, #tpu.memory_space<vmem>> -> memref<40x144xf32, #tpu.memory_space<vmem>>
      %dma_wait3A_353 = arith.constant 0 : i32
      %dma_wait3A_354 = arith.constant 0 : i32
      %dma_wait3A_355 = tpu.memref_slice %dma_wait3A_352[%dma_wait3A_353, %dma_wait3A_354] : memref<40x144xf32, #tpu.memory_space<vmem>> -> memref<40x144xf32, #tpu.memory_space<vmem>>
      tpu.wait_dma2 semaphore(%run_scoped3A_319 : memref<!tpu.dma_semaphore, #tpu.memory_space<semaphore_mem>>) src(%dma_wait3A_355 : memref<40x144xf32, #tpu.memory_space<vmem>>) dst(%dma_wait3A_348 : memref<40x144xf32, #tpu.memory_space<vmem_shared>>)
      tpu.yield
    }) : () -> ()
    %dma_start3A = arith.constant 0 : i32
    %dma_start3A_51 = arith.constant 0 : i32
    %dma_start3A_52 = arith.constant 0 : i32
    %dma_start3A_53 = tpu.memref_slice %arg10[%dma_start3A, %dma_start3A_51, %dma_start3A_52] : memref<5x40x144xf32, #tpu.memory_space<vmem>> -> memref<1x40x144xf32, #tpu.memory_space<vmem>>
    %dma_start3A_54 = tpu.memref_squeeze %dma_start3A_53 : memref<1x40x144xf32, #tpu.memory_space<vmem>> -> memref<40x144xf32, #tpu.memory_space<vmem>>
    %dma_start3A_55 = arith.constant 0 : i32
    %dma_start3A_56 = arith.constant 0 : i32
    %dma_start3A_57 = tpu.memref_slice %dma_start3A_54[%dma_start3A_55, %dma_start3A_56] : memref<40x144xf32, #tpu.memory_space<vmem>> -> memref<40x144xf32, #tpu.memory_space<vmem>>
    %dma_start3A_58 = arith.constant 0 : i32
    %dma_start3A_59 = arith.constant 0 : i32
    %dma_start3A_60 = tpu.memref_slice %arg10[%dma_start3A, %dma_start3A_58, %dma_start3A_59] : memref<5x40x144xf32, #tpu.memory_space<vmem>> -> memref<1x40x144xf32, #tpu.memory_space<vmem>>
    %dma_start3A_61 = tpu.memref_squeeze %dma_start3A_60 : memref<1x40x144xf32, #tpu.memory_space<vmem>> -> memref<40x144xf32, #tpu.memory_space<vmem>>
    %dma_start3A_62 = arith.constant 0 : i32
    %dma_start3A_63 = arith.constant 0 : i32
    %dma_start3A_64 = tpu.memref_slice %dma_start3A_61[%dma_start3A_62, %dma_start3A_63] : memref<40x144xf32, #tpu.memory_space<vmem>> -> memref<40x144xf32, #tpu.memory_space<vmem>>
    tpu.enqueue_dma source(%arg5 : memref<40x144xf32, #tpu.memory_space<hbm>>) target(%dma_start3A_64 : memref<40x144xf32, #tpu.memory_space<vmem>>) target_semaphore(%arg16 : memref<!tpu.dma_semaphore, #tpu.memory_space<semaphore_mem>>)
    %dma_start3A_65 = arith.constant 1 : i32
    %dma_start3A_66 = arith.constant 0 : i32
    %dma_start3A_67 = arith.constant 0 : i32
    %dma_start3A_68 = tpu.memref_slice %arg10[%dma_start3A_65, %dma_start3A_66, %dma_start3A_67] : memref<5x40x144xf32, #tpu.memory_space<vmem>> -> memref<1x40x144xf32, #tpu.memory_space<vmem>>
    %dma_start3A_69 = tpu.memref_squeeze %dma_start3A_68 : memref<1x40x144xf32, #tpu.memory_space<vmem>> -> memref<40x144xf32, #tpu.memory_space<vmem>>
    %dma_start3A_70 = arith.constant 0 : i32
    %dma_start3A_71 = arith.constant 0 : i32
    %dma_start3A_72 = tpu.memref_slice %dma_start3A_69[%dma_start3A_70, %dma_start3A_71] : memref<40x144xf32, #tpu.memory_space<vmem>> -> memref<40x144xf32, #tpu.memory_space<vmem>>
    %dma_start3A_73 = arith.constant 0 : i32
    %dma_start3A_74 = arith.constant 0 : i32
    %dma_start3A_75 = tpu.memref_slice %arg10[%dma_start3A_65, %dma_start3A_73, %dma_start3A_74] : memref<5x40x144xf32, #tpu.memory_space<vmem>> -> memref<1x40x144xf32, #tpu.memory_space<vmem>>
    %dma_start3A_76 = tpu.memref_squeeze %dma_start3A_75 : memref<1x40x144xf32, #tpu.memory_space<vmem>> -> memref<40x144xf32, #tpu.memory_space<vmem>>
    %dma_start3A_77 = arith.constant 0 : i32
    %dma_start3A_78 = arith.constant 0 : i32
    %dma_start3A_79 = tpu.memref_slice %dma_start3A_76[%dma_start3A_77, %dma_start3A_78] : memref<40x144xf32, #tpu.memory_space<vmem>> -> memref<40x144xf32, #tpu.memory_space<vmem>>
    tpu.enqueue_dma source(%arg5 : memref<40x144xf32, #tpu.memory_space<hbm>>) target(%dma_start3A_79 : memref<40x144xf32, #tpu.memory_space<vmem>>) target_semaphore(%arg17 : memref<!tpu.dma_semaphore, #tpu.memory_space<semaphore_mem>>)
    %dma_start3A_80 = arith.constant 2 : i32
    %dma_start3A_81 = arith.constant 0 : i32
    %dma_start3A_82 = arith.constant 0 : i32
    %dma_start3A_83 = tpu.memref_slice %arg10[%dma_start3A_80, %dma_start3A_81, %dma_start3A_82] : memref<5x40x144xf32, #tpu.memory_space<vmem>> -> memref<1x40x144xf32, #tpu.memory_space<vmem>>
    %dma_start3A_84 = tpu.memref_squeeze %dma_start3A_83 : memref<1x40x144xf32, #tpu.memory_space<vmem>> -> memref<40x144xf32, #tpu.memory_space<vmem>>
    %dma_start3A_85 = arith.constant 0 : i32
    %dma_start3A_86 = arith.constant 0 : i32
    %dma_start3A_87 = tpu.memref_slice %dma_start3A_84[%dma_start3A_85, %dma_start3A_86] : memref<40x144xf32, #tpu.memory_space<vmem>> -> memref<40x144xf32, #tpu.memory_space<vmem>>
    %dma_start3A_88 = arith.constant 0 : i32
    %dma_start3A_89 = arith.constant 0 : i32
    %dma_start3A_90 = tpu.memref_slice %arg10[%dma_start3A_80, %dma_start3A_88, %dma_start3A_89] : memref<5x40x144xf32, #tpu.memory_space<vmem>> -> memref<1x40x144xf32, #tpu.memory_space<vmem>>
    %dma_start3A_91 = tpu.memref_squeeze %dma_start3A_90 : memref<1x40x144xf32, #tpu.memory_space<vmem>> -> memref<40x144xf32, #tpu.memory_space<vmem>>
    %dma_start3A_92 = arith.constant 0 : i32
    %dma_start3A_93 = arith.constant 0 : i32
    %dma_start3A_94 = tpu.memref_slice %dma_start3A_91[%dma_start3A_92, %dma_start3A_93] : memref<40x144xf32, #tpu.memory_space<vmem>> -> memref<40x144xf32, #tpu.memory_space<vmem>>
    tpu.enqueue_dma source(%arg5 : memref<40x144xf32, #tpu.memory_space<hbm>>) target(%dma_start3A_94 : memref<40x144xf32, #tpu.memory_space<vmem>>) target_semaphore(%arg18 : memref<!tpu.dma_semaphore, #tpu.memory_space<semaphore_mem>>)
    %dma_start3A_95 = arith.constant 3 : i32
    %dma_start3A_96 = arith.constant 0 : i32
    %dma_start3A_97 = arith.constant 0 : i32
    %dma_start3A_98 = tpu.memref_slice %arg10[%dma_start3A_95, %dma_start3A_96, %dma_start3A_97] : memref<5x40x144xf32, #tpu.memory_space<vmem>> -> memref<1x40x144xf32, #tpu.memory_space<vmem>>
    %dma_start3A_99 = tpu.memref_squeeze %dma_start3A_98 : memref<1x40x144xf32, #tpu.memory_space<vmem>> -> memref<40x144xf32, #tpu.memory_space<vmem>>
    %dma_start3A_100 = arith.constant 0 : i32
    %dma_start3A_101 = arith.constant 0 : i32
    %dma_start3A_102 = tpu.memref_slice %dma_start3A_99[%dma_start3A_100, %dma_start3A_101] : memref<40x144xf32, #tpu.memory_space<vmem>> -> memref<40x144xf32, #tpu.memory_space<vmem>>
    %dma_start3A_103 = arith.constant 0 : i32
    %dma_start3A_104 = arith.constant 0 : i32
    %dma_start3A_105 = tpu.memref_slice %arg10[%dma_start3A_95, %dma_start3A_103, %dma_start3A_104] : memref<5x40x144xf32, #tpu.memory_space<vmem>> -> memref<1x40x144xf32, #tpu.memory_space<vmem>>
    %dma_start3A_106 = tpu.memref_squeeze %dma_start3A_105 : memref<1x40x144xf32, #tpu.memory_space<vmem>> -> memref<40x144xf32, #tpu.memory_space<vmem>>
    %dma_start3A_107 = arith.constant 0 : i32
    %dma_start3A_108 = arith.constant 0 : i32
    %dma_start3A_109 = tpu.memref_slice %dma_start3A_106[%dma_start3A_107, %dma_start3A_108] : memref<40x144xf32, #tpu.memory_space<vmem>> -> memref<40x144xf32, #tpu.memory_space<vmem>>
    tpu.enqueue_dma source(%arg5 : memref<40x144xf32, #tpu.memory_space<hbm>>) target(%dma_start3A_109 : memref<40x144xf32, #tpu.memory_space<vmem>>) target_semaphore(%arg19 : memref<!tpu.dma_semaphore, #tpu.memory_space<semaphore_mem>>)
    %dma_start3A_110 = arith.constant 4 : i32
    %dma_start3A_111 = arith.constant 0 : i32
    %dma_start3A_112 = arith.constant 0 : i32
    %dma_start3A_113 = tpu.memref_slice %arg10[%dma_start3A_110, %dma_start3A_111, %dma_start3A_112] : memref<5x40x144xf32, #tpu.memory_space<vmem>> -> memref<1x40x144xf32, #tpu.memory_space<vmem>>
    %dma_start3A_114 = tpu.memref_squeeze %dma_start3A_113 : memref<1x40x144xf32, #tpu.memory_space<vmem>> -> memref<40x144xf32, #tpu.memory_space<vmem>>
    %dma_start3A_115 = arith.constant 0 : i32
    %dma_start3A_116 = arith.constant 0 : i32
    %dma_start3A_117 = tpu.memref_slice %dma_start3A_114[%dma_start3A_115, %dma_start3A_116] : memref<40x144xf32, #tpu.memory_space<vmem>> -> memref<40x144xf32, #tpu.memory_space<vmem>>
    %dma_start3A_118 = arith.constant 0 : i32
    %dma_start3A_119 = arith.constant 0 : i32
    %dma_start3A_120 = tpu.memref_slice %arg10[%dma_start3A_110, %dma_start3A_118, %dma_start3A_119] : memref<5x40x144xf32, #tpu.memory_space<vmem>> -> memref<1x40x144xf32, #tpu.memory_space<vmem>>
    %dma_start3A_121 = tpu.memref_squeeze %dma_start3A_120 : memref<1x40x144xf32, #tpu.memory_space<vmem>> -> memref<40x144xf32, #tpu.memory_space<vmem>>
    %dma_start3A_122 = arith.constant 0 : i32
    %dma_start3A_123 = arith.constant 0 : i32
    %dma_start3A_124 = tpu.memref_slice %dma_start3A_121[%dma_start3A_122, %dma_start3A_123] : memref<40x144xf32, #tpu.memory_space<vmem>> -> memref<40x144xf32, #tpu.memory_space<vmem>>
    tpu.enqueue_dma source(%arg5 : memref<40x144xf32, #tpu.memory_space<hbm>>) target(%dma_start3A_124 : memref<40x144xf32, #tpu.memory_space<vmem>>) target_semaphore(%arg20 : memref<!tpu.dma_semaphore, #tpu.memory_space<semaphore_mem>>)
    %barrier3A = arith.constant 0 : index
    tpu.barrier barrier_id(%barrier3A)
    %mul3A_125 = arith.constant 250 : i32
    %mul3A_126 = arith.muli %add3A, %mul3A_125 : i32
    %add3A_127 = arith.constant 0 : i32
    %add3A_128 = arith.addi %mul3A_126, %add3A_127 : i32
    %dma_start3A_129 = arith.constant 0 : i32
    %dma_start3A_130 = arith.constant 0 : i32
    %dma_start3A_131 = arith.constant 0 : i32
    %dma_start3A_132 = tpu.memref_slice %arg8[%dma_start3A_129, %dma_start3A_130, %dma_start3A_131] : memref<2x5x40xi32, #tpu.memory_space<vmem>> -> memref<1x5x40xi32, #tpu.memory_space<vmem>>
    %dma_start3A_133 = tpu.memref_squeeze %dma_start3A_132 : memref<1x5x40xi32, #tpu.memory_space<vmem>> -> memref<5x40xi32, #tpu.memory_space<vmem>>
    %dma_start3A_134 = arith.constant 0 : i32
    %dma_start3A_135 = tpu.memref_slice %arg3[%add3A_128, %dma_start3A_134] : memref<8010x40xi32, #tpu.memory_space<hbm>> -> memref<5x40xi32, #tpu.memory_space<hbm>>
    %dma_start3A_136 = arith.constant 0 : i32
    %dma_start3A_137 = arith.constant 0 : i32
    %dma_start3A_138 = tpu.memref_slice %arg8[%dma_start3A_129, %dma_start3A_136, %dma_start3A_137] : memref<2x5x40xi32, #tpu.memory_space<vmem>> -> memref<1x5x40xi32, #tpu.memory_space<vmem>>
    %dma_start3A_139 = tpu.memref_squeeze %dma_start3A_138 : memref<1x5x40xi32, #tpu.memory_space<vmem>> -> memref<5x40xi32, #tpu.memory_space<vmem>>
    %dma_start3A_140 = arith.constant 0 : i32
    %dma_start3A_141 = tpu.memref_slice %arg3[%add3A_128, %dma_start3A_140] : memref<8010x40xi32, #tpu.memory_space<hbm>> -> memref<5x40xi32, #tpu.memory_space<hbm>>
    tpu.enqueue_dma source(%dma_start3A_141 : memref<5x40xi32, #tpu.memory_space<hbm>>) target(%dma_start3A_139 : memref<5x40xi32, #tpu.memory_space<vmem>>) target_semaphore(%arg21 : memref<!tpu.dma_semaphore, #tpu.memory_space<semaphore_mem>>)
    %dma_start3A_142 = arith.constant 0 : i32
    %dma_start3A_143 = arith.constant 0 : i32
    %dma_start3A_144 = arith.constant 0 : i32
    %dma_start3A_145 = tpu.memref_slice %arg9[%dma_start3A_142, %dma_start3A_143, %dma_start3A_144] : memref<2x5x40xi32, #tpu.memory_space<vmem>> -> memref<1x5x40xi32, #tpu.memory_space<vmem>>
    %dma_start3A_146 = tpu.memref_squeeze %dma_start3A_145 : memref<1x5x40xi32, #tpu.memory_space<vmem>> -> memref<5x40xi32, #tpu.memory_space<vmem>>
    %dma_start3A_147 = arith.constant 0 : i32
    %dma_start3A_148 = tpu.memref_slice %arg4[%add3A_128, %dma_start3A_147] : memref<8010x40xi32, #tpu.memory_space<hbm>> -> memref<5x40xi32, #tpu.memory_space<hbm>>
    %dma_start3A_149 = arith.constant 0 : i32
    %dma_start3A_150 = arith.constant 0 : i32
    %dma_start3A_151 = tpu.memref_slice %arg9[%dma_start3A_142, %dma_start3A_149, %dma_start3A_150] : memref<2x5x40xi32, #tpu.memory_space<vmem>> -> memref<1x5x40xi32, #tpu.memory_space<vmem>>
    %dma_start3A_152 = tpu.memref_squeeze %dma_start3A_151 : memref<1x5x40xi32, #tpu.memory_space<vmem>> -> memref<5x40xi32, #tpu.memory_space<vmem>>
    %dma_start3A_153 = arith.constant 0 : i32
    %dma_start3A_154 = tpu.memref_slice %arg4[%add3A_128, %dma_start3A_153] : memref<8010x40xi32, #tpu.memory_space<hbm>> -> memref<5x40xi32, #tpu.memory_space<hbm>>
    tpu.enqueue_dma source(%dma_start3A_154 : memref<5x40xi32, #tpu.memory_space<hbm>>) target(%dma_start3A_152 : memref<5x40xi32, #tpu.memory_space<vmem>>) target_semaphore(%arg21 : memref<!tpu.dma_semaphore, #tpu.memory_space<semaphore_mem>>)
    %add3A_155 = arith.constant 5 : i32
    %add3A_156 = arith.addi %mul3A_126, %add3A_155 : i32
    %dma_start3A_157 = arith.constant 1 : i32
    %dma_start3A_158 = arith.constant 0 : i32
    %dma_start3A_159 = arith.constant 0 : i32
    %dma_start3A_160 = tpu.memref_slice %arg8[%dma_start3A_157, %dma_start3A_158, %dma_start3A_159] : memref<2x5x40xi32, #tpu.memory_space<vmem>> -> memref<1x5x40xi32, #tpu.memory_space<vmem>>
    %dma_start3A_161 = tpu.memref_squeeze %dma_start3A_160 : memref<1x5x40xi32, #tpu.memory_space<vmem>> -> memref<5x40xi32, #tpu.memory_space<vmem>>
    %dma_start3A_162 = arith.constant 0 : i32
    %dma_start3A_163 = tpu.memref_slice %arg3[%add3A_156, %dma_start3A_162] : memref<8010x40xi32, #tpu.memory_space<hbm>> -> memref<5x40xi32, #tpu.memory_space<hbm>>
    %dma_start3A_164 = arith.constant 0 : i32
    %dma_start3A_165 = arith.constant 0 : i32
    %dma_start3A_166 = tpu.memref_slice %arg8[%dma_start3A_157, %dma_start3A_164, %dma_start3A_165] : memref<2x5x40xi32, #tpu.memory_space<vmem>> -> memref<1x5x40xi32, #tpu.memory_space<vmem>>
    %dma_start3A_167 = tpu.memref_squeeze %dma_start3A_166 : memref<1x5x40xi32, #tpu.memory_space<vmem>> -> memref<5x40xi32, #tpu.memory_space<vmem>>
    %dma_start3A_168 = arith.constant 0 : i32
    %dma_start3A_169 = tpu.memref_slice %arg3[%add3A_156, %dma_start3A_168] : memref<8010x40xi32, #tpu.memory_space<hbm>> -> memref<5x40xi32, #tpu.memory_space<hbm>>
    tpu.enqueue_dma source(%dma_start3A_169 : memref<5x40xi32, #tpu.memory_space<hbm>>) target(%dma_start3A_167 : memref<5x40xi32, #tpu.memory_space<vmem>>) target_semaphore(%arg22 : memref<!tpu.dma_semaphore, #tpu.memory_space<semaphore_mem>>)
    %dma_start3A_170 = arith.constant 1 : i32
    %dma_start3A_171 = arith.constant 0 : i32
    %dma_start3A_172 = arith.constant 0 : i32
    %dma_start3A_173 = tpu.memref_slice %arg9[%dma_start3A_170, %dma_start3A_171, %dma_start3A_172] : memref<2x5x40xi32, #tpu.memory_space<vmem>> -> memref<1x5x40xi32, #tpu.memory_space<vmem>>
    %dma_start3A_174 = tpu.memref_squeeze %dma_start3A_173 : memref<1x5x40xi32, #tpu.memory_space<vmem>> -> memref<5x40xi32, #tpu.memory_space<vmem>>
    %dma_start3A_175 = arith.constant 0 : i32
    %dma_start3A_176 = tpu.memref_slice %arg4[%add3A_156, %dma_start3A_175] : memref<8010x40xi32, #tpu.memory_space<hbm>> -> memref<5x40xi32, #tpu.memory_space<hbm>>
    %dma_start3A_177 = arith.constant 0 : i32
    %dma_start3A_178 = arith.constant 0 : i32
    %dma_start3A_179 = tpu.memref_slice %arg9[%dma_start3A_170, %dma_start3A_177, %dma_start3A_178] : memref<2x5x40xi32, #tpu.memory_space<vmem>> -> memref<1x5x40xi32, #tpu.memory_space<vmem>>
    %dma_start3A_180 = tpu.memref_squeeze %dma_start3A_179 : memref<1x5x40xi32, #tpu.memory_space<vmem>> -> memref<5x40xi32, #tpu.memory_space<vmem>>
    %dma_start3A_181 = arith.constant 0 : i32
    %dma_start3A_182 = tpu.memref_slice %arg4[%add3A_156, %dma_start3A_181] : memref<8010x40xi32, #tpu.memory_space<hbm>> -> memref<5x40xi32, #tpu.memory_space<hbm>>
    tpu.enqueue_dma source(%dma_start3A_182 : memref<5x40xi32, #tpu.memory_space<hbm>>) target(%dma_start3A_180 : memref<5x40xi32, #tpu.memory_space<vmem>>) target_semaphore(%arg22 : memref<!tpu.dma_semaphore, #tpu.memory_space<semaphore_mem>>)
    %scan3A = arith.constant 0 : i32
    %scan3A_183 = arith.constant 0 : i32
    %scan3A_184 = arith.constant 25 : i32
    %scan3A_185 = arith.addi %scan3A_183, %scan3A_184 : i32
    %scan3A_186 = arith.constant 1 : i32
    scf.for %scan3A_319 = %scan3A_183 to %scan3A_185 step %scan3A_186  : i32 {
      %mul3A_320 = arith.constant 2 : i32
      %mul3A_321 = arith.muli %mul3A_320, %scan3A_319 : i32
      %mul3A_322 = arith.constant 5 : i32
      %mul3A_323 = arith.muli %mul3A_321, %mul3A_322 : i32
      %add3A_324 = arith.addi %mul3A_126, %mul3A_323 : i32
      %dma_wait3A_325 = arith.constant 0 : i32
      %dma_wait3A_326 = arith.constant 0 : i32
      %dma_wait3A_327 = arith.constant 0 : i32
      %dma_wait3A_328 = tpu.memref_slice %arg8[%dma_wait3A_325, %dma_wait3A_326, %dma_wait3A_327] : memref<2x5x40xi32, #tpu.memory_space<vmem>> -> memref<1x5x40xi32, #tpu.memory_space<vmem>>
      %dma_wait3A_329 = tpu.memref_squeeze %dma_wait3A_328 : memref<1x5x40xi32, #tpu.memory_space<vmem>> -> memref<5x40xi32, #tpu.memory_space<vmem>>
      %dma_wait3A_330 = arith.constant 0 : i32
      %dma_wait3A_331 = tpu.memref_slice %arg3[%add3A_324, %dma_wait3A_330] : memref<8010x40xi32, #tpu.memory_space<hbm>> -> memref<5x40xi32, #tpu.memory_space<hbm>>
      %dma_wait3A_332 = arith.constant 0 : i32
      %dma_wait3A_333 = arith.constant 0 : i32
      %dma_wait3A_334 = tpu.memref_slice %arg8[%dma_wait3A_325, %dma_wait3A_332, %dma_wait3A_333] : memref<2x5x40xi32, #tpu.memory_space<vmem>> -> memref<1x5x40xi32, #tpu.memory_space<vmem>>
      %dma_wait3A_335 = tpu.memref_squeeze %dma_wait3A_334 : memref<1x5x40xi32, #tpu.memory_space<vmem>> -> memref<5x40xi32, #tpu.memory_space<vmem>>
      %dma_wait3A_336 = arith.constant 0 : i32
      %dma_wait3A_337 = tpu.memref_slice %arg3[%add3A_324, %dma_wait3A_336] : memref<8010x40xi32, #tpu.memory_space<hbm>> -> memref<5x40xi32, #tpu.memory_space<hbm>>
      tpu.wait_dma2 semaphore(%arg21 : memref<!tpu.dma_semaphore, #tpu.memory_space<semaphore_mem>>) src(%dma_wait3A_337 : memref<5x40xi32, #tpu.memory_space<hbm>>) dst(%dma_wait3A_335 : memref<5x40xi32, #tpu.memory_space<vmem>>)
      %dma_wait3A_338 = arith.constant 0 : i32
      %dma_wait3A_339 = arith.constant 0 : i32
      %dma_wait3A_340 = arith.constant 0 : i32
      %dma_wait3A_341 = tpu.memref_slice %arg9[%dma_wait3A_338, %dma_wait3A_339, %dma_wait3A_340] : memref<2x5x40xi32, #tpu.memory_space<vmem>> -> memref<1x5x40xi32, #tpu.memory_space<vmem>>
      %dma_wait3A_342 = tpu.memref_squeeze %dma_wait3A_341 : memref<1x5x40xi32, #tpu.memory_space<vmem>> -> memref<5x40xi32, #tpu.memory_space<vmem>>
      %dma_wait3A_343 = arith.constant 0 : i32
      %dma_wait3A_344 = tpu.memref_slice %arg4[%add3A_324, %dma_wait3A_343] : memref<8010x40xi32, #tpu.memory_space<hbm>> -> memref<5x40xi32, #tpu.memory_space<hbm>>
      %dma_wait3A_345 = arith.constant 0 : i32
      %dma_wait3A_346 = arith.constant 0 : i32
      %dma_wait3A_347 = tpu.memref_slice %arg9[%dma_wait3A_338, %dma_wait3A_345, %dma_wait3A_346] : memref<2x5x40xi32, #tpu.memory_space<vmem>> -> memref<1x5x40xi32, #tpu.memory_space<vmem>>
      %dma_wait3A_348 = tpu.memref_squeeze %dma_wait3A_347 : memref<1x5x40xi32, #tpu.memory_space<vmem>> -> memref<5x40xi32, #tpu.memory_space<vmem>>
      %dma_wait3A_349 = arith.constant 0 : i32
      %dma_wait3A_350 = tpu.memref_slice %arg4[%add3A_324, %dma_wait3A_349] : memref<8010x40xi32, #tpu.memory_space<hbm>> -> memref<5x40xi32, #tpu.memory_space<hbm>>
      tpu.wait_dma2 semaphore(%arg21 : memref<!tpu.dma_semaphore, #tpu.memory_space<semaphore_mem>>) src(%dma_wait3A_350 : memref<5x40xi32, #tpu.memory_space<hbm>>) dst(%dma_wait3A_348 : memref<5x40xi32, #tpu.memory_space<vmem>>)
      %dma_wait3A_351 = arith.constant 0 : i32
      %dma_wait3A_352 = arith.constant 0 : i32
      %dma_wait3A_353 = arith.constant 0 : i32
      %dma_wait3A_354 = tpu.memref_slice %arg10[%dma_wait3A_351, %dma_wait3A_352, %dma_wait3A_353] : memref<5x40x144xf32, #tpu.memory_space<vmem>> -> memref<1x40x144xf32, #tpu.memory_space<vmem>>
      %dma_wait3A_355 = tpu.memref_squeeze %dma_wait3A_354 : memref<1x40x144xf32, #tpu.memory_space<vmem>> -> memref<40x144xf32, #tpu.memory_space<vmem>>
      %dma_wait3A_356 = arith.constant 0 : i32
      %dma_wait3A_357 = arith.constant 0 : i32
      %dma_wait3A_358 = tpu.memref_slice %dma_wait3A_355[%dma_wait3A_356, %dma_wait3A_357] : memref<40x144xf32, #tpu.memory_space<vmem>> -> memref<40x144xf32, #tpu.memory_space<vmem>>
      %dma_wait3A_359 = arith.constant 0 : i32
      %dma_wait3A_360 = arith.constant 0 : i32
      %dma_wait3A_361 = tpu.memref_slice %arg10[%dma_wait3A_351, %dma_wait3A_359, %dma_wait3A_360] : memref<5x40x144xf32, #tpu.memory_space<vmem>> -> memref<1x40x144xf32, #tpu.memory_space<vmem>>
      %dma_wait3A_362 = tpu.memref_squeeze %dma_wait3A_361 : memref<1x40x144xf32, #tpu.memory_space<vmem>> -> memref<40x144xf32, #tpu.memory_space<vmem>>
      %dma_wait3A_363 = arith.constant 0 : i32
      %dma_wait3A_364 = arith.constant 0 : i32
      %dma_wait3A_365 = tpu.memref_slice %dma_wait3A_362[%dma_wait3A_363, %dma_wait3A_364] : memref<40x144xf32, #tpu.memory_space<vmem>> -> memref<40x144xf32, #tpu.memory_space<vmem>>
      tpu.wait_dma2 semaphore(%arg16 : memref<!tpu.dma_semaphore, #tpu.memory_space<semaphore_mem>>) src(%arg5 : memref<40x144xf32, #tpu.memory_space<hbm>>) dst(%dma_wait3A_365 : memref<40x144xf32, #tpu.memory_space<vmem>>)
      %dma_start3A_366 = arith.constant 0 : i32
      %dma_start3A_367 = arith.constant 0 : i32
      %dma_start3A_368 = arith.constant 0 : i32
      %dma_start3A_369 = arith.constant 0 : i32
      %dma_start3A_370 = arith.constant 0 : i32
      %dma_start3A_371 = tpu.memref_slice %arg10[%dma_start3A_368, %dma_start3A_369, %dma_start3A_370] : memref<5x40x144xf32, #tpu.memory_space<vmem>> -> memref<1x40x144xf32, #tpu.memory_space<vmem>>
      %dma_start3A_372 = tpu.memref_squeeze %dma_start3A_371 : memref<1x40x144xf32, #tpu.memory_space<vmem>> -> memref<40x144xf32, #tpu.memory_space<vmem>>
      %dma_start3A_373 = arith.constant 0 : i32
      %dma_start3A_374 = tpu.memref_slice %arg8[%dma_start3A_366, %dma_start3A_367, %dma_start3A_373] : memref<2x5x40xi32, #tpu.memory_space<vmem>> -> memref<1x1x40xi32, #tpu.memory_space<vmem>>
      %dma_start3A_375 = tpu.memref_squeeze %dma_start3A_374 : memref<1x1x40xi32, #tpu.memory_space<vmem>> -> memref<40xi32, #tpu.memory_space<vmem>>
      %dma_start3A_376 = arith.constant 0 : i32
      %dma_start3A_377 = arith.constant 0 : i32
      %dma_start3A_378 = tpu.memref_slice %arg2[%dma_start3A_376, %dma_start3A_377] : memref<10000x144xf32, #tpu.memory_space<hbm>> -> memref<10000x144xf32, #tpu.memory_space<hbm>>
      tpu.enqueue_indirect_dma source(%dma_start3A_378 : memref<10000x144xf32, #tpu.memory_space<hbm>>) target(%dma_start3A_372 : memref<40x144xf32, #tpu.memory_space<vmem>>) offsets(%dma_start3A_375 : memref<40xi32, #tpu.memory_space<vmem>>) semaphore(%arg11 : memref<!tpu.dma_semaphore, #tpu.memory_space<semaphore_mem>>)
      %dma_wait3A_379 = arith.constant 1 : i32
      %dma_wait3A_380 = arith.constant 0 : i32
      %dma_wait3A_381 = arith.constant 0 : i32
      %dma_wait3A_382 = tpu.memref_slice %arg10[%dma_wait3A_379, %dma_wait3A_380, %dma_wait3A_381] : memref<5x40x144xf32, #tpu.memory_space<vmem>> -> memref<1x40x144xf32, #tpu.memory_space<vmem>>
      %dma_wait3A_383 = tpu.memref_squeeze %dma_wait3A_382 : memref<1x40x144xf32, #tpu.memory_space<vmem>> -> memref<40x144xf32, #tpu.memory_space<vmem>>
      %dma_wait3A_384 = arith.constant 0 : i32
      %dma_wait3A_385 = arith.constant 0 : i32
      %dma_wait3A_386 = tpu.memref_slice %dma_wait3A_383[%dma_wait3A_384, %dma_wait3A_385] : memref<40x144xf32, #tpu.memory_space<vmem>> -> memref<40x144xf32, #tpu.memory_space<vmem>>
      %dma_wait3A_387 = arith.constant 0 : i32
      %dma_wait3A_388 = arith.constant 0 : i32
      %dma_wait3A_389 = tpu.memref_slice %arg10[%dma_wait3A_379, %dma_wait3A_387, %dma_wait3A_388] : memref<5x40x144xf32, #tpu.memory_space<vmem>> -> memref<1x40x144xf32, #tpu.memory_space<vmem>>
      %dma_wait3A_390 = tpu.memref_squeeze %dma_wait3A_389 : memref<1x40x144xf32, #tpu.memory_space<vmem>> -> memref<40x144xf32, #tpu.memory_space<vmem>>
      %dma_wait3A_391 = arith.constant 0 : i32
      %dma_wait3A_392 = arith.constant 0 : i32
      %dma_wait3A_393 = tpu.memref_slice %dma_wait3A_390[%dma_wait3A_391, %dma_wait3A_392] : memref<40x144xf32, #tpu.memory_space<vmem>> -> memref<40x144xf32, #tpu.memory_space<vmem>>
      tpu.wait_dma2 semaphore(%arg17 : memref<!tpu.dma_semaphore, #tpu.memory_space<semaphore_mem>>) src(%arg5 : memref<40x144xf32, #tpu.memory_space<hbm>>) dst(%dma_wait3A_393 : memref<40x144xf32, #tpu.memory_space<vmem>>)
      %dma_start3A_394 = arith.constant 0 : i32
      %dma_start3A_395 = arith.constant 1 : i32
      %dma_start3A_396 = arith.constant 1 : i32
      %dma_start3A_397 = arith.constant 0 : i32
      %dma_start3A_398 = arith.constant 0 : i32
      %dma_start3A_399 = tpu.memref_slice %arg10[%dma_start3A_396, %dma_start3A_397, %dma_start3A_398] : memref<5x40x144xf32, #tpu.memory_space<vmem>> -> memref<1x40x144xf32, #tpu.memory_space<vmem>>
      %dma_start3A_400 = tpu.memref_squeeze %dma_start3A_399 : memref<1x40x144xf32, #tpu.memory_space<vmem>> -> memref<40x144xf32, #tpu.memory_space<vmem>>
      %dma_start3A_401 = arith.constant 0 : i32
      %dma_start3A_402 = tpu.memref_slice %arg8[%dma_start3A_394, %dma_start3A_395, %dma_start3A_401] : memref<2x5x40xi32, #tpu.memory_space<vmem>> -> memref<1x1x40xi32, #tpu.memory_space<vmem>>
      %dma_start3A_403 = tpu.memref_squeeze %dma_start3A_402 : memref<1x1x40xi32, #tpu.memory_space<vmem>> -> memref<40xi32, #tpu.memory_space<vmem>>
      %dma_start3A_404 = arith.constant 0 : i32
      %dma_start3A_405 = arith.constant 0 : i32
      %dma_start3A_406 = tpu.memref_slice %arg2[%dma_start3A_404, %dma_start3A_405] : memref<10000x144xf32, #tpu.memory_space<hbm>> -> memref<10000x144xf32, #tpu.memory_space<hbm>>
      tpu.enqueue_indirect_dma source(%dma_start3A_406 : memref<10000x144xf32, #tpu.memory_space<hbm>>) target(%dma_start3A_400 : memref<40x144xf32, #tpu.memory_space<vmem>>) offsets(%dma_start3A_403 : memref<40xi32, #tpu.memory_space<vmem>>) semaphore(%arg12 : memref<!tpu.dma_semaphore, #tpu.memory_space<semaphore_mem>>)
      %dma_wait3A_407 = arith.constant 2 : i32
      %dma_wait3A_408 = arith.constant 0 : i32
      %dma_wait3A_409 = arith.constant 0 : i32
      %dma_wait3A_410 = tpu.memref_slice %arg10[%dma_wait3A_407, %dma_wait3A_408, %dma_wait3A_409] : memref<5x40x144xf32, #tpu.memory_space<vmem>> -> memref<1x40x144xf32, #tpu.memory_space<vmem>>
      %dma_wait3A_411 = tpu.memref_squeeze %dma_wait3A_410 : memref<1x40x144xf32, #tpu.memory_space<vmem>> -> memref<40x144xf32, #tpu.memory_space<vmem>>
      %dma_wait3A_412 = arith.constant 0 : i32
      %dma_wait3A_413 = arith.constant 0 : i32
      %dma_wait3A_414 = tpu.memref_slice %dma_wait3A_411[%dma_wait3A_412, %dma_wait3A_413] : memref<40x144xf32, #tpu.memory_space<vmem>> -> memref<40x144xf32, #tpu.memory_space<vmem>>
      %dma_wait3A_415 = arith.constant 0 : i32
      %dma_wait3A_416 = arith.constant 0 : i32
      %dma_wait3A_417 = tpu.memref_slice %arg10[%dma_wait3A_407, %dma_wait3A_415, %dma_wait3A_416] : memref<5x40x144xf32, #tpu.memory_space<vmem>> -> memref<1x40x144xf32, #tpu.memory_space<vmem>>
      %dma_wait3A_418 = tpu.memref_squeeze %dma_wait3A_417 : memref<1x40x144xf32, #tpu.memory_space<vmem>> -> memref<40x144xf32, #tpu.memory_space<vmem>>
      %dma_wait3A_419 = arith.constant 0 : i32
      %dma_wait3A_420 = arith.constant 0 : i32
      %dma_wait3A_421 = tpu.memref_slice %dma_wait3A_418[%dma_wait3A_419, %dma_wait3A_420] : memref<40x144xf32, #tpu.memory_space<vmem>> -> memref<40x144xf32, #tpu.memory_space<vmem>>
      tpu.wait_dma2 semaphore(%arg18 : memref<!tpu.dma_semaphore, #tpu.memory_space<semaphore_mem>>) src(%arg5 : memref<40x144xf32, #tpu.memory_space<hbm>>) dst(%dma_wait3A_421 : memref<40x144xf32, #tpu.memory_space<vmem>>)
      %dma_start3A_422 = arith.constant 0 : i32
      %dma_start3A_423 = arith.constant 2 : i32
      %dma_start3A_424 = arith.constant 2 : i32
      %dma_start3A_425 = arith.constant 0 : i32
      %dma_start3A_426 = arith.constant 0 : i32
      %dma_start3A_427 = tpu.memref_slice %arg10[%dma_start3A_424, %dma_start3A_425, %dma_start3A_426] : memref<5x40x144xf32, #tpu.memory_space<vmem>> -> memref<1x40x144xf32, #tpu.memory_space<vmem>>
      %dma_start3A_428 = tpu.memref_squeeze %dma_start3A_427 : memref<1x40x144xf32, #tpu.memory_space<vmem>> -> memref<40x144xf32, #tpu.memory_space<vmem>>
      %dma_start3A_429 = arith.constant 0 : i32
      %dma_start3A_430 = tpu.memref_slice %arg8[%dma_start3A_422, %dma_start3A_423, %dma_start3A_429] : memref<2x5x40xi32, #tpu.memory_space<vmem>> -> memref<1x1x40xi32, #tpu.memory_space<vmem>>
      %dma_start3A_431 = tpu.memref_squeeze %dma_start3A_430 : memref<1x1x40xi32, #tpu.memory_space<vmem>> -> memref<40xi32, #tpu.memory_space<vmem>>
      %dma_start3A_432 = arith.constant 0 : i32
      %dma_start3A_433 = arith.constant 0 : i32
      %dma_start3A_434 = tpu.memref_slice %arg2[%dma_start3A_432, %dma_start3A_433] : memref<10000x144xf32, #tpu.memory_space<hbm>> -> memref<10000x144xf32, #tpu.memory_space<hbm>>
      tpu.enqueue_indirect_dma source(%dma_start3A_434 : memref<10000x144xf32, #tpu.memory_space<hbm>>) target(%dma_start3A_428 : memref<40x144xf32, #tpu.memory_space<vmem>>) offsets(%dma_start3A_431 : memref<40xi32, #tpu.memory_space<vmem>>) semaphore(%arg13 : memref<!tpu.dma_semaphore, #tpu.memory_space<semaphore_mem>>)
      %dma_wait3A_435 = arith.constant 3 : i32
      %dma_wait3A_436 = arith.constant 0 : i32
      %dma_wait3A_437 = arith.constant 0 : i32
      %dma_wait3A_438 = tpu.memref_slice %arg10[%dma_wait3A_435, %dma_wait3A_436, %dma_wait3A_437] : memref<5x40x144xf32, #tpu.memory_space<vmem>> -> memref<1x40x144xf32, #tpu.memory_space<vmem>>
      %dma_wait3A_439 = tpu.memref_squeeze %dma_wait3A_438 : memref<1x40x144xf32, #tpu.memory_space<vmem>> -> memref<40x144xf32, #tpu.memory_space<vmem>>
      %dma_wait3A_440 = arith.constant 0 : i32
      %dma_wait3A_441 = arith.constant 0 : i32
      %dma_wait3A_442 = tpu.memref_slice %dma_wait3A_439[%dma_wait3A_440, %dma_wait3A_441] : memref<40x144xf32, #tpu.memory_space<vmem>> -> memref<40x144xf32, #tpu.memory_space<vmem>>
      %dma_wait3A_443 = arith.constant 0 : i32
      %dma_wait3A_444 = arith.constant 0 : i32
      %dma_wait3A_445 = tpu.memref_slice %arg10[%dma_wait3A_435, %dma_wait3A_443, %dma_wait3A_444] : memref<5x40x144xf32, #tpu.memory_space<vmem>> -> memref<1x40x144xf32, #tpu.memory_space<vmem>>
      %dma_wait3A_446 = tpu.memref_squeeze %dma_wait3A_445 : memref<1x40x144xf32, #tpu.memory_space<vmem>> -> memref<40x144xf32, #tpu.memory_space<vmem>>
      %dma_wait3A_447 = arith.constant 0 : i32
      %dma_wait3A_448 = arith.constant 0 : i32
      %dma_wait3A_449 = tpu.memref_slice %dma_wait3A_446[%dma_wait3A_447, %dma_wait3A_448] : memref<40x144xf32, #tpu.memory_space<vmem>> -> memref<40x144xf32, #tpu.memory_space<vmem>>
      tpu.wait_dma2 semaphore(%arg19 : memref<!tpu.dma_semaphore, #tpu.memory_space<semaphore_mem>>) src(%arg5 : memref<40x144xf32, #tpu.memory_space<hbm>>) dst(%dma_wait3A_449 : memref<40x144xf32, #tpu.memory_space<vmem>>)
      %dma_start3A_450 = arith.constant 0 : i32
      %dma_start3A_451 = arith.constant 3 : i32
      %dma_start3A_452 = arith.constant 3 : i32
      %dma_start3A_453 = arith.constant 0 : i32
      %dma_start3A_454 = arith.constant 0 : i32
      %dma_start3A_455 = tpu.memref_slice %arg10[%dma_start3A_452, %dma_start3A_453, %dma_start3A_454] : memref<5x40x144xf32, #tpu.memory_space<vmem>> -> memref<1x40x144xf32, #tpu.memory_space<vmem>>
      %dma_start3A_456 = tpu.memref_squeeze %dma_start3A_455 : memref<1x40x144xf32, #tpu.memory_space<vmem>> -> memref<40x144xf32, #tpu.memory_space<vmem>>
      %dma_start3A_457 = arith.constant 0 : i32
      %dma_start3A_458 = tpu.memref_slice %arg8[%dma_start3A_450, %dma_start3A_451, %dma_start3A_457] : memref<2x5x40xi32, #tpu.memory_space<vmem>> -> memref<1x1x40xi32, #tpu.memory_space<vmem>>
      %dma_start3A_459 = tpu.memref_squeeze %dma_start3A_458 : memref<1x1x40xi32, #tpu.memory_space<vmem>> -> memref<40xi32, #tpu.memory_space<vmem>>
      %dma_start3A_460 = arith.constant 0 : i32
      %dma_start3A_461 = arith.constant 0 : i32
      %dma_start3A_462 = tpu.memref_slice %arg2[%dma_start3A_460, %dma_start3A_461] : memref<10000x144xf32, #tpu.memory_space<hbm>> -> memref<10000x144xf32, #tpu.memory_space<hbm>>
      tpu.enqueue_indirect_dma source(%dma_start3A_462 : memref<10000x144xf32, #tpu.memory_space<hbm>>) target(%dma_start3A_456 : memref<40x144xf32, #tpu.memory_space<vmem>>) offsets(%dma_start3A_459 : memref<40xi32, #tpu.memory_space<vmem>>) semaphore(%arg14 : memref<!tpu.dma_semaphore, #tpu.memory_space<semaphore_mem>>)
      %dma_wait3A_463 = arith.constant 4 : i32
      %dma_wait3A_464 = arith.constant 0 : i32
      %dma_wait3A_465 = arith.constant 0 : i32
      %dma_wait3A_466 = tpu.memref_slice %arg10[%dma_wait3A_463, %dma_wait3A_464, %dma_wait3A_465] : memref<5x40x144xf32, #tpu.memory_space<vmem>> -> memref<1x40x144xf32, #tpu.memory_space<vmem>>
      %dma_wait3A_467 = tpu.memref_squeeze %dma_wait3A_466 : memref<1x40x144xf32, #tpu.memory_space<vmem>> -> memref<40x144xf32, #tpu.memory_space<vmem>>
      %dma_wait3A_468 = arith.constant 0 : i32
      %dma_wait3A_469 = arith.constant 0 : i32
      %dma_wait3A_470 = tpu.memref_slice %dma_wait3A_467[%dma_wait3A_468, %dma_wait3A_469] : memref<40x144xf32, #tpu.memory_space<vmem>> -> memref<40x144xf32, #tpu.memory_space<vmem>>
      %dma_wait3A_471 = arith.constant 0 : i32
      %dma_wait3A_472 = arith.constant 0 : i32
      %dma_wait3A_473 = tpu.memref_slice %arg10[%dma_wait3A_463, %dma_wait3A_471, %dma_wait3A_472] : memref<5x40x144xf32, #tpu.memory_space<vmem>> -> memref<1x40x144xf32, #tpu.memory_space<vmem>>
      %dma_wait3A_474 = tpu.memref_squeeze %dma_wait3A_473 : memref<1x40x144xf32, #tpu.memory_space<vmem>> -> memref<40x144xf32, #tpu.memory_space<vmem>>
      %dma_wait3A_475 = arith.constant 0 : i32
      %dma_wait3A_476 = arith.constant 0 : i32
      %dma_wait3A_477 = tpu.memref_slice %dma_wait3A_474[%dma_wait3A_475, %dma_wait3A_476] : memref<40x144xf32, #tpu.memory_space<vmem>> -> memref<40x144xf32, #tpu.memory_space<vmem>>
      tpu.wait_dma2 semaphore(%arg20 : memref<!tpu.dma_semaphore, #tpu.memory_space<semaphore_mem>>) src(%arg5 : memref<40x144xf32, #tpu.memory_space<hbm>>) dst(%dma_wait3A_477 : memref<40x144xf32, #tpu.memory_space<vmem>>)
      %dma_start3A_478 = arith.constant 0 : i32
      %dma_start3A_479 = arith.constant 4 : i32
      %dma_start3A_480 = arith.constant 4 : i32
      %dma_start3A_481 = arith.constant 0 : i32
      %dma_start3A_482 = arith.constant 0 : i32
      %dma_start3A_483 = tpu.memref_slice %arg10[%dma_start3A_480, %dma_start3A_481, %dma_start3A_482] : memref<5x40x144xf32, #tpu.memory_space<vmem>> -> memref<1x40x144xf32, #tpu.memory_space<vmem>>
      %dma_start3A_484 = tpu.memref_squeeze %dma_start3A_483 : memref<1x40x144xf32, #tpu.memory_space<vmem>> -> memref<40x144xf32, #tpu.memory_space<vmem>>
      %dma_start3A_485 = arith.constant 0 : i32
      %dma_start3A_486 = tpu.memref_slice %arg8[%dma_start3A_478, %dma_start3A_479, %dma_start3A_485] : memref<2x5x40xi32, #tpu.memory_space<vmem>> -> memref<1x1x40xi32, #tpu.memory_space<vmem>>
      %dma_start3A_487 = tpu.memref_squeeze %dma_start3A_486 : memref<1x1x40xi32, #tpu.memory_space<vmem>> -> memref<40xi32, #tpu.memory_space<vmem>>
      %dma_start3A_488 = arith.constant 0 : i32
      %dma_start3A_489 = arith.constant 0 : i32
      %dma_start3A_490 = tpu.memref_slice %arg2[%dma_start3A_488, %dma_start3A_489] : memref<10000x144xf32, #tpu.memory_space<hbm>> -> memref<10000x144xf32, #tpu.memory_space<hbm>>
      tpu.enqueue_indirect_dma source(%dma_start3A_490 : memref<10000x144xf32, #tpu.memory_space<hbm>>) target(%dma_start3A_484 : memref<40x144xf32, #tpu.memory_space<vmem>>) offsets(%dma_start3A_487 : memref<40xi32, #tpu.memory_space<vmem>>) semaphore(%arg15 : memref<!tpu.dma_semaphore, #tpu.memory_space<semaphore_mem>>)
      %dma_wait3A_491 = arith.constant 0 : i32
      %dma_wait3A_492 = arith.constant 0 : i32
      %dma_wait3A_493 = arith.constant 0 : i32
      %dma_wait3A_494 = arith.constant 0 : i32
      %dma_wait3A_495 = arith.constant 0 : i32
      %dma_wait3A_496 = tpu.memref_slice %arg10[%dma_wait3A_493, %dma_wait3A_494, %dma_wait3A_495] : memref<5x40x144xf32, #tpu.memory_space<vmem>> -> memref<1x40x144xf32, #tpu.memory_space<vmem>>
      %dma_wait3A_497 = tpu.memref_squeeze %dma_wait3A_496 : memref<1x40x144xf32, #tpu.memory_space<vmem>> -> memref<40x144xf32, #tpu.memory_space<vmem>>
      %dma_wait3A_498 = arith.constant 0 : i32
      %dma_wait3A_499 = tpu.memref_slice %arg8[%dma_wait3A_491, %dma_wait3A_492, %dma_wait3A_498] : memref<2x5x40xi32, #tpu.memory_space<vmem>> -> memref<1x1x40xi32, #tpu.memory_space<vmem>>
      %dma_wait3A_500 = tpu.memref_squeeze %dma_wait3A_499 : memref<1x1x40xi32, #tpu.memory_space<vmem>> -> memref<40xi32, #tpu.memory_space<vmem>>
      %dma_wait3A_501 = arith.constant 0 : i32
      %dma_wait3A_502 = arith.constant 0 : i32
      %dma_wait3A_503 = tpu.memref_slice %arg2[%dma_wait3A_501, %dma_wait3A_502] : memref<10000x144xf32, #tpu.memory_space<hbm>> -> memref<10000x144xf32, #tpu.memory_space<hbm>>
      tpu.wait_indirect_dma semaphore(%arg11 : memref<!tpu.dma_semaphore, #tpu.memory_space<semaphore_mem>>) src(%dma_wait3A_503 : memref<10000x144xf32, #tpu.memory_space<hbm>>) dst(%dma_wait3A_497 : memref<40x144xf32, #tpu.memory_space<vmem>>)
      %dma_start3A_504 = arith.constant 0 : i32
      %dma_start3A_505 = arith.constant 0 : i32
      %dma_start3A_506 = arith.constant 0 : i32
      %dma_start3A_507 = arith.constant 0 : i32
      %dma_start3A_508 = arith.constant 0 : i32
      %dma_start3A_509 = tpu.memref_slice %arg10[%dma_start3A_504, %dma_start3A_507, %dma_start3A_508] : memref<5x40x144xf32, #tpu.memory_space<vmem>> -> memref<1x40x144xf32, #tpu.memory_space<vmem>>
      %dma_start3A_510 = tpu.memref_squeeze %dma_start3A_509 : memref<1x40x144xf32, #tpu.memory_space<vmem>> -> memref<40x144xf32, #tpu.memory_space<vmem>>
      %dma_start3A_511 = arith.constant 0 : i32
      %dma_start3A_512 = tpu.memref_slice %arg9[%dma_start3A_505, %dma_start3A_506, %dma_start3A_511] : memref<2x5x40xi32, #tpu.memory_space<vmem>> -> memref<1x1x40xi32, #tpu.memory_space<vmem>>
      %dma_start3A_513 = tpu.memref_squeeze %dma_start3A_512 : memref<1x1x40xi32, #tpu.memory_space<vmem>> -> memref<40xi32, #tpu.memory_space<vmem>>
      %dma_start3A_514 = arith.constant 0 : i32
      %dma_start3A_515 = arith.constant 0 : i32
      %dma_start3A_516 = tpu.memref_slice %arg7[%dma_start3A_514, %dma_start3A_515] : memref<10240x144xf32, #tpu.memory_space<vmem_shared>> -> memref<10240x144xf32, #tpu.memory_space<vmem_shared>>
      tpu.enqueue_indirect_dma source(%dma_start3A_510 : memref<40x144xf32, #tpu.memory_space<vmem>>) target(%dma_start3A_516 : memref<10240x144xf32, #tpu.memory_space<vmem_shared>>) offsets(%dma_start3A_513 : memref<40xi32, #tpu.memory_space<vmem>>) semaphore(%arg16 : memref<!tpu.dma_semaphore, #tpu.memory_space<semaphore_mem>>) {add = true}
      %dma_wait3A_517 = arith.constant 0 : i32
      %dma_wait3A_518 = arith.constant 1 : i32
      %dma_wait3A_519 = arith.constant 1 : i32
      %dma_wait3A_520 = arith.constant 0 : i32
      %dma_wait3A_521 = arith.constant 0 : i32
      %dma_wait3A_522 = tpu.memref_slice %arg10[%dma_wait3A_519, %dma_wait3A_520, %dma_wait3A_521] : memref<5x40x144xf32, #tpu.memory_space<vmem>> -> memref<1x40x144xf32, #tpu.memory_space<vmem>>
      %dma_wait3A_523 = tpu.memref_squeeze %dma_wait3A_522 : memref<1x40x144xf32, #tpu.memory_space<vmem>> -> memref<40x144xf32, #tpu.memory_space<vmem>>
      %dma_wait3A_524 = arith.constant 0 : i32
      %dma_wait3A_525 = tpu.memref_slice %arg8[%dma_wait3A_517, %dma_wait3A_518, %dma_wait3A_524] : memref<2x5x40xi32, #tpu.memory_space<vmem>> -> memref<1x1x40xi32, #tpu.memory_space<vmem>>
      %dma_wait3A_526 = tpu.memref_squeeze %dma_wait3A_525 : memref<1x1x40xi32, #tpu.memory_space<vmem>> -> memref<40xi32, #tpu.memory_space<vmem>>
      %dma_wait3A_527 = arith.constant 0 : i32
      %dma_wait3A_528 = arith.constant 0 : i32
      %dma_wait3A_529 = tpu.memref_slice %arg2[%dma_wait3A_527, %dma_wait3A_528] : memref<10000x144xf32, #tpu.memory_space<hbm>> -> memref<10000x144xf32, #tpu.memory_space<hbm>>
      tpu.wait_indirect_dma semaphore(%arg12 : memref<!tpu.dma_semaphore, #tpu.memory_space<semaphore_mem>>) src(%dma_wait3A_529 : memref<10000x144xf32, #tpu.memory_space<hbm>>) dst(%dma_wait3A_523 : memref<40x144xf32, #tpu.memory_space<vmem>>)
      %dma_start3A_530 = arith.constant 1 : i32
      %dma_start3A_531 = arith.constant 0 : i32
      %dma_start3A_532 = arith.constant 1 : i32
      %dma_start3A_533 = arith.constant 0 : i32
      %dma_start3A_534 = arith.constant 0 : i32
      %dma_start3A_535 = tpu.memref_slice %arg10[%dma_start3A_530, %dma_start3A_533, %dma_start3A_534] : memref<5x40x144xf32, #tpu.memory_space<vmem>> -> memref<1x40x144xf32, #tpu.memory_space<vmem>>
      %dma_start3A_536 = tpu.memref_squeeze %dma_start3A_535 : memref<1x40x144xf32, #tpu.memory_space<vmem>> -> memref<40x144xf32, #tpu.memory_space<vmem>>
      %dma_start3A_537 = arith.constant 0 : i32
      %dma_start3A_538 = tpu.memref_slice %arg9[%dma_start3A_531, %dma_start3A_532, %dma_start3A_537] : memref<2x5x40xi32, #tpu.memory_space<vmem>> -> memref<1x1x40xi32, #tpu.memory_space<vmem>>
      %dma_start3A_539 = tpu.memref_squeeze %dma_start3A_538 : memref<1x1x40xi32, #tpu.memory_space<vmem>> -> memref<40xi32, #tpu.memory_space<vmem>>
      %dma_start3A_540 = arith.constant 0 : i32
      %dma_start3A_541 = arith.constant 0 : i32
      %dma_start3A_542 = tpu.memref_slice %arg7[%dma_start3A_540, %dma_start3A_541] : memref<10240x144xf32, #tpu.memory_space<vmem_shared>> -> memref<10240x144xf32, #tpu.memory_space<vmem_shared>>
      tpu.enqueue_indirect_dma source(%dma_start3A_536 : memref<40x144xf32, #tpu.memory_space<vmem>>) target(%dma_start3A_542 : memref<10240x144xf32, #tpu.memory_space<vmem_shared>>) offsets(%dma_start3A_539 : memref<40xi32, #tpu.memory_space<vmem>>) semaphore(%arg17 : memref<!tpu.dma_semaphore, #tpu.memory_space<semaphore_mem>>) {add = true}
      %dma_wait3A_543 = arith.constant 0 : i32
      %dma_wait3A_544 = arith.constant 2 : i32
      %dma_wait3A_545 = arith.constant 2 : i32
      %dma_wait3A_546 = arith.constant 0 : i32
      %dma_wait3A_547 = arith.constant 0 : i32
      %dma_wait3A_548 = tpu.memref_slice %arg10[%dma_wait3A_545, %dma_wait3A_546, %dma_wait3A_547] : memref<5x40x144xf32, #tpu.memory_space<vmem>> -> memref<1x40x144xf32, #tpu.memory_space<vmem>>
      %dma_wait3A_549 = tpu.memref_squeeze %dma_wait3A_548 : memref<1x40x144xf32, #tpu.memory_space<vmem>> -> memref<40x144xf32, #tpu.memory_space<vmem>>
      %dma_wait3A_550 = arith.constant 0 : i32
      %dma_wait3A_551 = tpu.memref_slice %arg8[%dma_wait3A_543, %dma_wait3A_544, %dma_wait3A_550] : memref<2x5x40xi32, #tpu.memory_space<vmem>> -> memref<1x1x40xi32, #tpu.memory_space<vmem>>
      %dma_wait3A_552 = tpu.memref_squeeze %dma_wait3A_551 : memref<1x1x40xi32, #tpu.memory_space<vmem>> -> memref<40xi32, #tpu.memory_space<vmem>>
      %dma_wait3A_553 = arith.constant 0 : i32
      %dma_wait3A_554 = arith.constant 0 : i32
      %dma_wait3A_555 = tpu.memref_slice %arg2[%dma_wait3A_553, %dma_wait3A_554] : memref<10000x144xf32, #tpu.memory_space<hbm>> -> memref<10000x144xf32, #tpu.memory_space<hbm>>
      tpu.wait_indirect_dma semaphore(%arg13 : memref<!tpu.dma_semaphore, #tpu.memory_space<semaphore_mem>>) src(%dma_wait3A_555 : memref<10000x144xf32, #tpu.memory_space<hbm>>) dst(%dma_wait3A_549 : memref<40x144xf32, #tpu.memory_space<vmem>>)
      %dma_start3A_556 = arith.constant 2 : i32
      %dma_start3A_557 = arith.constant 0 : i32
      %dma_start3A_558 = arith.constant 2 : i32
      %dma_start3A_559 = arith.constant 0 : i32
      %dma_start3A_560 = arith.constant 0 : i32
      %dma_start3A_561 = tpu.memref_slice %arg10[%dma_start3A_556, %dma_start3A_559, %dma_start3A_560] : memref<5x40x144xf32, #tpu.memory_space<vmem>> -> memref<1x40x144xf32, #tpu.memory_space<vmem>>
      %dma_start3A_562 = tpu.memref_squeeze %dma_start3A_561 : memref<1x40x144xf32, #tpu.memory_space<vmem>> -> memref<40x144xf32, #tpu.memory_space<vmem>>
      %dma_start3A_563 = arith.constant 0 : i32
      %dma_start3A_564 = tpu.memref_slice %arg9[%dma_start3A_557, %dma_start3A_558, %dma_start3A_563] : memref<2x5x40xi32, #tpu.memory_space<vmem>> -> memref<1x1x40xi32, #tpu.memory_space<vmem>>
      %dma_start3A_565 = tpu.memref_squeeze %dma_start3A_564 : memref<1x1x40xi32, #tpu.memory_space<vmem>> -> memref<40xi32, #tpu.memory_space<vmem>>
      %dma_start3A_566 = arith.constant 0 : i32
      %dma_start3A_567 = arith.constant 0 : i32
      %dma_start3A_568 = tpu.memref_slice %arg7[%dma_start3A_566, %dma_start3A_567] : memref<10240x144xf32, #tpu.memory_space<vmem_shared>> -> memref<10240x144xf32, #tpu.memory_space<vmem_shared>>
      tpu.enqueue_indirect_dma source(%dma_start3A_562 : memref<40x144xf32, #tpu.memory_space<vmem>>) target(%dma_start3A_568 : memref<10240x144xf32, #tpu.memory_space<vmem_shared>>) offsets(%dma_start3A_565 : memref<40xi32, #tpu.memory_space<vmem>>) semaphore(%arg18 : memref<!tpu.dma_semaphore, #tpu.memory_space<semaphore_mem>>) {add = true}
      %dma_wait3A_569 = arith.constant 0 : i32
      %dma_wait3A_570 = arith.constant 3 : i32
      %dma_wait3A_571 = arith.constant 3 : i32
      %dma_wait3A_572 = arith.constant 0 : i32
      %dma_wait3A_573 = arith.constant 0 : i32
      %dma_wait3A_574 = tpu.memref_slice %arg10[%dma_wait3A_571, %dma_wait3A_572, %dma_wait3A_573] : memref<5x40x144xf32, #tpu.memory_space<vmem>> -> memref<1x40x144xf32, #tpu.memory_space<vmem>>
      %dma_wait3A_575 = tpu.memref_squeeze %dma_wait3A_574 : memref<1x40x144xf32, #tpu.memory_space<vmem>> -> memref<40x144xf32, #tpu.memory_space<vmem>>
      %dma_wait3A_576 = arith.constant 0 : i32
      %dma_wait3A_577 = tpu.memref_slice %arg8[%dma_wait3A_569, %dma_wait3A_570, %dma_wait3A_576] : memref<2x5x40xi32, #tpu.memory_space<vmem>> -> memref<1x1x40xi32, #tpu.memory_space<vmem>>
      %dma_wait3A_578 = tpu.memref_squeeze %dma_wait3A_577 : memref<1x1x40xi32, #tpu.memory_space<vmem>> -> memref<40xi32, #tpu.memory_space<vmem>>
      %dma_wait3A_579 = arith.constant 0 : i32
      %dma_wait3A_580 = arith.constant 0 : i32
      %dma_wait3A_581 = tpu.memref_slice %arg2[%dma_wait3A_579, %dma_wait3A_580] : memref<10000x144xf32, #tpu.memory_space<hbm>> -> memref<10000x144xf32, #tpu.memory_space<hbm>>
      tpu.wait_indirect_dma semaphore(%arg14 : memref<!tpu.dma_semaphore, #tpu.memory_space<semaphore_mem>>) src(%dma_wait3A_581 : memref<10000x144xf32, #tpu.memory_space<hbm>>) dst(%dma_wait3A_575 : memref<40x144xf32, #tpu.memory_space<vmem>>)
      %dma_start3A_582 = arith.constant 3 : i32
      %dma_start3A_583 = arith.constant 0 : i32
      %dma_start3A_584 = arith.constant 3 : i32
      %dma_start3A_585 = arith.constant 0 : i32
      %dma_start3A_586 = arith.constant 0 : i32
      %dma_start3A_587 = tpu.memref_slice %arg10[%dma_start3A_582, %dma_start3A_585, %dma_start3A_586] : memref<5x40x144xf32, #tpu.memory_space<vmem>> -> memref<1x40x144xf32, #tpu.memory_space<vmem>>
      %dma_start3A_588 = tpu.memref_squeeze %dma_start3A_587 : memref<1x40x144xf32, #tpu.memory_space<vmem>> -> memref<40x144xf32, #tpu.memory_space<vmem>>
      %dma_start3A_589 = arith.constant 0 : i32
      %dma_start3A_590 = tpu.memref_slice %arg9[%dma_start3A_583, %dma_start3A_584, %dma_start3A_589] : memref<2x5x40xi32, #tpu.memory_space<vmem>> -> memref<1x1x40xi32, #tpu.memory_space<vmem>>
      %dma_start3A_591 = tpu.memref_squeeze %dma_start3A_590 : memref<1x1x40xi32, #tpu.memory_space<vmem>> -> memref<40xi32, #tpu.memory_space<vmem>>
      %dma_start3A_592 = arith.constant 0 : i32
      %dma_start3A_593 = arith.constant 0 : i32
      %dma_start3A_594 = tpu.memref_slice %arg7[%dma_start3A_592, %dma_start3A_593] : memref<10240x144xf32, #tpu.memory_space<vmem_shared>> -> memref<10240x144xf32, #tpu.memory_space<vmem_shared>>
      tpu.enqueue_indirect_dma source(%dma_start3A_588 : memref<40x144xf32, #tpu.memory_space<vmem>>) target(%dma_start3A_594 : memref<10240x144xf32, #tpu.memory_space<vmem_shared>>) offsets(%dma_start3A_591 : memref<40xi32, #tpu.memory_space<vmem>>) semaphore(%arg19 : memref<!tpu.dma_semaphore, #tpu.memory_space<semaphore_mem>>) {add = true}
      %dma_wait3A_595 = arith.constant 0 : i32
      %dma_wait3A_596 = arith.constant 4 : i32
      %dma_wait3A_597 = arith.constant 4 : i32
      %dma_wait3A_598 = arith.constant 0 : i32
      %dma_wait3A_599 = arith.constant 0 : i32
      %dma_wait3A_600 = tpu.memref_slice %arg10[%dma_wait3A_597, %dma_wait3A_598, %dma_wait3A_599] : memref<5x40x144xf32, #tpu.memory_space<vmem>> -> memref<1x40x144xf32, #tpu.memory_space<vmem>>
      %dma_wait3A_601 = tpu.memref_squeeze %dma_wait3A_600 : memref<1x40x144xf32, #tpu.memory_space<vmem>> -> memref<40x144xf32, #tpu.memory_space<vmem>>
      %dma_wait3A_602 = arith.constant 0 : i32
      %dma_wait3A_603 = tpu.memref_slice %arg8[%dma_wait3A_595, %dma_wait3A_596, %dma_wait3A_602] : memref<2x5x40xi32, #tpu.memory_space<vmem>> -> memref<1x1x40xi32, #tpu.memory_space<vmem>>
      %dma_wait3A_604 = tpu.memref_squeeze %dma_wait3A_603 : memref<1x1x40xi32, #tpu.memory_space<vmem>> -> memref<40xi32, #tpu.memory_space<vmem>>
      %dma_wait3A_605 = arith.constant 0 : i32
      %dma_wait3A_606 = arith.constant 0 : i32
      %dma_wait3A_607 = tpu.memref_slice %arg2[%dma_wait3A_605, %dma_wait3A_606] : memref<10000x144xf32, #tpu.memory_space<hbm>> -> memref<10000x144xf32, #tpu.memory_space<hbm>>
      tpu.wait_indirect_dma semaphore(%arg15 : memref<!tpu.dma_semaphore, #tpu.memory_space<semaphore_mem>>) src(%dma_wait3A_607 : memref<10000x144xf32, #tpu.memory_space<hbm>>) dst(%dma_wait3A_601 : memref<40x144xf32, #tpu.memory_space<vmem>>)
      %dma_start3A_608 = arith.constant 4 : i32
      %dma_start3A_609 = arith.constant 0 : i32
      %dma_start3A_610 = arith.constant 4 : i32
      %dma_start3A_611 = arith.constant 0 : i32
      %dma_start3A_612 = arith.constant 0 : i32
      %dma_start3A_613 = tpu.memref_slice %arg10[%dma_start3A_608, %dma_start3A_611, %dma_start3A_612] : memref<5x40x144xf32, #tpu.memory_space<vmem>> -> memref<1x40x144xf32, #tpu.memory_space<vmem>>
      %dma_start3A_614 = tpu.memref_squeeze %dma_start3A_613 : memref<1x40x144xf32, #tpu.memory_space<vmem>> -> memref<40x144xf32, #tpu.memory_space<vmem>>
      %dma_start3A_615 = arith.constant 0 : i32
      %dma_start3A_616 = tpu.memref_slice %arg9[%dma_start3A_609, %dma_start3A_610, %dma_start3A_615] : memref<2x5x40xi32, #tpu.memory_space<vmem>> -> memref<1x1x40xi32, #tpu.memory_space<vmem>>
      %dma_start3A_617 = tpu.memref_squeeze %dma_start3A_616 : memref<1x1x40xi32, #tpu.memory_space<vmem>> -> memref<40xi32, #tpu.memory_space<vmem>>
      %dma_start3A_618 = arith.constant 0 : i32
      %dma_start3A_619 = arith.constant 0 : i32
      %dma_start3A_620 = tpu.memref_slice %arg7[%dma_start3A_618, %dma_start3A_619] : memref<10240x144xf32, #tpu.memory_space<vmem_shared>> -> memref<10240x144xf32, #tpu.memory_space<vmem_shared>>
      tpu.enqueue_indirect_dma source(%dma_start3A_614 : memref<40x144xf32, #tpu.memory_space<vmem>>) target(%dma_start3A_620 : memref<10240x144xf32, #tpu.memory_space<vmem_shared>>) offsets(%dma_start3A_617 : memref<40xi32, #tpu.memory_space<vmem>>) semaphore(%arg20 : memref<!tpu.dma_semaphore, #tpu.memory_space<semaphore_mem>>) {add = true}
      %add3A_621 = arith.constant 2 : i32
      %add3A_622 = arith.addi %mul3A_321, %add3A_621 : i32
      %mul3A_623 = arith.constant 5 : i32
      %mul3A_624 = arith.muli %add3A_622, %mul3A_623 : i32
      %add3A_625 = arith.addi %mul3A_126, %mul3A_624 : i32
      %dma_start3A_626 = arith.constant 0 : i32
      %dma_start3A_627 = arith.constant 0 : i32
      %dma_start3A_628 = arith.constant 0 : i32
      %dma_start3A_629 = tpu.memref_slice %arg8[%dma_start3A_626, %dma_start3A_627, %dma_start3A_628] : memref<2x5x40xi32, #tpu.memory_space<vmem>> -> memref<1x5x40xi32, #tpu.memory_space<vmem>>
      %dma_start3A_630 = tpu.memref_squeeze %dma_start3A_629 : memref<1x5x40xi32, #tpu.memory_space<vmem>> -> memref<5x40xi32, #tpu.memory_space<vmem>>
      %dma_start3A_631 = arith.constant 0 : i32
      %dma_start3A_632 = tpu.memref_slice %arg3[%add3A_625, %dma_start3A_631] : memref<8010x40xi32, #tpu.memory_space<hbm>> -> memref<5x40xi32, #tpu.memory_space<hbm>>
      %dma_start3A_633 = arith.constant 0 : i32
      %dma_start3A_634 = arith.constant 0 : i32
      %dma_start3A_635 = tpu.memref_slice %arg8[%dma_start3A_626, %dma_start3A_633, %dma_start3A_634] : memref<2x5x40xi32, #tpu.memory_space<vmem>> -> memref<1x5x40xi32, #tpu.memory_space<vmem>>
      %dma_start3A_636 = tpu.memref_squeeze %dma_start3A_635 : memref<1x5x40xi32, #tpu.memory_space<vmem>> -> memref<5x40xi32, #tpu.memory_space<vmem>>
      %dma_start3A_637 = arith.constant 0 : i32
      %dma_start3A_638 = tpu.memref_slice %arg3[%add3A_625, %dma_start3A_637] : memref<8010x40xi32, #tpu.memory_space<hbm>> -> memref<5x40xi32, #tpu.memory_space<hbm>>
      tpu.enqueue_dma source(%dma_start3A_638 : memref<5x40xi32, #tpu.memory_space<hbm>>) target(%dma_start3A_636 : memref<5x40xi32, #tpu.memory_space<vmem>>) target_semaphore(%arg21 : memref<!tpu.dma_semaphore, #tpu.memory_space<semaphore_mem>>)
      %dma_start3A_639 = arith.constant 0 : i32
      %dma_start3A_640 = arith.constant 0 : i32
      %dma_start3A_641 = arith.constant 0 : i32
      %dma_start3A_642 = tpu.memref_slice %arg9[%dma_start3A_639, %dma_start3A_640, %dma_start3A_641] : memref<2x5x40xi32, #tpu.memory_space<vmem>> -> memref<1x5x40xi32, #tpu.memory_space<vmem>>
      %dma_start3A_643 = tpu.memref_squeeze %dma_start3A_642 : memref<1x5x40xi32, #tpu.memory_space<vmem>> -> memref<5x40xi32, #tpu.memory_space<vmem>>
      %dma_start3A_644 = arith.constant 0 : i32
      %dma_start3A_645 = tpu.memref_slice %arg4[%add3A_625, %dma_start3A_644] : memref<8010x40xi32, #tpu.memory_space<hbm>> -> memref<5x40xi32, #tpu.memory_space<hbm>>
      %dma_start3A_646 = arith.constant 0 : i32
      %dma_start3A_647 = arith.constant 0 : i32
      %dma_start3A_648 = tpu.memref_slice %arg9[%dma_start3A_639, %dma_start3A_646, %dma_start3A_647] : memref<2x5x40xi32, #tpu.memory_space<vmem>> -> memref<1x5x40xi32, #tpu.memory_space<vmem>>
      %dma_start3A_649 = tpu.memref_squeeze %dma_start3A_648 : memref<1x5x40xi32, #tpu.memory_space<vmem>> -> memref<5x40xi32, #tpu.memory_space<vmem>>
      %dma_start3A_650 = arith.constant 0 : i32
      %dma_start3A_651 = tpu.memref_slice %arg4[%add3A_625, %dma_start3A_650] : memref<8010x40xi32, #tpu.memory_space<hbm>> -> memref<5x40xi32, #tpu.memory_space<hbm>>
      tpu.enqueue_dma source(%dma_start3A_651 : memref<5x40xi32, #tpu.memory_space<hbm>>) target(%dma_start3A_649 : memref<5x40xi32, #tpu.memory_space<vmem>>) target_semaphore(%arg21 : memref<!tpu.dma_semaphore, #tpu.memory_space<semaphore_mem>>)
      %mul3A_652 = arith.constant 2 : i32
      %mul3A_653 = arith.muli %mul3A_652, %scan3A_319 : i32
      %add3A_654 = arith.constant 1 : i32
      %add3A_655 = arith.addi %mul3A_653, %add3A_654 : i32
      %mul3A_656 = arith.constant 5 : i32
      %mul3A_657 = arith.muli %add3A_655, %mul3A_656 : i32
      %add3A_658 = arith.addi %mul3A_126, %mul3A_657 : i32
      %dma_wait3A_659 = arith.constant 1 : i32
      %dma_wait3A_660 = arith.constant 0 : i32
      %dma_wait3A_661 = arith.constant 0 : i32
      %dma_wait3A_662 = tpu.memref_slice %arg8[%dma_wait3A_659, %dma_wait3A_660, %dma_wait3A_661] : memref<2x5x40xi32, #tpu.memory_space<vmem>> -> memref<1x5x40xi32, #tpu.memory_space<vmem>>
      %dma_wait3A_663 = tpu.memref_squeeze %dma_wait3A_662 : memref<1x5x40xi32, #tpu.memory_space<vmem>> -> memref<5x40xi32, #tpu.memory_space<vmem>>
      %dma_wait3A_664 = arith.constant 0 : i32
      %dma_wait3A_665 = tpu.memref_slice %arg3[%add3A_658, %dma_wait3A_664] : memref<8010x40xi32, #tpu.memory_space<hbm>> -> memref<5x40xi32, #tpu.memory_space<hbm>>
      %dma_wait3A_666 = arith.constant 0 : i32
      %dma_wait3A_667 = arith.constant 0 : i32
      %dma_wait3A_668 = tpu.memref_slice %arg8[%dma_wait3A_659, %dma_wait3A_666, %dma_wait3A_667] : memref<2x5x40xi32, #tpu.memory_space<vmem>> -> memref<1x5x40xi32, #tpu.memory_space<vmem>>
      %dma_wait3A_669 = tpu.memref_squeeze %dma_wait3A_668 : memref<1x5x40xi32, #tpu.memory_space<vmem>> -> memref<5x40xi32, #tpu.memory_space<vmem>>
      %dma_wait3A_670 = arith.constant 0 : i32
      %dma_wait3A_671 = tpu.memref_slice %arg3[%add3A_658, %dma_wait3A_670] : memref<8010x40xi32, #tpu.memory_space<hbm>> -> memref<5x40xi32, #tpu.memory_space<hbm>>
      tpu.wait_dma2 semaphore(%arg22 : memref<!tpu.dma_semaphore, #tpu.memory_space<semaphore_mem>>) src(%dma_wait3A_671 : memref<5x40xi32, #tpu.memory_space<hbm>>) dst(%dma_wait3A_669 : memref<5x40xi32, #tpu.memory_space<vmem>>)
      %dma_wait3A_672 = arith.constant 1 : i32
      %dma_wait3A_673 = arith.constant 0 : i32
      %dma_wait3A_674 = arith.constant 0 : i32
      %dma_wait3A_675 = tpu.memref_slice %arg9[%dma_wait3A_672, %dma_wait3A_673, %dma_wait3A_674] : memref<2x5x40xi32, #tpu.memory_space<vmem>> -> memref<1x5x40xi32, #tpu.memory_space<vmem>>
      %dma_wait3A_676 = tpu.memref_squeeze %dma_wait3A_675 : memref<1x5x40xi32, #tpu.memory_space<vmem>> -> memref<5x40xi32, #tpu.memory_space<vmem>>
      %dma_wait3A_677 = arith.constant 0 : i32
      %dma_wait3A_678 = tpu.memref_slice %arg4[%add3A_658, %dma_wait3A_677] : memref<8010x40xi32, #tpu.memory_space<hbm>> -> memref<5x40xi32, #tpu.memory_space<hbm>>
      %dma_wait3A_679 = arith.constant 0 : i32
      %dma_wait3A_680 = arith.constant 0 : i32
      %dma_wait3A_681 = tpu.memref_slice %arg9[%dma_wait3A_672, %dma_wait3A_679, %dma_wait3A_680] : memref<2x5x40xi32, #tpu.memory_space<vmem>> -> memref<1x5x40xi32, #tpu.memory_space<vmem>>
      %dma_wait3A_682 = tpu.memref_squeeze %dma_wait3A_681 : memref<1x5x40xi32, #tpu.memory_space<vmem>> -> memref<5x40xi32, #tpu.memory_space<vmem>>
      %dma_wait3A_683 = arith.constant 0 : i32
      %dma_wait3A_684 = tpu.memref_slice %arg4[%add3A_658, %dma_wait3A_683] : memref<8010x40xi32, #tpu.memory_space<hbm>> -> memref<5x40xi32, #tpu.memory_space<hbm>>
      tpu.wait_dma2 semaphore(%arg22 : memref<!tpu.dma_semaphore, #tpu.memory_space<semaphore_mem>>) src(%dma_wait3A_684 : memref<5x40xi32, #tpu.memory_space<hbm>>) dst(%dma_wait3A_682 : memref<5x40xi32, #tpu.memory_space<vmem>>)
      %dma_wait3A_685 = arith.constant 0 : i32
      %dma_wait3A_686 = arith.constant 0 : i32
      %dma_wait3A_687 = arith.constant 0 : i32
      %dma_wait3A_688 = tpu.memref_slice %arg10[%dma_wait3A_685, %dma_wait3A_686, %dma_wait3A_687] : memref<5x40x144xf32, #tpu.memory_space<vmem>> -> memref<1x40x144xf32, #tpu.memory_space<vmem>>
      %dma_wait3A_689 = tpu.memref_squeeze %dma_wait3A_688 : memref<1x40x144xf32, #tpu.memory_space<vmem>> -> memref<40x144xf32, #tpu.memory_space<vmem>>
      %dma_wait3A_690 = arith.constant 0 : i32
      %dma_wait3A_691 = arith.constant 0 : i32
      %dma_wait3A_692 = tpu.memref_slice %dma_wait3A_689[%dma_wait3A_690, %dma_wait3A_691] : memref<40x144xf32, #tpu.memory_space<vmem>> -> memref<40x144xf32, #tpu.memory_space<vmem>>
      %dma_wait3A_693 = arith.constant 0 : i32
      %dma_wait3A_694 = arith.constant 0 : i32
      %dma_wait3A_695 = tpu.memref_slice %arg10[%dma_wait3A_685, %dma_wait3A_693, %dma_wait3A_694] : memref<5x40x144xf32, #tpu.memory_space<vmem>> -> memref<1x40x144xf32, #tpu.memory_space<vmem>>
      %dma_wait3A_696 = tpu.memref_squeeze %dma_wait3A_695 : memref<1x40x144xf32, #tpu.memory_space<vmem>> -> memref<40x144xf32, #tpu.memory_space<vmem>>
      %dma_wait3A_697 = arith.constant 0 : i32
      %dma_wait3A_698 = arith.constant 0 : i32
      %dma_wait3A_699 = tpu.memref_slice %dma_wait3A_696[%dma_wait3A_697, %dma_wait3A_698] : memref<40x144xf32, #tpu.memory_space<vmem>> -> memref<40x144xf32, #tpu.memory_space<vmem>>
      tpu.wait_dma2 semaphore(%arg16 : memref<!tpu.dma_semaphore, #tpu.memory_space<semaphore_mem>>) src(%arg5 : memref<40x144xf32, #tpu.memory_space<hbm>>) dst(%dma_wait3A_699 : memref<40x144xf32, #tpu.memory_space<vmem>>)
      %dma_start3A_700 = arith.constant 1 : i32
      %dma_start3A_701 = arith.constant 0 : i32
      %dma_start3A_702 = arith.constant 0 : i32
      %dma_start3A_703 = arith.constant 0 : i32
      %dma_start3A_704 = arith.constant 0 : i32
      %dma_start3A_705 = tpu.memref_slice %arg10[%dma_start3A_702, %dma_start3A_703, %dma_start3A_704] : memref<5x40x144xf32, #tpu.memory_space<vmem>> -> memref<1x40x144xf32, #tpu.memory_space<vmem>>
      %dma_start3A_706 = tpu.memref_squeeze %dma_start3A_705 : memref<1x40x144xf32, #tpu.memory_space<vmem>> -> memref<40x144xf32, #tpu.memory_space<vmem>>
      %dma_start3A_707 = arith.constant 0 : i32
      %dma_start3A_708 = tpu.memref_slice %arg8[%dma_start3A_700, %dma_start3A_701, %dma_start3A_707] : memref<2x5x40xi32, #tpu.memory_space<vmem>> -> memref<1x1x40xi32, #tpu.memory_space<vmem>>
      %dma_start3A_709 = tpu.memref_squeeze %dma_start3A_708 : memref<1x1x40xi32, #tpu.memory_space<vmem>> -> memref<40xi32, #tpu.memory_space<vmem>>
      %dma_start3A_710 = arith.constant 0 : i32
      %dma_start3A_711 = arith.constant 0 : i32
      %dma_start3A_712 = tpu.memref_slice %arg2[%dma_start3A_710, %dma_start3A_711] : memref<10000x144xf32, #tpu.memory_space<hbm>> -> memref<10000x144xf32, #tpu.memory_space<hbm>>
      tpu.enqueue_indirect_dma source(%dma_start3A_712 : memref<10000x144xf32, #tpu.memory_space<hbm>>) target(%dma_start3A_706 : memref<40x144xf32, #tpu.memory_space<vmem>>) offsets(%dma_start3A_709 : memref<40xi32, #tpu.memory_space<vmem>>) semaphore(%arg11 : memref<!tpu.dma_semaphore, #tpu.memory_space<semaphore_mem>>)
      %dma_wait3A_713 = arith.constant 1 : i32
      %dma_wait3A_714 = arith.constant 0 : i32
      %dma_wait3A_715 = arith.constant 0 : i32
      %dma_wait3A_716 = tpu.memref_slice %arg10[%dma_wait3A_713, %dma_wait3A_714, %dma_wait3A_715] : memref<5x40x144xf32, #tpu.memory_space<vmem>> -> memref<1x40x144xf32, #tpu.memory_space<vmem>>
      %dma_wait3A_717 = tpu.memref_squeeze %dma_wait3A_716 : memref<1x40x144xf32, #tpu.memory_space<vmem>> -> memref<40x144xf32, #tpu.memory_space<vmem>>
      %dma_wait3A_718 = arith.constant 0 : i32
      %dma_wait3A_719 = arith.constant 0 : i32
      %dma_wait3A_720 = tpu.memref_slice %dma_wait3A_717[%dma_wait3A_718, %dma_wait3A_719] : memref<40x144xf32, #tpu.memory_space<vmem>> -> memref<40x144xf32, #tpu.memory_space<vmem>>
      %dma_wait3A_721 = arith.constant 0 : i32
      %dma_wait3A_722 = arith.constant 0 : i32
      %dma_wait3A_723 = tpu.memref_slice %arg10[%dma_wait3A_713, %dma_wait3A_721, %dma_wait3A_722] : memref<5x40x144xf32, #tpu.memory_space<vmem>> -> memref<1x40x144xf32, #tpu.memory_space<vmem>>
      %dma_wait3A_724 = tpu.memref_squeeze %dma_wait3A_723 : memref<1x40x144xf32, #tpu.memory_space<vmem>> -> memref<40x144xf32, #tpu.memory_space<vmem>>
      %dma_wait3A_725 = arith.constant 0 : i32
      %dma_wait3A_726 = arith.constant 0 : i32
      %dma_wait3A_727 = tpu.memref_slice %dma_wait3A_724[%dma_wait3A_725, %dma_wait3A_726] : memref<40x144xf32, #tpu.memory_space<vmem>> -> memref<40x144xf32, #tpu.memory_space<vmem>>
      tpu.wait_dma2 semaphore(%arg17 : memref<!tpu.dma_semaphore, #tpu.memory_space<semaphore_mem>>) src(%arg5 : memref<40x144xf32, #tpu.memory_space<hbm>>) dst(%dma_wait3A_727 : memref<40x144xf32, #tpu.memory_space<vmem>>)
      %dma_start3A_728 = arith.constant 1 : i32
      %dma_start3A_729 = arith.constant 1 : i32
      %dma_start3A_730 = arith.constant 1 : i32
      %dma_start3A_731 = arith.constant 0 : i32
      %dma_start3A_732 = arith.constant 0 : i32
      %dma_start3A_733 = tpu.memref_slice %arg10[%dma_start3A_730, %dma_start3A_731, %dma_start3A_732] : memref<5x40x144xf32, #tpu.memory_space<vmem>> -> memref<1x40x144xf32, #tpu.memory_space<vmem>>
      %dma_start3A_734 = tpu.memref_squeeze %dma_start3A_733 : memref<1x40x144xf32, #tpu.memory_space<vmem>> -> memref<40x144xf32, #tpu.memory_space<vmem>>
      %dma_start3A_735 = arith.constant 0 : i32
      %dma_start3A_736 = tpu.memref_slice %arg8[%dma_start3A_728, %dma_start3A_729, %dma_start3A_735] : memref<2x5x40xi32, #tpu.memory_space<vmem>> -> memref<1x1x40xi32, #tpu.memory_space<vmem>>
      %dma_start3A_737 = tpu.memref_squeeze %dma_start3A_736 : memref<1x1x40xi32, #tpu.memory_space<vmem>> -> memref<40xi32, #tpu.memory_space<vmem>>
      %dma_start3A_738 = arith.constant 0 : i32
      %dma_start3A_739 = arith.constant 0 : i32
      %dma_start3A_740 = tpu.memref_slice %arg2[%dma_start3A_738, %dma_start3A_739] : memref<10000x144xf32, #tpu.memory_space<hbm>> -> memref<10000x144xf32, #tpu.memory_space<hbm>>
      tpu.enqueue_indirect_dma source(%dma_start3A_740 : memref<10000x144xf32, #tpu.memory_space<hbm>>) target(%dma_start3A_734 : memref<40x144xf32, #tpu.memory_space<vmem>>) offsets(%dma_start3A_737 : memref<40xi32, #tpu.memory_space<vmem>>) semaphore(%arg12 : memref<!tpu.dma_semaphore, #tpu.memory_space<semaphore_mem>>)
      %dma_wait3A_741 = arith.constant 2 : i32
      %dma_wait3A_742 = arith.constant 0 : i32
      %dma_wait3A_743 = arith.constant 0 : i32
      %dma_wait3A_744 = tpu.memref_slice %arg10[%dma_wait3A_741, %dma_wait3A_742, %dma_wait3A_743] : memref<5x40x144xf32, #tpu.memory_space<vmem>> -> memref<1x40x144xf32, #tpu.memory_space<vmem>>
      %dma_wait3A_745 = tpu.memref_squeeze %dma_wait3A_744 : memref<1x40x144xf32, #tpu.memory_space<vmem>> -> memref<40x144xf32, #tpu.memory_space<vmem>>
      %dma_wait3A_746 = arith.constant 0 : i32
      %dma_wait3A_747 = arith.constant 0 : i32
      %dma_wait3A_748 = tpu.memref_slice %dma_wait3A_745[%dma_wait3A_746, %dma_wait3A_747] : memref<40x144xf32, #tpu.memory_space<vmem>> -> memref<40x144xf32, #tpu.memory_space<vmem>>
      %dma_wait3A_749 = arith.constant 0 : i32
      %dma_wait3A_750 = arith.constant 0 : i32
      %dma_wait3A_751 = tpu.memref_slice %arg10[%dma_wait3A_741, %dma_wait3A_749, %dma_wait3A_750] : memref<5x40x144xf32, #tpu.memory_space<vmem>> -> memref<1x40x144xf32, #tpu.memory_space<vmem>>
      %dma_wait3A_752 = tpu.memref_squeeze %dma_wait3A_751 : memref<1x40x144xf32, #tpu.memory_space<vmem>> -> memref<40x144xf32, #tpu.memory_space<vmem>>
      %dma_wait3A_753 = arith.constant 0 : i32
      %dma_wait3A_754 = arith.constant 0 : i32
      %dma_wait3A_755 = tpu.memref_slice %dma_wait3A_752[%dma_wait3A_753, %dma_wait3A_754] : memref<40x144xf32, #tpu.memory_space<vmem>> -> memref<40x144xf32, #tpu.memory_space<vmem>>
      tpu.wait_dma2 semaphore(%arg18 : memref<!tpu.dma_semaphore, #tpu.memory_space<semaphore_mem>>) src(%arg5 : memref<40x144xf32, #tpu.memory_space<hbm>>) dst(%dma_wait3A_755 : memref<40x144xf32, #tpu.memory_space<vmem>>)
      %dma_start3A_756 = arith.constant 1 : i32
      %dma_start3A_757 = arith.constant 2 : i32
      %dma_start3A_758 = arith.constant 2 : i32
      %dma_start3A_759 = arith.constant 0 : i32
      %dma_start3A_760 = arith.constant 0 : i32
      %dma_start3A_761 = tpu.memref_slice %arg10[%dma_start3A_758, %dma_start3A_759, %dma_start3A_760] : memref<5x40x144xf32, #tpu.memory_space<vmem>> -> memref<1x40x144xf32, #tpu.memory_space<vmem>>
      %dma_start3A_762 = tpu.memref_squeeze %dma_start3A_761 : memref<1x40x144xf32, #tpu.memory_space<vmem>> -> memref<40x144xf32, #tpu.memory_space<vmem>>
      %dma_start3A_763 = arith.constant 0 : i32
      %dma_start3A_764 = tpu.memref_slice %arg8[%dma_start3A_756, %dma_start3A_757, %dma_start3A_763] : memref<2x5x40xi32, #tpu.memory_space<vmem>> -> memref<1x1x40xi32, #tpu.memory_space<vmem>>
      %dma_start3A_765 = tpu.memref_squeeze %dma_start3A_764 : memref<1x1x40xi32, #tpu.memory_space<vmem>> -> memref<40xi32, #tpu.memory_space<vmem>>
      %dma_start3A_766 = arith.constant 0 : i32
      %dma_start3A_767 = arith.constant 0 : i32
      %dma_start3A_768 = tpu.memref_slice %arg2[%dma_start3A_766, %dma_start3A_767] : memref<10000x144xf32, #tpu.memory_space<hbm>> -> memref<10000x144xf32, #tpu.memory_space<hbm>>
      tpu.enqueue_indirect_dma source(%dma_start3A_768 : memref<10000x144xf32, #tpu.memory_space<hbm>>) target(%dma_start3A_762 : memref<40x144xf32, #tpu.memory_space<vmem>>) offsets(%dma_start3A_765 : memref<40xi32, #tpu.memory_space<vmem>>) semaphore(%arg13 : memref<!tpu.dma_semaphore, #tpu.memory_space<semaphore_mem>>)
      %dma_wait3A_769 = arith.constant 3 : i32
      %dma_wait3A_770 = arith.constant 0 : i32
      %dma_wait3A_771 = arith.constant 0 : i32
      %dma_wait3A_772 = tpu.memref_slice %arg10[%dma_wait3A_769, %dma_wait3A_770, %dma_wait3A_771] : memref<5x40x144xf32, #tpu.memory_space<vmem>> -> memref<1x40x144xf32, #tpu.memory_space<vmem>>
      %dma_wait3A_773 = tpu.memref_squeeze %dma_wait3A_772 : memref<1x40x144xf32, #tpu.memory_space<vmem>> -> memref<40x144xf32, #tpu.memory_space<vmem>>
      %dma_wait3A_774 = arith.constant 0 : i32
      %dma_wait3A_775 = arith.constant 0 : i32
      %dma_wait3A_776 = tpu.memref_slice %dma_wait3A_773[%dma_wait3A_774, %dma_wait3A_775] : memref<40x144xf32, #tpu.memory_space<vmem>> -> memref<40x144xf32, #tpu.memory_space<vmem>>
      %dma_wait3A_777 = arith.constant 0 : i32
      %dma_wait3A_778 = arith.constant 0 : i32
      %dma_wait3A_779 = tpu.memref_slice %arg10[%dma_wait3A_769, %dma_wait3A_777, %dma_wait3A_778] : memref<5x40x144xf32, #tpu.memory_space<vmem>> -> memref<1x40x144xf32, #tpu.memory_space<vmem>>
      %dma_wait3A_780 = tpu.memref_squeeze %dma_wait3A_779 : memref<1x40x144xf32, #tpu.memory_space<vmem>> -> memref<40x144xf32, #tpu.memory_space<vmem>>
      %dma_wait3A_781 = arith.constant 0 : i32
      %dma_wait3A_782 = arith.constant 0 : i32
      %dma_wait3A_783 = tpu.memref_slice %dma_wait3A_780[%dma_wait3A_781, %dma_wait3A_782] : memref<40x144xf32, #tpu.memory_space<vmem>> -> memref<40x144xf32, #tpu.memory_space<vmem>>
      tpu.wait_dma2 semaphore(%arg19 : memref<!tpu.dma_semaphore, #tpu.memory_space<semaphore_mem>>) src(%arg5 : memref<40x144xf32, #tpu.memory_space<hbm>>) dst(%dma_wait3A_783 : memref<40x144xf32, #tpu.memory_space<vmem>>)
      %dma_start3A_784 = arith.constant 1 : i32
      %dma_start3A_785 = arith.constant 3 : i32
      %dma_start3A_786 = arith.constant 3 : i32
      %dma_start3A_787 = arith.constant 0 : i32
      %dma_start3A_788 = arith.constant 0 : i32
      %dma_start3A_789 = tpu.memref_slice %arg10[%dma_start3A_786, %dma_start3A_787, %dma_start3A_788] : memref<5x40x144xf32, #tpu.memory_space<vmem>> -> memref<1x40x144xf32, #tpu.memory_space<vmem>>
      %dma_start3A_790 = tpu.memref_squeeze %dma_start3A_789 : memref<1x40x144xf32, #tpu.memory_space<vmem>> -> memref<40x144xf32, #tpu.memory_space<vmem>>
      %dma_start3A_791 = arith.constant 0 : i32
      %dma_start3A_792 = tpu.memref_slice %arg8[%dma_start3A_784, %dma_start3A_785, %dma_start3A_791] : memref<2x5x40xi32, #tpu.memory_space<vmem>> -> memref<1x1x40xi32, #tpu.memory_space<vmem>>
      %dma_start3A_793 = tpu.memref_squeeze %dma_start3A_792 : memref<1x1x40xi32, #tpu.memory_space<vmem>> -> memref<40xi32, #tpu.memory_space<vmem>>
      %dma_start3A_794 = arith.constant 0 : i32
      %dma_start3A_795 = arith.constant 0 : i32
      %dma_start3A_796 = tpu.memref_slice %arg2[%dma_start3A_794, %dma_start3A_795] : memref<10000x144xf32, #tpu.memory_space<hbm>> -> memref<10000x144xf32, #tpu.memory_space<hbm>>
      tpu.enqueue_indirect_dma source(%dma_start3A_796 : memref<10000x144xf32, #tpu.memory_space<hbm>>) target(%dma_start3A_790 : memref<40x144xf32, #tpu.memory_space<vmem>>) offsets(%dma_start3A_793 : memref<40xi32, #tpu.memory_space<vmem>>) semaphore(%arg14 : memref<!tpu.dma_semaphore, #tpu.memory_space<semaphore_mem>>)
      %dma_wait3A_797 = arith.constant 4 : i32
      %dma_wait3A_798 = arith.constant 0 : i32
      %dma_wait3A_799 = arith.constant 0 : i32
      %dma_wait3A_800 = tpu.memref_slice %arg10[%dma_wait3A_797, %dma_wait3A_798, %dma_wait3A_799] : memref<5x40x144xf32, #tpu.memory_space<vmem>> -> memref<1x40x144xf32, #tpu.memory_space<vmem>>
      %dma_wait3A_801 = tpu.memref_squeeze %dma_wait3A_800 : memref<1x40x144xf32, #tpu.memory_space<vmem>> -> memref<40x144xf32, #tpu.memory_space<vmem>>
      %dma_wait3A_802 = arith.constant 0 : i32
      %dma_wait3A_803 = arith.constant 0 : i32
      %dma_wait3A_804 = tpu.memref_slice %dma_wait3A_801[%dma_wait3A_802, %dma_wait3A_803] : memref<40x144xf32, #tpu.memory_space<vmem>> -> memref<40x144xf32, #tpu.memory_space<vmem>>
      %dma_wait3A_805 = arith.constant 0 : i32
      %dma_wait3A_806 = arith.constant 0 : i32
      %dma_wait3A_807 = tpu.memref_slice %arg10[%dma_wait3A_797, %dma_wait3A_805, %dma_wait3A_806] : memref<5x40x144xf32, #tpu.memory_space<vmem>> -> memref<1x40x144xf32, #tpu.memory_space<vmem>>
      %dma_wait3A_808 = tpu.memref_squeeze %dma_wait3A_807 : memref<1x40x144xf32, #tpu.memory_space<vmem>> -> memref<40x144xf32, #tpu.memory_space<vmem>>
      %dma_wait3A_809 = arith.constant 0 : i32
      %dma_wait3A_810 = arith.constant 0 : i32
      %dma_wait3A_811 = tpu.memref_slice %dma_wait3A_808[%dma_wait3A_809, %dma_wait3A_810] : memref<40x144xf32, #tpu.memory_space<vmem>> -> memref<40x144xf32, #tpu.memory_space<vmem>>
      tpu.wait_dma2 semaphore(%arg20 : memref<!tpu.dma_semaphore, #tpu.memory_space<semaphore_mem>>) src(%arg5 : memref<40x144xf32, #tpu.memory_space<hbm>>) dst(%dma_wait3A_811 : memref<40x144xf32, #tpu.memory_space<vmem>>)
      %dma_start3A_812 = arith.constant 1 : i32
      %dma_start3A_813 = arith.constant 4 : i32
      %dma_start3A_814 = arith.constant 4 : i32
      %dma_start3A_815 = arith.constant 0 : i32
      %dma_start3A_816 = arith.constant 0 : i32
      %dma_start3A_817 = tpu.memref_slice %arg10[%dma_start3A_814, %dma_start3A_815, %dma_start3A_816] : memref<5x40x144xf32, #tpu.memory_space<vmem>> -> memref<1x40x144xf32, #tpu.memory_space<vmem>>
      %dma_start3A_818 = tpu.memref_squeeze %dma_start3A_817 : memref<1x40x144xf32, #tpu.memory_space<vmem>> -> memref<40x144xf32, #tpu.memory_space<vmem>>
      %dma_start3A_819 = arith.constant 0 : i32
      %dma_start3A_820 = tpu.memref_slice %arg8[%dma_start3A_812, %dma_start3A_813, %dma_start3A_819] : memref<2x5x40xi32, #tpu.memory_space<vmem>> -> memref<1x1x40xi32, #tpu.memory_space<vmem>>
      %dma_start3A_821 = tpu.memref_squeeze %dma_start3A_820 : memref<1x1x40xi32, #tpu.memory_space<vmem>> -> memref<40xi32, #tpu.memory_space<vmem>>
      %dma_start3A_822 = arith.constant 0 : i32
      %dma_start3A_823 = arith.constant 0 : i32
      %dma_start3A_824 = tpu.memref_slice %arg2[%dma_start3A_822, %dma_start3A_823] : memref<10000x144xf32, #tpu.memory_space<hbm>> -> memref<10000x144xf32, #tpu.memory_space<hbm>>
      tpu.enqueue_indirect_dma source(%dma_start3A_824 : memref<10000x144xf32, #tpu.memory_space<hbm>>) target(%dma_start3A_818 : memref<40x144xf32, #tpu.memory_space<vmem>>) offsets(%dma_start3A_821 : memref<40xi32, #tpu.memory_space<vmem>>) semaphore(%arg15 : memref<!tpu.dma_semaphore, #tpu.memory_space<semaphore_mem>>)
      %dma_wait3A_825 = arith.constant 1 : i32
      %dma_wait3A_826 = arith.constant 0 : i32
      %dma_wait3A_827 = arith.constant 0 : i32
      %dma_wait3A_828 = arith.constant 0 : i32
      %dma_wait3A_829 = arith.constant 0 : i32
      %dma_wait3A_830 = tpu.memref_slice %arg10[%dma_wait3A_827, %dma_wait3A_828, %dma_wait3A_829] : memref<5x40x144xf32, #tpu.memory_space<vmem>> -> memref<1x40x144xf32, #tpu.memory_space<vmem>>
      %dma_wait3A_831 = tpu.memref_squeeze %dma_wait3A_830 : memref<1x40x144xf32, #tpu.memory_space<vmem>> -> memref<40x144xf32, #tpu.memory_space<vmem>>
      %dma_wait3A_832 = arith.constant 0 : i32
      %dma_wait3A_833 = tpu.memref_slice %arg8[%dma_wait3A_825, %dma_wait3A_826, %dma_wait3A_832] : memref<2x5x40xi32, #tpu.memory_space<vmem>> -> memref<1x1x40xi32, #tpu.memory_space<vmem>>
      %dma_wait3A_834 = tpu.memref_squeeze %dma_wait3A_833 : memref<1x1x40xi32, #tpu.memory_space<vmem>> -> memref<40xi32, #tpu.memory_space<vmem>>
      %dma_wait3A_835 = arith.constant 0 : i32
      %dma_wait3A_836 = arith.constant 0 : i32
      %dma_wait3A_837 = tpu.memref_slice %arg2[%dma_wait3A_835, %dma_wait3A_836] : memref<10000x144xf32, #tpu.memory_space<hbm>> -> memref<10000x144xf32, #tpu.memory_space<hbm>>
      tpu.wait_indirect_dma semaphore(%arg11 : memref<!tpu.dma_semaphore, #tpu.memory_space<semaphore_mem>>) src(%dma_wait3A_837 : memref<10000x144xf32, #tpu.memory_space<hbm>>) dst(%dma_wait3A_831 : memref<40x144xf32, #tpu.memory_space<vmem>>)
      %dma_start3A_838 = arith.constant 0 : i32
      %dma_start3A_839 = arith.constant 1 : i32
      %dma_start3A_840 = arith.constant 0 : i32
      %dma_start3A_841 = arith.constant 0 : i32
      %dma_start3A_842 = arith.constant 0 : i32
      %dma_start3A_843 = tpu.memref_slice %arg10[%dma_start3A_838, %dma_start3A_841, %dma_start3A_842] : memref<5x40x144xf32, #tpu.memory_space<vmem>> -> memref<1x40x144xf32, #tpu.memory_space<vmem>>
      %dma_start3A_844 = tpu.memref_squeeze %dma_start3A_843 : memref<1x40x144xf32, #tpu.memory_space<vmem>> -> memref<40x144xf32, #tpu.memory_space<vmem>>
      %dma_start3A_845 = arith.constant 0 : i32
      %dma_start3A_846 = tpu.memref_slice %arg9[%dma_start3A_839, %dma_start3A_840, %dma_start3A_845] : memref<2x5x40xi32, #tpu.memory_space<vmem>> -> memref<1x1x40xi32, #tpu.memory_space<vmem>>
      %dma_start3A_847 = tpu.memref_squeeze %dma_start3A_846 : memref<1x1x40xi32, #tpu.memory_space<vmem>> -> memref<40xi32, #tpu.memory_space<vmem>>
      %dma_start3A_848 = arith.constant 0 : i32
      %dma_start3A_849 = arith.constant 0 : i32
      %dma_start3A_850 = tpu.memref_slice %arg7[%dma_start3A_848, %dma_start3A_849] : memref<10240x144xf32, #tpu.memory_space<vmem_shared>> -> memref<10240x144xf32, #tpu.memory_space<vmem_shared>>
      tpu.enqueue_indirect_dma source(%dma_start3A_844 : memref<40x144xf32, #tpu.memory_space<vmem>>) target(%dma_start3A_850 : memref<10240x144xf32, #tpu.memory_space<vmem_shared>>) offsets(%dma_start3A_847 : memref<40xi32, #tpu.memory_space<vmem>>) semaphore(%arg16 : memref<!tpu.dma_semaphore, #tpu.memory_space<semaphore_mem>>) {add = true}
      %dma_wait3A_851 = arith.constant 1 : i32
      %dma_wait3A_852 = arith.constant 1 : i32
      %dma_wait3A_853 = arith.constant 1 : i32
      %dma_wait3A_854 = arith.constant 0 : i32
      %dma_wait3A_855 = arith.constant 0 : i32
      %dma_wait3A_856 = tpu.memref_slice %arg10[%dma_wait3A_853, %dma_wait3A_854, %dma_wait3A_855] : memref<5x40x144xf32, #tpu.memory_space<vmem>> -> memref<1x40x144xf32, #tpu.memory_space<vmem>>
      %dma_wait3A_857 = tpu.memref_squeeze %dma_wait3A_856 : memref<1x40x144xf32, #tpu.memory_space<vmem>> -> memref<40x144xf32, #tpu.memory_space<vmem>>
      %dma_wait3A_858 = arith.constant 0 : i32
      %dma_wait3A_859 = tpu.memref_slice %arg8[%dma_wait3A_851, %dma_wait3A_852, %dma_wait3A_858] : memref<2x5x40xi32, #tpu.memory_space<vmem>> -> memref<1x1x40xi32, #tpu.memory_space<vmem>>
      %dma_wait3A_860 = tpu.memref_squeeze %dma_wait3A_859 : memref<1x1x40xi32, #tpu.memory_space<vmem>> -> memref<40xi32, #tpu.memory_space<vmem>>
      %dma_wait3A_861 = arith.constant 0 : i32
      %dma_wait3A_862 = arith.constant 0 : i32
      %dma_wait3A_863 = tpu.memref_slice %arg2[%dma_wait3A_861, %dma_wait3A_862] : memref<10000x144xf32, #tpu.memory_space<hbm>> -> memref<10000x144xf32, #tpu.memory_space<hbm>>
      tpu.wait_indirect_dma semaphore(%arg12 : memref<!tpu.dma_semaphore, #tpu.memory_space<semaphore_mem>>) src(%dma_wait3A_863 : memref<10000x144xf32, #tpu.memory_space<hbm>>) dst(%dma_wait3A_857 : memref<40x144xf32, #tpu.memory_space<vmem>>)
      %dma_start3A_864 = arith.constant 1 : i32
      %dma_start3A_865 = arith.constant 1 : i32
      %dma_start3A_866 = arith.constant 1 : i32
      %dma_start3A_867 = arith.constant 0 : i32
      %dma_start3A_868 = arith.constant 0 : i32
      %dma_start3A_869 = tpu.memref_slice %arg10[%dma_start3A_864, %dma_start3A_867, %dma_start3A_868] : memref<5x40x144xf32, #tpu.memory_space<vmem>> -> memref<1x40x144xf32, #tpu.memory_space<vmem>>
      %dma_start3A_870 = tpu.memref_squeeze %dma_start3A_869 : memref<1x40x144xf32, #tpu.memory_space<vmem>> -> memref<40x144xf32, #tpu.memory_space<vmem>>
      %dma_start3A_871 = arith.constant 0 : i32
      %dma_start3A_872 = tpu.memref_slice %arg9[%dma_start3A_865, %dma_start3A_866, %dma_start3A_871] : memref<2x5x40xi32, #tpu.memory_space<vmem>> -> memref<1x1x40xi32, #tpu.memory_space<vmem>>
      %dma_start3A_873 = tpu.memref_squeeze %dma_start3A_872 : memref<1x1x40xi32, #tpu.memory_space<vmem>> -> memref<40xi32, #tpu.memory_space<vmem>>
      %dma_start3A_874 = arith.constant 0 : i32
      %dma_start3A_875 = arith.constant 0 : i32
      %dma_start3A_876 = tpu.memref_slice %arg7[%dma_start3A_874, %dma_start3A_875] : memref<10240x144xf32, #tpu.memory_space<vmem_shared>> -> memref<10240x144xf32, #tpu.memory_space<vmem_shared>>
      tpu.enqueue_indirect_dma source(%dma_start3A_870 : memref<40x144xf32, #tpu.memory_space<vmem>>) target(%dma_start3A_876 : memref<10240x144xf32, #tpu.memory_space<vmem_shared>>) offsets(%dma_start3A_873 : memref<40xi32, #tpu.memory_space<vmem>>) semaphore(%arg17 : memref<!tpu.dma_semaphore, #tpu.memory_space<semaphore_mem>>) {add = true}
      %dma_wait3A_877 = arith.constant 1 : i32
      %dma_wait3A_878 = arith.constant 2 : i32
      %dma_wait3A_879 = arith.constant 2 : i32
      %dma_wait3A_880 = arith.constant 0 : i32
      %dma_wait3A_881 = arith.constant 0 : i32
      %dma_wait3A_882 = tpu.memref_slice %arg10[%dma_wait3A_879, %dma_wait3A_880, %dma_wait3A_881] : memref<5x40x144xf32, #tpu.memory_space<vmem>> -> memref<1x40x144xf32, #tpu.memory_space<vmem>>
      %dma_wait3A_883 = tpu.memref_squeeze %dma_wait3A_882 : memref<1x40x144xf32, #tpu.memory_space<vmem>> -> memref<40x144xf32, #tpu.memory_space<vmem>>
      %dma_wait3A_884 = arith.constant 0 : i32
      %dma_wait3A_885 = tpu.memref_slice %arg8[%dma_wait3A_877, %dma_wait3A_878, %dma_wait3A_884] : memref<2x5x40xi32, #tpu.memory_space<vmem>> -> memref<1x1x40xi32, #tpu.memory_space<vmem>>
      %dma_wait3A_886 = tpu.memref_squeeze %dma_wait3A_885 : memref<1x1x40xi32, #tpu.memory_space<vmem>> -> memref<40xi32, #tpu.memory_space<vmem>>
      %dma_wait3A_887 = arith.constant 0 : i32
      %dma_wait3A_888 = arith.constant 0 : i32
      %dma_wait3A_889 = tpu.memref_slice %arg2[%dma_wait3A_887, %dma_wait3A_888] : memref<10000x144xf32, #tpu.memory_space<hbm>> -> memref<10000x144xf32, #tpu.memory_space<hbm>>
      tpu.wait_indirect_dma semaphore(%arg13 : memref<!tpu.dma_semaphore, #tpu.memory_space<semaphore_mem>>) src(%dma_wait3A_889 : memref<10000x144xf32, #tpu.memory_space<hbm>>) dst(%dma_wait3A_883 : memref<40x144xf32, #tpu.memory_space<vmem>>)
      %dma_start3A_890 = arith.constant 2 : i32
      %dma_start3A_891 = arith.constant 1 : i32
      %dma_start3A_892 = arith.constant 2 : i32
      %dma_start3A_893 = arith.constant 0 : i32
      %dma_start3A_894 = arith.constant 0 : i32
      %dma_start3A_895 = tpu.memref_slice %arg10[%dma_start3A_890, %dma_start3A_893, %dma_start3A_894] : memref<5x40x144xf32, #tpu.memory_space<vmem>> -> memref<1x40x144xf32, #tpu.memory_space<vmem>>
      %dma_start3A_896 = tpu.memref_squeeze %dma_start3A_895 : memref<1x40x144xf32, #tpu.memory_space<vmem>> -> memref<40x144xf32, #tpu.memory_space<vmem>>
      %dma_start3A_897 = arith.constant 0 : i32
      %dma_start3A_898 = tpu.memref_slice %arg9[%dma_start3A_891, %dma_start3A_892, %dma_start3A_897] : memref<2x5x40xi32, #tpu.memory_space<vmem>> -> memref<1x1x40xi32, #tpu.memory_space<vmem>>
      %dma_start3A_899 = tpu.memref_squeeze %dma_start3A_898 : memref<1x1x40xi32, #tpu.memory_space<vmem>> -> memref<40xi32, #tpu.memory_space<vmem>>
      %dma_start3A_900 = arith.constant 0 : i32
      %dma_start3A_901 = arith.constant 0 : i32
      %dma_start3A_902 = tpu.memref_slice %arg7[%dma_start3A_900, %dma_start3A_901] : memref<10240x144xf32, #tpu.memory_space<vmem_shared>> -> memref<10240x144xf32, #tpu.memory_space<vmem_shared>>
      tpu.enqueue_indirect_dma source(%dma_start3A_896 : memref<40x144xf32, #tpu.memory_space<vmem>>) target(%dma_start3A_902 : memref<10240x144xf32, #tpu.memory_space<vmem_shared>>) offsets(%dma_start3A_899 : memref<40xi32, #tpu.memory_space<vmem>>) semaphore(%arg18 : memref<!tpu.dma_semaphore, #tpu.memory_space<semaphore_mem>>) {add = true}
      %dma_wait3A_903 = arith.constant 1 : i32
      %dma_wait3A_904 = arith.constant 3 : i32
      %dma_wait3A_905 = arith.constant 3 : i32
      %dma_wait3A_906 = arith.constant 0 : i32
      %dma_wait3A_907 = arith.constant 0 : i32
      %dma_wait3A_908 = tpu.memref_slice %arg10[%dma_wait3A_905, %dma_wait3A_906, %dma_wait3A_907] : memref<5x40x144xf32, #tpu.memory_space<vmem>> -> memref<1x40x144xf32, #tpu.memory_space<vmem>>
      %dma_wait3A_909 = tpu.memref_squeeze %dma_wait3A_908 : memref<1x40x144xf32, #tpu.memory_space<vmem>> -> memref<40x144xf32, #tpu.memory_space<vmem>>
      %dma_wait3A_910 = arith.constant 0 : i32
      %dma_wait3A_911 = tpu.memref_slice %arg8[%dma_wait3A_903, %dma_wait3A_904, %dma_wait3A_910] : memref<2x5x40xi32, #tpu.memory_space<vmem>> -> memref<1x1x40xi32, #tpu.memory_space<vmem>>
      %dma_wait3A_912 = tpu.memref_squeeze %dma_wait3A_911 : memref<1x1x40xi32, #tpu.memory_space<vmem>> -> memref<40xi32, #tpu.memory_space<vmem>>
      %dma_wait3A_913 = arith.constant 0 : i32
      %dma_wait3A_914 = arith.constant 0 : i32
      %dma_wait3A_915 = tpu.memref_slice %arg2[%dma_wait3A_913, %dma_wait3A_914] : memref<10000x144xf32, #tpu.memory_space<hbm>> -> memref<10000x144xf32, #tpu.memory_space<hbm>>
      tpu.wait_indirect_dma semaphore(%arg14 : memref<!tpu.dma_semaphore, #tpu.memory_space<semaphore_mem>>) src(%dma_wait3A_915 : memref<10000x144xf32, #tpu.memory_space<hbm>>) dst(%dma_wait3A_909 : memref<40x144xf32, #tpu.memory_space<vmem>>)
      %dma_start3A_916 = arith.constant 3 : i32
      %dma_start3A_917 = arith.constant 1 : i32
      %dma_start3A_918 = arith.constant 3 : i32
      %dma_start3A_919 = arith.constant 0 : i32
      %dma_start3A_920 = arith.constant 0 : i32
      %dma_start3A_921 = tpu.memref_slice %arg10[%dma_start3A_916, %dma_start3A_919, %dma_start3A_920] : memref<5x40x144xf32, #tpu.memory_space<vmem>> -> memref<1x40x144xf32, #tpu.memory_space<vmem>>
      %dma_start3A_922 = tpu.memref_squeeze %dma_start3A_921 : memref<1x40x144xf32, #tpu.memory_space<vmem>> -> memref<40x144xf32, #tpu.memory_space<vmem>>
      %dma_start3A_923 = arith.constant 0 : i32
      %dma_start3A_924 = tpu.memref_slice %arg9[%dma_start3A_917, %dma_start3A_918, %dma_start3A_923] : memref<2x5x40xi32, #tpu.memory_space<vmem>> -> memref<1x1x40xi32, #tpu.memory_space<vmem>>
      %dma_start3A_925 = tpu.memref_squeeze %dma_start3A_924 : memref<1x1x40xi32, #tpu.memory_space<vmem>> -> memref<40xi32, #tpu.memory_space<vmem>>
      %dma_start3A_926 = arith.constant 0 : i32
      %dma_start3A_927 = arith.constant 0 : i32
      %dma_start3A_928 = tpu.memref_slice %arg7[%dma_start3A_926, %dma_start3A_927] : memref<10240x144xf32, #tpu.memory_space<vmem_shared>> -> memref<10240x144xf32, #tpu.memory_space<vmem_shared>>
      tpu.enqueue_indirect_dma source(%dma_start3A_922 : memref<40x144xf32, #tpu.memory_space<vmem>>) target(%dma_start3A_928 : memref<10240x144xf32, #tpu.memory_space<vmem_shared>>) offsets(%dma_start3A_925 : memref<40xi32, #tpu.memory_space<vmem>>) semaphore(%arg19 : memref<!tpu.dma_semaphore, #tpu.memory_space<semaphore_mem>>) {add = true}
      %dma_wait3A_929 = arith.constant 1 : i32
      %dma_wait3A_930 = arith.constant 4 : i32
      %dma_wait3A_931 = arith.constant 4 : i32
      %dma_wait3A_932 = arith.constant 0 : i32
      %dma_wait3A_933 = arith.constant 0 : i32
      %dma_wait3A_934 = tpu.memref_slice %arg10[%dma_wait3A_931, %dma_wait3A_932, %dma_wait3A_933] : memref<5x40x144xf32, #tpu.memory_space<vmem>> -> memref<1x40x144xf32, #tpu.memory_space<vmem>>
      %dma_wait3A_935 = tpu.memref_squeeze %dma_wait3A_934 : memref<1x40x144xf32, #tpu.memory_space<vmem>> -> memref<40x144xf32, #tpu.memory_space<vmem>>
      %dma_wait3A_936 = arith.constant 0 : i32
      %dma_wait3A_937 = tpu.memref_slice %arg8[%dma_wait3A_929, %dma_wait3A_930, %dma_wait3A_936] : memref<2x5x40xi32, #tpu.memory_space<vmem>> -> memref<1x1x40xi32, #tpu.memory_space<vmem>>
      %dma_wait3A_938 = tpu.memref_squeeze %dma_wait3A_937 : memref<1x1x40xi32, #tpu.memory_space<vmem>> -> memref<40xi32, #tpu.memory_space<vmem>>
      %dma_wait3A_939 = arith.constant 0 : i32
      %dma_wait3A_940 = arith.constant 0 : i32
      %dma_wait3A_941 = tpu.memref_slice %arg2[%dma_wait3A_939, %dma_wait3A_940] : memref<10000x144xf32, #tpu.memory_space<hbm>> -> memref<10000x144xf32, #tpu.memory_space<hbm>>
      tpu.wait_indirect_dma semaphore(%arg15 : memref<!tpu.dma_semaphore, #tpu.memory_space<semaphore_mem>>) src(%dma_wait3A_941 : memref<10000x144xf32, #tpu.memory_space<hbm>>) dst(%dma_wait3A_935 : memref<40x144xf32, #tpu.memory_space<vmem>>)
      %dma_start3A_942 = arith.constant 4 : i32
      %dma_start3A_943 = arith.constant 1 : i32
      %dma_start3A_944 = arith.constant 4 : i32
      %dma_start3A_945 = arith.constant 0 : i32
      %dma_start3A_946 = arith.constant 0 : i32
      %dma_start3A_947 = tpu.memref_slice %arg10[%dma_start3A_942, %dma_start3A_945, %dma_start3A_946] : memref<5x40x144xf32, #tpu.memory_space<vmem>> -> memref<1x40x144xf32, #tpu.memory_space<vmem>>
      %dma_start3A_948 = tpu.memref_squeeze %dma_start3A_947 : memref<1x40x144xf32, #tpu.memory_space<vmem>> -> memref<40x144xf32, #tpu.memory_space<vmem>>
      %dma_start3A_949 = arith.constant 0 : i32
      %dma_start3A_950 = tpu.memref_slice %arg9[%dma_start3A_943, %dma_start3A_944, %dma_start3A_949] : memref<2x5x40xi32, #tpu.memory_space<vmem>> -> memref<1x1x40xi32, #tpu.memory_space<vmem>>
      %dma_start3A_951 = tpu.memref_squeeze %dma_start3A_950 : memref<1x1x40xi32, #tpu.memory_space<vmem>> -> memref<40xi32, #tpu.memory_space<vmem>>
      %dma_start3A_952 = arith.constant 0 : i32
      %dma_start3A_953 = arith.constant 0 : i32
      %dma_start3A_954 = tpu.memref_slice %arg7[%dma_start3A_952, %dma_start3A_953] : memref<10240x144xf32, #tpu.memory_space<vmem_shared>> -> memref<10240x144xf32, #tpu.memory_space<vmem_shared>>
      tpu.enqueue_indirect_dma source(%dma_start3A_948 : memref<40x144xf32, #tpu.memory_space<vmem>>) target(%dma_start3A_954 : memref<10240x144xf32, #tpu.memory_space<vmem_shared>>) offsets(%dma_start3A_951 : memref<40xi32, #tpu.memory_space<vmem>>) semaphore(%arg20 : memref<!tpu.dma_semaphore, #tpu.memory_space<semaphore_mem>>) {add = true}
      %add3A_955 = arith.constant 2 : i32
      %add3A_956 = arith.addi %add3A_655, %add3A_955 : i32
      %mul3A_957 = arith.constant 5 : i32
      %mul3A_958 = arith.muli %add3A_956, %mul3A_957 : i32
      %add3A_959 = arith.addi %mul3A_126, %mul3A_958 : i32
      %dma_start3A_960 = arith.constant 1 : i32
      %dma_start3A_961 = arith.constant 0 : i32
      %dma_start3A_962 = arith.constant 0 : i32
      %dma_start3A_963 = tpu.memref_slice %arg8[%dma_start3A_960, %dma_start3A_961, %dma_start3A_962] : memref<2x5x40xi32, #tpu.memory_space<vmem>> -> memref<1x5x40xi32, #tpu.memory_space<vmem>>
      %dma_start3A_964 = tpu.memref_squeeze %dma_start3A_963 : memref<1x5x40xi32, #tpu.memory_space<vmem>> -> memref<5x40xi32, #tpu.memory_space<vmem>>
      %dma_start3A_965 = arith.constant 0 : i32
      %dma_start3A_966 = tpu.memref_slice %arg3[%add3A_959, %dma_start3A_965] : memref<8010x40xi32, #tpu.memory_space<hbm>> -> memref<5x40xi32, #tpu.memory_space<hbm>>
      %dma_start3A_967 = arith.constant 0 : i32
      %dma_start3A_968 = arith.constant 0 : i32
      %dma_start3A_969 = tpu.memref_slice %arg8[%dma_start3A_960, %dma_start3A_967, %dma_start3A_968] : memref<2x5x40xi32, #tpu.memory_space<vmem>> -> memref<1x5x40xi32, #tpu.memory_space<vmem>>
      %dma_start3A_970 = tpu.memref_squeeze %dma_start3A_969 : memref<1x5x40xi32, #tpu.memory_space<vmem>> -> memref<5x40xi32, #tpu.memory_space<vmem>>
      %dma_start3A_971 = arith.constant 0 : i32
      %dma_start3A_972 = tpu.memref_slice %arg3[%add3A_959, %dma_start3A_971] : memref<8010x40xi32, #tpu.memory_space<hbm>> -> memref<5x40xi32, #tpu.memory_space<hbm>>
      tpu.enqueue_dma source(%dma_start3A_972 : memref<5x40xi32, #tpu.memory_space<hbm>>) target(%dma_start3A_970 : memref<5x40xi32, #tpu.memory_space<vmem>>) target_semaphore(%arg22 : memref<!tpu.dma_semaphore, #tpu.memory_space<semaphore_mem>>)
      %dma_start3A_973 = arith.constant 1 : i32
      %dma_start3A_974 = arith.constant 0 : i32
      %dma_start3A_975 = arith.constant 0 : i32
      %dma_start3A_976 = tpu.memref_slice %arg9[%dma_start3A_973, %dma_start3A_974, %dma_start3A_975] : memref<2x5x40xi32, #tpu.memory_space<vmem>> -> memref<1x5x40xi32, #tpu.memory_space<vmem>>
      %dma_start3A_977 = tpu.memref_squeeze %dma_start3A_976 : memref<1x5x40xi32, #tpu.memory_space<vmem>> -> memref<5x40xi32, #tpu.memory_space<vmem>>
      %dma_start3A_978 = arith.constant 0 : i32
      %dma_start3A_979 = tpu.memref_slice %arg4[%add3A_959, %dma_start3A_978] : memref<8010x40xi32, #tpu.memory_space<hbm>> -> memref<5x40xi32, #tpu.memory_space<hbm>>
      %dma_start3A_980 = arith.constant 0 : i32
      %dma_start3A_981 = arith.constant 0 : i32
      %dma_start3A_982 = tpu.memref_slice %arg9[%dma_start3A_973, %dma_start3A_980, %dma_start3A_981] : memref<2x5x40xi32, #tpu.memory_space<vmem>> -> memref<1x5x40xi32, #tpu.memory_space<vmem>>
      %dma_start3A_983 = tpu.memref_squeeze %dma_start3A_982 : memref<1x5x40xi32, #tpu.memory_space<vmem>> -> memref<5x40xi32, #tpu.memory_space<vmem>>
      %dma_start3A_984 = arith.constant 0 : i32
      %dma_start3A_985 = tpu.memref_slice %arg4[%add3A_959, %dma_start3A_984] : memref<8010x40xi32, #tpu.memory_space<hbm>> -> memref<5x40xi32, #tpu.memory_space<hbm>>
      tpu.enqueue_dma source(%dma_start3A_985 : memref<5x40xi32, #tpu.memory_space<hbm>>) target(%dma_start3A_983 : memref<5x40xi32, #tpu.memory_space<vmem>>) target_semaphore(%arg22 : memref<!tpu.dma_semaphore, #tpu.memory_space<semaphore_mem>>)
    }
    %scan3A_187 = arith.constant 25 : i32
    %dma_wait3A = arith.constant 0 : i32
    %dma_wait3A_188 = arith.constant 0 : i32
    %dma_wait3A_189 = arith.constant 0 : i32
    %dma_wait3A_190 = tpu.memref_slice %arg10[%dma_wait3A, %dma_wait3A_188, %dma_wait3A_189] : memref<5x40x144xf32, #tpu.memory_space<vmem>> -> memref<1x40x144xf32, #tpu.memory_space<vmem>>
    %dma_wait3A_191 = tpu.memref_squeeze %dma_wait3A_190 : memref<1x40x144xf32, #tpu.memory_space<vmem>> -> memref<40x144xf32, #tpu.memory_space<vmem>>
    %dma_wait3A_192 = arith.constant 0 : i32
    %dma_wait3A_193 = arith.constant 0 : i32
    %dma_wait3A_194 = tpu.memref_slice %dma_wait3A_191[%dma_wait3A_192, %dma_wait3A_193] : memref<40x144xf32, #tpu.memory_space<vmem>> -> memref<40x144xf32, #tpu.memory_space<vmem>>
    %dma_wait3A_195 = arith.constant 0 : i32
    %dma_wait3A_196 = arith.constant 0 : i32
    %dma_wait3A_197 = tpu.memref_slice %arg10[%dma_wait3A, %dma_wait3A_195, %dma_wait3A_196] : memref<5x40x144xf32, #tpu.memory_space<vmem>> -> memref<1x40x144xf32, #tpu.memory_space<vmem>>
    %dma_wait3A_198 = tpu.memref_squeeze %dma_wait3A_197 : memref<1x40x144xf32, #tpu.memory_space<vmem>> -> memref<40x144xf32, #tpu.memory_space<vmem>>
    %dma_wait3A_199 = arith.constant 0 : i32
    %dma_wait3A_200 = arith.constant 0 : i32
    %dma_wait3A_201 = tpu.memref_slice %dma_wait3A_198[%dma_wait3A_199, %dma_wait3A_200] : memref<40x144xf32, #tpu.memory_space<vmem>> -> memref<40x144xf32, #tpu.memory_space<vmem>>
    tpu.wait_dma2 semaphore(%arg16 : memref<!tpu.dma_semaphore, #tpu.memory_space<semaphore_mem>>) src(%arg5 : memref<40x144xf32, #tpu.memory_space<hbm>>) dst(%dma_wait3A_201 : memref<40x144xf32, #tpu.memory_space<vmem>>)
    %dma_wait3A_202 = arith.constant 1 : i32
    %dma_wait3A_203 = arith.constant 0 : i32
    %dma_wait3A_204 = arith.constant 0 : i32
    %dma_wait3A_205 = tpu.memref_slice %arg10[%dma_wait3A_202, %dma_wait3A_203, %dma_wait3A_204] : memref<5x40x144xf32, #tpu.memory_space<vmem>> -> memref<1x40x144xf32, #tpu.memory_space<vmem>>
    %dma_wait3A_206 = tpu.memref_squeeze %dma_wait3A_205 : memref<1x40x144xf32, #tpu.memory_space<vmem>> -> memref<40x144xf32, #tpu.memory_space<vmem>>
    %dma_wait3A_207 = arith.constant 0 : i32
    %dma_wait3A_208 = arith.constant 0 : i32
    %dma_wait3A_209 = tpu.memref_slice %dma_wait3A_206[%dma_wait3A_207, %dma_wait3A_208] : memref<40x144xf32, #tpu.memory_space<vmem>> -> memref<40x144xf32, #tpu.memory_space<vmem>>
    %dma_wait3A_210 = arith.constant 0 : i32
    %dma_wait3A_211 = arith.constant 0 : i32
    %dma_wait3A_212 = tpu.memref_slice %arg10[%dma_wait3A_202, %dma_wait3A_210, %dma_wait3A_211] : memref<5x40x144xf32, #tpu.memory_space<vmem>> -> memref<1x40x144xf32, #tpu.memory_space<vmem>>
    %dma_wait3A_213 = tpu.memref_squeeze %dma_wait3A_212 : memref<1x40x144xf32, #tpu.memory_space<vmem>> -> memref<40x144xf32, #tpu.memory_space<vmem>>
    %dma_wait3A_214 = arith.constant 0 : i32
    %dma_wait3A_215 = arith.constant 0 : i32
    %dma_wait3A_216 = tpu.memref_slice %dma_wait3A_213[%dma_wait3A_214, %dma_wait3A_215] : memref<40x144xf32, #tpu.memory_space<vmem>> -> memref<40x144xf32, #tpu.memory_space<vmem>>
    tpu.wait_dma2 semaphore(%arg17 : memref<!tpu.dma_semaphore, #tpu.memory_space<semaphore_mem>>) src(%arg5 : memref<40x144xf32, #tpu.memory_space<hbm>>) dst(%dma_wait3A_216 : memref<40x144xf32, #tpu.memory_space<vmem>>)
    %dma_wait3A_217 = arith.constant 2 : i32
    %dma_wait3A_218 = arith.constant 0 : i32
    %dma_wait3A_219 = arith.constant 0 : i32
    %dma_wait3A_220 = tpu.memref_slice %arg10[%dma_wait3A_217, %dma_wait3A_218, %dma_wait3A_219] : memref<5x40x144xf32, #tpu.memory_space<vmem>> -> memref<1x40x144xf32, #tpu.memory_space<vmem>>
    %dma_wait3A_221 = tpu.memref_squeeze %dma_wait3A_220 : memref<1x40x144xf32, #tpu.memory_space<vmem>> -> memref<40x144xf32, #tpu.memory_space<vmem>>
    %dma_wait3A_222 = arith.constant 0 : i32
    %dma_wait3A_223 = arith.constant 0 : i32
    %dma_wait3A_224 = tpu.memref_slice %dma_wait3A_221[%dma_wait3A_222, %dma_wait3A_223] : memref<40x144xf32, #tpu.memory_space<vmem>> -> memref<40x144xf32, #tpu.memory_space<vmem>>
    %dma_wait3A_225 = arith.constant 0 : i32
    %dma_wait3A_226 = arith.constant 0 : i32
    %dma_wait3A_227 = tpu.memref_slice %arg10[%dma_wait3A_217, %dma_wait3A_225, %dma_wait3A_226] : memref<5x40x144xf32, #tpu.memory_space<vmem>> -> memref<1x40x144xf32, #tpu.memory_space<vmem>>
    %dma_wait3A_228 = tpu.memref_squeeze %dma_wait3A_227 : memref<1x40x144xf32, #tpu.memory_space<vmem>> -> memref<40x144xf32, #tpu.memory_space<vmem>>
    %dma_wait3A_229 = arith.constant 0 : i32
    %dma_wait3A_230 = arith.constant 0 : i32
    %dma_wait3A_231 = tpu.memref_slice %dma_wait3A_228[%dma_wait3A_229, %dma_wait3A_230] : memref<40x144xf32, #tpu.memory_space<vmem>> -> memref<40x144xf32, #tpu.memory_space<vmem>>
    tpu.wait_dma2 semaphore(%arg18 : memref<!tpu.dma_semaphore, #tpu.memory_space<semaphore_mem>>) src(%arg5 : memref<40x144xf32, #tpu.memory_space<hbm>>) dst(%dma_wait3A_231 : memref<40x144xf32, #tpu.memory_space<vmem>>)
    %dma_wait3A_232 = arith.constant 3 : i32
    %dma_wait3A_233 = arith.constant 0 : i32
    %dma_wait3A_234 = arith.constant 0 : i32
    %dma_wait3A_235 = tpu.memref_slice %arg10[%dma_wait3A_232, %dma_wait3A_233, %dma_wait3A_234] : memref<5x40x144xf32, #tpu.memory_space<vmem>> -> memref<1x40x144xf32, #tpu.memory_space<vmem>>
    %dma_wait3A_236 = tpu.memref_squeeze %dma_wait3A_235 : memref<1x40x144xf32, #tpu.memory_space<vmem>> -> memref<40x144xf32, #tpu.memory_space<vmem>>
    %dma_wait3A_237 = arith.constant 0 : i32
    %dma_wait3A_238 = arith.constant 0 : i32
    %dma_wait3A_239 = tpu.memref_slice %dma_wait3A_236[%dma_wait3A_237, %dma_wait3A_238] : memref<40x144xf32, #tpu.memory_space<vmem>> -> memref<40x144xf32, #tpu.memory_space<vmem>>
    %dma_wait3A_240 = arith.constant 0 : i32
    %dma_wait3A_241 = arith.constant 0 : i32
    %dma_wait3A_242 = tpu.memref_slice %arg10[%dma_wait3A_232, %dma_wait3A_240, %dma_wait3A_241] : memref<5x40x144xf32, #tpu.memory_space<vmem>> -> memref<1x40x144xf32, #tpu.memory_space<vmem>>
    %dma_wait3A_243 = tpu.memref_squeeze %dma_wait3A_242 : memref<1x40x144xf32, #tpu.memory_space<vmem>> -> memref<40x144xf32, #tpu.memory_space<vmem>>
    %dma_wait3A_244 = arith.constant 0 : i32
    %dma_wait3A_245 = arith.constant 0 : i32
    %dma_wait3A_246 = tpu.memref_slice %dma_wait3A_243[%dma_wait3A_244, %dma_wait3A_245] : memref<40x144xf32, #tpu.memory_space<vmem>> -> memref<40x144xf32, #tpu.memory_space<vmem>>
    tpu.wait_dma2 semaphore(%arg19 : memref<!tpu.dma_semaphore, #tpu.memory_space<semaphore_mem>>) src(%arg5 : memref<40x144xf32, #tpu.memory_space<hbm>>) dst(%dma_wait3A_246 : memref<40x144xf32, #tpu.memory_space<vmem>>)
    %dma_wait3A_247 = arith.constant 4 : i32
    %dma_wait3A_248 = arith.constant 0 : i32
    %dma_wait3A_249 = arith.constant 0 : i32
    %dma_wait3A_250 = tpu.memref_slice %arg10[%dma_wait3A_247, %dma_wait3A_248, %dma_wait3A_249] : memref<5x40x144xf32, #tpu.memory_space<vmem>> -> memref<1x40x144xf32, #tpu.memory_space<vmem>>
    %dma_wait3A_251 = tpu.memref_squeeze %dma_wait3A_250 : memref<1x40x144xf32, #tpu.memory_space<vmem>> -> memref<40x144xf32, #tpu.memory_space<vmem>>
    %dma_wait3A_252 = arith.constant 0 : i32
    %dma_wait3A_253 = arith.constant 0 : i32
    %dma_wait3A_254 = tpu.memref_slice %dma_wait3A_251[%dma_wait3A_252, %dma_wait3A_253] : memref<40x144xf32, #tpu.memory_space<vmem>> -> memref<40x144xf32, #tpu.memory_space<vmem>>
    %dma_wait3A_255 = arith.constant 0 : i32
    %dma_wait3A_256 = arith.constant 0 : i32
    %dma_wait3A_257 = tpu.memref_slice %arg10[%dma_wait3A_247, %dma_wait3A_255, %dma_wait3A_256] : memref<5x40x144xf32, #tpu.memory_space<vmem>> -> memref<1x40x144xf32, #tpu.memory_space<vmem>>
    %dma_wait3A_258 = tpu.memref_squeeze %dma_wait3A_257 : memref<1x40x144xf32, #tpu.memory_space<vmem>> -> memref<40x144xf32, #tpu.memory_space<vmem>>
    %dma_wait3A_259 = arith.constant 0 : i32
    %dma_wait3A_260 = arith.constant 0 : i32
    %dma_wait3A_261 = tpu.memref_slice %dma_wait3A_258[%dma_wait3A_259, %dma_wait3A_260] : memref<40x144xf32, #tpu.memory_space<vmem>> -> memref<40x144xf32, #tpu.memory_space<vmem>>
    tpu.wait_dma2 semaphore(%arg20 : memref<!tpu.dma_semaphore, #tpu.memory_space<semaphore_mem>>) src(%arg5 : memref<40x144xf32, #tpu.memory_space<hbm>>) dst(%dma_wait3A_261 : memref<40x144xf32, #tpu.memory_space<vmem>>)
    %add3A_262 = arith.constant 250 : i32
    %add3A_263 = arith.addi %mul3A_126, %add3A_262 : i32
    %dma_wait3A_264 = arith.constant 0 : i32
    %dma_wait3A_265 = arith.constant 0 : i32
    %dma_wait3A_266 = arith.constant 0 : i32
    %dma_wait3A_267 = tpu.memref_slice %arg8[%dma_wait3A_264, %dma_wait3A_265, %dma_wait3A_266] : memref<2x5x40xi32, #tpu.memory_space<vmem>> -> memref<1x5x40xi32, #tpu.memory_space<vmem>>
    %dma_wait3A_268 = tpu.memref_squeeze %dma_wait3A_267 : memref<1x5x40xi32, #tpu.memory_space<vmem>> -> memref<5x40xi32, #tpu.memory_space<vmem>>
    %dma_wait3A_269 = arith.constant 0 : i32
    %dma_wait3A_270 = tpu.memref_slice %arg3[%add3A_263, %dma_wait3A_269] : memref<8010x40xi32, #tpu.memory_space<hbm>> -> memref<5x40xi32, #tpu.memory_space<hbm>>
    %dma_wait3A_271 = arith.constant 0 : i32
    %dma_wait3A_272 = arith.constant 0 : i32
    %dma_wait3A_273 = tpu.memref_slice %arg8[%dma_wait3A_264, %dma_wait3A_271, %dma_wait3A_272] : memref<2x5x40xi32, #tpu.memory_space<vmem>> -> memref<1x5x40xi32, #tpu.memory_space<vmem>>
    %dma_wait3A_274 = tpu.memref_squeeze %dma_wait3A_273 : memref<1x5x40xi32, #tpu.memory_space<vmem>> -> memref<5x40xi32, #tpu.memory_space<vmem>>
    %dma_wait3A_275 = arith.constant 0 : i32
    %dma_wait3A_276 = tpu.memref_slice %arg3[%add3A_263, %dma_wait3A_275] : memref<8010x40xi32, #tpu.memory_space<hbm>> -> memref<5x40xi32, #tpu.memory_space<hbm>>
    tpu.wait_dma2 semaphore(%arg21 : memref<!tpu.dma_semaphore, #tpu.memory_space<semaphore_mem>>) src(%dma_wait3A_276 : memref<5x40xi32, #tpu.memory_space<hbm>>) dst(%dma_wait3A_274 : memref<5x40xi32, #tpu.memory_space<vmem>>)
    %dma_wait3A_277 = arith.constant 0 : i32
    %dma_wait3A_278 = arith.constant 0 : i32
    %dma_wait3A_279 = arith.constant 0 : i32
    %dma_wait3A_280 = tpu.memref_slice %arg9[%dma_wait3A_277, %dma_wait3A_278, %dma_wait3A_279] : memref<2x5x40xi32, #tpu.memory_space<vmem>> -> memref<1x5x40xi32, #tpu.memory_space<vmem>>
    %dma_wait3A_281 = tpu.memref_squeeze %dma_wait3A_280 : memref<1x5x40xi32, #tpu.memory_space<vmem>> -> memref<5x40xi32, #tpu.memory_space<vmem>>
    %dma_wait3A_282 = arith.constant 0 : i32
    %dma_wait3A_283 = tpu.memref_slice %arg4[%add3A_263, %dma_wait3A_282] : memref<8010x40xi32, #tpu.memory_space<hbm>> -> memref<5x40xi32, #tpu.memory_space<hbm>>
    %dma_wait3A_284 = arith.constant 0 : i32
    %dma_wait3A_285 = arith.constant 0 : i32
    %dma_wait3A_286 = tpu.memref_slice %arg9[%dma_wait3A_277, %dma_wait3A_284, %dma_wait3A_285] : memref<2x5x40xi32, #tpu.memory_space<vmem>> -> memref<1x5x40xi32, #tpu.memory_space<vmem>>
    %dma_wait3A_287 = tpu.memref_squeeze %dma_wait3A_286 : memref<1x5x40xi32, #tpu.memory_space<vmem>> -> memref<5x40xi32, #tpu.memory_space<vmem>>
    %dma_wait3A_288 = arith.constant 0 : i32
    %dma_wait3A_289 = tpu.memref_slice %arg4[%add3A_263, %dma_wait3A_288] : memref<8010x40xi32, #tpu.memory_space<hbm>> -> memref<5x40xi32, #tpu.memory_space<hbm>>
    tpu.wait_dma2 semaphore(%arg21 : memref<!tpu.dma_semaphore, #tpu.memory_space<semaphore_mem>>) src(%dma_wait3A_289 : memref<5x40xi32, #tpu.memory_space<hbm>>) dst(%dma_wait3A_287 : memref<5x40xi32, #tpu.memory_space<vmem>>)
    %add3A_290 = arith.constant 255 : i32
    %add3A_291 = arith.addi %mul3A_126, %add3A_290 : i32
    %dma_wait3A_292 = arith.constant 1 : i32
    %dma_wait3A_293 = arith.constant 0 : i32
    %dma_wait3A_294 = arith.constant 0 : i32
    %dma_wait3A_295 = tpu.memref_slice %arg8[%dma_wait3A_292, %dma_wait3A_293, %dma_wait3A_294] : memref<2x5x40xi32, #tpu.memory_space<vmem>> -> memref<1x5x40xi32, #tpu.memory_space<vmem>>
    %dma_wait3A_296 = tpu.memref_squeeze %dma_wait3A_295 : memref<1x5x40xi32, #tpu.memory_space<vmem>> -> memref<5x40xi32, #tpu.memory_space<vmem>>
    %dma_wait3A_297 = arith.constant 0 : i32
    %dma_wait3A_298 = tpu.memref_slice %arg3[%add3A_291, %dma_wait3A_297] : memref<8010x40xi32, #tpu.memory_space<hbm>> -> memref<5x40xi32, #tpu.memory_space<hbm>>
    %dma_wait3A_299 = arith.constant 0 : i32
    %dma_wait3A_300 = arith.constant 0 : i32
    %dma_wait3A_301 = tpu.memref_slice %arg8[%dma_wait3A_292, %dma_wait3A_299, %dma_wait3A_300] : memref<2x5x40xi32, #tpu.memory_space<vmem>> -> memref<1x5x40xi32, #tpu.memory_space<vmem>>
    %dma_wait3A_302 = tpu.memref_squeeze %dma_wait3A_301 : memref<1x5x40xi32, #tpu.memory_space<vmem>> -> memref<5x40xi32, #tpu.memory_space<vmem>>
    %dma_wait3A_303 = arith.constant 0 : i32
    %dma_wait3A_304 = tpu.memref_slice %arg3[%add3A_291, %dma_wait3A_303] : memref<8010x40xi32, #tpu.memory_space<hbm>> -> memref<5x40xi32, #tpu.memory_space<hbm>>
    tpu.wait_dma2 semaphore(%arg22 : memref<!tpu.dma_semaphore, #tpu.memory_space<semaphore_mem>>) src(%dma_wait3A_304 : memref<5x40xi32, #tpu.memory_space<hbm>>) dst(%dma_wait3A_302 : memref<5x40xi32, #tpu.memory_space<vmem>>)
    %dma_wait3A_305 = arith.constant 1 : i32
    %dma_wait3A_306 = arith.constant 0 : i32
    %dma_wait3A_307 = arith.constant 0 : i32
    %dma_wait3A_308 = tpu.memref_slice %arg9[%dma_wait3A_305, %dma_wait3A_306, %dma_wait3A_307] : memref<2x5x40xi32, #tpu.memory_space<vmem>> -> memref<1x5x40xi32, #tpu.memory_space<vmem>>
    %dma_wait3A_309 = tpu.memref_squeeze %dma_wait3A_308 : memref<1x5x40xi32, #tpu.memory_space<vmem>> -> memref<5x40xi32, #tpu.memory_space<vmem>>
    %dma_wait3A_310 = arith.constant 0 : i32
    %dma_wait3A_311 = tpu.memref_slice %arg4[%add3A_291, %dma_wait3A_310] : memref<8010x40xi32, #tpu.memory_space<hbm>> -> memref<5x40xi32, #tpu.memory_space<hbm>>
    %dma_wait3A_312 = arith.constant 0 : i32
    %dma_wait3A_313 = arith.constant 0 : i32
    %dma_wait3A_314 = tpu.memref_slice %arg9[%dma_wait3A_305, %dma_wait3A_312, %dma_wait3A_313] : memref<2x5x40xi32, #tpu.memory_space<vmem>> -> memref<1x5x40xi32, #tpu.memory_space<vmem>>
    %dma_wait3A_315 = tpu.memref_squeeze %dma_wait3A_314 : memref<1x5x40xi32, #tpu.memory_space<vmem>> -> memref<5x40xi32, #tpu.memory_space<vmem>>
    %dma_wait3A_316 = arith.constant 0 : i32
    %dma_wait3A_317 = tpu.memref_slice %arg4[%add3A_291, %dma_wait3A_316] : memref<8010x40xi32, #tpu.memory_space<hbm>> -> memref<5x40xi32, #tpu.memory_space<hbm>>
    tpu.wait_dma2 semaphore(%arg22 : memref<!tpu.dma_semaphore, #tpu.memory_space<semaphore_mem>>) src(%dma_wait3A_317 : memref<5x40xi32, #tpu.memory_space<hbm>>) dst(%dma_wait3A_315 : memref<5x40xi32, #tpu.memory_space<vmem>>)
    %barrier3A_318 = arith.constant 0 : index
    tpu.barrier barrier_id(%barrier3A_318)
    "tpu.region"() ({
      %run_scoped3A_319 = tpu.sem_alloc : memref<!tpu.dma_semaphore, #tpu.memory_space<semaphore_mem>>
      %dma_start3A_320 = arith.constant 0 : i32
      %dma_start3A_321 = tpu.memref_slice %arg6[%arg0, %mul3A_2, %dma_start3A_320] : memref<2x10240x144xf32, #tpu.memory_space<hbm>> -> memref<1x640x144xf32, #tpu.memory_space<hbm>>
      %dma_start3A_322 = tpu.memref_squeeze %dma_start3A_321 : memref<1x640x144xf32, #tpu.memory_space<hbm>> -> memref<640x144xf32, #tpu.memory_space<hbm>>
      %dma_start3A_323 = arith.constant 0 : i32
      %dma_start3A_324 = tpu.memref_slice %arg7[%mul3A_2, %dma_start3A_323] : memref<10240x144xf32, #tpu.memory_space<vmem_shared>> -> memref<640x144xf32, #tpu.memory_space<vmem_shared>>
      tpu.enqueue_dma source(%dma_start3A_324 : memref<640x144xf32, #tpu.memory_space<vmem_shared>>) target(%dma_start3A_322 : memref<640x144xf32, #tpu.memory_space<hbm>>) target_semaphore(%run_scoped3A_319 : memref<!tpu.dma_semaphore, #tpu.memory_space<semaphore_mem>>)
      %dma_wait3A_325 = arith.constant 0 : i32
      %dma_wait3A_326 = tpu.memref_slice %arg6[%arg0, %mul3A_2, %dma_wait3A_325] : memref<2x10240x144xf32, #tpu.memory_space<hbm>> -> memref<1x640x144xf32, #tpu.memory_space<hbm>>
      %dma_wait3A_327 = tpu.memref_squeeze %dma_wait3A_326 : memref<1x640x144xf32, #tpu.memory_space<hbm>> -> memref<640x144xf32, #tpu.memory_space<hbm>>
      %dma_wait3A_328 = arith.constant 0 : i32
      %dma_wait3A_329 = tpu.memref_slice %arg7[%mul3A_2, %dma_wait3A_328] : memref<10240x144xf32, #tpu.memory_space<vmem_shared>> -> memref<640x144xf32, #tpu.memory_space<vmem_shared>>
      tpu.wait_dma2 semaphore(%run_scoped3A_319 : memref<!tpu.dma_semaphore, #tpu.memory_space<semaphore_mem>>) src(%dma_wait3A_329 : memref<640x144xf32, #tpu.memory_space<vmem_shared>>) dst(%dma_wait3A_327 : memref<640x144xf32, #tpu.memory_space<hbm>>)
      tpu.yield
    }) : () -> ()
    return
  }
}

#map = affine_map<(d0, d1) -> (0, 0)>
#map1 = affine_map<(d0, d1) -> (0, 0, 0)>
module attributes {stable_mosaic.version = 14 : i64} {
  func.func @_sc_agg_body(%arg0: i32, %arg1: i32, %arg2: memref<10000x128xf32, #tpu.memory_space<hbm>>, %arg3: memref<8010x40xi32, #tpu.memory_space<hbm>>, %arg4: memref<8010x40xi32, #tpu.memory_space<hbm>>, %arg5: memref<40x128xf32, #tpu.memory_space<hbm>>, %arg6: memref<2x10240x128xf32, #tpu.memory_space<hbm>>, %arg7: memref<10240x128xf32, #tpu.memory_space<vmem_shared>>, %arg8: memref<2x5x40xi32, #tpu.memory_space<vmem>>, %arg9: memref<2x5x40xi32, #tpu.memory_space<vmem>>, %arg10: memref<5x40x128xf32, #tpu.memory_space<vmem>>, %arg11: memref<!tpu.dma_semaphore, #tpu.memory_space<semaphore_mem>>, %arg12: memref<!tpu.dma_semaphore, #tpu.memory_space<semaphore_mem>>, %arg13: memref<!tpu.dma_semaphore, #tpu.memory_space<semaphore_mem>>, %arg14: memref<!tpu.dma_semaphore, #tpu.memory_space<semaphore_mem>>, %arg15: memref<!tpu.dma_semaphore, #tpu.memory_space<semaphore_mem>>, %arg16: memref<!tpu.dma_semaphore, #tpu.memory_space<semaphore_mem>>, %arg17: memref<!tpu.dma_semaphore, #tpu.memory_space<semaphore_mem>>, %arg18: memref<!tpu.dma_semaphore, #tpu.memory_space<semaphore_mem>>, %arg19: memref<!tpu.dma_semaphore, #tpu.memory_space<semaphore_mem>>, %arg20: memref<!tpu.dma_semaphore, #tpu.memory_space<semaphore_mem>>, %arg21: memref<!tpu.dma_semaphore, #tpu.memory_space<semaphore_mem>>, %arg22: memref<!tpu.dma_semaphore, #tpu.memory_space<semaphore_mem>>) attributes {dimension_semantics = [#tpu.dimension_semantics<core_parallel>, #tpu.dimension_semantics<subcore_parallel>], iteration_bounds = array<i64: 2, 16>, scalar_prefetch = 0 : i64, scratch_operands = 16 : i64, tpu.core_type = #tpu.core_type<sc_vector_subcore>, window_params = [{transform_indices = #map}, {transform_indices = #map}, {transform_indices = #map}, {transform_indices = #map}, {transform_indices = #map1}]} {
    %mul3A = arith.constant 16 : i32
    %mul3A_0 = arith.muli %arg0, %mul3A : i32
    %add3A = arith.addi %mul3A_0, %arg1 : i32
    %mul3A_1 = arith.constant 640 : i32
    %mul3A_2 = arith.muli %arg1, %mul3A_1 : i32
    %run_scoped3A = arith.constant 0 : i32
    "tpu.region"() ({
      %run_scoped3A_319 = tpu.sem_alloc : memref<!tpu.dma_semaphore, #tpu.memory_space<semaphore_mem>>
      %dma_start3A_320 = arith.constant 0 : i32
      %dma_start3A_321 = arith.constant 0 : i32
      %dma_start3A_322 = tpu.memref_slice %arg10[%run_scoped3A, %dma_start3A_320, %dma_start3A_321] : memref<5x40x128xf32, #tpu.memory_space<vmem>> -> memref<1x40x128xf32, #tpu.memory_space<vmem>>
      %dma_start3A_323 = tpu.memref_squeeze %dma_start3A_322 : memref<1x40x128xf32, #tpu.memory_space<vmem>> -> memref<40x128xf32, #tpu.memory_space<vmem>>
      %dma_start3A_324 = arith.constant 0 : i32
      %dma_start3A_325 = arith.constant 0 : i32
      %dma_start3A_326 = tpu.memref_slice %dma_start3A_323[%dma_start3A_324, %dma_start3A_325] : memref<40x128xf32, #tpu.memory_space<vmem>> -> memref<40x128xf32, #tpu.memory_space<vmem>>
      %dma_start3A_327 = arith.constant 0 : i32
      %dma_start3A_328 = arith.constant 0 : i32
      %dma_start3A_329 = tpu.memref_slice %arg10[%run_scoped3A, %dma_start3A_327, %dma_start3A_328] : memref<5x40x128xf32, #tpu.memory_space<vmem>> -> memref<1x40x128xf32, #tpu.memory_space<vmem>>
      %dma_start3A_330 = tpu.memref_squeeze %dma_start3A_329 : memref<1x40x128xf32, #tpu.memory_space<vmem>> -> memref<40x128xf32, #tpu.memory_space<vmem>>
      %dma_start3A_331 = arith.constant 0 : i32
      %dma_start3A_332 = arith.constant 0 : i32
      %dma_start3A_333 = tpu.memref_slice %dma_start3A_330[%dma_start3A_331, %dma_start3A_332] : memref<40x128xf32, #tpu.memory_space<vmem>> -> memref<40x128xf32, #tpu.memory_space<vmem>>
      tpu.enqueue_dma source(%arg5 : memref<40x128xf32, #tpu.memory_space<hbm>>) target(%dma_start3A_333 : memref<40x128xf32, #tpu.memory_space<vmem>>) target_semaphore(%run_scoped3A_319 : memref<!tpu.dma_semaphore, #tpu.memory_space<semaphore_mem>>)
      %dma_wait3A_334 = arith.constant 0 : i32
      %dma_wait3A_335 = arith.constant 0 : i32
      %dma_wait3A_336 = tpu.memref_slice %arg10[%run_scoped3A, %dma_wait3A_334, %dma_wait3A_335] : memref<5x40x128xf32, #tpu.memory_space<vmem>> -> memref<1x40x128xf32, #tpu.memory_space<vmem>>
      %dma_wait3A_337 = tpu.memref_squeeze %dma_wait3A_336 : memref<1x40x128xf32, #tpu.memory_space<vmem>> -> memref<40x128xf32, #tpu.memory_space<vmem>>
      %dma_wait3A_338 = arith.constant 0 : i32
      %dma_wait3A_339 = arith.constant 0 : i32
      %dma_wait3A_340 = tpu.memref_slice %dma_wait3A_337[%dma_wait3A_338, %dma_wait3A_339] : memref<40x128xf32, #tpu.memory_space<vmem>> -> memref<40x128xf32, #tpu.memory_space<vmem>>
      %dma_wait3A_341 = arith.constant 0 : i32
      %dma_wait3A_342 = arith.constant 0 : i32
      %dma_wait3A_343 = tpu.memref_slice %arg10[%run_scoped3A, %dma_wait3A_341, %dma_wait3A_342] : memref<5x40x128xf32, #tpu.memory_space<vmem>> -> memref<1x40x128xf32, #tpu.memory_space<vmem>>
      %dma_wait3A_344 = tpu.memref_squeeze %dma_wait3A_343 : memref<1x40x128xf32, #tpu.memory_space<vmem>> -> memref<40x128xf32, #tpu.memory_space<vmem>>
      %dma_wait3A_345 = arith.constant 0 : i32
      %dma_wait3A_346 = arith.constant 0 : i32
      %dma_wait3A_347 = tpu.memref_slice %dma_wait3A_344[%dma_wait3A_345, %dma_wait3A_346] : memref<40x128xf32, #tpu.memory_space<vmem>> -> memref<40x128xf32, #tpu.memory_space<vmem>>
      tpu.wait_dma2 semaphore(%run_scoped3A_319 : memref<!tpu.dma_semaphore, #tpu.memory_space<semaphore_mem>>) src(%arg5 : memref<40x128xf32, #tpu.memory_space<hbm>>) dst(%dma_wait3A_347 : memref<40x128xf32, #tpu.memory_space<vmem>>)
      tpu.yield
    }) : () -> ()
    %add3A_3 = arith.constant 0 : i32
    %add3A_4 = arith.addi %mul3A_2, %add3A_3 : i32
    %run_scoped3A_5 = arith.constant 0 : i32
    "tpu.region"() ({
      %run_scoped3A_319 = tpu.sem_alloc : memref<!tpu.dma_semaphore, #tpu.memory_space<semaphore_mem>>
      %dma_start3A_320 = arith.constant 0 : i32
      %dma_start3A_321 = arith.constant 0 : i32
      %dma_start3A_322 = tpu.memref_slice %arg10[%run_scoped3A_5, %dma_start3A_320, %dma_start3A_321] : memref<5x40x128xf32, #tpu.memory_space<vmem>> -> memref<1x40x128xf32, #tpu.memory_space<vmem>>
      %dma_start3A_323 = tpu.memref_squeeze %dma_start3A_322 : memref<1x40x128xf32, #tpu.memory_space<vmem>> -> memref<40x128xf32, #tpu.memory_space<vmem>>
      %dma_start3A_324 = arith.constant 0 : i32
      %dma_start3A_325 = arith.constant 0 : i32
      %dma_start3A_326 = tpu.memref_slice %dma_start3A_323[%dma_start3A_324, %dma_start3A_325] : memref<40x128xf32, #tpu.memory_space<vmem>> -> memref<40x128xf32, #tpu.memory_space<vmem>>
      %dma_start3A_327 = arith.constant 0 : i32
      %dma_start3A_328 = tpu.memref_slice %arg7[%add3A_4, %dma_start3A_327] : memref<10240x128xf32, #tpu.memory_space<vmem_shared>> -> memref<40x128xf32, #tpu.memory_space<vmem_shared>>
      %dma_start3A_329 = arith.constant 0 : i32
      %dma_start3A_330 = tpu.memref_slice %arg7[%add3A_4, %dma_start3A_329] : memref<10240x128xf32, #tpu.memory_space<vmem_shared>> -> memref<40x128xf32, #tpu.memory_space<vmem_shared>>
      %dma_start3A_331 = arith.constant 0 : i32
      %dma_start3A_332 = arith.constant 0 : i32
      %dma_start3A_333 = tpu.memref_slice %arg10[%run_scoped3A_5, %dma_start3A_331, %dma_start3A_332] : memref<5x40x128xf32, #tpu.memory_space<vmem>> -> memref<1x40x128xf32, #tpu.memory_space<vmem>>
      %dma_start3A_334 = tpu.memref_squeeze %dma_start3A_333 : memref<1x40x128xf32, #tpu.memory_space<vmem>> -> memref<40x128xf32, #tpu.memory_space<vmem>>
      %dma_start3A_335 = arith.constant 0 : i32
      %dma_start3A_336 = arith.constant 0 : i32
      %dma_start3A_337 = tpu.memref_slice %dma_start3A_334[%dma_start3A_335, %dma_start3A_336] : memref<40x128xf32, #tpu.memory_space<vmem>> -> memref<40x128xf32, #tpu.memory_space<vmem>>
      tpu.enqueue_dma source(%dma_start3A_337 : memref<40x128xf32, #tpu.memory_space<vmem>>) target(%dma_start3A_330 : memref<40x128xf32, #tpu.memory_space<vmem_shared>>) target_semaphore(%run_scoped3A_319 : memref<!tpu.dma_semaphore, #tpu.memory_space<semaphore_mem>>)
      %dma_wait3A_338 = arith.constant 0 : i32
      %dma_wait3A_339 = arith.constant 0 : i32
      %dma_wait3A_340 = tpu.memref_slice %arg10[%run_scoped3A_5, %dma_wait3A_338, %dma_wait3A_339] : memref<5x40x128xf32, #tpu.memory_space<vmem>> -> memref<1x40x128xf32, #tpu.memory_space<vmem>>
      %dma_wait3A_341 = tpu.memref_squeeze %dma_wait3A_340 : memref<1x40x128xf32, #tpu.memory_space<vmem>> -> memref<40x128xf32, #tpu.memory_space<vmem>>
      %dma_wait3A_342 = arith.constant 0 : i32
      %dma_wait3A_343 = arith.constant 0 : i32
      %dma_wait3A_344 = tpu.memref_slice %dma_wait3A_341[%dma_wait3A_342, %dma_wait3A_343] : memref<40x128xf32, #tpu.memory_space<vmem>> -> memref<40x128xf32, #tpu.memory_space<vmem>>
      %dma_wait3A_345 = arith.constant 0 : i32
      %dma_wait3A_346 = tpu.memref_slice %arg7[%add3A_4, %dma_wait3A_345] : memref<10240x128xf32, #tpu.memory_space<vmem_shared>> -> memref<40x128xf32, #tpu.memory_space<vmem_shared>>
      %dma_wait3A_347 = arith.constant 0 : i32
      %dma_wait3A_348 = tpu.memref_slice %arg7[%add3A_4, %dma_wait3A_347] : memref<10240x128xf32, #tpu.memory_space<vmem_shared>> -> memref<40x128xf32, #tpu.memory_space<vmem_shared>>
      %dma_wait3A_349 = arith.constant 0 : i32
      %dma_wait3A_350 = arith.constant 0 : i32
      %dma_wait3A_351 = tpu.memref_slice %arg10[%run_scoped3A_5, %dma_wait3A_349, %dma_wait3A_350] : memref<5x40x128xf32, #tpu.memory_space<vmem>> -> memref<1x40x128xf32, #tpu.memory_space<vmem>>
      %dma_wait3A_352 = tpu.memref_squeeze %dma_wait3A_351 : memref<1x40x128xf32, #tpu.memory_space<vmem>> -> memref<40x128xf32, #tpu.memory_space<vmem>>
      %dma_wait3A_353 = arith.constant 0 : i32
      %dma_wait3A_354 = arith.constant 0 : i32
      %dma_wait3A_355 = tpu.memref_slice %dma_wait3A_352[%dma_wait3A_353, %dma_wait3A_354] : memref<40x128xf32, #tpu.memory_space<vmem>> -> memref<40x128xf32, #tpu.memory_space<vmem>>
      tpu.wait_dma2 semaphore(%run_scoped3A_319 : memref<!tpu.dma_semaphore, #tpu.memory_space<semaphore_mem>>) src(%dma_wait3A_355 : memref<40x128xf32, #tpu.memory_space<vmem>>) dst(%dma_wait3A_348 : memref<40x128xf32, #tpu.memory_space<vmem_shared>>)
      tpu.yield
    }) : () -> ()
    %add3A_6 = arith.constant 40 : i32
    %add3A_7 = arith.addi %mul3A_2, %add3A_6 : i32
    %run_scoped3A_8 = arith.constant 0 : i32
    "tpu.region"() ({
      %run_scoped3A_319 = tpu.sem_alloc : memref<!tpu.dma_semaphore, #tpu.memory_space<semaphore_mem>>
      %dma_start3A_320 = arith.constant 0 : i32
      %dma_start3A_321 = arith.constant 0 : i32
      %dma_start3A_322 = tpu.memref_slice %arg10[%run_scoped3A_8, %dma_start3A_320, %dma_start3A_321] : memref<5x40x128xf32, #tpu.memory_space<vmem>> -> memref<1x40x128xf32, #tpu.memory_space<vmem>>
      %dma_start3A_323 = tpu.memref_squeeze %dma_start3A_322 : memref<1x40x128xf32, #tpu.memory_space<vmem>> -> memref<40x128xf32, #tpu.memory_space<vmem>>
      %dma_start3A_324 = arith.constant 0 : i32
      %dma_start3A_325 = arith.constant 0 : i32
      %dma_start3A_326 = tpu.memref_slice %dma_start3A_323[%dma_start3A_324, %dma_start3A_325] : memref<40x128xf32, #tpu.memory_space<vmem>> -> memref<40x128xf32, #tpu.memory_space<vmem>>
      %dma_start3A_327 = arith.constant 0 : i32
      %dma_start3A_328 = tpu.memref_slice %arg7[%add3A_7, %dma_start3A_327] : memref<10240x128xf32, #tpu.memory_space<vmem_shared>> -> memref<40x128xf32, #tpu.memory_space<vmem_shared>>
      %dma_start3A_329 = arith.constant 0 : i32
      %dma_start3A_330 = tpu.memref_slice %arg7[%add3A_7, %dma_start3A_329] : memref<10240x128xf32, #tpu.memory_space<vmem_shared>> -> memref<40x128xf32, #tpu.memory_space<vmem_shared>>
      %dma_start3A_331 = arith.constant 0 : i32
      %dma_start3A_332 = arith.constant 0 : i32
      %dma_start3A_333 = tpu.memref_slice %arg10[%run_scoped3A_8, %dma_start3A_331, %dma_start3A_332] : memref<5x40x128xf32, #tpu.memory_space<vmem>> -> memref<1x40x128xf32, #tpu.memory_space<vmem>>
      %dma_start3A_334 = tpu.memref_squeeze %dma_start3A_333 : memref<1x40x128xf32, #tpu.memory_space<vmem>> -> memref<40x128xf32, #tpu.memory_space<vmem>>
      %dma_start3A_335 = arith.constant 0 : i32
      %dma_start3A_336 = arith.constant 0 : i32
      %dma_start3A_337 = tpu.memref_slice %dma_start3A_334[%dma_start3A_335, %dma_start3A_336] : memref<40x128xf32, #tpu.memory_space<vmem>> -> memref<40x128xf32, #tpu.memory_space<vmem>>
      tpu.enqueue_dma source(%dma_start3A_337 : memref<40x128xf32, #tpu.memory_space<vmem>>) target(%dma_start3A_330 : memref<40x128xf32, #tpu.memory_space<vmem_shared>>) target_semaphore(%run_scoped3A_319 : memref<!tpu.dma_semaphore, #tpu.memory_space<semaphore_mem>>)
      %dma_wait3A_338 = arith.constant 0 : i32
      %dma_wait3A_339 = arith.constant 0 : i32
      %dma_wait3A_340 = tpu.memref_slice %arg10[%run_scoped3A_8, %dma_wait3A_338, %dma_wait3A_339] : memref<5x40x128xf32, #tpu.memory_space<vmem>> -> memref<1x40x128xf32, #tpu.memory_space<vmem>>
      %dma_wait3A_341 = tpu.memref_squeeze %dma_wait3A_340 : memref<1x40x128xf32, #tpu.memory_space<vmem>> -> memref<40x128xf32, #tpu.memory_space<vmem>>
      %dma_wait3A_342 = arith.constant 0 : i32
      %dma_wait3A_343 = arith.constant 0 : i32
      %dma_wait3A_344 = tpu.memref_slice %dma_wait3A_341[%dma_wait3A_342, %dma_wait3A_343] : memref<40x128xf32, #tpu.memory_space<vmem>> -> memref<40x128xf32, #tpu.memory_space<vmem>>
      %dma_wait3A_345 = arith.constant 0 : i32
      %dma_wait3A_346 = tpu.memref_slice %arg7[%add3A_7, %dma_wait3A_345] : memref<10240x128xf32, #tpu.memory_space<vmem_shared>> -> memref<40x128xf32, #tpu.memory_space<vmem_shared>>
      %dma_wait3A_347 = arith.constant 0 : i32
      %dma_wait3A_348 = tpu.memref_slice %arg7[%add3A_7, %dma_wait3A_347] : memref<10240x128xf32, #tpu.memory_space<vmem_shared>> -> memref<40x128xf32, #tpu.memory_space<vmem_shared>>
      %dma_wait3A_349 = arith.constant 0 : i32
      %dma_wait3A_350 = arith.constant 0 : i32
      %dma_wait3A_351 = tpu.memref_slice %arg10[%run_scoped3A_8, %dma_wait3A_349, %dma_wait3A_350] : memref<5x40x128xf32, #tpu.memory_space<vmem>> -> memref<1x40x128xf32, #tpu.memory_space<vmem>>
      %dma_wait3A_352 = tpu.memref_squeeze %dma_wait3A_351 : memref<1x40x128xf32, #tpu.memory_space<vmem>> -> memref<40x128xf32, #tpu.memory_space<vmem>>
      %dma_wait3A_353 = arith.constant 0 : i32
      %dma_wait3A_354 = arith.constant 0 : i32
      %dma_wait3A_355 = tpu.memref_slice %dma_wait3A_352[%dma_wait3A_353, %dma_wait3A_354] : memref<40x128xf32, #tpu.memory_space<vmem>> -> memref<40x128xf32, #tpu.memory_space<vmem>>
      tpu.wait_dma2 semaphore(%run_scoped3A_319 : memref<!tpu.dma_semaphore, #tpu.memory_space<semaphore_mem>>) src(%dma_wait3A_355 : memref<40x128xf32, #tpu.memory_space<vmem>>) dst(%dma_wait3A_348 : memref<40x128xf32, #tpu.memory_space<vmem_shared>>)
      tpu.yield
    }) : () -> ()
    %add3A_9 = arith.constant 80 : i32
    %add3A_10 = arith.addi %mul3A_2, %add3A_9 : i32
    %run_scoped3A_11 = arith.constant 0 : i32
    "tpu.region"() ({
      %run_scoped3A_319 = tpu.sem_alloc : memref<!tpu.dma_semaphore, #tpu.memory_space<semaphore_mem>>
      %dma_start3A_320 = arith.constant 0 : i32
      %dma_start3A_321 = arith.constant 0 : i32
      %dma_start3A_322 = tpu.memref_slice %arg10[%run_scoped3A_11, %dma_start3A_320, %dma_start3A_321] : memref<5x40x128xf32, #tpu.memory_space<vmem>> -> memref<1x40x128xf32, #tpu.memory_space<vmem>>
      %dma_start3A_323 = tpu.memref_squeeze %dma_start3A_322 : memref<1x40x128xf32, #tpu.memory_space<vmem>> -> memref<40x128xf32, #tpu.memory_space<vmem>>
      %dma_start3A_324 = arith.constant 0 : i32
      %dma_start3A_325 = arith.constant 0 : i32
      %dma_start3A_326 = tpu.memref_slice %dma_start3A_323[%dma_start3A_324, %dma_start3A_325] : memref<40x128xf32, #tpu.memory_space<vmem>> -> memref<40x128xf32, #tpu.memory_space<vmem>>
      %dma_start3A_327 = arith.constant 0 : i32
      %dma_start3A_328 = tpu.memref_slice %arg7[%add3A_10, %dma_start3A_327] : memref<10240x128xf32, #tpu.memory_space<vmem_shared>> -> memref<40x128xf32, #tpu.memory_space<vmem_shared>>
      %dma_start3A_329 = arith.constant 0 : i32
      %dma_start3A_330 = tpu.memref_slice %arg7[%add3A_10, %dma_start3A_329] : memref<10240x128xf32, #tpu.memory_space<vmem_shared>> -> memref<40x128xf32, #tpu.memory_space<vmem_shared>>
      %dma_start3A_331 = arith.constant 0 : i32
      %dma_start3A_332 = arith.constant 0 : i32
      %dma_start3A_333 = tpu.memref_slice %arg10[%run_scoped3A_11, %dma_start3A_331, %dma_start3A_332] : memref<5x40x128xf32, #tpu.memory_space<vmem>> -> memref<1x40x128xf32, #tpu.memory_space<vmem>>
      %dma_start3A_334 = tpu.memref_squeeze %dma_start3A_333 : memref<1x40x128xf32, #tpu.memory_space<vmem>> -> memref<40x128xf32, #tpu.memory_space<vmem>>
      %dma_start3A_335 = arith.constant 0 : i32
      %dma_start3A_336 = arith.constant 0 : i32
      %dma_start3A_337 = tpu.memref_slice %dma_start3A_334[%dma_start3A_335, %dma_start3A_336] : memref<40x128xf32, #tpu.memory_space<vmem>> -> memref<40x128xf32, #tpu.memory_space<vmem>>
      tpu.enqueue_dma source(%dma_start3A_337 : memref<40x128xf32, #tpu.memory_space<vmem>>) target(%dma_start3A_330 : memref<40x128xf32, #tpu.memory_space<vmem_shared>>) target_semaphore(%run_scoped3A_319 : memref<!tpu.dma_semaphore, #tpu.memory_space<semaphore_mem>>)
      %dma_wait3A_338 = arith.constant 0 : i32
      %dma_wait3A_339 = arith.constant 0 : i32
      %dma_wait3A_340 = tpu.memref_slice %arg10[%run_scoped3A_11, %dma_wait3A_338, %dma_wait3A_339] : memref<5x40x128xf32, #tpu.memory_space<vmem>> -> memref<1x40x128xf32, #tpu.memory_space<vmem>>
      %dma_wait3A_341 = tpu.memref_squeeze %dma_wait3A_340 : memref<1x40x128xf32, #tpu.memory_space<vmem>> -> memref<40x128xf32, #tpu.memory_space<vmem>>
      %dma_wait3A_342 = arith.constant 0 : i32
      %dma_wait3A_343 = arith.constant 0 : i32
      %dma_wait3A_344 = tpu.memref_slice %dma_wait3A_341[%dma_wait3A_342, %dma_wait3A_343] : memref<40x128xf32, #tpu.memory_space<vmem>> -> memref<40x128xf32, #tpu.memory_space<vmem>>
      %dma_wait3A_345 = arith.constant 0 : i32
      %dma_wait3A_346 = tpu.memref_slice %arg7[%add3A_10, %dma_wait3A_345] : memref<10240x128xf32, #tpu.memory_space<vmem_shared>> -> memref<40x128xf32, #tpu.memory_space<vmem_shared>>
      %dma_wait3A_347 = arith.constant 0 : i32
      %dma_wait3A_348 = tpu.memref_slice %arg7[%add3A_10, %dma_wait3A_347] : memref<10240x128xf32, #tpu.memory_space<vmem_shared>> -> memref<40x128xf32, #tpu.memory_space<vmem_shared>>
      %dma_wait3A_349 = arith.constant 0 : i32
      %dma_wait3A_350 = arith.constant 0 : i32
      %dma_wait3A_351 = tpu.memref_slice %arg10[%run_scoped3A_11, %dma_wait3A_349, %dma_wait3A_350] : memref<5x40x128xf32, #tpu.memory_space<vmem>> -> memref<1x40x128xf32, #tpu.memory_space<vmem>>
      %dma_wait3A_352 = tpu.memref_squeeze %dma_wait3A_351 : memref<1x40x128xf32, #tpu.memory_space<vmem>> -> memref<40x128xf32, #tpu.memory_space<vmem>>
      %dma_wait3A_353 = arith.constant 0 : i32
      %dma_wait3A_354 = arith.constant 0 : i32
      %dma_wait3A_355 = tpu.memref_slice %dma_wait3A_352[%dma_wait3A_353, %dma_wait3A_354] : memref<40x128xf32, #tpu.memory_space<vmem>> -> memref<40x128xf32, #tpu.memory_space<vmem>>
      tpu.wait_dma2 semaphore(%run_scoped3A_319 : memref<!tpu.dma_semaphore, #tpu.memory_space<semaphore_mem>>) src(%dma_wait3A_355 : memref<40x128xf32, #tpu.memory_space<vmem>>) dst(%dma_wait3A_348 : memref<40x128xf32, #tpu.memory_space<vmem_shared>>)
      tpu.yield
    }) : () -> ()
    %add3A_12 = arith.constant 120 : i32
    %add3A_13 = arith.addi %mul3A_2, %add3A_12 : i32
    %run_scoped3A_14 = arith.constant 0 : i32
    "tpu.region"() ({
      %run_scoped3A_319 = tpu.sem_alloc : memref<!tpu.dma_semaphore, #tpu.memory_space<semaphore_mem>>
      %dma_start3A_320 = arith.constant 0 : i32
      %dma_start3A_321 = arith.constant 0 : i32
      %dma_start3A_322 = tpu.memref_slice %arg10[%run_scoped3A_14, %dma_start3A_320, %dma_start3A_321] : memref<5x40x128xf32, #tpu.memory_space<vmem>> -> memref<1x40x128xf32, #tpu.memory_space<vmem>>
      %dma_start3A_323 = tpu.memref_squeeze %dma_start3A_322 : memref<1x40x128xf32, #tpu.memory_space<vmem>> -> memref<40x128xf32, #tpu.memory_space<vmem>>
      %dma_start3A_324 = arith.constant 0 : i32
      %dma_start3A_325 = arith.constant 0 : i32
      %dma_start3A_326 = tpu.memref_slice %dma_start3A_323[%dma_start3A_324, %dma_start3A_325] : memref<40x128xf32, #tpu.memory_space<vmem>> -> memref<40x128xf32, #tpu.memory_space<vmem>>
      %dma_start3A_327 = arith.constant 0 : i32
      %dma_start3A_328 = tpu.memref_slice %arg7[%add3A_13, %dma_start3A_327] : memref<10240x128xf32, #tpu.memory_space<vmem_shared>> -> memref<40x128xf32, #tpu.memory_space<vmem_shared>>
      %dma_start3A_329 = arith.constant 0 : i32
      %dma_start3A_330 = tpu.memref_slice %arg7[%add3A_13, %dma_start3A_329] : memref<10240x128xf32, #tpu.memory_space<vmem_shared>> -> memref<40x128xf32, #tpu.memory_space<vmem_shared>>
      %dma_start3A_331 = arith.constant 0 : i32
      %dma_start3A_332 = arith.constant 0 : i32
      %dma_start3A_333 = tpu.memref_slice %arg10[%run_scoped3A_14, %dma_start3A_331, %dma_start3A_332] : memref<5x40x128xf32, #tpu.memory_space<vmem>> -> memref<1x40x128xf32, #tpu.memory_space<vmem>>
      %dma_start3A_334 = tpu.memref_squeeze %dma_start3A_333 : memref<1x40x128xf32, #tpu.memory_space<vmem>> -> memref<40x128xf32, #tpu.memory_space<vmem>>
      %dma_start3A_335 = arith.constant 0 : i32
      %dma_start3A_336 = arith.constant 0 : i32
      %dma_start3A_337 = tpu.memref_slice %dma_start3A_334[%dma_start3A_335, %dma_start3A_336] : memref<40x128xf32, #tpu.memory_space<vmem>> -> memref<40x128xf32, #tpu.memory_space<vmem>>
      tpu.enqueue_dma source(%dma_start3A_337 : memref<40x128xf32, #tpu.memory_space<vmem>>) target(%dma_start3A_330 : memref<40x128xf32, #tpu.memory_space<vmem_shared>>) target_semaphore(%run_scoped3A_319 : memref<!tpu.dma_semaphore, #tpu.memory_space<semaphore_mem>>)
      %dma_wait3A_338 = arith.constant 0 : i32
      %dma_wait3A_339 = arith.constant 0 : i32
      %dma_wait3A_340 = tpu.memref_slice %arg10[%run_scoped3A_14, %dma_wait3A_338, %dma_wait3A_339] : memref<5x40x128xf32, #tpu.memory_space<vmem>> -> memref<1x40x128xf32, #tpu.memory_space<vmem>>
      %dma_wait3A_341 = tpu.memref_squeeze %dma_wait3A_340 : memref<1x40x128xf32, #tpu.memory_space<vmem>> -> memref<40x128xf32, #tpu.memory_space<vmem>>
      %dma_wait3A_342 = arith.constant 0 : i32
      %dma_wait3A_343 = arith.constant 0 : i32
      %dma_wait3A_344 = tpu.memref_slice %dma_wait3A_341[%dma_wait3A_342, %dma_wait3A_343] : memref<40x128xf32, #tpu.memory_space<vmem>> -> memref<40x128xf32, #tpu.memory_space<vmem>>
      %dma_wait3A_345 = arith.constant 0 : i32
      %dma_wait3A_346 = tpu.memref_slice %arg7[%add3A_13, %dma_wait3A_345] : memref<10240x128xf32, #tpu.memory_space<vmem_shared>> -> memref<40x128xf32, #tpu.memory_space<vmem_shared>>
      %dma_wait3A_347 = arith.constant 0 : i32
      %dma_wait3A_348 = tpu.memref_slice %arg7[%add3A_13, %dma_wait3A_347] : memref<10240x128xf32, #tpu.memory_space<vmem_shared>> -> memref<40x128xf32, #tpu.memory_space<vmem_shared>>
      %dma_wait3A_349 = arith.constant 0 : i32
      %dma_wait3A_350 = arith.constant 0 : i32
      %dma_wait3A_351 = tpu.memref_slice %arg10[%run_scoped3A_14, %dma_wait3A_349, %dma_wait3A_350] : memref<5x40x128xf32, #tpu.memory_space<vmem>> -> memref<1x40x128xf32, #tpu.memory_space<vmem>>
      %dma_wait3A_352 = tpu.memref_squeeze %dma_wait3A_351 : memref<1x40x128xf32, #tpu.memory_space<vmem>> -> memref<40x128xf32, #tpu.memory_space<vmem>>
      %dma_wait3A_353 = arith.constant 0 : i32
      %dma_wait3A_354 = arith.constant 0 : i32
      %dma_wait3A_355 = tpu.memref_slice %dma_wait3A_352[%dma_wait3A_353, %dma_wait3A_354] : memref<40x128xf32, #tpu.memory_space<vmem>> -> memref<40x128xf32, #tpu.memory_space<vmem>>
      tpu.wait_dma2 semaphore(%run_scoped3A_319 : memref<!tpu.dma_semaphore, #tpu.memory_space<semaphore_mem>>) src(%dma_wait3A_355 : memref<40x128xf32, #tpu.memory_space<vmem>>) dst(%dma_wait3A_348 : memref<40x128xf32, #tpu.memory_space<vmem_shared>>)
      tpu.yield
    }) : () -> ()
    %add3A_15 = arith.constant 160 : i32
    %add3A_16 = arith.addi %mul3A_2, %add3A_15 : i32
    %run_scoped3A_17 = arith.constant 0 : i32
    "tpu.region"() ({
      %run_scoped3A_319 = tpu.sem_alloc : memref<!tpu.dma_semaphore, #tpu.memory_space<semaphore_mem>>
      %dma_start3A_320 = arith.constant 0 : i32
      %dma_start3A_321 = arith.constant 0 : i32
      %dma_start3A_322 = tpu.memref_slice %arg10[%run_scoped3A_17, %dma_start3A_320, %dma_start3A_321] : memref<5x40x128xf32, #tpu.memory_space<vmem>> -> memref<1x40x128xf32, #tpu.memory_space<vmem>>
      %dma_start3A_323 = tpu.memref_squeeze %dma_start3A_322 : memref<1x40x128xf32, #tpu.memory_space<vmem>> -> memref<40x128xf32, #tpu.memory_space<vmem>>
      %dma_start3A_324 = arith.constant 0 : i32
      %dma_start3A_325 = arith.constant 0 : i32
      %dma_start3A_326 = tpu.memref_slice %dma_start3A_323[%dma_start3A_324, %dma_start3A_325] : memref<40x128xf32, #tpu.memory_space<vmem>> -> memref<40x128xf32, #tpu.memory_space<vmem>>
      %dma_start3A_327 = arith.constant 0 : i32
      %dma_start3A_328 = tpu.memref_slice %arg7[%add3A_16, %dma_start3A_327] : memref<10240x128xf32, #tpu.memory_space<vmem_shared>> -> memref<40x128xf32, #tpu.memory_space<vmem_shared>>
      %dma_start3A_329 = arith.constant 0 : i32
      %dma_start3A_330 = tpu.memref_slice %arg7[%add3A_16, %dma_start3A_329] : memref<10240x128xf32, #tpu.memory_space<vmem_shared>> -> memref<40x128xf32, #tpu.memory_space<vmem_shared>>
      %dma_start3A_331 = arith.constant 0 : i32
      %dma_start3A_332 = arith.constant 0 : i32
      %dma_start3A_333 = tpu.memref_slice %arg10[%run_scoped3A_17, %dma_start3A_331, %dma_start3A_332] : memref<5x40x128xf32, #tpu.memory_space<vmem>> -> memref<1x40x128xf32, #tpu.memory_space<vmem>>
      %dma_start3A_334 = tpu.memref_squeeze %dma_start3A_333 : memref<1x40x128xf32, #tpu.memory_space<vmem>> -> memref<40x128xf32, #tpu.memory_space<vmem>>
      %dma_start3A_335 = arith.constant 0 : i32
      %dma_start3A_336 = arith.constant 0 : i32
      %dma_start3A_337 = tpu.memref_slice %dma_start3A_334[%dma_start3A_335, %dma_start3A_336] : memref<40x128xf32, #tpu.memory_space<vmem>> -> memref<40x128xf32, #tpu.memory_space<vmem>>
      tpu.enqueue_dma source(%dma_start3A_337 : memref<40x128xf32, #tpu.memory_space<vmem>>) target(%dma_start3A_330 : memref<40x128xf32, #tpu.memory_space<vmem_shared>>) target_semaphore(%run_scoped3A_319 : memref<!tpu.dma_semaphore, #tpu.memory_space<semaphore_mem>>)
      %dma_wait3A_338 = arith.constant 0 : i32
      %dma_wait3A_339 = arith.constant 0 : i32
      %dma_wait3A_340 = tpu.memref_slice %arg10[%run_scoped3A_17, %dma_wait3A_338, %dma_wait3A_339] : memref<5x40x128xf32, #tpu.memory_space<vmem>> -> memref<1x40x128xf32, #tpu.memory_space<vmem>>
      %dma_wait3A_341 = tpu.memref_squeeze %dma_wait3A_340 : memref<1x40x128xf32, #tpu.memory_space<vmem>> -> memref<40x128xf32, #tpu.memory_space<vmem>>
      %dma_wait3A_342 = arith.constant 0 : i32
      %dma_wait3A_343 = arith.constant 0 : i32
      %dma_wait3A_344 = tpu.memref_slice %dma_wait3A_341[%dma_wait3A_342, %dma_wait3A_343] : memref<40x128xf32, #tpu.memory_space<vmem>> -> memref<40x128xf32, #tpu.memory_space<vmem>>
      %dma_wait3A_345 = arith.constant 0 : i32
      %dma_wait3A_346 = tpu.memref_slice %arg7[%add3A_16, %dma_wait3A_345] : memref<10240x128xf32, #tpu.memory_space<vmem_shared>> -> memref<40x128xf32, #tpu.memory_space<vmem_shared>>
      %dma_wait3A_347 = arith.constant 0 : i32
      %dma_wait3A_348 = tpu.memref_slice %arg7[%add3A_16, %dma_wait3A_347] : memref<10240x128xf32, #tpu.memory_space<vmem_shared>> -> memref<40x128xf32, #tpu.memory_space<vmem_shared>>
      %dma_wait3A_349 = arith.constant 0 : i32
      %dma_wait3A_350 = arith.constant 0 : i32
      %dma_wait3A_351 = tpu.memref_slice %arg10[%run_scoped3A_17, %dma_wait3A_349, %dma_wait3A_350] : memref<5x40x128xf32, #tpu.memory_space<vmem>> -> memref<1x40x128xf32, #tpu.memory_space<vmem>>
      %dma_wait3A_352 = tpu.memref_squeeze %dma_wait3A_351 : memref<1x40x128xf32, #tpu.memory_space<vmem>> -> memref<40x128xf32, #tpu.memory_space<vmem>>
      %dma_wait3A_353 = arith.constant 0 : i32
      %dma_wait3A_354 = arith.constant 0 : i32
      %dma_wait3A_355 = tpu.memref_slice %dma_wait3A_352[%dma_wait3A_353, %dma_wait3A_354] : memref<40x128xf32, #tpu.memory_space<vmem>> -> memref<40x128xf32, #tpu.memory_space<vmem>>
      tpu.wait_dma2 semaphore(%run_scoped3A_319 : memref<!tpu.dma_semaphore, #tpu.memory_space<semaphore_mem>>) src(%dma_wait3A_355 : memref<40x128xf32, #tpu.memory_space<vmem>>) dst(%dma_wait3A_348 : memref<40x128xf32, #tpu.memory_space<vmem_shared>>)
      tpu.yield
    }) : () -> ()
    %add3A_18 = arith.constant 200 : i32
    %add3A_19 = arith.addi %mul3A_2, %add3A_18 : i32
    %run_scoped3A_20 = arith.constant 0 : i32
    "tpu.region"() ({
      %run_scoped3A_319 = tpu.sem_alloc : memref<!tpu.dma_semaphore, #tpu.memory_space<semaphore_mem>>
      %dma_start3A_320 = arith.constant 0 : i32
      %dma_start3A_321 = arith.constant 0 : i32
      %dma_start3A_322 = tpu.memref_slice %arg10[%run_scoped3A_20, %dma_start3A_320, %dma_start3A_321] : memref<5x40x128xf32, #tpu.memory_space<vmem>> -> memref<1x40x128xf32, #tpu.memory_space<vmem>>
      %dma_start3A_323 = tpu.memref_squeeze %dma_start3A_322 : memref<1x40x128xf32, #tpu.memory_space<vmem>> -> memref<40x128xf32, #tpu.memory_space<vmem>>
      %dma_start3A_324 = arith.constant 0 : i32
      %dma_start3A_325 = arith.constant 0 : i32
      %dma_start3A_326 = tpu.memref_slice %dma_start3A_323[%dma_start3A_324, %dma_start3A_325] : memref<40x128xf32, #tpu.memory_space<vmem>> -> memref<40x128xf32, #tpu.memory_space<vmem>>
      %dma_start3A_327 = arith.constant 0 : i32
      %dma_start3A_328 = tpu.memref_slice %arg7[%add3A_19, %dma_start3A_327] : memref<10240x128xf32, #tpu.memory_space<vmem_shared>> -> memref<40x128xf32, #tpu.memory_space<vmem_shared>>
      %dma_start3A_329 = arith.constant 0 : i32
      %dma_start3A_330 = tpu.memref_slice %arg7[%add3A_19, %dma_start3A_329] : memref<10240x128xf32, #tpu.memory_space<vmem_shared>> -> memref<40x128xf32, #tpu.memory_space<vmem_shared>>
      %dma_start3A_331 = arith.constant 0 : i32
      %dma_start3A_332 = arith.constant 0 : i32
      %dma_start3A_333 = tpu.memref_slice %arg10[%run_scoped3A_20, %dma_start3A_331, %dma_start3A_332] : memref<5x40x128xf32, #tpu.memory_space<vmem>> -> memref<1x40x128xf32, #tpu.memory_space<vmem>>
      %dma_start3A_334 = tpu.memref_squeeze %dma_start3A_333 : memref<1x40x128xf32, #tpu.memory_space<vmem>> -> memref<40x128xf32, #tpu.memory_space<vmem>>
      %dma_start3A_335 = arith.constant 0 : i32
      %dma_start3A_336 = arith.constant 0 : i32
      %dma_start3A_337 = tpu.memref_slice %dma_start3A_334[%dma_start3A_335, %dma_start3A_336] : memref<40x128xf32, #tpu.memory_space<vmem>> -> memref<40x128xf32, #tpu.memory_space<vmem>>
      tpu.enqueue_dma source(%dma_start3A_337 : memref<40x128xf32, #tpu.memory_space<vmem>>) target(%dma_start3A_330 : memref<40x128xf32, #tpu.memory_space<vmem_shared>>) target_semaphore(%run_scoped3A_319 : memref<!tpu.dma_semaphore, #tpu.memory_space<semaphore_mem>>)
      %dma_wait3A_338 = arith.constant 0 : i32
      %dma_wait3A_339 = arith.constant 0 : i32
      %dma_wait3A_340 = tpu.memref_slice %arg10[%run_scoped3A_20, %dma_wait3A_338, %dma_wait3A_339] : memref<5x40x128xf32, #tpu.memory_space<vmem>> -> memref<1x40x128xf32, #tpu.memory_space<vmem>>
      %dma_wait3A_341 = tpu.memref_squeeze %dma_wait3A_340 : memref<1x40x128xf32, #tpu.memory_space<vmem>> -> memref<40x128xf32, #tpu.memory_space<vmem>>
      %dma_wait3A_342 = arith.constant 0 : i32
      %dma_wait3A_343 = arith.constant 0 : i32
      %dma_wait3A_344 = tpu.memref_slice %dma_wait3A_341[%dma_wait3A_342, %dma_wait3A_343] : memref<40x128xf32, #tpu.memory_space<vmem>> -> memref<40x128xf32, #tpu.memory_space<vmem>>
      %dma_wait3A_345 = arith.constant 0 : i32
      %dma_wait3A_346 = tpu.memref_slice %arg7[%add3A_19, %dma_wait3A_345] : memref<10240x128xf32, #tpu.memory_space<vmem_shared>> -> memref<40x128xf32, #tpu.memory_space<vmem_shared>>
      %dma_wait3A_347 = arith.constant 0 : i32
      %dma_wait3A_348 = tpu.memref_slice %arg7[%add3A_19, %dma_wait3A_347] : memref<10240x128xf32, #tpu.memory_space<vmem_shared>> -> memref<40x128xf32, #tpu.memory_space<vmem_shared>>
      %dma_wait3A_349 = arith.constant 0 : i32
      %dma_wait3A_350 = arith.constant 0 : i32
      %dma_wait3A_351 = tpu.memref_slice %arg10[%run_scoped3A_20, %dma_wait3A_349, %dma_wait3A_350] : memref<5x40x128xf32, #tpu.memory_space<vmem>> -> memref<1x40x128xf32, #tpu.memory_space<vmem>>
      %dma_wait3A_352 = tpu.memref_squeeze %dma_wait3A_351 : memref<1x40x128xf32, #tpu.memory_space<vmem>> -> memref<40x128xf32, #tpu.memory_space<vmem>>
      %dma_wait3A_353 = arith.constant 0 : i32
      %dma_wait3A_354 = arith.constant 0 : i32
      %dma_wait3A_355 = tpu.memref_slice %dma_wait3A_352[%dma_wait3A_353, %dma_wait3A_354] : memref<40x128xf32, #tpu.memory_space<vmem>> -> memref<40x128xf32, #tpu.memory_space<vmem>>
      tpu.wait_dma2 semaphore(%run_scoped3A_319 : memref<!tpu.dma_semaphore, #tpu.memory_space<semaphore_mem>>) src(%dma_wait3A_355 : memref<40x128xf32, #tpu.memory_space<vmem>>) dst(%dma_wait3A_348 : memref<40x128xf32, #tpu.memory_space<vmem_shared>>)
      tpu.yield
    }) : () -> ()
    %add3A_21 = arith.constant 240 : i32
    %add3A_22 = arith.addi %mul3A_2, %add3A_21 : i32
    %run_scoped3A_23 = arith.constant 0 : i32
    "tpu.region"() ({
      %run_scoped3A_319 = tpu.sem_alloc : memref<!tpu.dma_semaphore, #tpu.memory_space<semaphore_mem>>
      %dma_start3A_320 = arith.constant 0 : i32
      %dma_start3A_321 = arith.constant 0 : i32
      %dma_start3A_322 = tpu.memref_slice %arg10[%run_scoped3A_23, %dma_start3A_320, %dma_start3A_321] : memref<5x40x128xf32, #tpu.memory_space<vmem>> -> memref<1x40x128xf32, #tpu.memory_space<vmem>>
      %dma_start3A_323 = tpu.memref_squeeze %dma_start3A_322 : memref<1x40x128xf32, #tpu.memory_space<vmem>> -> memref<40x128xf32, #tpu.memory_space<vmem>>
      %dma_start3A_324 = arith.constant 0 : i32
      %dma_start3A_325 = arith.constant 0 : i32
      %dma_start3A_326 = tpu.memref_slice %dma_start3A_323[%dma_start3A_324, %dma_start3A_325] : memref<40x128xf32, #tpu.memory_space<vmem>> -> memref<40x128xf32, #tpu.memory_space<vmem>>
      %dma_start3A_327 = arith.constant 0 : i32
      %dma_start3A_328 = tpu.memref_slice %arg7[%add3A_22, %dma_start3A_327] : memref<10240x128xf32, #tpu.memory_space<vmem_shared>> -> memref<40x128xf32, #tpu.memory_space<vmem_shared>>
      %dma_start3A_329 = arith.constant 0 : i32
      %dma_start3A_330 = tpu.memref_slice %arg7[%add3A_22, %dma_start3A_329] : memref<10240x128xf32, #tpu.memory_space<vmem_shared>> -> memref<40x128xf32, #tpu.memory_space<vmem_shared>>
      %dma_start3A_331 = arith.constant 0 : i32
      %dma_start3A_332 = arith.constant 0 : i32
      %dma_start3A_333 = tpu.memref_slice %arg10[%run_scoped3A_23, %dma_start3A_331, %dma_start3A_332] : memref<5x40x128xf32, #tpu.memory_space<vmem>> -> memref<1x40x128xf32, #tpu.memory_space<vmem>>
      %dma_start3A_334 = tpu.memref_squeeze %dma_start3A_333 : memref<1x40x128xf32, #tpu.memory_space<vmem>> -> memref<40x128xf32, #tpu.memory_space<vmem>>
      %dma_start3A_335 = arith.constant 0 : i32
      %dma_start3A_336 = arith.constant 0 : i32
      %dma_start3A_337 = tpu.memref_slice %dma_start3A_334[%dma_start3A_335, %dma_start3A_336] : memref<40x128xf32, #tpu.memory_space<vmem>> -> memref<40x128xf32, #tpu.memory_space<vmem>>
      tpu.enqueue_dma source(%dma_start3A_337 : memref<40x128xf32, #tpu.memory_space<vmem>>) target(%dma_start3A_330 : memref<40x128xf32, #tpu.memory_space<vmem_shared>>) target_semaphore(%run_scoped3A_319 : memref<!tpu.dma_semaphore, #tpu.memory_space<semaphore_mem>>)
      %dma_wait3A_338 = arith.constant 0 : i32
      %dma_wait3A_339 = arith.constant 0 : i32
      %dma_wait3A_340 = tpu.memref_slice %arg10[%run_scoped3A_23, %dma_wait3A_338, %dma_wait3A_339] : memref<5x40x128xf32, #tpu.memory_space<vmem>> -> memref<1x40x128xf32, #tpu.memory_space<vmem>>
      %dma_wait3A_341 = tpu.memref_squeeze %dma_wait3A_340 : memref<1x40x128xf32, #tpu.memory_space<vmem>> -> memref<40x128xf32, #tpu.memory_space<vmem>>
      %dma_wait3A_342 = arith.constant 0 : i32
      %dma_wait3A_343 = arith.constant 0 : i32
      %dma_wait3A_344 = tpu.memref_slice %dma_wait3A_341[%dma_wait3A_342, %dma_wait3A_343] : memref<40x128xf32, #tpu.memory_space<vmem>> -> memref<40x128xf32, #tpu.memory_space<vmem>>
      %dma_wait3A_345 = arith.constant 0 : i32
      %dma_wait3A_346 = tpu.memref_slice %arg7[%add3A_22, %dma_wait3A_345] : memref<10240x128xf32, #tpu.memory_space<vmem_shared>> -> memref<40x128xf32, #tpu.memory_space<vmem_shared>>
      %dma_wait3A_347 = arith.constant 0 : i32
      %dma_wait3A_348 = tpu.memref_slice %arg7[%add3A_22, %dma_wait3A_347] : memref<10240x128xf32, #tpu.memory_space<vmem_shared>> -> memref<40x128xf32, #tpu.memory_space<vmem_shared>>
      %dma_wait3A_349 = arith.constant 0 : i32
      %dma_wait3A_350 = arith.constant 0 : i32
      %dma_wait3A_351 = tpu.memref_slice %arg10[%run_scoped3A_23, %dma_wait3A_349, %dma_wait3A_350] : memref<5x40x128xf32, #tpu.memory_space<vmem>> -> memref<1x40x128xf32, #tpu.memory_space<vmem>>
      %dma_wait3A_352 = tpu.memref_squeeze %dma_wait3A_351 : memref<1x40x128xf32, #tpu.memory_space<vmem>> -> memref<40x128xf32, #tpu.memory_space<vmem>>
      %dma_wait3A_353 = arith.constant 0 : i32
      %dma_wait3A_354 = arith.constant 0 : i32
      %dma_wait3A_355 = tpu.memref_slice %dma_wait3A_352[%dma_wait3A_353, %dma_wait3A_354] : memref<40x128xf32, #tpu.memory_space<vmem>> -> memref<40x128xf32, #tpu.memory_space<vmem>>
      tpu.wait_dma2 semaphore(%run_scoped3A_319 : memref<!tpu.dma_semaphore, #tpu.memory_space<semaphore_mem>>) src(%dma_wait3A_355 : memref<40x128xf32, #tpu.memory_space<vmem>>) dst(%dma_wait3A_348 : memref<40x128xf32, #tpu.memory_space<vmem_shared>>)
      tpu.yield
    }) : () -> ()
    %add3A_24 = arith.constant 280 : i32
    %add3A_25 = arith.addi %mul3A_2, %add3A_24 : i32
    %run_scoped3A_26 = arith.constant 0 : i32
    "tpu.region"() ({
      %run_scoped3A_319 = tpu.sem_alloc : memref<!tpu.dma_semaphore, #tpu.memory_space<semaphore_mem>>
      %dma_start3A_320 = arith.constant 0 : i32
      %dma_start3A_321 = arith.constant 0 : i32
      %dma_start3A_322 = tpu.memref_slice %arg10[%run_scoped3A_26, %dma_start3A_320, %dma_start3A_321] : memref<5x40x128xf32, #tpu.memory_space<vmem>> -> memref<1x40x128xf32, #tpu.memory_space<vmem>>
      %dma_start3A_323 = tpu.memref_squeeze %dma_start3A_322 : memref<1x40x128xf32, #tpu.memory_space<vmem>> -> memref<40x128xf32, #tpu.memory_space<vmem>>
      %dma_start3A_324 = arith.constant 0 : i32
      %dma_start3A_325 = arith.constant 0 : i32
      %dma_start3A_326 = tpu.memref_slice %dma_start3A_323[%dma_start3A_324, %dma_start3A_325] : memref<40x128xf32, #tpu.memory_space<vmem>> -> memref<40x128xf32, #tpu.memory_space<vmem>>
      %dma_start3A_327 = arith.constant 0 : i32
      %dma_start3A_328 = tpu.memref_slice %arg7[%add3A_25, %dma_start3A_327] : memref<10240x128xf32, #tpu.memory_space<vmem_shared>> -> memref<40x128xf32, #tpu.memory_space<vmem_shared>>
      %dma_start3A_329 = arith.constant 0 : i32
      %dma_start3A_330 = tpu.memref_slice %arg7[%add3A_25, %dma_start3A_329] : memref<10240x128xf32, #tpu.memory_space<vmem_shared>> -> memref<40x128xf32, #tpu.memory_space<vmem_shared>>
      %dma_start3A_331 = arith.constant 0 : i32
      %dma_start3A_332 = arith.constant 0 : i32
      %dma_start3A_333 = tpu.memref_slice %arg10[%run_scoped3A_26, %dma_start3A_331, %dma_start3A_332] : memref<5x40x128xf32, #tpu.memory_space<vmem>> -> memref<1x40x128xf32, #tpu.memory_space<vmem>>
      %dma_start3A_334 = tpu.memref_squeeze %dma_start3A_333 : memref<1x40x128xf32, #tpu.memory_space<vmem>> -> memref<40x128xf32, #tpu.memory_space<vmem>>
      %dma_start3A_335 = arith.constant 0 : i32
      %dma_start3A_336 = arith.constant 0 : i32
      %dma_start3A_337 = tpu.memref_slice %dma_start3A_334[%dma_start3A_335, %dma_start3A_336] : memref<40x128xf32, #tpu.memory_space<vmem>> -> memref<40x128xf32, #tpu.memory_space<vmem>>
      tpu.enqueue_dma source(%dma_start3A_337 : memref<40x128xf32, #tpu.memory_space<vmem>>) target(%dma_start3A_330 : memref<40x128xf32, #tpu.memory_space<vmem_shared>>) target_semaphore(%run_scoped3A_319 : memref<!tpu.dma_semaphore, #tpu.memory_space<semaphore_mem>>)
      %dma_wait3A_338 = arith.constant 0 : i32
      %dma_wait3A_339 = arith.constant 0 : i32
      %dma_wait3A_340 = tpu.memref_slice %arg10[%run_scoped3A_26, %dma_wait3A_338, %dma_wait3A_339] : memref<5x40x128xf32, #tpu.memory_space<vmem>> -> memref<1x40x128xf32, #tpu.memory_space<vmem>>
      %dma_wait3A_341 = tpu.memref_squeeze %dma_wait3A_340 : memref<1x40x128xf32, #tpu.memory_space<vmem>> -> memref<40x128xf32, #tpu.memory_space<vmem>>
      %dma_wait3A_342 = arith.constant 0 : i32
      %dma_wait3A_343 = arith.constant 0 : i32
      %dma_wait3A_344 = tpu.memref_slice %dma_wait3A_341[%dma_wait3A_342, %dma_wait3A_343] : memref<40x128xf32, #tpu.memory_space<vmem>> -> memref<40x128xf32, #tpu.memory_space<vmem>>
      %dma_wait3A_345 = arith.constant 0 : i32
      %dma_wait3A_346 = tpu.memref_slice %arg7[%add3A_25, %dma_wait3A_345] : memref<10240x128xf32, #tpu.memory_space<vmem_shared>> -> memref<40x128xf32, #tpu.memory_space<vmem_shared>>
      %dma_wait3A_347 = arith.constant 0 : i32
      %dma_wait3A_348 = tpu.memref_slice %arg7[%add3A_25, %dma_wait3A_347] : memref<10240x128xf32, #tpu.memory_space<vmem_shared>> -> memref<40x128xf32, #tpu.memory_space<vmem_shared>>
      %dma_wait3A_349 = arith.constant 0 : i32
      %dma_wait3A_350 = arith.constant 0 : i32
      %dma_wait3A_351 = tpu.memref_slice %arg10[%run_scoped3A_26, %dma_wait3A_349, %dma_wait3A_350] : memref<5x40x128xf32, #tpu.memory_space<vmem>> -> memref<1x40x128xf32, #tpu.memory_space<vmem>>
      %dma_wait3A_352 = tpu.memref_squeeze %dma_wait3A_351 : memref<1x40x128xf32, #tpu.memory_space<vmem>> -> memref<40x128xf32, #tpu.memory_space<vmem>>
      %dma_wait3A_353 = arith.constant 0 : i32
      %dma_wait3A_354 = arith.constant 0 : i32
      %dma_wait3A_355 = tpu.memref_slice %dma_wait3A_352[%dma_wait3A_353, %dma_wait3A_354] : memref<40x128xf32, #tpu.memory_space<vmem>> -> memref<40x128xf32, #tpu.memory_space<vmem>>
      tpu.wait_dma2 semaphore(%run_scoped3A_319 : memref<!tpu.dma_semaphore, #tpu.memory_space<semaphore_mem>>) src(%dma_wait3A_355 : memref<40x128xf32, #tpu.memory_space<vmem>>) dst(%dma_wait3A_348 : memref<40x128xf32, #tpu.memory_space<vmem_shared>>)
      tpu.yield
    }) : () -> ()
    %add3A_27 = arith.constant 320 : i32
    %add3A_28 = arith.addi %mul3A_2, %add3A_27 : i32
    %run_scoped3A_29 = arith.constant 0 : i32
    "tpu.region"() ({
      %run_scoped3A_319 = tpu.sem_alloc : memref<!tpu.dma_semaphore, #tpu.memory_space<semaphore_mem>>
      %dma_start3A_320 = arith.constant 0 : i32
      %dma_start3A_321 = arith.constant 0 : i32
      %dma_start3A_322 = tpu.memref_slice %arg10[%run_scoped3A_29, %dma_start3A_320, %dma_start3A_321] : memref<5x40x128xf32, #tpu.memory_space<vmem>> -> memref<1x40x128xf32, #tpu.memory_space<vmem>>
      %dma_start3A_323 = tpu.memref_squeeze %dma_start3A_322 : memref<1x40x128xf32, #tpu.memory_space<vmem>> -> memref<40x128xf32, #tpu.memory_space<vmem>>
      %dma_start3A_324 = arith.constant 0 : i32
      %dma_start3A_325 = arith.constant 0 : i32
      %dma_start3A_326 = tpu.memref_slice %dma_start3A_323[%dma_start3A_324, %dma_start3A_325] : memref<40x128xf32, #tpu.memory_space<vmem>> -> memref<40x128xf32, #tpu.memory_space<vmem>>
      %dma_start3A_327 = arith.constant 0 : i32
      %dma_start3A_328 = tpu.memref_slice %arg7[%add3A_28, %dma_start3A_327] : memref<10240x128xf32, #tpu.memory_space<vmem_shared>> -> memref<40x128xf32, #tpu.memory_space<vmem_shared>>
      %dma_start3A_329 = arith.constant 0 : i32
      %dma_start3A_330 = tpu.memref_slice %arg7[%add3A_28, %dma_start3A_329] : memref<10240x128xf32, #tpu.memory_space<vmem_shared>> -> memref<40x128xf32, #tpu.memory_space<vmem_shared>>
      %dma_start3A_331 = arith.constant 0 : i32
      %dma_start3A_332 = arith.constant 0 : i32
      %dma_start3A_333 = tpu.memref_slice %arg10[%run_scoped3A_29, %dma_start3A_331, %dma_start3A_332] : memref<5x40x128xf32, #tpu.memory_space<vmem>> -> memref<1x40x128xf32, #tpu.memory_space<vmem>>
      %dma_start3A_334 = tpu.memref_squeeze %dma_start3A_333 : memref<1x40x128xf32, #tpu.memory_space<vmem>> -> memref<40x128xf32, #tpu.memory_space<vmem>>
      %dma_start3A_335 = arith.constant 0 : i32
      %dma_start3A_336 = arith.constant 0 : i32
      %dma_start3A_337 = tpu.memref_slice %dma_start3A_334[%dma_start3A_335, %dma_start3A_336] : memref<40x128xf32, #tpu.memory_space<vmem>> -> memref<40x128xf32, #tpu.memory_space<vmem>>
      tpu.enqueue_dma source(%dma_start3A_337 : memref<40x128xf32, #tpu.memory_space<vmem>>) target(%dma_start3A_330 : memref<40x128xf32, #tpu.memory_space<vmem_shared>>) target_semaphore(%run_scoped3A_319 : memref<!tpu.dma_semaphore, #tpu.memory_space<semaphore_mem>>)
      %dma_wait3A_338 = arith.constant 0 : i32
      %dma_wait3A_339 = arith.constant 0 : i32
      %dma_wait3A_340 = tpu.memref_slice %arg10[%run_scoped3A_29, %dma_wait3A_338, %dma_wait3A_339] : memref<5x40x128xf32, #tpu.memory_space<vmem>> -> memref<1x40x128xf32, #tpu.memory_space<vmem>>
      %dma_wait3A_341 = tpu.memref_squeeze %dma_wait3A_340 : memref<1x40x128xf32, #tpu.memory_space<vmem>> -> memref<40x128xf32, #tpu.memory_space<vmem>>
      %dma_wait3A_342 = arith.constant 0 : i32
      %dma_wait3A_343 = arith.constant 0 : i32
      %dma_wait3A_344 = tpu.memref_slice %dma_wait3A_341[%dma_wait3A_342, %dma_wait3A_343] : memref<40x128xf32, #tpu.memory_space<vmem>> -> memref<40x128xf32, #tpu.memory_space<vmem>>
      %dma_wait3A_345 = arith.constant 0 : i32
      %dma_wait3A_346 = tpu.memref_slice %arg7[%add3A_28, %dma_wait3A_345] : memref<10240x128xf32, #tpu.memory_space<vmem_shared>> -> memref<40x128xf32, #tpu.memory_space<vmem_shared>>
      %dma_wait3A_347 = arith.constant 0 : i32
      %dma_wait3A_348 = tpu.memref_slice %arg7[%add3A_28, %dma_wait3A_347] : memref<10240x128xf32, #tpu.memory_space<vmem_shared>> -> memref<40x128xf32, #tpu.memory_space<vmem_shared>>
      %dma_wait3A_349 = arith.constant 0 : i32
      %dma_wait3A_350 = arith.constant 0 : i32
      %dma_wait3A_351 = tpu.memref_slice %arg10[%run_scoped3A_29, %dma_wait3A_349, %dma_wait3A_350] : memref<5x40x128xf32, #tpu.memory_space<vmem>> -> memref<1x40x128xf32, #tpu.memory_space<vmem>>
      %dma_wait3A_352 = tpu.memref_squeeze %dma_wait3A_351 : memref<1x40x128xf32, #tpu.memory_space<vmem>> -> memref<40x128xf32, #tpu.memory_space<vmem>>
      %dma_wait3A_353 = arith.constant 0 : i32
      %dma_wait3A_354 = arith.constant 0 : i32
      %dma_wait3A_355 = tpu.memref_slice %dma_wait3A_352[%dma_wait3A_353, %dma_wait3A_354] : memref<40x128xf32, #tpu.memory_space<vmem>> -> memref<40x128xf32, #tpu.memory_space<vmem>>
      tpu.wait_dma2 semaphore(%run_scoped3A_319 : memref<!tpu.dma_semaphore, #tpu.memory_space<semaphore_mem>>) src(%dma_wait3A_355 : memref<40x128xf32, #tpu.memory_space<vmem>>) dst(%dma_wait3A_348 : memref<40x128xf32, #tpu.memory_space<vmem_shared>>)
      tpu.yield
    }) : () -> ()
    %add3A_30 = arith.constant 360 : i32
    %add3A_31 = arith.addi %mul3A_2, %add3A_30 : i32
    %run_scoped3A_32 = arith.constant 0 : i32
    "tpu.region"() ({
      %run_scoped3A_319 = tpu.sem_alloc : memref<!tpu.dma_semaphore, #tpu.memory_space<semaphore_mem>>
      %dma_start3A_320 = arith.constant 0 : i32
      %dma_start3A_321 = arith.constant 0 : i32
      %dma_start3A_322 = tpu.memref_slice %arg10[%run_scoped3A_32, %dma_start3A_320, %dma_start3A_321] : memref<5x40x128xf32, #tpu.memory_space<vmem>> -> memref<1x40x128xf32, #tpu.memory_space<vmem>>
      %dma_start3A_323 = tpu.memref_squeeze %dma_start3A_322 : memref<1x40x128xf32, #tpu.memory_space<vmem>> -> memref<40x128xf32, #tpu.memory_space<vmem>>
      %dma_start3A_324 = arith.constant 0 : i32
      %dma_start3A_325 = arith.constant 0 : i32
      %dma_start3A_326 = tpu.memref_slice %dma_start3A_323[%dma_start3A_324, %dma_start3A_325] : memref<40x128xf32, #tpu.memory_space<vmem>> -> memref<40x128xf32, #tpu.memory_space<vmem>>
      %dma_start3A_327 = arith.constant 0 : i32
      %dma_start3A_328 = tpu.memref_slice %arg7[%add3A_31, %dma_start3A_327] : memref<10240x128xf32, #tpu.memory_space<vmem_shared>> -> memref<40x128xf32, #tpu.memory_space<vmem_shared>>
      %dma_start3A_329 = arith.constant 0 : i32
      %dma_start3A_330 = tpu.memref_slice %arg7[%add3A_31, %dma_start3A_329] : memref<10240x128xf32, #tpu.memory_space<vmem_shared>> -> memref<40x128xf32, #tpu.memory_space<vmem_shared>>
      %dma_start3A_331 = arith.constant 0 : i32
      %dma_start3A_332 = arith.constant 0 : i32
      %dma_start3A_333 = tpu.memref_slice %arg10[%run_scoped3A_32, %dma_start3A_331, %dma_start3A_332] : memref<5x40x128xf32, #tpu.memory_space<vmem>> -> memref<1x40x128xf32, #tpu.memory_space<vmem>>
      %dma_start3A_334 = tpu.memref_squeeze %dma_start3A_333 : memref<1x40x128xf32, #tpu.memory_space<vmem>> -> memref<40x128xf32, #tpu.memory_space<vmem>>
      %dma_start3A_335 = arith.constant 0 : i32
      %dma_start3A_336 = arith.constant 0 : i32
      %dma_start3A_337 = tpu.memref_slice %dma_start3A_334[%dma_start3A_335, %dma_start3A_336] : memref<40x128xf32, #tpu.memory_space<vmem>> -> memref<40x128xf32, #tpu.memory_space<vmem>>
      tpu.enqueue_dma source(%dma_start3A_337 : memref<40x128xf32, #tpu.memory_space<vmem>>) target(%dma_start3A_330 : memref<40x128xf32, #tpu.memory_space<vmem_shared>>) target_semaphore(%run_scoped3A_319 : memref<!tpu.dma_semaphore, #tpu.memory_space<semaphore_mem>>)
      %dma_wait3A_338 = arith.constant 0 : i32
      %dma_wait3A_339 = arith.constant 0 : i32
      %dma_wait3A_340 = tpu.memref_slice %arg10[%run_scoped3A_32, %dma_wait3A_338, %dma_wait3A_339] : memref<5x40x128xf32, #tpu.memory_space<vmem>> -> memref<1x40x128xf32, #tpu.memory_space<vmem>>
      %dma_wait3A_341 = tpu.memref_squeeze %dma_wait3A_340 : memref<1x40x128xf32, #tpu.memory_space<vmem>> -> memref<40x128xf32, #tpu.memory_space<vmem>>
      %dma_wait3A_342 = arith.constant 0 : i32
      %dma_wait3A_343 = arith.constant 0 : i32
      %dma_wait3A_344 = tpu.memref_slice %dma_wait3A_341[%dma_wait3A_342, %dma_wait3A_343] : memref<40x128xf32, #tpu.memory_space<vmem>> -> memref<40x128xf32, #tpu.memory_space<vmem>>
      %dma_wait3A_345 = arith.constant 0 : i32
      %dma_wait3A_346 = tpu.memref_slice %arg7[%add3A_31, %dma_wait3A_345] : memref<10240x128xf32, #tpu.memory_space<vmem_shared>> -> memref<40x128xf32, #tpu.memory_space<vmem_shared>>
      %dma_wait3A_347 = arith.constant 0 : i32
      %dma_wait3A_348 = tpu.memref_slice %arg7[%add3A_31, %dma_wait3A_347] : memref<10240x128xf32, #tpu.memory_space<vmem_shared>> -> memref<40x128xf32, #tpu.memory_space<vmem_shared>>
      %dma_wait3A_349 = arith.constant 0 : i32
      %dma_wait3A_350 = arith.constant 0 : i32
      %dma_wait3A_351 = tpu.memref_slice %arg10[%run_scoped3A_32, %dma_wait3A_349, %dma_wait3A_350] : memref<5x40x128xf32, #tpu.memory_space<vmem>> -> memref<1x40x128xf32, #tpu.memory_space<vmem>>
      %dma_wait3A_352 = tpu.memref_squeeze %dma_wait3A_351 : memref<1x40x128xf32, #tpu.memory_space<vmem>> -> memref<40x128xf32, #tpu.memory_space<vmem>>
      %dma_wait3A_353 = arith.constant 0 : i32
      %dma_wait3A_354 = arith.constant 0 : i32
      %dma_wait3A_355 = tpu.memref_slice %dma_wait3A_352[%dma_wait3A_353, %dma_wait3A_354] : memref<40x128xf32, #tpu.memory_space<vmem>> -> memref<40x128xf32, #tpu.memory_space<vmem>>
      tpu.wait_dma2 semaphore(%run_scoped3A_319 : memref<!tpu.dma_semaphore, #tpu.memory_space<semaphore_mem>>) src(%dma_wait3A_355 : memref<40x128xf32, #tpu.memory_space<vmem>>) dst(%dma_wait3A_348 : memref<40x128xf32, #tpu.memory_space<vmem_shared>>)
      tpu.yield
    }) : () -> ()
    %add3A_33 = arith.constant 400 : i32
    %add3A_34 = arith.addi %mul3A_2, %add3A_33 : i32
    %run_scoped3A_35 = arith.constant 0 : i32
    "tpu.region"() ({
      %run_scoped3A_319 = tpu.sem_alloc : memref<!tpu.dma_semaphore, #tpu.memory_space<semaphore_mem>>
      %dma_start3A_320 = arith.constant 0 : i32
      %dma_start3A_321 = arith.constant 0 : i32
      %dma_start3A_322 = tpu.memref_slice %arg10[%run_scoped3A_35, %dma_start3A_320, %dma_start3A_321] : memref<5x40x128xf32, #tpu.memory_space<vmem>> -> memref<1x40x128xf32, #tpu.memory_space<vmem>>
      %dma_start3A_323 = tpu.memref_squeeze %dma_start3A_322 : memref<1x40x128xf32, #tpu.memory_space<vmem>> -> memref<40x128xf32, #tpu.memory_space<vmem>>
      %dma_start3A_324 = arith.constant 0 : i32
      %dma_start3A_325 = arith.constant 0 : i32
      %dma_start3A_326 = tpu.memref_slice %dma_start3A_323[%dma_start3A_324, %dma_start3A_325] : memref<40x128xf32, #tpu.memory_space<vmem>> -> memref<40x128xf32, #tpu.memory_space<vmem>>
      %dma_start3A_327 = arith.constant 0 : i32
      %dma_start3A_328 = tpu.memref_slice %arg7[%add3A_34, %dma_start3A_327] : memref<10240x128xf32, #tpu.memory_space<vmem_shared>> -> memref<40x128xf32, #tpu.memory_space<vmem_shared>>
      %dma_start3A_329 = arith.constant 0 : i32
      %dma_start3A_330 = tpu.memref_slice %arg7[%add3A_34, %dma_start3A_329] : memref<10240x128xf32, #tpu.memory_space<vmem_shared>> -> memref<40x128xf32, #tpu.memory_space<vmem_shared>>
      %dma_start3A_331 = arith.constant 0 : i32
      %dma_start3A_332 = arith.constant 0 : i32
      %dma_start3A_333 = tpu.memref_slice %arg10[%run_scoped3A_35, %dma_start3A_331, %dma_start3A_332] : memref<5x40x128xf32, #tpu.memory_space<vmem>> -> memref<1x40x128xf32, #tpu.memory_space<vmem>>
      %dma_start3A_334 = tpu.memref_squeeze %dma_start3A_333 : memref<1x40x128xf32, #tpu.memory_space<vmem>> -> memref<40x128xf32, #tpu.memory_space<vmem>>
      %dma_start3A_335 = arith.constant 0 : i32
      %dma_start3A_336 = arith.constant 0 : i32
      %dma_start3A_337 = tpu.memref_slice %dma_start3A_334[%dma_start3A_335, %dma_start3A_336] : memref<40x128xf32, #tpu.memory_space<vmem>> -> memref<40x128xf32, #tpu.memory_space<vmem>>
      tpu.enqueue_dma source(%dma_start3A_337 : memref<40x128xf32, #tpu.memory_space<vmem>>) target(%dma_start3A_330 : memref<40x128xf32, #tpu.memory_space<vmem_shared>>) target_semaphore(%run_scoped3A_319 : memref<!tpu.dma_semaphore, #tpu.memory_space<semaphore_mem>>)
      %dma_wait3A_338 = arith.constant 0 : i32
      %dma_wait3A_339 = arith.constant 0 : i32
      %dma_wait3A_340 = tpu.memref_slice %arg10[%run_scoped3A_35, %dma_wait3A_338, %dma_wait3A_339] : memref<5x40x128xf32, #tpu.memory_space<vmem>> -> memref<1x40x128xf32, #tpu.memory_space<vmem>>
      %dma_wait3A_341 = tpu.memref_squeeze %dma_wait3A_340 : memref<1x40x128xf32, #tpu.memory_space<vmem>> -> memref<40x128xf32, #tpu.memory_space<vmem>>
      %dma_wait3A_342 = arith.constant 0 : i32
      %dma_wait3A_343 = arith.constant 0 : i32
      %dma_wait3A_344 = tpu.memref_slice %dma_wait3A_341[%dma_wait3A_342, %dma_wait3A_343] : memref<40x128xf32, #tpu.memory_space<vmem>> -> memref<40x128xf32, #tpu.memory_space<vmem>>
      %dma_wait3A_345 = arith.constant 0 : i32
      %dma_wait3A_346 = tpu.memref_slice %arg7[%add3A_34, %dma_wait3A_345] : memref<10240x128xf32, #tpu.memory_space<vmem_shared>> -> memref<40x128xf32, #tpu.memory_space<vmem_shared>>
      %dma_wait3A_347 = arith.constant 0 : i32
      %dma_wait3A_348 = tpu.memref_slice %arg7[%add3A_34, %dma_wait3A_347] : memref<10240x128xf32, #tpu.memory_space<vmem_shared>> -> memref<40x128xf32, #tpu.memory_space<vmem_shared>>
      %dma_wait3A_349 = arith.constant 0 : i32
      %dma_wait3A_350 = arith.constant 0 : i32
      %dma_wait3A_351 = tpu.memref_slice %arg10[%run_scoped3A_35, %dma_wait3A_349, %dma_wait3A_350] : memref<5x40x128xf32, #tpu.memory_space<vmem>> -> memref<1x40x128xf32, #tpu.memory_space<vmem>>
      %dma_wait3A_352 = tpu.memref_squeeze %dma_wait3A_351 : memref<1x40x128xf32, #tpu.memory_space<vmem>> -> memref<40x128xf32, #tpu.memory_space<vmem>>
      %dma_wait3A_353 = arith.constant 0 : i32
      %dma_wait3A_354 = arith.constant 0 : i32
      %dma_wait3A_355 = tpu.memref_slice %dma_wait3A_352[%dma_wait3A_353, %dma_wait3A_354] : memref<40x128xf32, #tpu.memory_space<vmem>> -> memref<40x128xf32, #tpu.memory_space<vmem>>
      tpu.wait_dma2 semaphore(%run_scoped3A_319 : memref<!tpu.dma_semaphore, #tpu.memory_space<semaphore_mem>>) src(%dma_wait3A_355 : memref<40x128xf32, #tpu.memory_space<vmem>>) dst(%dma_wait3A_348 : memref<40x128xf32, #tpu.memory_space<vmem_shared>>)
      tpu.yield
    }) : () -> ()
    %add3A_36 = arith.constant 440 : i32
    %add3A_37 = arith.addi %mul3A_2, %add3A_36 : i32
    %run_scoped3A_38 = arith.constant 0 : i32
    "tpu.region"() ({
      %run_scoped3A_319 = tpu.sem_alloc : memref<!tpu.dma_semaphore, #tpu.memory_space<semaphore_mem>>
      %dma_start3A_320 = arith.constant 0 : i32
      %dma_start3A_321 = arith.constant 0 : i32
      %dma_start3A_322 = tpu.memref_slice %arg10[%run_scoped3A_38, %dma_start3A_320, %dma_start3A_321] : memref<5x40x128xf32, #tpu.memory_space<vmem>> -> memref<1x40x128xf32, #tpu.memory_space<vmem>>
      %dma_start3A_323 = tpu.memref_squeeze %dma_start3A_322 : memref<1x40x128xf32, #tpu.memory_space<vmem>> -> memref<40x128xf32, #tpu.memory_space<vmem>>
      %dma_start3A_324 = arith.constant 0 : i32
      %dma_start3A_325 = arith.constant 0 : i32
      %dma_start3A_326 = tpu.memref_slice %dma_start3A_323[%dma_start3A_324, %dma_start3A_325] : memref<40x128xf32, #tpu.memory_space<vmem>> -> memref<40x128xf32, #tpu.memory_space<vmem>>
      %dma_start3A_327 = arith.constant 0 : i32
      %dma_start3A_328 = tpu.memref_slice %arg7[%add3A_37, %dma_start3A_327] : memref<10240x128xf32, #tpu.memory_space<vmem_shared>> -> memref<40x128xf32, #tpu.memory_space<vmem_shared>>
      %dma_start3A_329 = arith.constant 0 : i32
      %dma_start3A_330 = tpu.memref_slice %arg7[%add3A_37, %dma_start3A_329] : memref<10240x128xf32, #tpu.memory_space<vmem_shared>> -> memref<40x128xf32, #tpu.memory_space<vmem_shared>>
      %dma_start3A_331 = arith.constant 0 : i32
      %dma_start3A_332 = arith.constant 0 : i32
      %dma_start3A_333 = tpu.memref_slice %arg10[%run_scoped3A_38, %dma_start3A_331, %dma_start3A_332] : memref<5x40x128xf32, #tpu.memory_space<vmem>> -> memref<1x40x128xf32, #tpu.memory_space<vmem>>
      %dma_start3A_334 = tpu.memref_squeeze %dma_start3A_333 : memref<1x40x128xf32, #tpu.memory_space<vmem>> -> memref<40x128xf32, #tpu.memory_space<vmem>>
      %dma_start3A_335 = arith.constant 0 : i32
      %dma_start3A_336 = arith.constant 0 : i32
      %dma_start3A_337 = tpu.memref_slice %dma_start3A_334[%dma_start3A_335, %dma_start3A_336] : memref<40x128xf32, #tpu.memory_space<vmem>> -> memref<40x128xf32, #tpu.memory_space<vmem>>
      tpu.enqueue_dma source(%dma_start3A_337 : memref<40x128xf32, #tpu.memory_space<vmem>>) target(%dma_start3A_330 : memref<40x128xf32, #tpu.memory_space<vmem_shared>>) target_semaphore(%run_scoped3A_319 : memref<!tpu.dma_semaphore, #tpu.memory_space<semaphore_mem>>)
      %dma_wait3A_338 = arith.constant 0 : i32
      %dma_wait3A_339 = arith.constant 0 : i32
      %dma_wait3A_340 = tpu.memref_slice %arg10[%run_scoped3A_38, %dma_wait3A_338, %dma_wait3A_339] : memref<5x40x128xf32, #tpu.memory_space<vmem>> -> memref<1x40x128xf32, #tpu.memory_space<vmem>>
      %dma_wait3A_341 = tpu.memref_squeeze %dma_wait3A_340 : memref<1x40x128xf32, #tpu.memory_space<vmem>> -> memref<40x128xf32, #tpu.memory_space<vmem>>
      %dma_wait3A_342 = arith.constant 0 : i32
      %dma_wait3A_343 = arith.constant 0 : i32
      %dma_wait3A_344 = tpu.memref_slice %dma_wait3A_341[%dma_wait3A_342, %dma_wait3A_343] : memref<40x128xf32, #tpu.memory_space<vmem>> -> memref<40x128xf32, #tpu.memory_space<vmem>>
      %dma_wait3A_345 = arith.constant 0 : i32
      %dma_wait3A_346 = tpu.memref_slice %arg7[%add3A_37, %dma_wait3A_345] : memref<10240x128xf32, #tpu.memory_space<vmem_shared>> -> memref<40x128xf32, #tpu.memory_space<vmem_shared>>
      %dma_wait3A_347 = arith.constant 0 : i32
      %dma_wait3A_348 = tpu.memref_slice %arg7[%add3A_37, %dma_wait3A_347] : memref<10240x128xf32, #tpu.memory_space<vmem_shared>> -> memref<40x128xf32, #tpu.memory_space<vmem_shared>>
      %dma_wait3A_349 = arith.constant 0 : i32
      %dma_wait3A_350 = arith.constant 0 : i32
      %dma_wait3A_351 = tpu.memref_slice %arg10[%run_scoped3A_38, %dma_wait3A_349, %dma_wait3A_350] : memref<5x40x128xf32, #tpu.memory_space<vmem>> -> memref<1x40x128xf32, #tpu.memory_space<vmem>>
      %dma_wait3A_352 = tpu.memref_squeeze %dma_wait3A_351 : memref<1x40x128xf32, #tpu.memory_space<vmem>> -> memref<40x128xf32, #tpu.memory_space<vmem>>
      %dma_wait3A_353 = arith.constant 0 : i32
      %dma_wait3A_354 = arith.constant 0 : i32
      %dma_wait3A_355 = tpu.memref_slice %dma_wait3A_352[%dma_wait3A_353, %dma_wait3A_354] : memref<40x128xf32, #tpu.memory_space<vmem>> -> memref<40x128xf32, #tpu.memory_space<vmem>>
      tpu.wait_dma2 semaphore(%run_scoped3A_319 : memref<!tpu.dma_semaphore, #tpu.memory_space<semaphore_mem>>) src(%dma_wait3A_355 : memref<40x128xf32, #tpu.memory_space<vmem>>) dst(%dma_wait3A_348 : memref<40x128xf32, #tpu.memory_space<vmem_shared>>)
      tpu.yield
    }) : () -> ()
    %add3A_39 = arith.constant 480 : i32
    %add3A_40 = arith.addi %mul3A_2, %add3A_39 : i32
    %run_scoped3A_41 = arith.constant 0 : i32
    "tpu.region"() ({
      %run_scoped3A_319 = tpu.sem_alloc : memref<!tpu.dma_semaphore, #tpu.memory_space<semaphore_mem>>
      %dma_start3A_320 = arith.constant 0 : i32
      %dma_start3A_321 = arith.constant 0 : i32
      %dma_start3A_322 = tpu.memref_slice %arg10[%run_scoped3A_41, %dma_start3A_320, %dma_start3A_321] : memref<5x40x128xf32, #tpu.memory_space<vmem>> -> memref<1x40x128xf32, #tpu.memory_space<vmem>>
      %dma_start3A_323 = tpu.memref_squeeze %dma_start3A_322 : memref<1x40x128xf32, #tpu.memory_space<vmem>> -> memref<40x128xf32, #tpu.memory_space<vmem>>
      %dma_start3A_324 = arith.constant 0 : i32
      %dma_start3A_325 = arith.constant 0 : i32
      %dma_start3A_326 = tpu.memref_slice %dma_start3A_323[%dma_start3A_324, %dma_start3A_325] : memref<40x128xf32, #tpu.memory_space<vmem>> -> memref<40x128xf32, #tpu.memory_space<vmem>>
      %dma_start3A_327 = arith.constant 0 : i32
      %dma_start3A_328 = tpu.memref_slice %arg7[%add3A_40, %dma_start3A_327] : memref<10240x128xf32, #tpu.memory_space<vmem_shared>> -> memref<40x128xf32, #tpu.memory_space<vmem_shared>>
      %dma_start3A_329 = arith.constant 0 : i32
      %dma_start3A_330 = tpu.memref_slice %arg7[%add3A_40, %dma_start3A_329] : memref<10240x128xf32, #tpu.memory_space<vmem_shared>> -> memref<40x128xf32, #tpu.memory_space<vmem_shared>>
      %dma_start3A_331 = arith.constant 0 : i32
      %dma_start3A_332 = arith.constant 0 : i32
      %dma_start3A_333 = tpu.memref_slice %arg10[%run_scoped3A_41, %dma_start3A_331, %dma_start3A_332] : memref<5x40x128xf32, #tpu.memory_space<vmem>> -> memref<1x40x128xf32, #tpu.memory_space<vmem>>
      %dma_start3A_334 = tpu.memref_squeeze %dma_start3A_333 : memref<1x40x128xf32, #tpu.memory_space<vmem>> -> memref<40x128xf32, #tpu.memory_space<vmem>>
      %dma_start3A_335 = arith.constant 0 : i32
      %dma_start3A_336 = arith.constant 0 : i32
      %dma_start3A_337 = tpu.memref_slice %dma_start3A_334[%dma_start3A_335, %dma_start3A_336] : memref<40x128xf32, #tpu.memory_space<vmem>> -> memref<40x128xf32, #tpu.memory_space<vmem>>
      tpu.enqueue_dma source(%dma_start3A_337 : memref<40x128xf32, #tpu.memory_space<vmem>>) target(%dma_start3A_330 : memref<40x128xf32, #tpu.memory_space<vmem_shared>>) target_semaphore(%run_scoped3A_319 : memref<!tpu.dma_semaphore, #tpu.memory_space<semaphore_mem>>)
      %dma_wait3A_338 = arith.constant 0 : i32
      %dma_wait3A_339 = arith.constant 0 : i32
      %dma_wait3A_340 = tpu.memref_slice %arg10[%run_scoped3A_41, %dma_wait3A_338, %dma_wait3A_339] : memref<5x40x128xf32, #tpu.memory_space<vmem>> -> memref<1x40x128xf32, #tpu.memory_space<vmem>>
      %dma_wait3A_341 = tpu.memref_squeeze %dma_wait3A_340 : memref<1x40x128xf32, #tpu.memory_space<vmem>> -> memref<40x128xf32, #tpu.memory_space<vmem>>
      %dma_wait3A_342 = arith.constant 0 : i32
      %dma_wait3A_343 = arith.constant 0 : i32
      %dma_wait3A_344 = tpu.memref_slice %dma_wait3A_341[%dma_wait3A_342, %dma_wait3A_343] : memref<40x128xf32, #tpu.memory_space<vmem>> -> memref<40x128xf32, #tpu.memory_space<vmem>>
      %dma_wait3A_345 = arith.constant 0 : i32
      %dma_wait3A_346 = tpu.memref_slice %arg7[%add3A_40, %dma_wait3A_345] : memref<10240x128xf32, #tpu.memory_space<vmem_shared>> -> memref<40x128xf32, #tpu.memory_space<vmem_shared>>
      %dma_wait3A_347 = arith.constant 0 : i32
      %dma_wait3A_348 = tpu.memref_slice %arg7[%add3A_40, %dma_wait3A_347] : memref<10240x128xf32, #tpu.memory_space<vmem_shared>> -> memref<40x128xf32, #tpu.memory_space<vmem_shared>>
      %dma_wait3A_349 = arith.constant 0 : i32
      %dma_wait3A_350 = arith.constant 0 : i32
      %dma_wait3A_351 = tpu.memref_slice %arg10[%run_scoped3A_41, %dma_wait3A_349, %dma_wait3A_350] : memref<5x40x128xf32, #tpu.memory_space<vmem>> -> memref<1x40x128xf32, #tpu.memory_space<vmem>>
      %dma_wait3A_352 = tpu.memref_squeeze %dma_wait3A_351 : memref<1x40x128xf32, #tpu.memory_space<vmem>> -> memref<40x128xf32, #tpu.memory_space<vmem>>
      %dma_wait3A_353 = arith.constant 0 : i32
      %dma_wait3A_354 = arith.constant 0 : i32
      %dma_wait3A_355 = tpu.memref_slice %dma_wait3A_352[%dma_wait3A_353, %dma_wait3A_354] : memref<40x128xf32, #tpu.memory_space<vmem>> -> memref<40x128xf32, #tpu.memory_space<vmem>>
      tpu.wait_dma2 semaphore(%run_scoped3A_319 : memref<!tpu.dma_semaphore, #tpu.memory_space<semaphore_mem>>) src(%dma_wait3A_355 : memref<40x128xf32, #tpu.memory_space<vmem>>) dst(%dma_wait3A_348 : memref<40x128xf32, #tpu.memory_space<vmem_shared>>)
      tpu.yield
    }) : () -> ()
    %add3A_42 = arith.constant 520 : i32
    %add3A_43 = arith.addi %mul3A_2, %add3A_42 : i32
    %run_scoped3A_44 = arith.constant 0 : i32
    "tpu.region"() ({
      %run_scoped3A_319 = tpu.sem_alloc : memref<!tpu.dma_semaphore, #tpu.memory_space<semaphore_mem>>
      %dma_start3A_320 = arith.constant 0 : i32
      %dma_start3A_321 = arith.constant 0 : i32
      %dma_start3A_322 = tpu.memref_slice %arg10[%run_scoped3A_44, %dma_start3A_320, %dma_start3A_321] : memref<5x40x128xf32, #tpu.memory_space<vmem>> -> memref<1x40x128xf32, #tpu.memory_space<vmem>>
      %dma_start3A_323 = tpu.memref_squeeze %dma_start3A_322 : memref<1x40x128xf32, #tpu.memory_space<vmem>> -> memref<40x128xf32, #tpu.memory_space<vmem>>
      %dma_start3A_324 = arith.constant 0 : i32
      %dma_start3A_325 = arith.constant 0 : i32
      %dma_start3A_326 = tpu.memref_slice %dma_start3A_323[%dma_start3A_324, %dma_start3A_325] : memref<40x128xf32, #tpu.memory_space<vmem>> -> memref<40x128xf32, #tpu.memory_space<vmem>>
      %dma_start3A_327 = arith.constant 0 : i32
      %dma_start3A_328 = tpu.memref_slice %arg7[%add3A_43, %dma_start3A_327] : memref<10240x128xf32, #tpu.memory_space<vmem_shared>> -> memref<40x128xf32, #tpu.memory_space<vmem_shared>>
      %dma_start3A_329 = arith.constant 0 : i32
      %dma_start3A_330 = tpu.memref_slice %arg7[%add3A_43, %dma_start3A_329] : memref<10240x128xf32, #tpu.memory_space<vmem_shared>> -> memref<40x128xf32, #tpu.memory_space<vmem_shared>>
      %dma_start3A_331 = arith.constant 0 : i32
      %dma_start3A_332 = arith.constant 0 : i32
      %dma_start3A_333 = tpu.memref_slice %arg10[%run_scoped3A_44, %dma_start3A_331, %dma_start3A_332] : memref<5x40x128xf32, #tpu.memory_space<vmem>> -> memref<1x40x128xf32, #tpu.memory_space<vmem>>
      %dma_start3A_334 = tpu.memref_squeeze %dma_start3A_333 : memref<1x40x128xf32, #tpu.memory_space<vmem>> -> memref<40x128xf32, #tpu.memory_space<vmem>>
      %dma_start3A_335 = arith.constant 0 : i32
      %dma_start3A_336 = arith.constant 0 : i32
      %dma_start3A_337 = tpu.memref_slice %dma_start3A_334[%dma_start3A_335, %dma_start3A_336] : memref<40x128xf32, #tpu.memory_space<vmem>> -> memref<40x128xf32, #tpu.memory_space<vmem>>
      tpu.enqueue_dma source(%dma_start3A_337 : memref<40x128xf32, #tpu.memory_space<vmem>>) target(%dma_start3A_330 : memref<40x128xf32, #tpu.memory_space<vmem_shared>>) target_semaphore(%run_scoped3A_319 : memref<!tpu.dma_semaphore, #tpu.memory_space<semaphore_mem>>)
      %dma_wait3A_338 = arith.constant 0 : i32
      %dma_wait3A_339 = arith.constant 0 : i32
      %dma_wait3A_340 = tpu.memref_slice %arg10[%run_scoped3A_44, %dma_wait3A_338, %dma_wait3A_339] : memref<5x40x128xf32, #tpu.memory_space<vmem>> -> memref<1x40x128xf32, #tpu.memory_space<vmem>>
      %dma_wait3A_341 = tpu.memref_squeeze %dma_wait3A_340 : memref<1x40x128xf32, #tpu.memory_space<vmem>> -> memref<40x128xf32, #tpu.memory_space<vmem>>
      %dma_wait3A_342 = arith.constant 0 : i32
      %dma_wait3A_343 = arith.constant 0 : i32
      %dma_wait3A_344 = tpu.memref_slice %dma_wait3A_341[%dma_wait3A_342, %dma_wait3A_343] : memref<40x128xf32, #tpu.memory_space<vmem>> -> memref<40x128xf32, #tpu.memory_space<vmem>>
      %dma_wait3A_345 = arith.constant 0 : i32
      %dma_wait3A_346 = tpu.memref_slice %arg7[%add3A_43, %dma_wait3A_345] : memref<10240x128xf32, #tpu.memory_space<vmem_shared>> -> memref<40x128xf32, #tpu.memory_space<vmem_shared>>
      %dma_wait3A_347 = arith.constant 0 : i32
      %dma_wait3A_348 = tpu.memref_slice %arg7[%add3A_43, %dma_wait3A_347] : memref<10240x128xf32, #tpu.memory_space<vmem_shared>> -> memref<40x128xf32, #tpu.memory_space<vmem_shared>>
      %dma_wait3A_349 = arith.constant 0 : i32
      %dma_wait3A_350 = arith.constant 0 : i32
      %dma_wait3A_351 = tpu.memref_slice %arg10[%run_scoped3A_44, %dma_wait3A_349, %dma_wait3A_350] : memref<5x40x128xf32, #tpu.memory_space<vmem>> -> memref<1x40x128xf32, #tpu.memory_space<vmem>>
      %dma_wait3A_352 = tpu.memref_squeeze %dma_wait3A_351 : memref<1x40x128xf32, #tpu.memory_space<vmem>> -> memref<40x128xf32, #tpu.memory_space<vmem>>
      %dma_wait3A_353 = arith.constant 0 : i32
      %dma_wait3A_354 = arith.constant 0 : i32
      %dma_wait3A_355 = tpu.memref_slice %dma_wait3A_352[%dma_wait3A_353, %dma_wait3A_354] : memref<40x128xf32, #tpu.memory_space<vmem>> -> memref<40x128xf32, #tpu.memory_space<vmem>>
      tpu.wait_dma2 semaphore(%run_scoped3A_319 : memref<!tpu.dma_semaphore, #tpu.memory_space<semaphore_mem>>) src(%dma_wait3A_355 : memref<40x128xf32, #tpu.memory_space<vmem>>) dst(%dma_wait3A_348 : memref<40x128xf32, #tpu.memory_space<vmem_shared>>)
      tpu.yield
    }) : () -> ()
    %add3A_45 = arith.constant 560 : i32
    %add3A_46 = arith.addi %mul3A_2, %add3A_45 : i32
    %run_scoped3A_47 = arith.constant 0 : i32
    "tpu.region"() ({
      %run_scoped3A_319 = tpu.sem_alloc : memref<!tpu.dma_semaphore, #tpu.memory_space<semaphore_mem>>
      %dma_start3A_320 = arith.constant 0 : i32
      %dma_start3A_321 = arith.constant 0 : i32
      %dma_start3A_322 = tpu.memref_slice %arg10[%run_scoped3A_47, %dma_start3A_320, %dma_start3A_321] : memref<5x40x128xf32, #tpu.memory_space<vmem>> -> memref<1x40x128xf32, #tpu.memory_space<vmem>>
      %dma_start3A_323 = tpu.memref_squeeze %dma_start3A_322 : memref<1x40x128xf32, #tpu.memory_space<vmem>> -> memref<40x128xf32, #tpu.memory_space<vmem>>
      %dma_start3A_324 = arith.constant 0 : i32
      %dma_start3A_325 = arith.constant 0 : i32
      %dma_start3A_326 = tpu.memref_slice %dma_start3A_323[%dma_start3A_324, %dma_start3A_325] : memref<40x128xf32, #tpu.memory_space<vmem>> -> memref<40x128xf32, #tpu.memory_space<vmem>>
      %dma_start3A_327 = arith.constant 0 : i32
      %dma_start3A_328 = tpu.memref_slice %arg7[%add3A_46, %dma_start3A_327] : memref<10240x128xf32, #tpu.memory_space<vmem_shared>> -> memref<40x128xf32, #tpu.memory_space<vmem_shared>>
      %dma_start3A_329 = arith.constant 0 : i32
      %dma_start3A_330 = tpu.memref_slice %arg7[%add3A_46, %dma_start3A_329] : memref<10240x128xf32, #tpu.memory_space<vmem_shared>> -> memref<40x128xf32, #tpu.memory_space<vmem_shared>>
      %dma_start3A_331 = arith.constant 0 : i32
      %dma_start3A_332 = arith.constant 0 : i32
      %dma_start3A_333 = tpu.memref_slice %arg10[%run_scoped3A_47, %dma_start3A_331, %dma_start3A_332] : memref<5x40x128xf32, #tpu.memory_space<vmem>> -> memref<1x40x128xf32, #tpu.memory_space<vmem>>
      %dma_start3A_334 = tpu.memref_squeeze %dma_start3A_333 : memref<1x40x128xf32, #tpu.memory_space<vmem>> -> memref<40x128xf32, #tpu.memory_space<vmem>>
      %dma_start3A_335 = arith.constant 0 : i32
      %dma_start3A_336 = arith.constant 0 : i32
      %dma_start3A_337 = tpu.memref_slice %dma_start3A_334[%dma_start3A_335, %dma_start3A_336] : memref<40x128xf32, #tpu.memory_space<vmem>> -> memref<40x128xf32, #tpu.memory_space<vmem>>
      tpu.enqueue_dma source(%dma_start3A_337 : memref<40x128xf32, #tpu.memory_space<vmem>>) target(%dma_start3A_330 : memref<40x128xf32, #tpu.memory_space<vmem_shared>>) target_semaphore(%run_scoped3A_319 : memref<!tpu.dma_semaphore, #tpu.memory_space<semaphore_mem>>)
      %dma_wait3A_338 = arith.constant 0 : i32
      %dma_wait3A_339 = arith.constant 0 : i32
      %dma_wait3A_340 = tpu.memref_slice %arg10[%run_scoped3A_47, %dma_wait3A_338, %dma_wait3A_339] : memref<5x40x128xf32, #tpu.memory_space<vmem>> -> memref<1x40x128xf32, #tpu.memory_space<vmem>>
      %dma_wait3A_341 = tpu.memref_squeeze %dma_wait3A_340 : memref<1x40x128xf32, #tpu.memory_space<vmem>> -> memref<40x128xf32, #tpu.memory_space<vmem>>
      %dma_wait3A_342 = arith.constant 0 : i32
      %dma_wait3A_343 = arith.constant 0 : i32
      %dma_wait3A_344 = tpu.memref_slice %dma_wait3A_341[%dma_wait3A_342, %dma_wait3A_343] : memref<40x128xf32, #tpu.memory_space<vmem>> -> memref<40x128xf32, #tpu.memory_space<vmem>>
      %dma_wait3A_345 = arith.constant 0 : i32
      %dma_wait3A_346 = tpu.memref_slice %arg7[%add3A_46, %dma_wait3A_345] : memref<10240x128xf32, #tpu.memory_space<vmem_shared>> -> memref<40x128xf32, #tpu.memory_space<vmem_shared>>
      %dma_wait3A_347 = arith.constant 0 : i32
      %dma_wait3A_348 = tpu.memref_slice %arg7[%add3A_46, %dma_wait3A_347] : memref<10240x128xf32, #tpu.memory_space<vmem_shared>> -> memref<40x128xf32, #tpu.memory_space<vmem_shared>>
      %dma_wait3A_349 = arith.constant 0 : i32
      %dma_wait3A_350 = arith.constant 0 : i32
      %dma_wait3A_351 = tpu.memref_slice %arg10[%run_scoped3A_47, %dma_wait3A_349, %dma_wait3A_350] : memref<5x40x128xf32, #tpu.memory_space<vmem>> -> memref<1x40x128xf32, #tpu.memory_space<vmem>>
      %dma_wait3A_352 = tpu.memref_squeeze %dma_wait3A_351 : memref<1x40x128xf32, #tpu.memory_space<vmem>> -> memref<40x128xf32, #tpu.memory_space<vmem>>
      %dma_wait3A_353 = arith.constant 0 : i32
      %dma_wait3A_354 = arith.constant 0 : i32
      %dma_wait3A_355 = tpu.memref_slice %dma_wait3A_352[%dma_wait3A_353, %dma_wait3A_354] : memref<40x128xf32, #tpu.memory_space<vmem>> -> memref<40x128xf32, #tpu.memory_space<vmem>>
      tpu.wait_dma2 semaphore(%run_scoped3A_319 : memref<!tpu.dma_semaphore, #tpu.memory_space<semaphore_mem>>) src(%dma_wait3A_355 : memref<40x128xf32, #tpu.memory_space<vmem>>) dst(%dma_wait3A_348 : memref<40x128xf32, #tpu.memory_space<vmem_shared>>)
      tpu.yield
    }) : () -> ()
    %add3A_48 = arith.constant 600 : i32
    %add3A_49 = arith.addi %mul3A_2, %add3A_48 : i32
    %run_scoped3A_50 = arith.constant 0 : i32
    "tpu.region"() ({
      %run_scoped3A_319 = tpu.sem_alloc : memref<!tpu.dma_semaphore, #tpu.memory_space<semaphore_mem>>
      %dma_start3A_320 = arith.constant 0 : i32
      %dma_start3A_321 = arith.constant 0 : i32
      %dma_start3A_322 = tpu.memref_slice %arg10[%run_scoped3A_50, %dma_start3A_320, %dma_start3A_321] : memref<5x40x128xf32, #tpu.memory_space<vmem>> -> memref<1x40x128xf32, #tpu.memory_space<vmem>>
      %dma_start3A_323 = tpu.memref_squeeze %dma_start3A_322 : memref<1x40x128xf32, #tpu.memory_space<vmem>> -> memref<40x128xf32, #tpu.memory_space<vmem>>
      %dma_start3A_324 = arith.constant 0 : i32
      %dma_start3A_325 = arith.constant 0 : i32
      %dma_start3A_326 = tpu.memref_slice %dma_start3A_323[%dma_start3A_324, %dma_start3A_325] : memref<40x128xf32, #tpu.memory_space<vmem>> -> memref<40x128xf32, #tpu.memory_space<vmem>>
      %dma_start3A_327 = arith.constant 0 : i32
      %dma_start3A_328 = tpu.memref_slice %arg7[%add3A_49, %dma_start3A_327] : memref<10240x128xf32, #tpu.memory_space<vmem_shared>> -> memref<40x128xf32, #tpu.memory_space<vmem_shared>>
      %dma_start3A_329 = arith.constant 0 : i32
      %dma_start3A_330 = tpu.memref_slice %arg7[%add3A_49, %dma_start3A_329] : memref<10240x128xf32, #tpu.memory_space<vmem_shared>> -> memref<40x128xf32, #tpu.memory_space<vmem_shared>>
      %dma_start3A_331 = arith.constant 0 : i32
      %dma_start3A_332 = arith.constant 0 : i32
      %dma_start3A_333 = tpu.memref_slice %arg10[%run_scoped3A_50, %dma_start3A_331, %dma_start3A_332] : memref<5x40x128xf32, #tpu.memory_space<vmem>> -> memref<1x40x128xf32, #tpu.memory_space<vmem>>
      %dma_start3A_334 = tpu.memref_squeeze %dma_start3A_333 : memref<1x40x128xf32, #tpu.memory_space<vmem>> -> memref<40x128xf32, #tpu.memory_space<vmem>>
      %dma_start3A_335 = arith.constant 0 : i32
      %dma_start3A_336 = arith.constant 0 : i32
      %dma_start3A_337 = tpu.memref_slice %dma_start3A_334[%dma_start3A_335, %dma_start3A_336] : memref<40x128xf32, #tpu.memory_space<vmem>> -> memref<40x128xf32, #tpu.memory_space<vmem>>
      tpu.enqueue_dma source(%dma_start3A_337 : memref<40x128xf32, #tpu.memory_space<vmem>>) target(%dma_start3A_330 : memref<40x128xf32, #tpu.memory_space<vmem_shared>>) target_semaphore(%run_scoped3A_319 : memref<!tpu.dma_semaphore, #tpu.memory_space<semaphore_mem>>)
      %dma_wait3A_338 = arith.constant 0 : i32
      %dma_wait3A_339 = arith.constant 0 : i32
      %dma_wait3A_340 = tpu.memref_slice %arg10[%run_scoped3A_50, %dma_wait3A_338, %dma_wait3A_339] : memref<5x40x128xf32, #tpu.memory_space<vmem>> -> memref<1x40x128xf32, #tpu.memory_space<vmem>>
      %dma_wait3A_341 = tpu.memref_squeeze %dma_wait3A_340 : memref<1x40x128xf32, #tpu.memory_space<vmem>> -> memref<40x128xf32, #tpu.memory_space<vmem>>
      %dma_wait3A_342 = arith.constant 0 : i32
      %dma_wait3A_343 = arith.constant 0 : i32
      %dma_wait3A_344 = tpu.memref_slice %dma_wait3A_341[%dma_wait3A_342, %dma_wait3A_343] : memref<40x128xf32, #tpu.memory_space<vmem>> -> memref<40x128xf32, #tpu.memory_space<vmem>>
      %dma_wait3A_345 = arith.constant 0 : i32
      %dma_wait3A_346 = tpu.memref_slice %arg7[%add3A_49, %dma_wait3A_345] : memref<10240x128xf32, #tpu.memory_space<vmem_shared>> -> memref<40x128xf32, #tpu.memory_space<vmem_shared>>
      %dma_wait3A_347 = arith.constant 0 : i32
      %dma_wait3A_348 = tpu.memref_slice %arg7[%add3A_49, %dma_wait3A_347] : memref<10240x128xf32, #tpu.memory_space<vmem_shared>> -> memref<40x128xf32, #tpu.memory_space<vmem_shared>>
      %dma_wait3A_349 = arith.constant 0 : i32
      %dma_wait3A_350 = arith.constant 0 : i32
      %dma_wait3A_351 = tpu.memref_slice %arg10[%run_scoped3A_50, %dma_wait3A_349, %dma_wait3A_350] : memref<5x40x128xf32, #tpu.memory_space<vmem>> -> memref<1x40x128xf32, #tpu.memory_space<vmem>>
      %dma_wait3A_352 = tpu.memref_squeeze %dma_wait3A_351 : memref<1x40x128xf32, #tpu.memory_space<vmem>> -> memref<40x128xf32, #tpu.memory_space<vmem>>
      %dma_wait3A_353 = arith.constant 0 : i32
      %dma_wait3A_354 = arith.constant 0 : i32
      %dma_wait3A_355 = tpu.memref_slice %dma_wait3A_352[%dma_wait3A_353, %dma_wait3A_354] : memref<40x128xf32, #tpu.memory_space<vmem>> -> memref<40x128xf32, #tpu.memory_space<vmem>>
      tpu.wait_dma2 semaphore(%run_scoped3A_319 : memref<!tpu.dma_semaphore, #tpu.memory_space<semaphore_mem>>) src(%dma_wait3A_355 : memref<40x128xf32, #tpu.memory_space<vmem>>) dst(%dma_wait3A_348 : memref<40x128xf32, #tpu.memory_space<vmem_shared>>)
      tpu.yield
    }) : () -> ()
    %dma_start3A = arith.constant 0 : i32
    %dma_start3A_51 = arith.constant 0 : i32
    %dma_start3A_52 = arith.constant 0 : i32
    %dma_start3A_53 = tpu.memref_slice %arg10[%dma_start3A, %dma_start3A_51, %dma_start3A_52] : memref<5x40x128xf32, #tpu.memory_space<vmem>> -> memref<1x40x128xf32, #tpu.memory_space<vmem>>
    %dma_start3A_54 = tpu.memref_squeeze %dma_start3A_53 : memref<1x40x128xf32, #tpu.memory_space<vmem>> -> memref<40x128xf32, #tpu.memory_space<vmem>>
    %dma_start3A_55 = arith.constant 0 : i32
    %dma_start3A_56 = arith.constant 0 : i32
    %dma_start3A_57 = tpu.memref_slice %dma_start3A_54[%dma_start3A_55, %dma_start3A_56] : memref<40x128xf32, #tpu.memory_space<vmem>> -> memref<40x128xf32, #tpu.memory_space<vmem>>
    %dma_start3A_58 = arith.constant 0 : i32
    %dma_start3A_59 = arith.constant 0 : i32
    %dma_start3A_60 = tpu.memref_slice %arg10[%dma_start3A, %dma_start3A_58, %dma_start3A_59] : memref<5x40x128xf32, #tpu.memory_space<vmem>> -> memref<1x40x128xf32, #tpu.memory_space<vmem>>
    %dma_start3A_61 = tpu.memref_squeeze %dma_start3A_60 : memref<1x40x128xf32, #tpu.memory_space<vmem>> -> memref<40x128xf32, #tpu.memory_space<vmem>>
    %dma_start3A_62 = arith.constant 0 : i32
    %dma_start3A_63 = arith.constant 0 : i32
    %dma_start3A_64 = tpu.memref_slice %dma_start3A_61[%dma_start3A_62, %dma_start3A_63] : memref<40x128xf32, #tpu.memory_space<vmem>> -> memref<40x128xf32, #tpu.memory_space<vmem>>
    tpu.enqueue_dma source(%arg5 : memref<40x128xf32, #tpu.memory_space<hbm>>) target(%dma_start3A_64 : memref<40x128xf32, #tpu.memory_space<vmem>>) target_semaphore(%arg16 : memref<!tpu.dma_semaphore, #tpu.memory_space<semaphore_mem>>)
    %dma_start3A_65 = arith.constant 1 : i32
    %dma_start3A_66 = arith.constant 0 : i32
    %dma_start3A_67 = arith.constant 0 : i32
    %dma_start3A_68 = tpu.memref_slice %arg10[%dma_start3A_65, %dma_start3A_66, %dma_start3A_67] : memref<5x40x128xf32, #tpu.memory_space<vmem>> -> memref<1x40x128xf32, #tpu.memory_space<vmem>>
    %dma_start3A_69 = tpu.memref_squeeze %dma_start3A_68 : memref<1x40x128xf32, #tpu.memory_space<vmem>> -> memref<40x128xf32, #tpu.memory_space<vmem>>
    %dma_start3A_70 = arith.constant 0 : i32
    %dma_start3A_71 = arith.constant 0 : i32
    %dma_start3A_72 = tpu.memref_slice %dma_start3A_69[%dma_start3A_70, %dma_start3A_71] : memref<40x128xf32, #tpu.memory_space<vmem>> -> memref<40x128xf32, #tpu.memory_space<vmem>>
    %dma_start3A_73 = arith.constant 0 : i32
    %dma_start3A_74 = arith.constant 0 : i32
    %dma_start3A_75 = tpu.memref_slice %arg10[%dma_start3A_65, %dma_start3A_73, %dma_start3A_74] : memref<5x40x128xf32, #tpu.memory_space<vmem>> -> memref<1x40x128xf32, #tpu.memory_space<vmem>>
    %dma_start3A_76 = tpu.memref_squeeze %dma_start3A_75 : memref<1x40x128xf32, #tpu.memory_space<vmem>> -> memref<40x128xf32, #tpu.memory_space<vmem>>
    %dma_start3A_77 = arith.constant 0 : i32
    %dma_start3A_78 = arith.constant 0 : i32
    %dma_start3A_79 = tpu.memref_slice %dma_start3A_76[%dma_start3A_77, %dma_start3A_78] : memref<40x128xf32, #tpu.memory_space<vmem>> -> memref<40x128xf32, #tpu.memory_space<vmem>>
    tpu.enqueue_dma source(%arg5 : memref<40x128xf32, #tpu.memory_space<hbm>>) target(%dma_start3A_79 : memref<40x128xf32, #tpu.memory_space<vmem>>) target_semaphore(%arg17 : memref<!tpu.dma_semaphore, #tpu.memory_space<semaphore_mem>>)
    %dma_start3A_80 = arith.constant 2 : i32
    %dma_start3A_81 = arith.constant 0 : i32
    %dma_start3A_82 = arith.constant 0 : i32
    %dma_start3A_83 = tpu.memref_slice %arg10[%dma_start3A_80, %dma_start3A_81, %dma_start3A_82] : memref<5x40x128xf32, #tpu.memory_space<vmem>> -> memref<1x40x128xf32, #tpu.memory_space<vmem>>
    %dma_start3A_84 = tpu.memref_squeeze %dma_start3A_83 : memref<1x40x128xf32, #tpu.memory_space<vmem>> -> memref<40x128xf32, #tpu.memory_space<vmem>>
    %dma_start3A_85 = arith.constant 0 : i32
    %dma_start3A_86 = arith.constant 0 : i32
    %dma_start3A_87 = tpu.memref_slice %dma_start3A_84[%dma_start3A_85, %dma_start3A_86] : memref<40x128xf32, #tpu.memory_space<vmem>> -> memref<40x128xf32, #tpu.memory_space<vmem>>
    %dma_start3A_88 = arith.constant 0 : i32
    %dma_start3A_89 = arith.constant 0 : i32
    %dma_start3A_90 = tpu.memref_slice %arg10[%dma_start3A_80, %dma_start3A_88, %dma_start3A_89] : memref<5x40x128xf32, #tpu.memory_space<vmem>> -> memref<1x40x128xf32, #tpu.memory_space<vmem>>
    %dma_start3A_91 = tpu.memref_squeeze %dma_start3A_90 : memref<1x40x128xf32, #tpu.memory_space<vmem>> -> memref<40x128xf32, #tpu.memory_space<vmem>>
    %dma_start3A_92 = arith.constant 0 : i32
    %dma_start3A_93 = arith.constant 0 : i32
    %dma_start3A_94 = tpu.memref_slice %dma_start3A_91[%dma_start3A_92, %dma_start3A_93] : memref<40x128xf32, #tpu.memory_space<vmem>> -> memref<40x128xf32, #tpu.memory_space<vmem>>
    tpu.enqueue_dma source(%arg5 : memref<40x128xf32, #tpu.memory_space<hbm>>) target(%dma_start3A_94 : memref<40x128xf32, #tpu.memory_space<vmem>>) target_semaphore(%arg18 : memref<!tpu.dma_semaphore, #tpu.memory_space<semaphore_mem>>)
    %dma_start3A_95 = arith.constant 3 : i32
    %dma_start3A_96 = arith.constant 0 : i32
    %dma_start3A_97 = arith.constant 0 : i32
    %dma_start3A_98 = tpu.memref_slice %arg10[%dma_start3A_95, %dma_start3A_96, %dma_start3A_97] : memref<5x40x128xf32, #tpu.memory_space<vmem>> -> memref<1x40x128xf32, #tpu.memory_space<vmem>>
    %dma_start3A_99 = tpu.memref_squeeze %dma_start3A_98 : memref<1x40x128xf32, #tpu.memory_space<vmem>> -> memref<40x128xf32, #tpu.memory_space<vmem>>
    %dma_start3A_100 = arith.constant 0 : i32
    %dma_start3A_101 = arith.constant 0 : i32
    %dma_start3A_102 = tpu.memref_slice %dma_start3A_99[%dma_start3A_100, %dma_start3A_101] : memref<40x128xf32, #tpu.memory_space<vmem>> -> memref<40x128xf32, #tpu.memory_space<vmem>>
    %dma_start3A_103 = arith.constant 0 : i32
    %dma_start3A_104 = arith.constant 0 : i32
    %dma_start3A_105 = tpu.memref_slice %arg10[%dma_start3A_95, %dma_start3A_103, %dma_start3A_104] : memref<5x40x128xf32, #tpu.memory_space<vmem>> -> memref<1x40x128xf32, #tpu.memory_space<vmem>>
    %dma_start3A_106 = tpu.memref_squeeze %dma_start3A_105 : memref<1x40x128xf32, #tpu.memory_space<vmem>> -> memref<40x128xf32, #tpu.memory_space<vmem>>
    %dma_start3A_107 = arith.constant 0 : i32
    %dma_start3A_108 = arith.constant 0 : i32
    %dma_start3A_109 = tpu.memref_slice %dma_start3A_106[%dma_start3A_107, %dma_start3A_108] : memref<40x128xf32, #tpu.memory_space<vmem>> -> memref<40x128xf32, #tpu.memory_space<vmem>>
    tpu.enqueue_dma source(%arg5 : memref<40x128xf32, #tpu.memory_space<hbm>>) target(%dma_start3A_109 : memref<40x128xf32, #tpu.memory_space<vmem>>) target_semaphore(%arg19 : memref<!tpu.dma_semaphore, #tpu.memory_space<semaphore_mem>>)
    %dma_start3A_110 = arith.constant 4 : i32
    %dma_start3A_111 = arith.constant 0 : i32
    %dma_start3A_112 = arith.constant 0 : i32
    %dma_start3A_113 = tpu.memref_slice %arg10[%dma_start3A_110, %dma_start3A_111, %dma_start3A_112] : memref<5x40x128xf32, #tpu.memory_space<vmem>> -> memref<1x40x128xf32, #tpu.memory_space<vmem>>
    %dma_start3A_114 = tpu.memref_squeeze %dma_start3A_113 : memref<1x40x128xf32, #tpu.memory_space<vmem>> -> memref<40x128xf32, #tpu.memory_space<vmem>>
    %dma_start3A_115 = arith.constant 0 : i32
    %dma_start3A_116 = arith.constant 0 : i32
    %dma_start3A_117 = tpu.memref_slice %dma_start3A_114[%dma_start3A_115, %dma_start3A_116] : memref<40x128xf32, #tpu.memory_space<vmem>> -> memref<40x128xf32, #tpu.memory_space<vmem>>
    %dma_start3A_118 = arith.constant 0 : i32
    %dma_start3A_119 = arith.constant 0 : i32
    %dma_start3A_120 = tpu.memref_slice %arg10[%dma_start3A_110, %dma_start3A_118, %dma_start3A_119] : memref<5x40x128xf32, #tpu.memory_space<vmem>> -> memref<1x40x128xf32, #tpu.memory_space<vmem>>
    %dma_start3A_121 = tpu.memref_squeeze %dma_start3A_120 : memref<1x40x128xf32, #tpu.memory_space<vmem>> -> memref<40x128xf32, #tpu.memory_space<vmem>>
    %dma_start3A_122 = arith.constant 0 : i32
    %dma_start3A_123 = arith.constant 0 : i32
    %dma_start3A_124 = tpu.memref_slice %dma_start3A_121[%dma_start3A_122, %dma_start3A_123] : memref<40x128xf32, #tpu.memory_space<vmem>> -> memref<40x128xf32, #tpu.memory_space<vmem>>
    tpu.enqueue_dma source(%arg5 : memref<40x128xf32, #tpu.memory_space<hbm>>) target(%dma_start3A_124 : memref<40x128xf32, #tpu.memory_space<vmem>>) target_semaphore(%arg20 : memref<!tpu.dma_semaphore, #tpu.memory_space<semaphore_mem>>)
    %barrier3A = arith.constant 0 : index
    tpu.barrier barrier_id(%barrier3A)
    %mul3A_125 = arith.constant 250 : i32
    %mul3A_126 = arith.muli %add3A, %mul3A_125 : i32
    %add3A_127 = arith.constant 0 : i32
    %add3A_128 = arith.addi %mul3A_126, %add3A_127 : i32
    %dma_start3A_129 = arith.constant 0 : i32
    %dma_start3A_130 = arith.constant 0 : i32
    %dma_start3A_131 = arith.constant 0 : i32
    %dma_start3A_132 = tpu.memref_slice %arg8[%dma_start3A_129, %dma_start3A_130, %dma_start3A_131] : memref<2x5x40xi32, #tpu.memory_space<vmem>> -> memref<1x5x40xi32, #tpu.memory_space<vmem>>
    %dma_start3A_133 = tpu.memref_squeeze %dma_start3A_132 : memref<1x5x40xi32, #tpu.memory_space<vmem>> -> memref<5x40xi32, #tpu.memory_space<vmem>>
    %dma_start3A_134 = arith.constant 0 : i32
    %dma_start3A_135 = tpu.memref_slice %arg3[%add3A_128, %dma_start3A_134] : memref<8010x40xi32, #tpu.memory_space<hbm>> -> memref<5x40xi32, #tpu.memory_space<hbm>>
    %dma_start3A_136 = arith.constant 0 : i32
    %dma_start3A_137 = arith.constant 0 : i32
    %dma_start3A_138 = tpu.memref_slice %arg8[%dma_start3A_129, %dma_start3A_136, %dma_start3A_137] : memref<2x5x40xi32, #tpu.memory_space<vmem>> -> memref<1x5x40xi32, #tpu.memory_space<vmem>>
    %dma_start3A_139 = tpu.memref_squeeze %dma_start3A_138 : memref<1x5x40xi32, #tpu.memory_space<vmem>> -> memref<5x40xi32, #tpu.memory_space<vmem>>
    %dma_start3A_140 = arith.constant 0 : i32
    %dma_start3A_141 = tpu.memref_slice %arg3[%add3A_128, %dma_start3A_140] : memref<8010x40xi32, #tpu.memory_space<hbm>> -> memref<5x40xi32, #tpu.memory_space<hbm>>
    tpu.enqueue_dma source(%dma_start3A_141 : memref<5x40xi32, #tpu.memory_space<hbm>>) target(%dma_start3A_139 : memref<5x40xi32, #tpu.memory_space<vmem>>) target_semaphore(%arg21 : memref<!tpu.dma_semaphore, #tpu.memory_space<semaphore_mem>>)
    %dma_start3A_142 = arith.constant 0 : i32
    %dma_start3A_143 = arith.constant 0 : i32
    %dma_start3A_144 = arith.constant 0 : i32
    %dma_start3A_145 = tpu.memref_slice %arg9[%dma_start3A_142, %dma_start3A_143, %dma_start3A_144] : memref<2x5x40xi32, #tpu.memory_space<vmem>> -> memref<1x5x40xi32, #tpu.memory_space<vmem>>
    %dma_start3A_146 = tpu.memref_squeeze %dma_start3A_145 : memref<1x5x40xi32, #tpu.memory_space<vmem>> -> memref<5x40xi32, #tpu.memory_space<vmem>>
    %dma_start3A_147 = arith.constant 0 : i32
    %dma_start3A_148 = tpu.memref_slice %arg4[%add3A_128, %dma_start3A_147] : memref<8010x40xi32, #tpu.memory_space<hbm>> -> memref<5x40xi32, #tpu.memory_space<hbm>>
    %dma_start3A_149 = arith.constant 0 : i32
    %dma_start3A_150 = arith.constant 0 : i32
    %dma_start3A_151 = tpu.memref_slice %arg9[%dma_start3A_142, %dma_start3A_149, %dma_start3A_150] : memref<2x5x40xi32, #tpu.memory_space<vmem>> -> memref<1x5x40xi32, #tpu.memory_space<vmem>>
    %dma_start3A_152 = tpu.memref_squeeze %dma_start3A_151 : memref<1x5x40xi32, #tpu.memory_space<vmem>> -> memref<5x40xi32, #tpu.memory_space<vmem>>
    %dma_start3A_153 = arith.constant 0 : i32
    %dma_start3A_154 = tpu.memref_slice %arg4[%add3A_128, %dma_start3A_153] : memref<8010x40xi32, #tpu.memory_space<hbm>> -> memref<5x40xi32, #tpu.memory_space<hbm>>
    tpu.enqueue_dma source(%dma_start3A_154 : memref<5x40xi32, #tpu.memory_space<hbm>>) target(%dma_start3A_152 : memref<5x40xi32, #tpu.memory_space<vmem>>) target_semaphore(%arg21 : memref<!tpu.dma_semaphore, #tpu.memory_space<semaphore_mem>>)
    %add3A_155 = arith.constant 5 : i32
    %add3A_156 = arith.addi %mul3A_126, %add3A_155 : i32
    %dma_start3A_157 = arith.constant 1 : i32
    %dma_start3A_158 = arith.constant 0 : i32
    %dma_start3A_159 = arith.constant 0 : i32
    %dma_start3A_160 = tpu.memref_slice %arg8[%dma_start3A_157, %dma_start3A_158, %dma_start3A_159] : memref<2x5x40xi32, #tpu.memory_space<vmem>> -> memref<1x5x40xi32, #tpu.memory_space<vmem>>
    %dma_start3A_161 = tpu.memref_squeeze %dma_start3A_160 : memref<1x5x40xi32, #tpu.memory_space<vmem>> -> memref<5x40xi32, #tpu.memory_space<vmem>>
    %dma_start3A_162 = arith.constant 0 : i32
    %dma_start3A_163 = tpu.memref_slice %arg3[%add3A_156, %dma_start3A_162] : memref<8010x40xi32, #tpu.memory_space<hbm>> -> memref<5x40xi32, #tpu.memory_space<hbm>>
    %dma_start3A_164 = arith.constant 0 : i32
    %dma_start3A_165 = arith.constant 0 : i32
    %dma_start3A_166 = tpu.memref_slice %arg8[%dma_start3A_157, %dma_start3A_164, %dma_start3A_165] : memref<2x5x40xi32, #tpu.memory_space<vmem>> -> memref<1x5x40xi32, #tpu.memory_space<vmem>>
    %dma_start3A_167 = tpu.memref_squeeze %dma_start3A_166 : memref<1x5x40xi32, #tpu.memory_space<vmem>> -> memref<5x40xi32, #tpu.memory_space<vmem>>
    %dma_start3A_168 = arith.constant 0 : i32
    %dma_start3A_169 = tpu.memref_slice %arg3[%add3A_156, %dma_start3A_168] : memref<8010x40xi32, #tpu.memory_space<hbm>> -> memref<5x40xi32, #tpu.memory_space<hbm>>
    tpu.enqueue_dma source(%dma_start3A_169 : memref<5x40xi32, #tpu.memory_space<hbm>>) target(%dma_start3A_167 : memref<5x40xi32, #tpu.memory_space<vmem>>) target_semaphore(%arg22 : memref<!tpu.dma_semaphore, #tpu.memory_space<semaphore_mem>>)
    %dma_start3A_170 = arith.constant 1 : i32
    %dma_start3A_171 = arith.constant 0 : i32
    %dma_start3A_172 = arith.constant 0 : i32
    %dma_start3A_173 = tpu.memref_slice %arg9[%dma_start3A_170, %dma_start3A_171, %dma_start3A_172] : memref<2x5x40xi32, #tpu.memory_space<vmem>> -> memref<1x5x40xi32, #tpu.memory_space<vmem>>
    %dma_start3A_174 = tpu.memref_squeeze %dma_start3A_173 : memref<1x5x40xi32, #tpu.memory_space<vmem>> -> memref<5x40xi32, #tpu.memory_space<vmem>>
    %dma_start3A_175 = arith.constant 0 : i32
    %dma_start3A_176 = tpu.memref_slice %arg4[%add3A_156, %dma_start3A_175] : memref<8010x40xi32, #tpu.memory_space<hbm>> -> memref<5x40xi32, #tpu.memory_space<hbm>>
    %dma_start3A_177 = arith.constant 0 : i32
    %dma_start3A_178 = arith.constant 0 : i32
    %dma_start3A_179 = tpu.memref_slice %arg9[%dma_start3A_170, %dma_start3A_177, %dma_start3A_178] : memref<2x5x40xi32, #tpu.memory_space<vmem>> -> memref<1x5x40xi32, #tpu.memory_space<vmem>>
    %dma_start3A_180 = tpu.memref_squeeze %dma_start3A_179 : memref<1x5x40xi32, #tpu.memory_space<vmem>> -> memref<5x40xi32, #tpu.memory_space<vmem>>
    %dma_start3A_181 = arith.constant 0 : i32
    %dma_start3A_182 = tpu.memref_slice %arg4[%add3A_156, %dma_start3A_181] : memref<8010x40xi32, #tpu.memory_space<hbm>> -> memref<5x40xi32, #tpu.memory_space<hbm>>
    tpu.enqueue_dma source(%dma_start3A_182 : memref<5x40xi32, #tpu.memory_space<hbm>>) target(%dma_start3A_180 : memref<5x40xi32, #tpu.memory_space<vmem>>) target_semaphore(%arg22 : memref<!tpu.dma_semaphore, #tpu.memory_space<semaphore_mem>>)
    %scan3A = arith.constant 0 : i32
    %scan3A_183 = arith.constant 0 : i32
    %scan3A_184 = arith.constant 25 : i32
    %scan3A_185 = arith.addi %scan3A_183, %scan3A_184 : i32
    %scan3A_186 = arith.constant 1 : i32
    scf.for %scan3A_319 = %scan3A_183 to %scan3A_185 step %scan3A_186  : i32 {
      %mul3A_320 = arith.constant 2 : i32
      %mul3A_321 = arith.muli %mul3A_320, %scan3A_319 : i32
      %mul3A_322 = arith.constant 5 : i32
      %mul3A_323 = arith.muli %mul3A_321, %mul3A_322 : i32
      %add3A_324 = arith.addi %mul3A_126, %mul3A_323 : i32
      %dma_wait3A_325 = arith.constant 0 : i32
      %dma_wait3A_326 = arith.constant 0 : i32
      %dma_wait3A_327 = arith.constant 0 : i32
      %dma_wait3A_328 = tpu.memref_slice %arg8[%dma_wait3A_325, %dma_wait3A_326, %dma_wait3A_327] : memref<2x5x40xi32, #tpu.memory_space<vmem>> -> memref<1x5x40xi32, #tpu.memory_space<vmem>>
      %dma_wait3A_329 = tpu.memref_squeeze %dma_wait3A_328 : memref<1x5x40xi32, #tpu.memory_space<vmem>> -> memref<5x40xi32, #tpu.memory_space<vmem>>
      %dma_wait3A_330 = arith.constant 0 : i32
      %dma_wait3A_331 = tpu.memref_slice %arg3[%add3A_324, %dma_wait3A_330] : memref<8010x40xi32, #tpu.memory_space<hbm>> -> memref<5x40xi32, #tpu.memory_space<hbm>>
      %dma_wait3A_332 = arith.constant 0 : i32
      %dma_wait3A_333 = arith.constant 0 : i32
      %dma_wait3A_334 = tpu.memref_slice %arg8[%dma_wait3A_325, %dma_wait3A_332, %dma_wait3A_333] : memref<2x5x40xi32, #tpu.memory_space<vmem>> -> memref<1x5x40xi32, #tpu.memory_space<vmem>>
      %dma_wait3A_335 = tpu.memref_squeeze %dma_wait3A_334 : memref<1x5x40xi32, #tpu.memory_space<vmem>> -> memref<5x40xi32, #tpu.memory_space<vmem>>
      %dma_wait3A_336 = arith.constant 0 : i32
      %dma_wait3A_337 = tpu.memref_slice %arg3[%add3A_324, %dma_wait3A_336] : memref<8010x40xi32, #tpu.memory_space<hbm>> -> memref<5x40xi32, #tpu.memory_space<hbm>>
      tpu.wait_dma2 semaphore(%arg21 : memref<!tpu.dma_semaphore, #tpu.memory_space<semaphore_mem>>) src(%dma_wait3A_337 : memref<5x40xi32, #tpu.memory_space<hbm>>) dst(%dma_wait3A_335 : memref<5x40xi32, #tpu.memory_space<vmem>>)
      %dma_wait3A_338 = arith.constant 0 : i32
      %dma_wait3A_339 = arith.constant 0 : i32
      %dma_wait3A_340 = arith.constant 0 : i32
      %dma_wait3A_341 = tpu.memref_slice %arg9[%dma_wait3A_338, %dma_wait3A_339, %dma_wait3A_340] : memref<2x5x40xi32, #tpu.memory_space<vmem>> -> memref<1x5x40xi32, #tpu.memory_space<vmem>>
      %dma_wait3A_342 = tpu.memref_squeeze %dma_wait3A_341 : memref<1x5x40xi32, #tpu.memory_space<vmem>> -> memref<5x40xi32, #tpu.memory_space<vmem>>
      %dma_wait3A_343 = arith.constant 0 : i32
      %dma_wait3A_344 = tpu.memref_slice %arg4[%add3A_324, %dma_wait3A_343] : memref<8010x40xi32, #tpu.memory_space<hbm>> -> memref<5x40xi32, #tpu.memory_space<hbm>>
      %dma_wait3A_345 = arith.constant 0 : i32
      %dma_wait3A_346 = arith.constant 0 : i32
      %dma_wait3A_347 = tpu.memref_slice %arg9[%dma_wait3A_338, %dma_wait3A_345, %dma_wait3A_346] : memref<2x5x40xi32, #tpu.memory_space<vmem>> -> memref<1x5x40xi32, #tpu.memory_space<vmem>>
      %dma_wait3A_348 = tpu.memref_squeeze %dma_wait3A_347 : memref<1x5x40xi32, #tpu.memory_space<vmem>> -> memref<5x40xi32, #tpu.memory_space<vmem>>
      %dma_wait3A_349 = arith.constant 0 : i32
      %dma_wait3A_350 = tpu.memref_slice %arg4[%add3A_324, %dma_wait3A_349] : memref<8010x40xi32, #tpu.memory_space<hbm>> -> memref<5x40xi32, #tpu.memory_space<hbm>>
      tpu.wait_dma2 semaphore(%arg21 : memref<!tpu.dma_semaphore, #tpu.memory_space<semaphore_mem>>) src(%dma_wait3A_350 : memref<5x40xi32, #tpu.memory_space<hbm>>) dst(%dma_wait3A_348 : memref<5x40xi32, #tpu.memory_space<vmem>>)
      %dma_wait3A_351 = arith.constant 0 : i32
      %dma_wait3A_352 = arith.constant 0 : i32
      %dma_wait3A_353 = arith.constant 0 : i32
      %dma_wait3A_354 = tpu.memref_slice %arg10[%dma_wait3A_351, %dma_wait3A_352, %dma_wait3A_353] : memref<5x40x128xf32, #tpu.memory_space<vmem>> -> memref<1x40x128xf32, #tpu.memory_space<vmem>>
      %dma_wait3A_355 = tpu.memref_squeeze %dma_wait3A_354 : memref<1x40x128xf32, #tpu.memory_space<vmem>> -> memref<40x128xf32, #tpu.memory_space<vmem>>
      %dma_wait3A_356 = arith.constant 0 : i32
      %dma_wait3A_357 = arith.constant 0 : i32
      %dma_wait3A_358 = tpu.memref_slice %dma_wait3A_355[%dma_wait3A_356, %dma_wait3A_357] : memref<40x128xf32, #tpu.memory_space<vmem>> -> memref<40x128xf32, #tpu.memory_space<vmem>>
      %dma_wait3A_359 = arith.constant 0 : i32
      %dma_wait3A_360 = arith.constant 0 : i32
      %dma_wait3A_361 = tpu.memref_slice %arg10[%dma_wait3A_351, %dma_wait3A_359, %dma_wait3A_360] : memref<5x40x128xf32, #tpu.memory_space<vmem>> -> memref<1x40x128xf32, #tpu.memory_space<vmem>>
      %dma_wait3A_362 = tpu.memref_squeeze %dma_wait3A_361 : memref<1x40x128xf32, #tpu.memory_space<vmem>> -> memref<40x128xf32, #tpu.memory_space<vmem>>
      %dma_wait3A_363 = arith.constant 0 : i32
      %dma_wait3A_364 = arith.constant 0 : i32
      %dma_wait3A_365 = tpu.memref_slice %dma_wait3A_362[%dma_wait3A_363, %dma_wait3A_364] : memref<40x128xf32, #tpu.memory_space<vmem>> -> memref<40x128xf32, #tpu.memory_space<vmem>>
      tpu.wait_dma2 semaphore(%arg16 : memref<!tpu.dma_semaphore, #tpu.memory_space<semaphore_mem>>) src(%arg5 : memref<40x128xf32, #tpu.memory_space<hbm>>) dst(%dma_wait3A_365 : memref<40x128xf32, #tpu.memory_space<vmem>>)
      %dma_start3A_366 = arith.constant 0 : i32
      %dma_start3A_367 = arith.constant 0 : i32
      %dma_start3A_368 = arith.constant 0 : i32
      %dma_start3A_369 = arith.constant 0 : i32
      %dma_start3A_370 = arith.constant 0 : i32
      %dma_start3A_371 = tpu.memref_slice %arg10[%dma_start3A_368, %dma_start3A_369, %dma_start3A_370] : memref<5x40x128xf32, #tpu.memory_space<vmem>> -> memref<1x40x128xf32, #tpu.memory_space<vmem>>
      %dma_start3A_372 = tpu.memref_squeeze %dma_start3A_371 : memref<1x40x128xf32, #tpu.memory_space<vmem>> -> memref<40x128xf32, #tpu.memory_space<vmem>>
      %dma_start3A_373 = arith.constant 0 : i32
      %dma_start3A_374 = tpu.memref_slice %arg8[%dma_start3A_366, %dma_start3A_367, %dma_start3A_373] : memref<2x5x40xi32, #tpu.memory_space<vmem>> -> memref<1x1x40xi32, #tpu.memory_space<vmem>>
      %dma_start3A_375 = tpu.memref_squeeze %dma_start3A_374 : memref<1x1x40xi32, #tpu.memory_space<vmem>> -> memref<40xi32, #tpu.memory_space<vmem>>
      %dma_start3A_376 = arith.constant 0 : i32
      %dma_start3A_377 = arith.constant 0 : i32
      %dma_start3A_378 = tpu.memref_slice %arg2[%dma_start3A_376, %dma_start3A_377] : memref<10000x128xf32, #tpu.memory_space<hbm>> -> memref<10000x128xf32, #tpu.memory_space<hbm>>
      tpu.enqueue_indirect_dma source(%dma_start3A_378 : memref<10000x128xf32, #tpu.memory_space<hbm>>) target(%dma_start3A_372 : memref<40x128xf32, #tpu.memory_space<vmem>>) offsets(%dma_start3A_375 : memref<40xi32, #tpu.memory_space<vmem>>) semaphore(%arg11 : memref<!tpu.dma_semaphore, #tpu.memory_space<semaphore_mem>>)
      %dma_wait3A_379 = arith.constant 1 : i32
      %dma_wait3A_380 = arith.constant 0 : i32
      %dma_wait3A_381 = arith.constant 0 : i32
      %dma_wait3A_382 = tpu.memref_slice %arg10[%dma_wait3A_379, %dma_wait3A_380, %dma_wait3A_381] : memref<5x40x128xf32, #tpu.memory_space<vmem>> -> memref<1x40x128xf32, #tpu.memory_space<vmem>>
      %dma_wait3A_383 = tpu.memref_squeeze %dma_wait3A_382 : memref<1x40x128xf32, #tpu.memory_space<vmem>> -> memref<40x128xf32, #tpu.memory_space<vmem>>
      %dma_wait3A_384 = arith.constant 0 : i32
      %dma_wait3A_385 = arith.constant 0 : i32
      %dma_wait3A_386 = tpu.memref_slice %dma_wait3A_383[%dma_wait3A_384, %dma_wait3A_385] : memref<40x128xf32, #tpu.memory_space<vmem>> -> memref<40x128xf32, #tpu.memory_space<vmem>>
      %dma_wait3A_387 = arith.constant 0 : i32
      %dma_wait3A_388 = arith.constant 0 : i32
      %dma_wait3A_389 = tpu.memref_slice %arg10[%dma_wait3A_379, %dma_wait3A_387, %dma_wait3A_388] : memref<5x40x128xf32, #tpu.memory_space<vmem>> -> memref<1x40x128xf32, #tpu.memory_space<vmem>>
      %dma_wait3A_390 = tpu.memref_squeeze %dma_wait3A_389 : memref<1x40x128xf32, #tpu.memory_space<vmem>> -> memref<40x128xf32, #tpu.memory_space<vmem>>
      %dma_wait3A_391 = arith.constant 0 : i32
      %dma_wait3A_392 = arith.constant 0 : i32
      %dma_wait3A_393 = tpu.memref_slice %dma_wait3A_390[%dma_wait3A_391, %dma_wait3A_392] : memref<40x128xf32, #tpu.memory_space<vmem>> -> memref<40x128xf32, #tpu.memory_space<vmem>>
      tpu.wait_dma2 semaphore(%arg17 : memref<!tpu.dma_semaphore, #tpu.memory_space<semaphore_mem>>) src(%arg5 : memref<40x128xf32, #tpu.memory_space<hbm>>) dst(%dma_wait3A_393 : memref<40x128xf32, #tpu.memory_space<vmem>>)
      %dma_start3A_394 = arith.constant 0 : i32
      %dma_start3A_395 = arith.constant 1 : i32
      %dma_start3A_396 = arith.constant 1 : i32
      %dma_start3A_397 = arith.constant 0 : i32
      %dma_start3A_398 = arith.constant 0 : i32
      %dma_start3A_399 = tpu.memref_slice %arg10[%dma_start3A_396, %dma_start3A_397, %dma_start3A_398] : memref<5x40x128xf32, #tpu.memory_space<vmem>> -> memref<1x40x128xf32, #tpu.memory_space<vmem>>
      %dma_start3A_400 = tpu.memref_squeeze %dma_start3A_399 : memref<1x40x128xf32, #tpu.memory_space<vmem>> -> memref<40x128xf32, #tpu.memory_space<vmem>>
      %dma_start3A_401 = arith.constant 0 : i32
      %dma_start3A_402 = tpu.memref_slice %arg8[%dma_start3A_394, %dma_start3A_395, %dma_start3A_401] : memref<2x5x40xi32, #tpu.memory_space<vmem>> -> memref<1x1x40xi32, #tpu.memory_space<vmem>>
      %dma_start3A_403 = tpu.memref_squeeze %dma_start3A_402 : memref<1x1x40xi32, #tpu.memory_space<vmem>> -> memref<40xi32, #tpu.memory_space<vmem>>
      %dma_start3A_404 = arith.constant 0 : i32
      %dma_start3A_405 = arith.constant 0 : i32
      %dma_start3A_406 = tpu.memref_slice %arg2[%dma_start3A_404, %dma_start3A_405] : memref<10000x128xf32, #tpu.memory_space<hbm>> -> memref<10000x128xf32, #tpu.memory_space<hbm>>
      tpu.enqueue_indirect_dma source(%dma_start3A_406 : memref<10000x128xf32, #tpu.memory_space<hbm>>) target(%dma_start3A_400 : memref<40x128xf32, #tpu.memory_space<vmem>>) offsets(%dma_start3A_403 : memref<40xi32, #tpu.memory_space<vmem>>) semaphore(%arg12 : memref<!tpu.dma_semaphore, #tpu.memory_space<semaphore_mem>>)
      %dma_wait3A_407 = arith.constant 2 : i32
      %dma_wait3A_408 = arith.constant 0 : i32
      %dma_wait3A_409 = arith.constant 0 : i32
      %dma_wait3A_410 = tpu.memref_slice %arg10[%dma_wait3A_407, %dma_wait3A_408, %dma_wait3A_409] : memref<5x40x128xf32, #tpu.memory_space<vmem>> -> memref<1x40x128xf32, #tpu.memory_space<vmem>>
      %dma_wait3A_411 = tpu.memref_squeeze %dma_wait3A_410 : memref<1x40x128xf32, #tpu.memory_space<vmem>> -> memref<40x128xf32, #tpu.memory_space<vmem>>
      %dma_wait3A_412 = arith.constant 0 : i32
      %dma_wait3A_413 = arith.constant 0 : i32
      %dma_wait3A_414 = tpu.memref_slice %dma_wait3A_411[%dma_wait3A_412, %dma_wait3A_413] : memref<40x128xf32, #tpu.memory_space<vmem>> -> memref<40x128xf32, #tpu.memory_space<vmem>>
      %dma_wait3A_415 = arith.constant 0 : i32
      %dma_wait3A_416 = arith.constant 0 : i32
      %dma_wait3A_417 = tpu.memref_slice %arg10[%dma_wait3A_407, %dma_wait3A_415, %dma_wait3A_416] : memref<5x40x128xf32, #tpu.memory_space<vmem>> -> memref<1x40x128xf32, #tpu.memory_space<vmem>>
      %dma_wait3A_418 = tpu.memref_squeeze %dma_wait3A_417 : memref<1x40x128xf32, #tpu.memory_space<vmem>> -> memref<40x128xf32, #tpu.memory_space<vmem>>
      %dma_wait3A_419 = arith.constant 0 : i32
      %dma_wait3A_420 = arith.constant 0 : i32
      %dma_wait3A_421 = tpu.memref_slice %dma_wait3A_418[%dma_wait3A_419, %dma_wait3A_420] : memref<40x128xf32, #tpu.memory_space<vmem>> -> memref<40x128xf32, #tpu.memory_space<vmem>>
      tpu.wait_dma2 semaphore(%arg18 : memref<!tpu.dma_semaphore, #tpu.memory_space<semaphore_mem>>) src(%arg5 : memref<40x128xf32, #tpu.memory_space<hbm>>) dst(%dma_wait3A_421 : memref<40x128xf32, #tpu.memory_space<vmem>>)
      %dma_start3A_422 = arith.constant 0 : i32
      %dma_start3A_423 = arith.constant 2 : i32
      %dma_start3A_424 = arith.constant 2 : i32
      %dma_start3A_425 = arith.constant 0 : i32
      %dma_start3A_426 = arith.constant 0 : i32
      %dma_start3A_427 = tpu.memref_slice %arg10[%dma_start3A_424, %dma_start3A_425, %dma_start3A_426] : memref<5x40x128xf32, #tpu.memory_space<vmem>> -> memref<1x40x128xf32, #tpu.memory_space<vmem>>
      %dma_start3A_428 = tpu.memref_squeeze %dma_start3A_427 : memref<1x40x128xf32, #tpu.memory_space<vmem>> -> memref<40x128xf32, #tpu.memory_space<vmem>>
      %dma_start3A_429 = arith.constant 0 : i32
      %dma_start3A_430 = tpu.memref_slice %arg8[%dma_start3A_422, %dma_start3A_423, %dma_start3A_429] : memref<2x5x40xi32, #tpu.memory_space<vmem>> -> memref<1x1x40xi32, #tpu.memory_space<vmem>>
      %dma_start3A_431 = tpu.memref_squeeze %dma_start3A_430 : memref<1x1x40xi32, #tpu.memory_space<vmem>> -> memref<40xi32, #tpu.memory_space<vmem>>
      %dma_start3A_432 = arith.constant 0 : i32
      %dma_start3A_433 = arith.constant 0 : i32
      %dma_start3A_434 = tpu.memref_slice %arg2[%dma_start3A_432, %dma_start3A_433] : memref<10000x128xf32, #tpu.memory_space<hbm>> -> memref<10000x128xf32, #tpu.memory_space<hbm>>
      tpu.enqueue_indirect_dma source(%dma_start3A_434 : memref<10000x128xf32, #tpu.memory_space<hbm>>) target(%dma_start3A_428 : memref<40x128xf32, #tpu.memory_space<vmem>>) offsets(%dma_start3A_431 : memref<40xi32, #tpu.memory_space<vmem>>) semaphore(%arg13 : memref<!tpu.dma_semaphore, #tpu.memory_space<semaphore_mem>>)
      %dma_wait3A_435 = arith.constant 3 : i32
      %dma_wait3A_436 = arith.constant 0 : i32
      %dma_wait3A_437 = arith.constant 0 : i32
      %dma_wait3A_438 = tpu.memref_slice %arg10[%dma_wait3A_435, %dma_wait3A_436, %dma_wait3A_437] : memref<5x40x128xf32, #tpu.memory_space<vmem>> -> memref<1x40x128xf32, #tpu.memory_space<vmem>>
      %dma_wait3A_439 = tpu.memref_squeeze %dma_wait3A_438 : memref<1x40x128xf32, #tpu.memory_space<vmem>> -> memref<40x128xf32, #tpu.memory_space<vmem>>
      %dma_wait3A_440 = arith.constant 0 : i32
      %dma_wait3A_441 = arith.constant 0 : i32
      %dma_wait3A_442 = tpu.memref_slice %dma_wait3A_439[%dma_wait3A_440, %dma_wait3A_441] : memref<40x128xf32, #tpu.memory_space<vmem>> -> memref<40x128xf32, #tpu.memory_space<vmem>>
      %dma_wait3A_443 = arith.constant 0 : i32
      %dma_wait3A_444 = arith.constant 0 : i32
      %dma_wait3A_445 = tpu.memref_slice %arg10[%dma_wait3A_435, %dma_wait3A_443, %dma_wait3A_444] : memref<5x40x128xf32, #tpu.memory_space<vmem>> -> memref<1x40x128xf32, #tpu.memory_space<vmem>>
      %dma_wait3A_446 = tpu.memref_squeeze %dma_wait3A_445 : memref<1x40x128xf32, #tpu.memory_space<vmem>> -> memref<40x128xf32, #tpu.memory_space<vmem>>
      %dma_wait3A_447 = arith.constant 0 : i32
      %dma_wait3A_448 = arith.constant 0 : i32
      %dma_wait3A_449 = tpu.memref_slice %dma_wait3A_446[%dma_wait3A_447, %dma_wait3A_448] : memref<40x128xf32, #tpu.memory_space<vmem>> -> memref<40x128xf32, #tpu.memory_space<vmem>>
      tpu.wait_dma2 semaphore(%arg19 : memref<!tpu.dma_semaphore, #tpu.memory_space<semaphore_mem>>) src(%arg5 : memref<40x128xf32, #tpu.memory_space<hbm>>) dst(%dma_wait3A_449 : memref<40x128xf32, #tpu.memory_space<vmem>>)
      %dma_start3A_450 = arith.constant 0 : i32
      %dma_start3A_451 = arith.constant 3 : i32
      %dma_start3A_452 = arith.constant 3 : i32
      %dma_start3A_453 = arith.constant 0 : i32
      %dma_start3A_454 = arith.constant 0 : i32
      %dma_start3A_455 = tpu.memref_slice %arg10[%dma_start3A_452, %dma_start3A_453, %dma_start3A_454] : memref<5x40x128xf32, #tpu.memory_space<vmem>> -> memref<1x40x128xf32, #tpu.memory_space<vmem>>
      %dma_start3A_456 = tpu.memref_squeeze %dma_start3A_455 : memref<1x40x128xf32, #tpu.memory_space<vmem>> -> memref<40x128xf32, #tpu.memory_space<vmem>>
      %dma_start3A_457 = arith.constant 0 : i32
      %dma_start3A_458 = tpu.memref_slice %arg8[%dma_start3A_450, %dma_start3A_451, %dma_start3A_457] : memref<2x5x40xi32, #tpu.memory_space<vmem>> -> memref<1x1x40xi32, #tpu.memory_space<vmem>>
      %dma_start3A_459 = tpu.memref_squeeze %dma_start3A_458 : memref<1x1x40xi32, #tpu.memory_space<vmem>> -> memref<40xi32, #tpu.memory_space<vmem>>
      %dma_start3A_460 = arith.constant 0 : i32
      %dma_start3A_461 = arith.constant 0 : i32
      %dma_start3A_462 = tpu.memref_slice %arg2[%dma_start3A_460, %dma_start3A_461] : memref<10000x128xf32, #tpu.memory_space<hbm>> -> memref<10000x128xf32, #tpu.memory_space<hbm>>
      tpu.enqueue_indirect_dma source(%dma_start3A_462 : memref<10000x128xf32, #tpu.memory_space<hbm>>) target(%dma_start3A_456 : memref<40x128xf32, #tpu.memory_space<vmem>>) offsets(%dma_start3A_459 : memref<40xi32, #tpu.memory_space<vmem>>) semaphore(%arg14 : memref<!tpu.dma_semaphore, #tpu.memory_space<semaphore_mem>>)
      %dma_wait3A_463 = arith.constant 4 : i32
      %dma_wait3A_464 = arith.constant 0 : i32
      %dma_wait3A_465 = arith.constant 0 : i32
      %dma_wait3A_466 = tpu.memref_slice %arg10[%dma_wait3A_463, %dma_wait3A_464, %dma_wait3A_465] : memref<5x40x128xf32, #tpu.memory_space<vmem>> -> memref<1x40x128xf32, #tpu.memory_space<vmem>>
      %dma_wait3A_467 = tpu.memref_squeeze %dma_wait3A_466 : memref<1x40x128xf32, #tpu.memory_space<vmem>> -> memref<40x128xf32, #tpu.memory_space<vmem>>
      %dma_wait3A_468 = arith.constant 0 : i32
      %dma_wait3A_469 = arith.constant 0 : i32
      %dma_wait3A_470 = tpu.memref_slice %dma_wait3A_467[%dma_wait3A_468, %dma_wait3A_469] : memref<40x128xf32, #tpu.memory_space<vmem>> -> memref<40x128xf32, #tpu.memory_space<vmem>>
      %dma_wait3A_471 = arith.constant 0 : i32
      %dma_wait3A_472 = arith.constant 0 : i32
      %dma_wait3A_473 = tpu.memref_slice %arg10[%dma_wait3A_463, %dma_wait3A_471, %dma_wait3A_472] : memref<5x40x128xf32, #tpu.memory_space<vmem>> -> memref<1x40x128xf32, #tpu.memory_space<vmem>>
      %dma_wait3A_474 = tpu.memref_squeeze %dma_wait3A_473 : memref<1x40x128xf32, #tpu.memory_space<vmem>> -> memref<40x128xf32, #tpu.memory_space<vmem>>
      %dma_wait3A_475 = arith.constant 0 : i32
      %dma_wait3A_476 = arith.constant 0 : i32
      %dma_wait3A_477 = tpu.memref_slice %dma_wait3A_474[%dma_wait3A_475, %dma_wait3A_476] : memref<40x128xf32, #tpu.memory_space<vmem>> -> memref<40x128xf32, #tpu.memory_space<vmem>>
      tpu.wait_dma2 semaphore(%arg20 : memref<!tpu.dma_semaphore, #tpu.memory_space<semaphore_mem>>) src(%arg5 : memref<40x128xf32, #tpu.memory_space<hbm>>) dst(%dma_wait3A_477 : memref<40x128xf32, #tpu.memory_space<vmem>>)
      %dma_start3A_478 = arith.constant 0 : i32
      %dma_start3A_479 = arith.constant 4 : i32
      %dma_start3A_480 = arith.constant 4 : i32
      %dma_start3A_481 = arith.constant 0 : i32
      %dma_start3A_482 = arith.constant 0 : i32
      %dma_start3A_483 = tpu.memref_slice %arg10[%dma_start3A_480, %dma_start3A_481, %dma_start3A_482] : memref<5x40x128xf32, #tpu.memory_space<vmem>> -> memref<1x40x128xf32, #tpu.memory_space<vmem>>
      %dma_start3A_484 = tpu.memref_squeeze %dma_start3A_483 : memref<1x40x128xf32, #tpu.memory_space<vmem>> -> memref<40x128xf32, #tpu.memory_space<vmem>>
      %dma_start3A_485 = arith.constant 0 : i32
      %dma_start3A_486 = tpu.memref_slice %arg8[%dma_start3A_478, %dma_start3A_479, %dma_start3A_485] : memref<2x5x40xi32, #tpu.memory_space<vmem>> -> memref<1x1x40xi32, #tpu.memory_space<vmem>>
      %dma_start3A_487 = tpu.memref_squeeze %dma_start3A_486 : memref<1x1x40xi32, #tpu.memory_space<vmem>> -> memref<40xi32, #tpu.memory_space<vmem>>
      %dma_start3A_488 = arith.constant 0 : i32
      %dma_start3A_489 = arith.constant 0 : i32
      %dma_start3A_490 = tpu.memref_slice %arg2[%dma_start3A_488, %dma_start3A_489] : memref<10000x128xf32, #tpu.memory_space<hbm>> -> memref<10000x128xf32, #tpu.memory_space<hbm>>
      tpu.enqueue_indirect_dma source(%dma_start3A_490 : memref<10000x128xf32, #tpu.memory_space<hbm>>) target(%dma_start3A_484 : memref<40x128xf32, #tpu.memory_space<vmem>>) offsets(%dma_start3A_487 : memref<40xi32, #tpu.memory_space<vmem>>) semaphore(%arg15 : memref<!tpu.dma_semaphore, #tpu.memory_space<semaphore_mem>>)
      %dma_wait3A_491 = arith.constant 0 : i32
      %dma_wait3A_492 = arith.constant 0 : i32
      %dma_wait3A_493 = arith.constant 0 : i32
      %dma_wait3A_494 = arith.constant 0 : i32
      %dma_wait3A_495 = arith.constant 0 : i32
      %dma_wait3A_496 = tpu.memref_slice %arg10[%dma_wait3A_493, %dma_wait3A_494, %dma_wait3A_495] : memref<5x40x128xf32, #tpu.memory_space<vmem>> -> memref<1x40x128xf32, #tpu.memory_space<vmem>>
      %dma_wait3A_497 = tpu.memref_squeeze %dma_wait3A_496 : memref<1x40x128xf32, #tpu.memory_space<vmem>> -> memref<40x128xf32, #tpu.memory_space<vmem>>
      %dma_wait3A_498 = arith.constant 0 : i32
      %dma_wait3A_499 = tpu.memref_slice %arg8[%dma_wait3A_491, %dma_wait3A_492, %dma_wait3A_498] : memref<2x5x40xi32, #tpu.memory_space<vmem>> -> memref<1x1x40xi32, #tpu.memory_space<vmem>>
      %dma_wait3A_500 = tpu.memref_squeeze %dma_wait3A_499 : memref<1x1x40xi32, #tpu.memory_space<vmem>> -> memref<40xi32, #tpu.memory_space<vmem>>
      %dma_wait3A_501 = arith.constant 0 : i32
      %dma_wait3A_502 = arith.constant 0 : i32
      %dma_wait3A_503 = tpu.memref_slice %arg2[%dma_wait3A_501, %dma_wait3A_502] : memref<10000x128xf32, #tpu.memory_space<hbm>> -> memref<10000x128xf32, #tpu.memory_space<hbm>>
      tpu.wait_indirect_dma semaphore(%arg11 : memref<!tpu.dma_semaphore, #tpu.memory_space<semaphore_mem>>) src(%dma_wait3A_503 : memref<10000x128xf32, #tpu.memory_space<hbm>>) dst(%dma_wait3A_497 : memref<40x128xf32, #tpu.memory_space<vmem>>)
      %dma_start3A_504 = arith.constant 0 : i32
      %dma_start3A_505 = arith.constant 0 : i32
      %dma_start3A_506 = arith.constant 0 : i32
      %dma_start3A_507 = arith.constant 0 : i32
      %dma_start3A_508 = arith.constant 0 : i32
      %dma_start3A_509 = tpu.memref_slice %arg10[%dma_start3A_504, %dma_start3A_507, %dma_start3A_508] : memref<5x40x128xf32, #tpu.memory_space<vmem>> -> memref<1x40x128xf32, #tpu.memory_space<vmem>>
      %dma_start3A_510 = tpu.memref_squeeze %dma_start3A_509 : memref<1x40x128xf32, #tpu.memory_space<vmem>> -> memref<40x128xf32, #tpu.memory_space<vmem>>
      %dma_start3A_511 = arith.constant 0 : i32
      %dma_start3A_512 = tpu.memref_slice %arg9[%dma_start3A_505, %dma_start3A_506, %dma_start3A_511] : memref<2x5x40xi32, #tpu.memory_space<vmem>> -> memref<1x1x40xi32, #tpu.memory_space<vmem>>
      %dma_start3A_513 = tpu.memref_squeeze %dma_start3A_512 : memref<1x1x40xi32, #tpu.memory_space<vmem>> -> memref<40xi32, #tpu.memory_space<vmem>>
      %dma_start3A_514 = arith.constant 0 : i32
      %dma_start3A_515 = arith.constant 0 : i32
      %dma_start3A_516 = tpu.memref_slice %arg7[%dma_start3A_514, %dma_start3A_515] : memref<10240x128xf32, #tpu.memory_space<vmem_shared>> -> memref<10240x128xf32, #tpu.memory_space<vmem_shared>>
      tpu.enqueue_indirect_dma source(%dma_start3A_510 : memref<40x128xf32, #tpu.memory_space<vmem>>) target(%dma_start3A_516 : memref<10240x128xf32, #tpu.memory_space<vmem_shared>>) offsets(%dma_start3A_513 : memref<40xi32, #tpu.memory_space<vmem>>) semaphore(%arg16 : memref<!tpu.dma_semaphore, #tpu.memory_space<semaphore_mem>>) {add = true}
      %dma_wait3A_517 = arith.constant 0 : i32
      %dma_wait3A_518 = arith.constant 1 : i32
      %dma_wait3A_519 = arith.constant 1 : i32
      %dma_wait3A_520 = arith.constant 0 : i32
      %dma_wait3A_521 = arith.constant 0 : i32
      %dma_wait3A_522 = tpu.memref_slice %arg10[%dma_wait3A_519, %dma_wait3A_520, %dma_wait3A_521] : memref<5x40x128xf32, #tpu.memory_space<vmem>> -> memref<1x40x128xf32, #tpu.memory_space<vmem>>
      %dma_wait3A_523 = tpu.memref_squeeze %dma_wait3A_522 : memref<1x40x128xf32, #tpu.memory_space<vmem>> -> memref<40x128xf32, #tpu.memory_space<vmem>>
      %dma_wait3A_524 = arith.constant 0 : i32
      %dma_wait3A_525 = tpu.memref_slice %arg8[%dma_wait3A_517, %dma_wait3A_518, %dma_wait3A_524] : memref<2x5x40xi32, #tpu.memory_space<vmem>> -> memref<1x1x40xi32, #tpu.memory_space<vmem>>
      %dma_wait3A_526 = tpu.memref_squeeze %dma_wait3A_525 : memref<1x1x40xi32, #tpu.memory_space<vmem>> -> memref<40xi32, #tpu.memory_space<vmem>>
      %dma_wait3A_527 = arith.constant 0 : i32
      %dma_wait3A_528 = arith.constant 0 : i32
      %dma_wait3A_529 = tpu.memref_slice %arg2[%dma_wait3A_527, %dma_wait3A_528] : memref<10000x128xf32, #tpu.memory_space<hbm>> -> memref<10000x128xf32, #tpu.memory_space<hbm>>
      tpu.wait_indirect_dma semaphore(%arg12 : memref<!tpu.dma_semaphore, #tpu.memory_space<semaphore_mem>>) src(%dma_wait3A_529 : memref<10000x128xf32, #tpu.memory_space<hbm>>) dst(%dma_wait3A_523 : memref<40x128xf32, #tpu.memory_space<vmem>>)
      %dma_start3A_530 = arith.constant 1 : i32
      %dma_start3A_531 = arith.constant 0 : i32
      %dma_start3A_532 = arith.constant 1 : i32
      %dma_start3A_533 = arith.constant 0 : i32
      %dma_start3A_534 = arith.constant 0 : i32
      %dma_start3A_535 = tpu.memref_slice %arg10[%dma_start3A_530, %dma_start3A_533, %dma_start3A_534] : memref<5x40x128xf32, #tpu.memory_space<vmem>> -> memref<1x40x128xf32, #tpu.memory_space<vmem>>
      %dma_start3A_536 = tpu.memref_squeeze %dma_start3A_535 : memref<1x40x128xf32, #tpu.memory_space<vmem>> -> memref<40x128xf32, #tpu.memory_space<vmem>>
      %dma_start3A_537 = arith.constant 0 : i32
      %dma_start3A_538 = tpu.memref_slice %arg9[%dma_start3A_531, %dma_start3A_532, %dma_start3A_537] : memref<2x5x40xi32, #tpu.memory_space<vmem>> -> memref<1x1x40xi32, #tpu.memory_space<vmem>>
      %dma_start3A_539 = tpu.memref_squeeze %dma_start3A_538 : memref<1x1x40xi32, #tpu.memory_space<vmem>> -> memref<40xi32, #tpu.memory_space<vmem>>
      %dma_start3A_540 = arith.constant 0 : i32
      %dma_start3A_541 = arith.constant 0 : i32
      %dma_start3A_542 = tpu.memref_slice %arg7[%dma_start3A_540, %dma_start3A_541] : memref<10240x128xf32, #tpu.memory_space<vmem_shared>> -> memref<10240x128xf32, #tpu.memory_space<vmem_shared>>
      tpu.enqueue_indirect_dma source(%dma_start3A_536 : memref<40x128xf32, #tpu.memory_space<vmem>>) target(%dma_start3A_542 : memref<10240x128xf32, #tpu.memory_space<vmem_shared>>) offsets(%dma_start3A_539 : memref<40xi32, #tpu.memory_space<vmem>>) semaphore(%arg17 : memref<!tpu.dma_semaphore, #tpu.memory_space<semaphore_mem>>) {add = true}
      %dma_wait3A_543 = arith.constant 0 : i32
      %dma_wait3A_544 = arith.constant 2 : i32
      %dma_wait3A_545 = arith.constant 2 : i32
      %dma_wait3A_546 = arith.constant 0 : i32
      %dma_wait3A_547 = arith.constant 0 : i32
      %dma_wait3A_548 = tpu.memref_slice %arg10[%dma_wait3A_545, %dma_wait3A_546, %dma_wait3A_547] : memref<5x40x128xf32, #tpu.memory_space<vmem>> -> memref<1x40x128xf32, #tpu.memory_space<vmem>>
      %dma_wait3A_549 = tpu.memref_squeeze %dma_wait3A_548 : memref<1x40x128xf32, #tpu.memory_space<vmem>> -> memref<40x128xf32, #tpu.memory_space<vmem>>
      %dma_wait3A_550 = arith.constant 0 : i32
      %dma_wait3A_551 = tpu.memref_slice %arg8[%dma_wait3A_543, %dma_wait3A_544, %dma_wait3A_550] : memref<2x5x40xi32, #tpu.memory_space<vmem>> -> memref<1x1x40xi32, #tpu.memory_space<vmem>>
      %dma_wait3A_552 = tpu.memref_squeeze %dma_wait3A_551 : memref<1x1x40xi32, #tpu.memory_space<vmem>> -> memref<40xi32, #tpu.memory_space<vmem>>
      %dma_wait3A_553 = arith.constant 0 : i32
      %dma_wait3A_554 = arith.constant 0 : i32
      %dma_wait3A_555 = tpu.memref_slice %arg2[%dma_wait3A_553, %dma_wait3A_554] : memref<10000x128xf32, #tpu.memory_space<hbm>> -> memref<10000x128xf32, #tpu.memory_space<hbm>>
      tpu.wait_indirect_dma semaphore(%arg13 : memref<!tpu.dma_semaphore, #tpu.memory_space<semaphore_mem>>) src(%dma_wait3A_555 : memref<10000x128xf32, #tpu.memory_space<hbm>>) dst(%dma_wait3A_549 : memref<40x128xf32, #tpu.memory_space<vmem>>)
      %dma_start3A_556 = arith.constant 2 : i32
      %dma_start3A_557 = arith.constant 0 : i32
      %dma_start3A_558 = arith.constant 2 : i32
      %dma_start3A_559 = arith.constant 0 : i32
      %dma_start3A_560 = arith.constant 0 : i32
      %dma_start3A_561 = tpu.memref_slice %arg10[%dma_start3A_556, %dma_start3A_559, %dma_start3A_560] : memref<5x40x128xf32, #tpu.memory_space<vmem>> -> memref<1x40x128xf32, #tpu.memory_space<vmem>>
      %dma_start3A_562 = tpu.memref_squeeze %dma_start3A_561 : memref<1x40x128xf32, #tpu.memory_space<vmem>> -> memref<40x128xf32, #tpu.memory_space<vmem>>
      %dma_start3A_563 = arith.constant 0 : i32
      %dma_start3A_564 = tpu.memref_slice %arg9[%dma_start3A_557, %dma_start3A_558, %dma_start3A_563] : memref<2x5x40xi32, #tpu.memory_space<vmem>> -> memref<1x1x40xi32, #tpu.memory_space<vmem>>
      %dma_start3A_565 = tpu.memref_squeeze %dma_start3A_564 : memref<1x1x40xi32, #tpu.memory_space<vmem>> -> memref<40xi32, #tpu.memory_space<vmem>>
      %dma_start3A_566 = arith.constant 0 : i32
      %dma_start3A_567 = arith.constant 0 : i32
      %dma_start3A_568 = tpu.memref_slice %arg7[%dma_start3A_566, %dma_start3A_567] : memref<10240x128xf32, #tpu.memory_space<vmem_shared>> -> memref<10240x128xf32, #tpu.memory_space<vmem_shared>>
      tpu.enqueue_indirect_dma source(%dma_start3A_562 : memref<40x128xf32, #tpu.memory_space<vmem>>) target(%dma_start3A_568 : memref<10240x128xf32, #tpu.memory_space<vmem_shared>>) offsets(%dma_start3A_565 : memref<40xi32, #tpu.memory_space<vmem>>) semaphore(%arg18 : memref<!tpu.dma_semaphore, #tpu.memory_space<semaphore_mem>>) {add = true}
      %dma_wait3A_569 = arith.constant 0 : i32
      %dma_wait3A_570 = arith.constant 3 : i32
      %dma_wait3A_571 = arith.constant 3 : i32
      %dma_wait3A_572 = arith.constant 0 : i32
      %dma_wait3A_573 = arith.constant 0 : i32
      %dma_wait3A_574 = tpu.memref_slice %arg10[%dma_wait3A_571, %dma_wait3A_572, %dma_wait3A_573] : memref<5x40x128xf32, #tpu.memory_space<vmem>> -> memref<1x40x128xf32, #tpu.memory_space<vmem>>
      %dma_wait3A_575 = tpu.memref_squeeze %dma_wait3A_574 : memref<1x40x128xf32, #tpu.memory_space<vmem>> -> memref<40x128xf32, #tpu.memory_space<vmem>>
      %dma_wait3A_576 = arith.constant 0 : i32
      %dma_wait3A_577 = tpu.memref_slice %arg8[%dma_wait3A_569, %dma_wait3A_570, %dma_wait3A_576] : memref<2x5x40xi32, #tpu.memory_space<vmem>> -> memref<1x1x40xi32, #tpu.memory_space<vmem>>
      %dma_wait3A_578 = tpu.memref_squeeze %dma_wait3A_577 : memref<1x1x40xi32, #tpu.memory_space<vmem>> -> memref<40xi32, #tpu.memory_space<vmem>>
      %dma_wait3A_579 = arith.constant 0 : i32
      %dma_wait3A_580 = arith.constant 0 : i32
      %dma_wait3A_581 = tpu.memref_slice %arg2[%dma_wait3A_579, %dma_wait3A_580] : memref<10000x128xf32, #tpu.memory_space<hbm>> -> memref<10000x128xf32, #tpu.memory_space<hbm>>
      tpu.wait_indirect_dma semaphore(%arg14 : memref<!tpu.dma_semaphore, #tpu.memory_space<semaphore_mem>>) src(%dma_wait3A_581 : memref<10000x128xf32, #tpu.memory_space<hbm>>) dst(%dma_wait3A_575 : memref<40x128xf32, #tpu.memory_space<vmem>>)
      %dma_start3A_582 = arith.constant 3 : i32
      %dma_start3A_583 = arith.constant 0 : i32
      %dma_start3A_584 = arith.constant 3 : i32
      %dma_start3A_585 = arith.constant 0 : i32
      %dma_start3A_586 = arith.constant 0 : i32
      %dma_start3A_587 = tpu.memref_slice %arg10[%dma_start3A_582, %dma_start3A_585, %dma_start3A_586] : memref<5x40x128xf32, #tpu.memory_space<vmem>> -> memref<1x40x128xf32, #tpu.memory_space<vmem>>
      %dma_start3A_588 = tpu.memref_squeeze %dma_start3A_587 : memref<1x40x128xf32, #tpu.memory_space<vmem>> -> memref<40x128xf32, #tpu.memory_space<vmem>>
      %dma_start3A_589 = arith.constant 0 : i32
      %dma_start3A_590 = tpu.memref_slice %arg9[%dma_start3A_583, %dma_start3A_584, %dma_start3A_589] : memref<2x5x40xi32, #tpu.memory_space<vmem>> -> memref<1x1x40xi32, #tpu.memory_space<vmem>>
      %dma_start3A_591 = tpu.memref_squeeze %dma_start3A_590 : memref<1x1x40xi32, #tpu.memory_space<vmem>> -> memref<40xi32, #tpu.memory_space<vmem>>
      %dma_start3A_592 = arith.constant 0 : i32
      %dma_start3A_593 = arith.constant 0 : i32
      %dma_start3A_594 = tpu.memref_slice %arg7[%dma_start3A_592, %dma_start3A_593] : memref<10240x128xf32, #tpu.memory_space<vmem_shared>> -> memref<10240x128xf32, #tpu.memory_space<vmem_shared>>
      tpu.enqueue_indirect_dma source(%dma_start3A_588 : memref<40x128xf32, #tpu.memory_space<vmem>>) target(%dma_start3A_594 : memref<10240x128xf32, #tpu.memory_space<vmem_shared>>) offsets(%dma_start3A_591 : memref<40xi32, #tpu.memory_space<vmem>>) semaphore(%arg19 : memref<!tpu.dma_semaphore, #tpu.memory_space<semaphore_mem>>) {add = true}
      %dma_wait3A_595 = arith.constant 0 : i32
      %dma_wait3A_596 = arith.constant 4 : i32
      %dma_wait3A_597 = arith.constant 4 : i32
      %dma_wait3A_598 = arith.constant 0 : i32
      %dma_wait3A_599 = arith.constant 0 : i32
      %dma_wait3A_600 = tpu.memref_slice %arg10[%dma_wait3A_597, %dma_wait3A_598, %dma_wait3A_599] : memref<5x40x128xf32, #tpu.memory_space<vmem>> -> memref<1x40x128xf32, #tpu.memory_space<vmem>>
      %dma_wait3A_601 = tpu.memref_squeeze %dma_wait3A_600 : memref<1x40x128xf32, #tpu.memory_space<vmem>> -> memref<40x128xf32, #tpu.memory_space<vmem>>
      %dma_wait3A_602 = arith.constant 0 : i32
      %dma_wait3A_603 = tpu.memref_slice %arg8[%dma_wait3A_595, %dma_wait3A_596, %dma_wait3A_602] : memref<2x5x40xi32, #tpu.memory_space<vmem>> -> memref<1x1x40xi32, #tpu.memory_space<vmem>>
      %dma_wait3A_604 = tpu.memref_squeeze %dma_wait3A_603 : memref<1x1x40xi32, #tpu.memory_space<vmem>> -> memref<40xi32, #tpu.memory_space<vmem>>
      %dma_wait3A_605 = arith.constant 0 : i32
      %dma_wait3A_606 = arith.constant 0 : i32
      %dma_wait3A_607 = tpu.memref_slice %arg2[%dma_wait3A_605, %dma_wait3A_606] : memref<10000x128xf32, #tpu.memory_space<hbm>> -> memref<10000x128xf32, #tpu.memory_space<hbm>>
      tpu.wait_indirect_dma semaphore(%arg15 : memref<!tpu.dma_semaphore, #tpu.memory_space<semaphore_mem>>) src(%dma_wait3A_607 : memref<10000x128xf32, #tpu.memory_space<hbm>>) dst(%dma_wait3A_601 : memref<40x128xf32, #tpu.memory_space<vmem>>)
      %dma_start3A_608 = arith.constant 4 : i32
      %dma_start3A_609 = arith.constant 0 : i32
      %dma_start3A_610 = arith.constant 4 : i32
      %dma_start3A_611 = arith.constant 0 : i32
      %dma_start3A_612 = arith.constant 0 : i32
      %dma_start3A_613 = tpu.memref_slice %arg10[%dma_start3A_608, %dma_start3A_611, %dma_start3A_612] : memref<5x40x128xf32, #tpu.memory_space<vmem>> -> memref<1x40x128xf32, #tpu.memory_space<vmem>>
      %dma_start3A_614 = tpu.memref_squeeze %dma_start3A_613 : memref<1x40x128xf32, #tpu.memory_space<vmem>> -> memref<40x128xf32, #tpu.memory_space<vmem>>
      %dma_start3A_615 = arith.constant 0 : i32
      %dma_start3A_616 = tpu.memref_slice %arg9[%dma_start3A_609, %dma_start3A_610, %dma_start3A_615] : memref<2x5x40xi32, #tpu.memory_space<vmem>> -> memref<1x1x40xi32, #tpu.memory_space<vmem>>
      %dma_start3A_617 = tpu.memref_squeeze %dma_start3A_616 : memref<1x1x40xi32, #tpu.memory_space<vmem>> -> memref<40xi32, #tpu.memory_space<vmem>>
      %dma_start3A_618 = arith.constant 0 : i32
      %dma_start3A_619 = arith.constant 0 : i32
      %dma_start3A_620 = tpu.memref_slice %arg7[%dma_start3A_618, %dma_start3A_619] : memref<10240x128xf32, #tpu.memory_space<vmem_shared>> -> memref<10240x128xf32, #tpu.memory_space<vmem_shared>>
      tpu.enqueue_indirect_dma source(%dma_start3A_614 : memref<40x128xf32, #tpu.memory_space<vmem>>) target(%dma_start3A_620 : memref<10240x128xf32, #tpu.memory_space<vmem_shared>>) offsets(%dma_start3A_617 : memref<40xi32, #tpu.memory_space<vmem>>) semaphore(%arg20 : memref<!tpu.dma_semaphore, #tpu.memory_space<semaphore_mem>>) {add = true}
      %add3A_621 = arith.constant 2 : i32
      %add3A_622 = arith.addi %mul3A_321, %add3A_621 : i32
      %mul3A_623 = arith.constant 5 : i32
      %mul3A_624 = arith.muli %add3A_622, %mul3A_623 : i32
      %add3A_625 = arith.addi %mul3A_126, %mul3A_624 : i32
      %dma_start3A_626 = arith.constant 0 : i32
      %dma_start3A_627 = arith.constant 0 : i32
      %dma_start3A_628 = arith.constant 0 : i32
      %dma_start3A_629 = tpu.memref_slice %arg8[%dma_start3A_626, %dma_start3A_627, %dma_start3A_628] : memref<2x5x40xi32, #tpu.memory_space<vmem>> -> memref<1x5x40xi32, #tpu.memory_space<vmem>>
      %dma_start3A_630 = tpu.memref_squeeze %dma_start3A_629 : memref<1x5x40xi32, #tpu.memory_space<vmem>> -> memref<5x40xi32, #tpu.memory_space<vmem>>
      %dma_start3A_631 = arith.constant 0 : i32
      %dma_start3A_632 = tpu.memref_slice %arg3[%add3A_625, %dma_start3A_631] : memref<8010x40xi32, #tpu.memory_space<hbm>> -> memref<5x40xi32, #tpu.memory_space<hbm>>
      %dma_start3A_633 = arith.constant 0 : i32
      %dma_start3A_634 = arith.constant 0 : i32
      %dma_start3A_635 = tpu.memref_slice %arg8[%dma_start3A_626, %dma_start3A_633, %dma_start3A_634] : memref<2x5x40xi32, #tpu.memory_space<vmem>> -> memref<1x5x40xi32, #tpu.memory_space<vmem>>
      %dma_start3A_636 = tpu.memref_squeeze %dma_start3A_635 : memref<1x5x40xi32, #tpu.memory_space<vmem>> -> memref<5x40xi32, #tpu.memory_space<vmem>>
      %dma_start3A_637 = arith.constant 0 : i32
      %dma_start3A_638 = tpu.memref_slice %arg3[%add3A_625, %dma_start3A_637] : memref<8010x40xi32, #tpu.memory_space<hbm>> -> memref<5x40xi32, #tpu.memory_space<hbm>>
      tpu.enqueue_dma source(%dma_start3A_638 : memref<5x40xi32, #tpu.memory_space<hbm>>) target(%dma_start3A_636 : memref<5x40xi32, #tpu.memory_space<vmem>>) target_semaphore(%arg21 : memref<!tpu.dma_semaphore, #tpu.memory_space<semaphore_mem>>)
      %dma_start3A_639 = arith.constant 0 : i32
      %dma_start3A_640 = arith.constant 0 : i32
      %dma_start3A_641 = arith.constant 0 : i32
      %dma_start3A_642 = tpu.memref_slice %arg9[%dma_start3A_639, %dma_start3A_640, %dma_start3A_641] : memref<2x5x40xi32, #tpu.memory_space<vmem>> -> memref<1x5x40xi32, #tpu.memory_space<vmem>>
      %dma_start3A_643 = tpu.memref_squeeze %dma_start3A_642 : memref<1x5x40xi32, #tpu.memory_space<vmem>> -> memref<5x40xi32, #tpu.memory_space<vmem>>
      %dma_start3A_644 = arith.constant 0 : i32
      %dma_start3A_645 = tpu.memref_slice %arg4[%add3A_625, %dma_start3A_644] : memref<8010x40xi32, #tpu.memory_space<hbm>> -> memref<5x40xi32, #tpu.memory_space<hbm>>
      %dma_start3A_646 = arith.constant 0 : i32
      %dma_start3A_647 = arith.constant 0 : i32
      %dma_start3A_648 = tpu.memref_slice %arg9[%dma_start3A_639, %dma_start3A_646, %dma_start3A_647] : memref<2x5x40xi32, #tpu.memory_space<vmem>> -> memref<1x5x40xi32, #tpu.memory_space<vmem>>
      %dma_start3A_649 = tpu.memref_squeeze %dma_start3A_648 : memref<1x5x40xi32, #tpu.memory_space<vmem>> -> memref<5x40xi32, #tpu.memory_space<vmem>>
      %dma_start3A_650 = arith.constant 0 : i32
      %dma_start3A_651 = tpu.memref_slice %arg4[%add3A_625, %dma_start3A_650] : memref<8010x40xi32, #tpu.memory_space<hbm>> -> memref<5x40xi32, #tpu.memory_space<hbm>>
      tpu.enqueue_dma source(%dma_start3A_651 : memref<5x40xi32, #tpu.memory_space<hbm>>) target(%dma_start3A_649 : memref<5x40xi32, #tpu.memory_space<vmem>>) target_semaphore(%arg21 : memref<!tpu.dma_semaphore, #tpu.memory_space<semaphore_mem>>)
      %mul3A_652 = arith.constant 2 : i32
      %mul3A_653 = arith.muli %mul3A_652, %scan3A_319 : i32
      %add3A_654 = arith.constant 1 : i32
      %add3A_655 = arith.addi %mul3A_653, %add3A_654 : i32
      %mul3A_656 = arith.constant 5 : i32
      %mul3A_657 = arith.muli %add3A_655, %mul3A_656 : i32
      %add3A_658 = arith.addi %mul3A_126, %mul3A_657 : i32
      %dma_wait3A_659 = arith.constant 1 : i32
      %dma_wait3A_660 = arith.constant 0 : i32
      %dma_wait3A_661 = arith.constant 0 : i32
      %dma_wait3A_662 = tpu.memref_slice %arg8[%dma_wait3A_659, %dma_wait3A_660, %dma_wait3A_661] : memref<2x5x40xi32, #tpu.memory_space<vmem>> -> memref<1x5x40xi32, #tpu.memory_space<vmem>>
      %dma_wait3A_663 = tpu.memref_squeeze %dma_wait3A_662 : memref<1x5x40xi32, #tpu.memory_space<vmem>> -> memref<5x40xi32, #tpu.memory_space<vmem>>
      %dma_wait3A_664 = arith.constant 0 : i32
      %dma_wait3A_665 = tpu.memref_slice %arg3[%add3A_658, %dma_wait3A_664] : memref<8010x40xi32, #tpu.memory_space<hbm>> -> memref<5x40xi32, #tpu.memory_space<hbm>>
      %dma_wait3A_666 = arith.constant 0 : i32
      %dma_wait3A_667 = arith.constant 0 : i32
      %dma_wait3A_668 = tpu.memref_slice %arg8[%dma_wait3A_659, %dma_wait3A_666, %dma_wait3A_667] : memref<2x5x40xi32, #tpu.memory_space<vmem>> -> memref<1x5x40xi32, #tpu.memory_space<vmem>>
      %dma_wait3A_669 = tpu.memref_squeeze %dma_wait3A_668 : memref<1x5x40xi32, #tpu.memory_space<vmem>> -> memref<5x40xi32, #tpu.memory_space<vmem>>
      %dma_wait3A_670 = arith.constant 0 : i32
      %dma_wait3A_671 = tpu.memref_slice %arg3[%add3A_658, %dma_wait3A_670] : memref<8010x40xi32, #tpu.memory_space<hbm>> -> memref<5x40xi32, #tpu.memory_space<hbm>>
      tpu.wait_dma2 semaphore(%arg22 : memref<!tpu.dma_semaphore, #tpu.memory_space<semaphore_mem>>) src(%dma_wait3A_671 : memref<5x40xi32, #tpu.memory_space<hbm>>) dst(%dma_wait3A_669 : memref<5x40xi32, #tpu.memory_space<vmem>>)
      %dma_wait3A_672 = arith.constant 1 : i32
      %dma_wait3A_673 = arith.constant 0 : i32
      %dma_wait3A_674 = arith.constant 0 : i32
      %dma_wait3A_675 = tpu.memref_slice %arg9[%dma_wait3A_672, %dma_wait3A_673, %dma_wait3A_674] : memref<2x5x40xi32, #tpu.memory_space<vmem>> -> memref<1x5x40xi32, #tpu.memory_space<vmem>>
      %dma_wait3A_676 = tpu.memref_squeeze %dma_wait3A_675 : memref<1x5x40xi32, #tpu.memory_space<vmem>> -> memref<5x40xi32, #tpu.memory_space<vmem>>
      %dma_wait3A_677 = arith.constant 0 : i32
      %dma_wait3A_678 = tpu.memref_slice %arg4[%add3A_658, %dma_wait3A_677] : memref<8010x40xi32, #tpu.memory_space<hbm>> -> memref<5x40xi32, #tpu.memory_space<hbm>>
      %dma_wait3A_679 = arith.constant 0 : i32
      %dma_wait3A_680 = arith.constant 0 : i32
      %dma_wait3A_681 = tpu.memref_slice %arg9[%dma_wait3A_672, %dma_wait3A_679, %dma_wait3A_680] : memref<2x5x40xi32, #tpu.memory_space<vmem>> -> memref<1x5x40xi32, #tpu.memory_space<vmem>>
      %dma_wait3A_682 = tpu.memref_squeeze %dma_wait3A_681 : memref<1x5x40xi32, #tpu.memory_space<vmem>> -> memref<5x40xi32, #tpu.memory_space<vmem>>
      %dma_wait3A_683 = arith.constant 0 : i32
      %dma_wait3A_684 = tpu.memref_slice %arg4[%add3A_658, %dma_wait3A_683] : memref<8010x40xi32, #tpu.memory_space<hbm>> -> memref<5x40xi32, #tpu.memory_space<hbm>>
      tpu.wait_dma2 semaphore(%arg22 : memref<!tpu.dma_semaphore, #tpu.memory_space<semaphore_mem>>) src(%dma_wait3A_684 : memref<5x40xi32, #tpu.memory_space<hbm>>) dst(%dma_wait3A_682 : memref<5x40xi32, #tpu.memory_space<vmem>>)
      %dma_wait3A_685 = arith.constant 0 : i32
      %dma_wait3A_686 = arith.constant 0 : i32
      %dma_wait3A_687 = arith.constant 0 : i32
      %dma_wait3A_688 = tpu.memref_slice %arg10[%dma_wait3A_685, %dma_wait3A_686, %dma_wait3A_687] : memref<5x40x128xf32, #tpu.memory_space<vmem>> -> memref<1x40x128xf32, #tpu.memory_space<vmem>>
      %dma_wait3A_689 = tpu.memref_squeeze %dma_wait3A_688 : memref<1x40x128xf32, #tpu.memory_space<vmem>> -> memref<40x128xf32, #tpu.memory_space<vmem>>
      %dma_wait3A_690 = arith.constant 0 : i32
      %dma_wait3A_691 = arith.constant 0 : i32
      %dma_wait3A_692 = tpu.memref_slice %dma_wait3A_689[%dma_wait3A_690, %dma_wait3A_691] : memref<40x128xf32, #tpu.memory_space<vmem>> -> memref<40x128xf32, #tpu.memory_space<vmem>>
      %dma_wait3A_693 = arith.constant 0 : i32
      %dma_wait3A_694 = arith.constant 0 : i32
      %dma_wait3A_695 = tpu.memref_slice %arg10[%dma_wait3A_685, %dma_wait3A_693, %dma_wait3A_694] : memref<5x40x128xf32, #tpu.memory_space<vmem>> -> memref<1x40x128xf32, #tpu.memory_space<vmem>>
      %dma_wait3A_696 = tpu.memref_squeeze %dma_wait3A_695 : memref<1x40x128xf32, #tpu.memory_space<vmem>> -> memref<40x128xf32, #tpu.memory_space<vmem>>
      %dma_wait3A_697 = arith.constant 0 : i32
      %dma_wait3A_698 = arith.constant 0 : i32
      %dma_wait3A_699 = tpu.memref_slice %dma_wait3A_696[%dma_wait3A_697, %dma_wait3A_698] : memref<40x128xf32, #tpu.memory_space<vmem>> -> memref<40x128xf32, #tpu.memory_space<vmem>>
      tpu.wait_dma2 semaphore(%arg16 : memref<!tpu.dma_semaphore, #tpu.memory_space<semaphore_mem>>) src(%arg5 : memref<40x128xf32, #tpu.memory_space<hbm>>) dst(%dma_wait3A_699 : memref<40x128xf32, #tpu.memory_space<vmem>>)
      %dma_start3A_700 = arith.constant 1 : i32
      %dma_start3A_701 = arith.constant 0 : i32
      %dma_start3A_702 = arith.constant 0 : i32
      %dma_start3A_703 = arith.constant 0 : i32
      %dma_start3A_704 = arith.constant 0 : i32
      %dma_start3A_705 = tpu.memref_slice %arg10[%dma_start3A_702, %dma_start3A_703, %dma_start3A_704] : memref<5x40x128xf32, #tpu.memory_space<vmem>> -> memref<1x40x128xf32, #tpu.memory_space<vmem>>
      %dma_start3A_706 = tpu.memref_squeeze %dma_start3A_705 : memref<1x40x128xf32, #tpu.memory_space<vmem>> -> memref<40x128xf32, #tpu.memory_space<vmem>>
      %dma_start3A_707 = arith.constant 0 : i32
      %dma_start3A_708 = tpu.memref_slice %arg8[%dma_start3A_700, %dma_start3A_701, %dma_start3A_707] : memref<2x5x40xi32, #tpu.memory_space<vmem>> -> memref<1x1x40xi32, #tpu.memory_space<vmem>>
      %dma_start3A_709 = tpu.memref_squeeze %dma_start3A_708 : memref<1x1x40xi32, #tpu.memory_space<vmem>> -> memref<40xi32, #tpu.memory_space<vmem>>
      %dma_start3A_710 = arith.constant 0 : i32
      %dma_start3A_711 = arith.constant 0 : i32
      %dma_start3A_712 = tpu.memref_slice %arg2[%dma_start3A_710, %dma_start3A_711] : memref<10000x128xf32, #tpu.memory_space<hbm>> -> memref<10000x128xf32, #tpu.memory_space<hbm>>
      tpu.enqueue_indirect_dma source(%dma_start3A_712 : memref<10000x128xf32, #tpu.memory_space<hbm>>) target(%dma_start3A_706 : memref<40x128xf32, #tpu.memory_space<vmem>>) offsets(%dma_start3A_709 : memref<40xi32, #tpu.memory_space<vmem>>) semaphore(%arg11 : memref<!tpu.dma_semaphore, #tpu.memory_space<semaphore_mem>>)
      %dma_wait3A_713 = arith.constant 1 : i32
      %dma_wait3A_714 = arith.constant 0 : i32
      %dma_wait3A_715 = arith.constant 0 : i32
      %dma_wait3A_716 = tpu.memref_slice %arg10[%dma_wait3A_713, %dma_wait3A_714, %dma_wait3A_715] : memref<5x40x128xf32, #tpu.memory_space<vmem>> -> memref<1x40x128xf32, #tpu.memory_space<vmem>>
      %dma_wait3A_717 = tpu.memref_squeeze %dma_wait3A_716 : memref<1x40x128xf32, #tpu.memory_space<vmem>> -> memref<40x128xf32, #tpu.memory_space<vmem>>
      %dma_wait3A_718 = arith.constant 0 : i32
      %dma_wait3A_719 = arith.constant 0 : i32
      %dma_wait3A_720 = tpu.memref_slice %dma_wait3A_717[%dma_wait3A_718, %dma_wait3A_719] : memref<40x128xf32, #tpu.memory_space<vmem>> -> memref<40x128xf32, #tpu.memory_space<vmem>>
      %dma_wait3A_721 = arith.constant 0 : i32
      %dma_wait3A_722 = arith.constant 0 : i32
      %dma_wait3A_723 = tpu.memref_slice %arg10[%dma_wait3A_713, %dma_wait3A_721, %dma_wait3A_722] : memref<5x40x128xf32, #tpu.memory_space<vmem>> -> memref<1x40x128xf32, #tpu.memory_space<vmem>>
      %dma_wait3A_724 = tpu.memref_squeeze %dma_wait3A_723 : memref<1x40x128xf32, #tpu.memory_space<vmem>> -> memref<40x128xf32, #tpu.memory_space<vmem>>
      %dma_wait3A_725 = arith.constant 0 : i32
      %dma_wait3A_726 = arith.constant 0 : i32
      %dma_wait3A_727 = tpu.memref_slice %dma_wait3A_724[%dma_wait3A_725, %dma_wait3A_726] : memref<40x128xf32, #tpu.memory_space<vmem>> -> memref<40x128xf32, #tpu.memory_space<vmem>>
      tpu.wait_dma2 semaphore(%arg17 : memref<!tpu.dma_semaphore, #tpu.memory_space<semaphore_mem>>) src(%arg5 : memref<40x128xf32, #tpu.memory_space<hbm>>) dst(%dma_wait3A_727 : memref<40x128xf32, #tpu.memory_space<vmem>>)
      %dma_start3A_728 = arith.constant 1 : i32
      %dma_start3A_729 = arith.constant 1 : i32
      %dma_start3A_730 = arith.constant 1 : i32
      %dma_start3A_731 = arith.constant 0 : i32
      %dma_start3A_732 = arith.constant 0 : i32
      %dma_start3A_733 = tpu.memref_slice %arg10[%dma_start3A_730, %dma_start3A_731, %dma_start3A_732] : memref<5x40x128xf32, #tpu.memory_space<vmem>> -> memref<1x40x128xf32, #tpu.memory_space<vmem>>
      %dma_start3A_734 = tpu.memref_squeeze %dma_start3A_733 : memref<1x40x128xf32, #tpu.memory_space<vmem>> -> memref<40x128xf32, #tpu.memory_space<vmem>>
      %dma_start3A_735 = arith.constant 0 : i32
      %dma_start3A_736 = tpu.memref_slice %arg8[%dma_start3A_728, %dma_start3A_729, %dma_start3A_735] : memref<2x5x40xi32, #tpu.memory_space<vmem>> -> memref<1x1x40xi32, #tpu.memory_space<vmem>>
      %dma_start3A_737 = tpu.memref_squeeze %dma_start3A_736 : memref<1x1x40xi32, #tpu.memory_space<vmem>> -> memref<40xi32, #tpu.memory_space<vmem>>
      %dma_start3A_738 = arith.constant 0 : i32
      %dma_start3A_739 = arith.constant 0 : i32
      %dma_start3A_740 = tpu.memref_slice %arg2[%dma_start3A_738, %dma_start3A_739] : memref<10000x128xf32, #tpu.memory_space<hbm>> -> memref<10000x128xf32, #tpu.memory_space<hbm>>
      tpu.enqueue_indirect_dma source(%dma_start3A_740 : memref<10000x128xf32, #tpu.memory_space<hbm>>) target(%dma_start3A_734 : memref<40x128xf32, #tpu.memory_space<vmem>>) offsets(%dma_start3A_737 : memref<40xi32, #tpu.memory_space<vmem>>) semaphore(%arg12 : memref<!tpu.dma_semaphore, #tpu.memory_space<semaphore_mem>>)
      %dma_wait3A_741 = arith.constant 2 : i32
      %dma_wait3A_742 = arith.constant 0 : i32
      %dma_wait3A_743 = arith.constant 0 : i32
      %dma_wait3A_744 = tpu.memref_slice %arg10[%dma_wait3A_741, %dma_wait3A_742, %dma_wait3A_743] : memref<5x40x128xf32, #tpu.memory_space<vmem>> -> memref<1x40x128xf32, #tpu.memory_space<vmem>>
      %dma_wait3A_745 = tpu.memref_squeeze %dma_wait3A_744 : memref<1x40x128xf32, #tpu.memory_space<vmem>> -> memref<40x128xf32, #tpu.memory_space<vmem>>
      %dma_wait3A_746 = arith.constant 0 : i32
      %dma_wait3A_747 = arith.constant 0 : i32
      %dma_wait3A_748 = tpu.memref_slice %dma_wait3A_745[%dma_wait3A_746, %dma_wait3A_747] : memref<40x128xf32, #tpu.memory_space<vmem>> -> memref<40x128xf32, #tpu.memory_space<vmem>>
      %dma_wait3A_749 = arith.constant 0 : i32
      %dma_wait3A_750 = arith.constant 0 : i32
      %dma_wait3A_751 = tpu.memref_slice %arg10[%dma_wait3A_741, %dma_wait3A_749, %dma_wait3A_750] : memref<5x40x128xf32, #tpu.memory_space<vmem>> -> memref<1x40x128xf32, #tpu.memory_space<vmem>>
      %dma_wait3A_752 = tpu.memref_squeeze %dma_wait3A_751 : memref<1x40x128xf32, #tpu.memory_space<vmem>> -> memref<40x128xf32, #tpu.memory_space<vmem>>
      %dma_wait3A_753 = arith.constant 0 : i32
      %dma_wait3A_754 = arith.constant 0 : i32
      %dma_wait3A_755 = tpu.memref_slice %dma_wait3A_752[%dma_wait3A_753, %dma_wait3A_754] : memref<40x128xf32, #tpu.memory_space<vmem>> -> memref<40x128xf32, #tpu.memory_space<vmem>>
      tpu.wait_dma2 semaphore(%arg18 : memref<!tpu.dma_semaphore, #tpu.memory_space<semaphore_mem>>) src(%arg5 : memref<40x128xf32, #tpu.memory_space<hbm>>) dst(%dma_wait3A_755 : memref<40x128xf32, #tpu.memory_space<vmem>>)
      %dma_start3A_756 = arith.constant 1 : i32
      %dma_start3A_757 = arith.constant 2 : i32
      %dma_start3A_758 = arith.constant 2 : i32
      %dma_start3A_759 = arith.constant 0 : i32
      %dma_start3A_760 = arith.constant 0 : i32
      %dma_start3A_761 = tpu.memref_slice %arg10[%dma_start3A_758, %dma_start3A_759, %dma_start3A_760] : memref<5x40x128xf32, #tpu.memory_space<vmem>> -> memref<1x40x128xf32, #tpu.memory_space<vmem>>
      %dma_start3A_762 = tpu.memref_squeeze %dma_start3A_761 : memref<1x40x128xf32, #tpu.memory_space<vmem>> -> memref<40x128xf32, #tpu.memory_space<vmem>>
      %dma_start3A_763 = arith.constant 0 : i32
      %dma_start3A_764 = tpu.memref_slice %arg8[%dma_start3A_756, %dma_start3A_757, %dma_start3A_763] : memref<2x5x40xi32, #tpu.memory_space<vmem>> -> memref<1x1x40xi32, #tpu.memory_space<vmem>>
      %dma_start3A_765 = tpu.memref_squeeze %dma_start3A_764 : memref<1x1x40xi32, #tpu.memory_space<vmem>> -> memref<40xi32, #tpu.memory_space<vmem>>
      %dma_start3A_766 = arith.constant 0 : i32
      %dma_start3A_767 = arith.constant 0 : i32
      %dma_start3A_768 = tpu.memref_slice %arg2[%dma_start3A_766, %dma_start3A_767] : memref<10000x128xf32, #tpu.memory_space<hbm>> -> memref<10000x128xf32, #tpu.memory_space<hbm>>
      tpu.enqueue_indirect_dma source(%dma_start3A_768 : memref<10000x128xf32, #tpu.memory_space<hbm>>) target(%dma_start3A_762 : memref<40x128xf32, #tpu.memory_space<vmem>>) offsets(%dma_start3A_765 : memref<40xi32, #tpu.memory_space<vmem>>) semaphore(%arg13 : memref<!tpu.dma_semaphore, #tpu.memory_space<semaphore_mem>>)
      %dma_wait3A_769 = arith.constant 3 : i32
      %dma_wait3A_770 = arith.constant 0 : i32
      %dma_wait3A_771 = arith.constant 0 : i32
      %dma_wait3A_772 = tpu.memref_slice %arg10[%dma_wait3A_769, %dma_wait3A_770, %dma_wait3A_771] : memref<5x40x128xf32, #tpu.memory_space<vmem>> -> memref<1x40x128xf32, #tpu.memory_space<vmem>>
      %dma_wait3A_773 = tpu.memref_squeeze %dma_wait3A_772 : memref<1x40x128xf32, #tpu.memory_space<vmem>> -> memref<40x128xf32, #tpu.memory_space<vmem>>
      %dma_wait3A_774 = arith.constant 0 : i32
      %dma_wait3A_775 = arith.constant 0 : i32
      %dma_wait3A_776 = tpu.memref_slice %dma_wait3A_773[%dma_wait3A_774, %dma_wait3A_775] : memref<40x128xf32, #tpu.memory_space<vmem>> -> memref<40x128xf32, #tpu.memory_space<vmem>>
      %dma_wait3A_777 = arith.constant 0 : i32
      %dma_wait3A_778 = arith.constant 0 : i32
      %dma_wait3A_779 = tpu.memref_slice %arg10[%dma_wait3A_769, %dma_wait3A_777, %dma_wait3A_778] : memref<5x40x128xf32, #tpu.memory_space<vmem>> -> memref<1x40x128xf32, #tpu.memory_space<vmem>>
      %dma_wait3A_780 = tpu.memref_squeeze %dma_wait3A_779 : memref<1x40x128xf32, #tpu.memory_space<vmem>> -> memref<40x128xf32, #tpu.memory_space<vmem>>
      %dma_wait3A_781 = arith.constant 0 : i32
      %dma_wait3A_782 = arith.constant 0 : i32
      %dma_wait3A_783 = tpu.memref_slice %dma_wait3A_780[%dma_wait3A_781, %dma_wait3A_782] : memref<40x128xf32, #tpu.memory_space<vmem>> -> memref<40x128xf32, #tpu.memory_space<vmem>>
      tpu.wait_dma2 semaphore(%arg19 : memref<!tpu.dma_semaphore, #tpu.memory_space<semaphore_mem>>) src(%arg5 : memref<40x128xf32, #tpu.memory_space<hbm>>) dst(%dma_wait3A_783 : memref<40x128xf32, #tpu.memory_space<vmem>>)
      %dma_start3A_784 = arith.constant 1 : i32
      %dma_start3A_785 = arith.constant 3 : i32
      %dma_start3A_786 = arith.constant 3 : i32
      %dma_start3A_787 = arith.constant 0 : i32
      %dma_start3A_788 = arith.constant 0 : i32
      %dma_start3A_789 = tpu.memref_slice %arg10[%dma_start3A_786, %dma_start3A_787, %dma_start3A_788] : memref<5x40x128xf32, #tpu.memory_space<vmem>> -> memref<1x40x128xf32, #tpu.memory_space<vmem>>
      %dma_start3A_790 = tpu.memref_squeeze %dma_start3A_789 : memref<1x40x128xf32, #tpu.memory_space<vmem>> -> memref<40x128xf32, #tpu.memory_space<vmem>>
      %dma_start3A_791 = arith.constant 0 : i32
      %dma_start3A_792 = tpu.memref_slice %arg8[%dma_start3A_784, %dma_start3A_785, %dma_start3A_791] : memref<2x5x40xi32, #tpu.memory_space<vmem>> -> memref<1x1x40xi32, #tpu.memory_space<vmem>>
      %dma_start3A_793 = tpu.memref_squeeze %dma_start3A_792 : memref<1x1x40xi32, #tpu.memory_space<vmem>> -> memref<40xi32, #tpu.memory_space<vmem>>
      %dma_start3A_794 = arith.constant 0 : i32
      %dma_start3A_795 = arith.constant 0 : i32
      %dma_start3A_796 = tpu.memref_slice %arg2[%dma_start3A_794, %dma_start3A_795] : memref<10000x128xf32, #tpu.memory_space<hbm>> -> memref<10000x128xf32, #tpu.memory_space<hbm>>
      tpu.enqueue_indirect_dma source(%dma_start3A_796 : memref<10000x128xf32, #tpu.memory_space<hbm>>) target(%dma_start3A_790 : memref<40x128xf32, #tpu.memory_space<vmem>>) offsets(%dma_start3A_793 : memref<40xi32, #tpu.memory_space<vmem>>) semaphore(%arg14 : memref<!tpu.dma_semaphore, #tpu.memory_space<semaphore_mem>>)
      %dma_wait3A_797 = arith.constant 4 : i32
      %dma_wait3A_798 = arith.constant 0 : i32
      %dma_wait3A_799 = arith.constant 0 : i32
      %dma_wait3A_800 = tpu.memref_slice %arg10[%dma_wait3A_797, %dma_wait3A_798, %dma_wait3A_799] : memref<5x40x128xf32, #tpu.memory_space<vmem>> -> memref<1x40x128xf32, #tpu.memory_space<vmem>>
      %dma_wait3A_801 = tpu.memref_squeeze %dma_wait3A_800 : memref<1x40x128xf32, #tpu.memory_space<vmem>> -> memref<40x128xf32, #tpu.memory_space<vmem>>
      %dma_wait3A_802 = arith.constant 0 : i32
      %dma_wait3A_803 = arith.constant 0 : i32
      %dma_wait3A_804 = tpu.memref_slice %dma_wait3A_801[%dma_wait3A_802, %dma_wait3A_803] : memref<40x128xf32, #tpu.memory_space<vmem>> -> memref<40x128xf32, #tpu.memory_space<vmem>>
      %dma_wait3A_805 = arith.constant 0 : i32
      %dma_wait3A_806 = arith.constant 0 : i32
      %dma_wait3A_807 = tpu.memref_slice %arg10[%dma_wait3A_797, %dma_wait3A_805, %dma_wait3A_806] : memref<5x40x128xf32, #tpu.memory_space<vmem>> -> memref<1x40x128xf32, #tpu.memory_space<vmem>>
      %dma_wait3A_808 = tpu.memref_squeeze %dma_wait3A_807 : memref<1x40x128xf32, #tpu.memory_space<vmem>> -> memref<40x128xf32, #tpu.memory_space<vmem>>
      %dma_wait3A_809 = arith.constant 0 : i32
      %dma_wait3A_810 = arith.constant 0 : i32
      %dma_wait3A_811 = tpu.memref_slice %dma_wait3A_808[%dma_wait3A_809, %dma_wait3A_810] : memref<40x128xf32, #tpu.memory_space<vmem>> -> memref<40x128xf32, #tpu.memory_space<vmem>>
      tpu.wait_dma2 semaphore(%arg20 : memref<!tpu.dma_semaphore, #tpu.memory_space<semaphore_mem>>) src(%arg5 : memref<40x128xf32, #tpu.memory_space<hbm>>) dst(%dma_wait3A_811 : memref<40x128xf32, #tpu.memory_space<vmem>>)
      %dma_start3A_812 = arith.constant 1 : i32
      %dma_start3A_813 = arith.constant 4 : i32
      %dma_start3A_814 = arith.constant 4 : i32
      %dma_start3A_815 = arith.constant 0 : i32
      %dma_start3A_816 = arith.constant 0 : i32
      %dma_start3A_817 = tpu.memref_slice %arg10[%dma_start3A_814, %dma_start3A_815, %dma_start3A_816] : memref<5x40x128xf32, #tpu.memory_space<vmem>> -> memref<1x40x128xf32, #tpu.memory_space<vmem>>
      %dma_start3A_818 = tpu.memref_squeeze %dma_start3A_817 : memref<1x40x128xf32, #tpu.memory_space<vmem>> -> memref<40x128xf32, #tpu.memory_space<vmem>>
      %dma_start3A_819 = arith.constant 0 : i32
      %dma_start3A_820 = tpu.memref_slice %arg8[%dma_start3A_812, %dma_start3A_813, %dma_start3A_819] : memref<2x5x40xi32, #tpu.memory_space<vmem>> -> memref<1x1x40xi32, #tpu.memory_space<vmem>>
      %dma_start3A_821 = tpu.memref_squeeze %dma_start3A_820 : memref<1x1x40xi32, #tpu.memory_space<vmem>> -> memref<40xi32, #tpu.memory_space<vmem>>
      %dma_start3A_822 = arith.constant 0 : i32
      %dma_start3A_823 = arith.constant 0 : i32
      %dma_start3A_824 = tpu.memref_slice %arg2[%dma_start3A_822, %dma_start3A_823] : memref<10000x128xf32, #tpu.memory_space<hbm>> -> memref<10000x128xf32, #tpu.memory_space<hbm>>
      tpu.enqueue_indirect_dma source(%dma_start3A_824 : memref<10000x128xf32, #tpu.memory_space<hbm>>) target(%dma_start3A_818 : memref<40x128xf32, #tpu.memory_space<vmem>>) offsets(%dma_start3A_821 : memref<40xi32, #tpu.memory_space<vmem>>) semaphore(%arg15 : memref<!tpu.dma_semaphore, #tpu.memory_space<semaphore_mem>>)
      %dma_wait3A_825 = arith.constant 1 : i32
      %dma_wait3A_826 = arith.constant 0 : i32
      %dma_wait3A_827 = arith.constant 0 : i32
      %dma_wait3A_828 = arith.constant 0 : i32
      %dma_wait3A_829 = arith.constant 0 : i32
      %dma_wait3A_830 = tpu.memref_slice %arg10[%dma_wait3A_827, %dma_wait3A_828, %dma_wait3A_829] : memref<5x40x128xf32, #tpu.memory_space<vmem>> -> memref<1x40x128xf32, #tpu.memory_space<vmem>>
      %dma_wait3A_831 = tpu.memref_squeeze %dma_wait3A_830 : memref<1x40x128xf32, #tpu.memory_space<vmem>> -> memref<40x128xf32, #tpu.memory_space<vmem>>
      %dma_wait3A_832 = arith.constant 0 : i32
      %dma_wait3A_833 = tpu.memref_slice %arg8[%dma_wait3A_825, %dma_wait3A_826, %dma_wait3A_832] : memref<2x5x40xi32, #tpu.memory_space<vmem>> -> memref<1x1x40xi32, #tpu.memory_space<vmem>>
      %dma_wait3A_834 = tpu.memref_squeeze %dma_wait3A_833 : memref<1x1x40xi32, #tpu.memory_space<vmem>> -> memref<40xi32, #tpu.memory_space<vmem>>
      %dma_wait3A_835 = arith.constant 0 : i32
      %dma_wait3A_836 = arith.constant 0 : i32
      %dma_wait3A_837 = tpu.memref_slice %arg2[%dma_wait3A_835, %dma_wait3A_836] : memref<10000x128xf32, #tpu.memory_space<hbm>> -> memref<10000x128xf32, #tpu.memory_space<hbm>>
      tpu.wait_indirect_dma semaphore(%arg11 : memref<!tpu.dma_semaphore, #tpu.memory_space<semaphore_mem>>) src(%dma_wait3A_837 : memref<10000x128xf32, #tpu.memory_space<hbm>>) dst(%dma_wait3A_831 : memref<40x128xf32, #tpu.memory_space<vmem>>)
      %dma_start3A_838 = arith.constant 0 : i32
      %dma_start3A_839 = arith.constant 1 : i32
      %dma_start3A_840 = arith.constant 0 : i32
      %dma_start3A_841 = arith.constant 0 : i32
      %dma_start3A_842 = arith.constant 0 : i32
      %dma_start3A_843 = tpu.memref_slice %arg10[%dma_start3A_838, %dma_start3A_841, %dma_start3A_842] : memref<5x40x128xf32, #tpu.memory_space<vmem>> -> memref<1x40x128xf32, #tpu.memory_space<vmem>>
      %dma_start3A_844 = tpu.memref_squeeze %dma_start3A_843 : memref<1x40x128xf32, #tpu.memory_space<vmem>> -> memref<40x128xf32, #tpu.memory_space<vmem>>
      %dma_start3A_845 = arith.constant 0 : i32
      %dma_start3A_846 = tpu.memref_slice %arg9[%dma_start3A_839, %dma_start3A_840, %dma_start3A_845] : memref<2x5x40xi32, #tpu.memory_space<vmem>> -> memref<1x1x40xi32, #tpu.memory_space<vmem>>
      %dma_start3A_847 = tpu.memref_squeeze %dma_start3A_846 : memref<1x1x40xi32, #tpu.memory_space<vmem>> -> memref<40xi32, #tpu.memory_space<vmem>>
      %dma_start3A_848 = arith.constant 0 : i32
      %dma_start3A_849 = arith.constant 0 : i32
      %dma_start3A_850 = tpu.memref_slice %arg7[%dma_start3A_848, %dma_start3A_849] : memref<10240x128xf32, #tpu.memory_space<vmem_shared>> -> memref<10240x128xf32, #tpu.memory_space<vmem_shared>>
      tpu.enqueue_indirect_dma source(%dma_start3A_844 : memref<40x128xf32, #tpu.memory_space<vmem>>) target(%dma_start3A_850 : memref<10240x128xf32, #tpu.memory_space<vmem_shared>>) offsets(%dma_start3A_847 : memref<40xi32, #tpu.memory_space<vmem>>) semaphore(%arg16 : memref<!tpu.dma_semaphore, #tpu.memory_space<semaphore_mem>>) {add = true}
      %dma_wait3A_851 = arith.constant 1 : i32
      %dma_wait3A_852 = arith.constant 1 : i32
      %dma_wait3A_853 = arith.constant 1 : i32
      %dma_wait3A_854 = arith.constant 0 : i32
      %dma_wait3A_855 = arith.constant 0 : i32
      %dma_wait3A_856 = tpu.memref_slice %arg10[%dma_wait3A_853, %dma_wait3A_854, %dma_wait3A_855] : memref<5x40x128xf32, #tpu.memory_space<vmem>> -> memref<1x40x128xf32, #tpu.memory_space<vmem>>
      %dma_wait3A_857 = tpu.memref_squeeze %dma_wait3A_856 : memref<1x40x128xf32, #tpu.memory_space<vmem>> -> memref<40x128xf32, #tpu.memory_space<vmem>>
      %dma_wait3A_858 = arith.constant 0 : i32
      %dma_wait3A_859 = tpu.memref_slice %arg8[%dma_wait3A_851, %dma_wait3A_852, %dma_wait3A_858] : memref<2x5x40xi32, #tpu.memory_space<vmem>> -> memref<1x1x40xi32, #tpu.memory_space<vmem>>
      %dma_wait3A_860 = tpu.memref_squeeze %dma_wait3A_859 : memref<1x1x40xi32, #tpu.memory_space<vmem>> -> memref<40xi32, #tpu.memory_space<vmem>>
      %dma_wait3A_861 = arith.constant 0 : i32
      %dma_wait3A_862 = arith.constant 0 : i32
      %dma_wait3A_863 = tpu.memref_slice %arg2[%dma_wait3A_861, %dma_wait3A_862] : memref<10000x128xf32, #tpu.memory_space<hbm>> -> memref<10000x128xf32, #tpu.memory_space<hbm>>
      tpu.wait_indirect_dma semaphore(%arg12 : memref<!tpu.dma_semaphore, #tpu.memory_space<semaphore_mem>>) src(%dma_wait3A_863 : memref<10000x128xf32, #tpu.memory_space<hbm>>) dst(%dma_wait3A_857 : memref<40x128xf32, #tpu.memory_space<vmem>>)
      %dma_start3A_864 = arith.constant 1 : i32
      %dma_start3A_865 = arith.constant 1 : i32
      %dma_start3A_866 = arith.constant 1 : i32
      %dma_start3A_867 = arith.constant 0 : i32
      %dma_start3A_868 = arith.constant 0 : i32
      %dma_start3A_869 = tpu.memref_slice %arg10[%dma_start3A_864, %dma_start3A_867, %dma_start3A_868] : memref<5x40x128xf32, #tpu.memory_space<vmem>> -> memref<1x40x128xf32, #tpu.memory_space<vmem>>
      %dma_start3A_870 = tpu.memref_squeeze %dma_start3A_869 : memref<1x40x128xf32, #tpu.memory_space<vmem>> -> memref<40x128xf32, #tpu.memory_space<vmem>>
      %dma_start3A_871 = arith.constant 0 : i32
      %dma_start3A_872 = tpu.memref_slice %arg9[%dma_start3A_865, %dma_start3A_866, %dma_start3A_871] : memref<2x5x40xi32, #tpu.memory_space<vmem>> -> memref<1x1x40xi32, #tpu.memory_space<vmem>>
      %dma_start3A_873 = tpu.memref_squeeze %dma_start3A_872 : memref<1x1x40xi32, #tpu.memory_space<vmem>> -> memref<40xi32, #tpu.memory_space<vmem>>
      %dma_start3A_874 = arith.constant 0 : i32
      %dma_start3A_875 = arith.constant 0 : i32
      %dma_start3A_876 = tpu.memref_slice %arg7[%dma_start3A_874, %dma_start3A_875] : memref<10240x128xf32, #tpu.memory_space<vmem_shared>> -> memref<10240x128xf32, #tpu.memory_space<vmem_shared>>
      tpu.enqueue_indirect_dma source(%dma_start3A_870 : memref<40x128xf32, #tpu.memory_space<vmem>>) target(%dma_start3A_876 : memref<10240x128xf32, #tpu.memory_space<vmem_shared>>) offsets(%dma_start3A_873 : memref<40xi32, #tpu.memory_space<vmem>>) semaphore(%arg17 : memref<!tpu.dma_semaphore, #tpu.memory_space<semaphore_mem>>) {add = true}
      %dma_wait3A_877 = arith.constant 1 : i32
      %dma_wait3A_878 = arith.constant 2 : i32
      %dma_wait3A_879 = arith.constant 2 : i32
      %dma_wait3A_880 = arith.constant 0 : i32
      %dma_wait3A_881 = arith.constant 0 : i32
      %dma_wait3A_882 = tpu.memref_slice %arg10[%dma_wait3A_879, %dma_wait3A_880, %dma_wait3A_881] : memref<5x40x128xf32, #tpu.memory_space<vmem>> -> memref<1x40x128xf32, #tpu.memory_space<vmem>>
      %dma_wait3A_883 = tpu.memref_squeeze %dma_wait3A_882 : memref<1x40x128xf32, #tpu.memory_space<vmem>> -> memref<40x128xf32, #tpu.memory_space<vmem>>
      %dma_wait3A_884 = arith.constant 0 : i32
      %dma_wait3A_885 = tpu.memref_slice %arg8[%dma_wait3A_877, %dma_wait3A_878, %dma_wait3A_884] : memref<2x5x40xi32, #tpu.memory_space<vmem>> -> memref<1x1x40xi32, #tpu.memory_space<vmem>>
      %dma_wait3A_886 = tpu.memref_squeeze %dma_wait3A_885 : memref<1x1x40xi32, #tpu.memory_space<vmem>> -> memref<40xi32, #tpu.memory_space<vmem>>
      %dma_wait3A_887 = arith.constant 0 : i32
      %dma_wait3A_888 = arith.constant 0 : i32
      %dma_wait3A_889 = tpu.memref_slice %arg2[%dma_wait3A_887, %dma_wait3A_888] : memref<10000x128xf32, #tpu.memory_space<hbm>> -> memref<10000x128xf32, #tpu.memory_space<hbm>>
      tpu.wait_indirect_dma semaphore(%arg13 : memref<!tpu.dma_semaphore, #tpu.memory_space<semaphore_mem>>) src(%dma_wait3A_889 : memref<10000x128xf32, #tpu.memory_space<hbm>>) dst(%dma_wait3A_883 : memref<40x128xf32, #tpu.memory_space<vmem>>)
      %dma_start3A_890 = arith.constant 2 : i32
      %dma_start3A_891 = arith.constant 1 : i32
      %dma_start3A_892 = arith.constant 2 : i32
      %dma_start3A_893 = arith.constant 0 : i32
      %dma_start3A_894 = arith.constant 0 : i32
      %dma_start3A_895 = tpu.memref_slice %arg10[%dma_start3A_890, %dma_start3A_893, %dma_start3A_894] : memref<5x40x128xf32, #tpu.memory_space<vmem>> -> memref<1x40x128xf32, #tpu.memory_space<vmem>>
      %dma_start3A_896 = tpu.memref_squeeze %dma_start3A_895 : memref<1x40x128xf32, #tpu.memory_space<vmem>> -> memref<40x128xf32, #tpu.memory_space<vmem>>
      %dma_start3A_897 = arith.constant 0 : i32
      %dma_start3A_898 = tpu.memref_slice %arg9[%dma_start3A_891, %dma_start3A_892, %dma_start3A_897] : memref<2x5x40xi32, #tpu.memory_space<vmem>> -> memref<1x1x40xi32, #tpu.memory_space<vmem>>
      %dma_start3A_899 = tpu.memref_squeeze %dma_start3A_898 : memref<1x1x40xi32, #tpu.memory_space<vmem>> -> memref<40xi32, #tpu.memory_space<vmem>>
      %dma_start3A_900 = arith.constant 0 : i32
      %dma_start3A_901 = arith.constant 0 : i32
      %dma_start3A_902 = tpu.memref_slice %arg7[%dma_start3A_900, %dma_start3A_901] : memref<10240x128xf32, #tpu.memory_space<vmem_shared>> -> memref<10240x128xf32, #tpu.memory_space<vmem_shared>>
      tpu.enqueue_indirect_dma source(%dma_start3A_896 : memref<40x128xf32, #tpu.memory_space<vmem>>) target(%dma_start3A_902 : memref<10240x128xf32, #tpu.memory_space<vmem_shared>>) offsets(%dma_start3A_899 : memref<40xi32, #tpu.memory_space<vmem>>) semaphore(%arg18 : memref<!tpu.dma_semaphore, #tpu.memory_space<semaphore_mem>>) {add = true}
      %dma_wait3A_903 = arith.constant 1 : i32
      %dma_wait3A_904 = arith.constant 3 : i32
      %dma_wait3A_905 = arith.constant 3 : i32
      %dma_wait3A_906 = arith.constant 0 : i32
      %dma_wait3A_907 = arith.constant 0 : i32
      %dma_wait3A_908 = tpu.memref_slice %arg10[%dma_wait3A_905, %dma_wait3A_906, %dma_wait3A_907] : memref<5x40x128xf32, #tpu.memory_space<vmem>> -> memref<1x40x128xf32, #tpu.memory_space<vmem>>
      %dma_wait3A_909 = tpu.memref_squeeze %dma_wait3A_908 : memref<1x40x128xf32, #tpu.memory_space<vmem>> -> memref<40x128xf32, #tpu.memory_space<vmem>>
      %dma_wait3A_910 = arith.constant 0 : i32
      %dma_wait3A_911 = tpu.memref_slice %arg8[%dma_wait3A_903, %dma_wait3A_904, %dma_wait3A_910] : memref<2x5x40xi32, #tpu.memory_space<vmem>> -> memref<1x1x40xi32, #tpu.memory_space<vmem>>
      %dma_wait3A_912 = tpu.memref_squeeze %dma_wait3A_911 : memref<1x1x40xi32, #tpu.memory_space<vmem>> -> memref<40xi32, #tpu.memory_space<vmem>>
      %dma_wait3A_913 = arith.constant 0 : i32
      %dma_wait3A_914 = arith.constant 0 : i32
      %dma_wait3A_915 = tpu.memref_slice %arg2[%dma_wait3A_913, %dma_wait3A_914] : memref<10000x128xf32, #tpu.memory_space<hbm>> -> memref<10000x128xf32, #tpu.memory_space<hbm>>
      tpu.wait_indirect_dma semaphore(%arg14 : memref<!tpu.dma_semaphore, #tpu.memory_space<semaphore_mem>>) src(%dma_wait3A_915 : memref<10000x128xf32, #tpu.memory_space<hbm>>) dst(%dma_wait3A_909 : memref<40x128xf32, #tpu.memory_space<vmem>>)
      %dma_start3A_916 = arith.constant 3 : i32
      %dma_start3A_917 = arith.constant 1 : i32
      %dma_start3A_918 = arith.constant 3 : i32
      %dma_start3A_919 = arith.constant 0 : i32
      %dma_start3A_920 = arith.constant 0 : i32
      %dma_start3A_921 = tpu.memref_slice %arg10[%dma_start3A_916, %dma_start3A_919, %dma_start3A_920] : memref<5x40x128xf32, #tpu.memory_space<vmem>> -> memref<1x40x128xf32, #tpu.memory_space<vmem>>
      %dma_start3A_922 = tpu.memref_squeeze %dma_start3A_921 : memref<1x40x128xf32, #tpu.memory_space<vmem>> -> memref<40x128xf32, #tpu.memory_space<vmem>>
      %dma_start3A_923 = arith.constant 0 : i32
      %dma_start3A_924 = tpu.memref_slice %arg9[%dma_start3A_917, %dma_start3A_918, %dma_start3A_923] : memref<2x5x40xi32, #tpu.memory_space<vmem>> -> memref<1x1x40xi32, #tpu.memory_space<vmem>>
      %dma_start3A_925 = tpu.memref_squeeze %dma_start3A_924 : memref<1x1x40xi32, #tpu.memory_space<vmem>> -> memref<40xi32, #tpu.memory_space<vmem>>
      %dma_start3A_926 = arith.constant 0 : i32
      %dma_start3A_927 = arith.constant 0 : i32
      %dma_start3A_928 = tpu.memref_slice %arg7[%dma_start3A_926, %dma_start3A_927] : memref<10240x128xf32, #tpu.memory_space<vmem_shared>> -> memref<10240x128xf32, #tpu.memory_space<vmem_shared>>
      tpu.enqueue_indirect_dma source(%dma_start3A_922 : memref<40x128xf32, #tpu.memory_space<vmem>>) target(%dma_start3A_928 : memref<10240x128xf32, #tpu.memory_space<vmem_shared>>) offsets(%dma_start3A_925 : memref<40xi32, #tpu.memory_space<vmem>>) semaphore(%arg19 : memref<!tpu.dma_semaphore, #tpu.memory_space<semaphore_mem>>) {add = true}
      %dma_wait3A_929 = arith.constant 1 : i32
      %dma_wait3A_930 = arith.constant 4 : i32
      %dma_wait3A_931 = arith.constant 4 : i32
      %dma_wait3A_932 = arith.constant 0 : i32
      %dma_wait3A_933 = arith.constant 0 : i32
      %dma_wait3A_934 = tpu.memref_slice %arg10[%dma_wait3A_931, %dma_wait3A_932, %dma_wait3A_933] : memref<5x40x128xf32, #tpu.memory_space<vmem>> -> memref<1x40x128xf32, #tpu.memory_space<vmem>>
      %dma_wait3A_935 = tpu.memref_squeeze %dma_wait3A_934 : memref<1x40x128xf32, #tpu.memory_space<vmem>> -> memref<40x128xf32, #tpu.memory_space<vmem>>
      %dma_wait3A_936 = arith.constant 0 : i32
      %dma_wait3A_937 = tpu.memref_slice %arg8[%dma_wait3A_929, %dma_wait3A_930, %dma_wait3A_936] : memref<2x5x40xi32, #tpu.memory_space<vmem>> -> memref<1x1x40xi32, #tpu.memory_space<vmem>>
      %dma_wait3A_938 = tpu.memref_squeeze %dma_wait3A_937 : memref<1x1x40xi32, #tpu.memory_space<vmem>> -> memref<40xi32, #tpu.memory_space<vmem>>
      %dma_wait3A_939 = arith.constant 0 : i32
      %dma_wait3A_940 = arith.constant 0 : i32
      %dma_wait3A_941 = tpu.memref_slice %arg2[%dma_wait3A_939, %dma_wait3A_940] : memref<10000x128xf32, #tpu.memory_space<hbm>> -> memref<10000x128xf32, #tpu.memory_space<hbm>>
      tpu.wait_indirect_dma semaphore(%arg15 : memref<!tpu.dma_semaphore, #tpu.memory_space<semaphore_mem>>) src(%dma_wait3A_941 : memref<10000x128xf32, #tpu.memory_space<hbm>>) dst(%dma_wait3A_935 : memref<40x128xf32, #tpu.memory_space<vmem>>)
      %dma_start3A_942 = arith.constant 4 : i32
      %dma_start3A_943 = arith.constant 1 : i32
      %dma_start3A_944 = arith.constant 4 : i32
      %dma_start3A_945 = arith.constant 0 : i32
      %dma_start3A_946 = arith.constant 0 : i32
      %dma_start3A_947 = tpu.memref_slice %arg10[%dma_start3A_942, %dma_start3A_945, %dma_start3A_946] : memref<5x40x128xf32, #tpu.memory_space<vmem>> -> memref<1x40x128xf32, #tpu.memory_space<vmem>>
      %dma_start3A_948 = tpu.memref_squeeze %dma_start3A_947 : memref<1x40x128xf32, #tpu.memory_space<vmem>> -> memref<40x128xf32, #tpu.memory_space<vmem>>
      %dma_start3A_949 = arith.constant 0 : i32
      %dma_start3A_950 = tpu.memref_slice %arg9[%dma_start3A_943, %dma_start3A_944, %dma_start3A_949] : memref<2x5x40xi32, #tpu.memory_space<vmem>> -> memref<1x1x40xi32, #tpu.memory_space<vmem>>
      %dma_start3A_951 = tpu.memref_squeeze %dma_start3A_950 : memref<1x1x40xi32, #tpu.memory_space<vmem>> -> memref<40xi32, #tpu.memory_space<vmem>>
      %dma_start3A_952 = arith.constant 0 : i32
      %dma_start3A_953 = arith.constant 0 : i32
      %dma_start3A_954 = tpu.memref_slice %arg7[%dma_start3A_952, %dma_start3A_953] : memref<10240x128xf32, #tpu.memory_space<vmem_shared>> -> memref<10240x128xf32, #tpu.memory_space<vmem_shared>>
      tpu.enqueue_indirect_dma source(%dma_start3A_948 : memref<40x128xf32, #tpu.memory_space<vmem>>) target(%dma_start3A_954 : memref<10240x128xf32, #tpu.memory_space<vmem_shared>>) offsets(%dma_start3A_951 : memref<40xi32, #tpu.memory_space<vmem>>) semaphore(%arg20 : memref<!tpu.dma_semaphore, #tpu.memory_space<semaphore_mem>>) {add = true}
      %add3A_955 = arith.constant 2 : i32
      %add3A_956 = arith.addi %add3A_655, %add3A_955 : i32
      %mul3A_957 = arith.constant 5 : i32
      %mul3A_958 = arith.muli %add3A_956, %mul3A_957 : i32
      %add3A_959 = arith.addi %mul3A_126, %mul3A_958 : i32
      %dma_start3A_960 = arith.constant 1 : i32
      %dma_start3A_961 = arith.constant 0 : i32
      %dma_start3A_962 = arith.constant 0 : i32
      %dma_start3A_963 = tpu.memref_slice %arg8[%dma_start3A_960, %dma_start3A_961, %dma_start3A_962] : memref<2x5x40xi32, #tpu.memory_space<vmem>> -> memref<1x5x40xi32, #tpu.memory_space<vmem>>
      %dma_start3A_964 = tpu.memref_squeeze %dma_start3A_963 : memref<1x5x40xi32, #tpu.memory_space<vmem>> -> memref<5x40xi32, #tpu.memory_space<vmem>>
      %dma_start3A_965 = arith.constant 0 : i32
      %dma_start3A_966 = tpu.memref_slice %arg3[%add3A_959, %dma_start3A_965] : memref<8010x40xi32, #tpu.memory_space<hbm>> -> memref<5x40xi32, #tpu.memory_space<hbm>>
      %dma_start3A_967 = arith.constant 0 : i32
      %dma_start3A_968 = arith.constant 0 : i32
      %dma_start3A_969 = tpu.memref_slice %arg8[%dma_start3A_960, %dma_start3A_967, %dma_start3A_968] : memref<2x5x40xi32, #tpu.memory_space<vmem>> -> memref<1x5x40xi32, #tpu.memory_space<vmem>>
      %dma_start3A_970 = tpu.memref_squeeze %dma_start3A_969 : memref<1x5x40xi32, #tpu.memory_space<vmem>> -> memref<5x40xi32, #tpu.memory_space<vmem>>
      %dma_start3A_971 = arith.constant 0 : i32
      %dma_start3A_972 = tpu.memref_slice %arg3[%add3A_959, %dma_start3A_971] : memref<8010x40xi32, #tpu.memory_space<hbm>> -> memref<5x40xi32, #tpu.memory_space<hbm>>
      tpu.enqueue_dma source(%dma_start3A_972 : memref<5x40xi32, #tpu.memory_space<hbm>>) target(%dma_start3A_970 : memref<5x40xi32, #tpu.memory_space<vmem>>) target_semaphore(%arg22 : memref<!tpu.dma_semaphore, #tpu.memory_space<semaphore_mem>>)
      %dma_start3A_973 = arith.constant 1 : i32
      %dma_start3A_974 = arith.constant 0 : i32
      %dma_start3A_975 = arith.constant 0 : i32
      %dma_start3A_976 = tpu.memref_slice %arg9[%dma_start3A_973, %dma_start3A_974, %dma_start3A_975] : memref<2x5x40xi32, #tpu.memory_space<vmem>> -> memref<1x5x40xi32, #tpu.memory_space<vmem>>
      %dma_start3A_977 = tpu.memref_squeeze %dma_start3A_976 : memref<1x5x40xi32, #tpu.memory_space<vmem>> -> memref<5x40xi32, #tpu.memory_space<vmem>>
      %dma_start3A_978 = arith.constant 0 : i32
      %dma_start3A_979 = tpu.memref_slice %arg4[%add3A_959, %dma_start3A_978] : memref<8010x40xi32, #tpu.memory_space<hbm>> -> memref<5x40xi32, #tpu.memory_space<hbm>>
      %dma_start3A_980 = arith.constant 0 : i32
      %dma_start3A_981 = arith.constant 0 : i32
      %dma_start3A_982 = tpu.memref_slice %arg9[%dma_start3A_973, %dma_start3A_980, %dma_start3A_981] : memref<2x5x40xi32, #tpu.memory_space<vmem>> -> memref<1x5x40xi32, #tpu.memory_space<vmem>>
      %dma_start3A_983 = tpu.memref_squeeze %dma_start3A_982 : memref<1x5x40xi32, #tpu.memory_space<vmem>> -> memref<5x40xi32, #tpu.memory_space<vmem>>
      %dma_start3A_984 = arith.constant 0 : i32
      %dma_start3A_985 = tpu.memref_slice %arg4[%add3A_959, %dma_start3A_984] : memref<8010x40xi32, #tpu.memory_space<hbm>> -> memref<5x40xi32, #tpu.memory_space<hbm>>
      tpu.enqueue_dma source(%dma_start3A_985 : memref<5x40xi32, #tpu.memory_space<hbm>>) target(%dma_start3A_983 : memref<5x40xi32, #tpu.memory_space<vmem>>) target_semaphore(%arg22 : memref<!tpu.dma_semaphore, #tpu.memory_space<semaphore_mem>>)
    }
    %scan3A_187 = arith.constant 25 : i32
    %dma_wait3A = arith.constant 0 : i32
    %dma_wait3A_188 = arith.constant 0 : i32
    %dma_wait3A_189 = arith.constant 0 : i32
    %dma_wait3A_190 = tpu.memref_slice %arg10[%dma_wait3A, %dma_wait3A_188, %dma_wait3A_189] : memref<5x40x128xf32, #tpu.memory_space<vmem>> -> memref<1x40x128xf32, #tpu.memory_space<vmem>>
    %dma_wait3A_191 = tpu.memref_squeeze %dma_wait3A_190 : memref<1x40x128xf32, #tpu.memory_space<vmem>> -> memref<40x128xf32, #tpu.memory_space<vmem>>
    %dma_wait3A_192 = arith.constant 0 : i32
    %dma_wait3A_193 = arith.constant 0 : i32
    %dma_wait3A_194 = tpu.memref_slice %dma_wait3A_191[%dma_wait3A_192, %dma_wait3A_193] : memref<40x128xf32, #tpu.memory_space<vmem>> -> memref<40x128xf32, #tpu.memory_space<vmem>>
    %dma_wait3A_195 = arith.constant 0 : i32
    %dma_wait3A_196 = arith.constant 0 : i32
    %dma_wait3A_197 = tpu.memref_slice %arg10[%dma_wait3A, %dma_wait3A_195, %dma_wait3A_196] : memref<5x40x128xf32, #tpu.memory_space<vmem>> -> memref<1x40x128xf32, #tpu.memory_space<vmem>>
    %dma_wait3A_198 = tpu.memref_squeeze %dma_wait3A_197 : memref<1x40x128xf32, #tpu.memory_space<vmem>> -> memref<40x128xf32, #tpu.memory_space<vmem>>
    %dma_wait3A_199 = arith.constant 0 : i32
    %dma_wait3A_200 = arith.constant 0 : i32
    %dma_wait3A_201 = tpu.memref_slice %dma_wait3A_198[%dma_wait3A_199, %dma_wait3A_200] : memref<40x128xf32, #tpu.memory_space<vmem>> -> memref<40x128xf32, #tpu.memory_space<vmem>>
    tpu.wait_dma2 semaphore(%arg16 : memref<!tpu.dma_semaphore, #tpu.memory_space<semaphore_mem>>) src(%arg5 : memref<40x128xf32, #tpu.memory_space<hbm>>) dst(%dma_wait3A_201 : memref<40x128xf32, #tpu.memory_space<vmem>>)
    %dma_wait3A_202 = arith.constant 1 : i32
    %dma_wait3A_203 = arith.constant 0 : i32
    %dma_wait3A_204 = arith.constant 0 : i32
    %dma_wait3A_205 = tpu.memref_slice %arg10[%dma_wait3A_202, %dma_wait3A_203, %dma_wait3A_204] : memref<5x40x128xf32, #tpu.memory_space<vmem>> -> memref<1x40x128xf32, #tpu.memory_space<vmem>>
    %dma_wait3A_206 = tpu.memref_squeeze %dma_wait3A_205 : memref<1x40x128xf32, #tpu.memory_space<vmem>> -> memref<40x128xf32, #tpu.memory_space<vmem>>
    %dma_wait3A_207 = arith.constant 0 : i32
    %dma_wait3A_208 = arith.constant 0 : i32
    %dma_wait3A_209 = tpu.memref_slice %dma_wait3A_206[%dma_wait3A_207, %dma_wait3A_208] : memref<40x128xf32, #tpu.memory_space<vmem>> -> memref<40x128xf32, #tpu.memory_space<vmem>>
    %dma_wait3A_210 = arith.constant 0 : i32
    %dma_wait3A_211 = arith.constant 0 : i32
    %dma_wait3A_212 = tpu.memref_slice %arg10[%dma_wait3A_202, %dma_wait3A_210, %dma_wait3A_211] : memref<5x40x128xf32, #tpu.memory_space<vmem>> -> memref<1x40x128xf32, #tpu.memory_space<vmem>>
    %dma_wait3A_213 = tpu.memref_squeeze %dma_wait3A_212 : memref<1x40x128xf32, #tpu.memory_space<vmem>> -> memref<40x128xf32, #tpu.memory_space<vmem>>
    %dma_wait3A_214 = arith.constant 0 : i32
    %dma_wait3A_215 = arith.constant 0 : i32
    %dma_wait3A_216 = tpu.memref_slice %dma_wait3A_213[%dma_wait3A_214, %dma_wait3A_215] : memref<40x128xf32, #tpu.memory_space<vmem>> -> memref<40x128xf32, #tpu.memory_space<vmem>>
    tpu.wait_dma2 semaphore(%arg17 : memref<!tpu.dma_semaphore, #tpu.memory_space<semaphore_mem>>) src(%arg5 : memref<40x128xf32, #tpu.memory_space<hbm>>) dst(%dma_wait3A_216 : memref<40x128xf32, #tpu.memory_space<vmem>>)
    %dma_wait3A_217 = arith.constant 2 : i32
    %dma_wait3A_218 = arith.constant 0 : i32
    %dma_wait3A_219 = arith.constant 0 : i32
    %dma_wait3A_220 = tpu.memref_slice %arg10[%dma_wait3A_217, %dma_wait3A_218, %dma_wait3A_219] : memref<5x40x128xf32, #tpu.memory_space<vmem>> -> memref<1x40x128xf32, #tpu.memory_space<vmem>>
    %dma_wait3A_221 = tpu.memref_squeeze %dma_wait3A_220 : memref<1x40x128xf32, #tpu.memory_space<vmem>> -> memref<40x128xf32, #tpu.memory_space<vmem>>
    %dma_wait3A_222 = arith.constant 0 : i32
    %dma_wait3A_223 = arith.constant 0 : i32
    %dma_wait3A_224 = tpu.memref_slice %dma_wait3A_221[%dma_wait3A_222, %dma_wait3A_223] : memref<40x128xf32, #tpu.memory_space<vmem>> -> memref<40x128xf32, #tpu.memory_space<vmem>>
    %dma_wait3A_225 = arith.constant 0 : i32
    %dma_wait3A_226 = arith.constant 0 : i32
    %dma_wait3A_227 = tpu.memref_slice %arg10[%dma_wait3A_217, %dma_wait3A_225, %dma_wait3A_226] : memref<5x40x128xf32, #tpu.memory_space<vmem>> -> memref<1x40x128xf32, #tpu.memory_space<vmem>>
    %dma_wait3A_228 = tpu.memref_squeeze %dma_wait3A_227 : memref<1x40x128xf32, #tpu.memory_space<vmem>> -> memref<40x128xf32, #tpu.memory_space<vmem>>
    %dma_wait3A_229 = arith.constant 0 : i32
    %dma_wait3A_230 = arith.constant 0 : i32
    %dma_wait3A_231 = tpu.memref_slice %dma_wait3A_228[%dma_wait3A_229, %dma_wait3A_230] : memref<40x128xf32, #tpu.memory_space<vmem>> -> memref<40x128xf32, #tpu.memory_space<vmem>>
    tpu.wait_dma2 semaphore(%arg18 : memref<!tpu.dma_semaphore, #tpu.memory_space<semaphore_mem>>) src(%arg5 : memref<40x128xf32, #tpu.memory_space<hbm>>) dst(%dma_wait3A_231 : memref<40x128xf32, #tpu.memory_space<vmem>>)
    %dma_wait3A_232 = arith.constant 3 : i32
    %dma_wait3A_233 = arith.constant 0 : i32
    %dma_wait3A_234 = arith.constant 0 : i32
    %dma_wait3A_235 = tpu.memref_slice %arg10[%dma_wait3A_232, %dma_wait3A_233, %dma_wait3A_234] : memref<5x40x128xf32, #tpu.memory_space<vmem>> -> memref<1x40x128xf32, #tpu.memory_space<vmem>>
    %dma_wait3A_236 = tpu.memref_squeeze %dma_wait3A_235 : memref<1x40x128xf32, #tpu.memory_space<vmem>> -> memref<40x128xf32, #tpu.memory_space<vmem>>
    %dma_wait3A_237 = arith.constant 0 : i32
    %dma_wait3A_238 = arith.constant 0 : i32
    %dma_wait3A_239 = tpu.memref_slice %dma_wait3A_236[%dma_wait3A_237, %dma_wait3A_238] : memref<40x128xf32, #tpu.memory_space<vmem>> -> memref<40x128xf32, #tpu.memory_space<vmem>>
    %dma_wait3A_240 = arith.constant 0 : i32
    %dma_wait3A_241 = arith.constant 0 : i32
    %dma_wait3A_242 = tpu.memref_slice %arg10[%dma_wait3A_232, %dma_wait3A_240, %dma_wait3A_241] : memref<5x40x128xf32, #tpu.memory_space<vmem>> -> memref<1x40x128xf32, #tpu.memory_space<vmem>>
    %dma_wait3A_243 = tpu.memref_squeeze %dma_wait3A_242 : memref<1x40x128xf32, #tpu.memory_space<vmem>> -> memref<40x128xf32, #tpu.memory_space<vmem>>
    %dma_wait3A_244 = arith.constant 0 : i32
    %dma_wait3A_245 = arith.constant 0 : i32
    %dma_wait3A_246 = tpu.memref_slice %dma_wait3A_243[%dma_wait3A_244, %dma_wait3A_245] : memref<40x128xf32, #tpu.memory_space<vmem>> -> memref<40x128xf32, #tpu.memory_space<vmem>>
    tpu.wait_dma2 semaphore(%arg19 : memref<!tpu.dma_semaphore, #tpu.memory_space<semaphore_mem>>) src(%arg5 : memref<40x128xf32, #tpu.memory_space<hbm>>) dst(%dma_wait3A_246 : memref<40x128xf32, #tpu.memory_space<vmem>>)
    %dma_wait3A_247 = arith.constant 4 : i32
    %dma_wait3A_248 = arith.constant 0 : i32
    %dma_wait3A_249 = arith.constant 0 : i32
    %dma_wait3A_250 = tpu.memref_slice %arg10[%dma_wait3A_247, %dma_wait3A_248, %dma_wait3A_249] : memref<5x40x128xf32, #tpu.memory_space<vmem>> -> memref<1x40x128xf32, #tpu.memory_space<vmem>>
    %dma_wait3A_251 = tpu.memref_squeeze %dma_wait3A_250 : memref<1x40x128xf32, #tpu.memory_space<vmem>> -> memref<40x128xf32, #tpu.memory_space<vmem>>
    %dma_wait3A_252 = arith.constant 0 : i32
    %dma_wait3A_253 = arith.constant 0 : i32
    %dma_wait3A_254 = tpu.memref_slice %dma_wait3A_251[%dma_wait3A_252, %dma_wait3A_253] : memref<40x128xf32, #tpu.memory_space<vmem>> -> memref<40x128xf32, #tpu.memory_space<vmem>>
    %dma_wait3A_255 = arith.constant 0 : i32
    %dma_wait3A_256 = arith.constant 0 : i32
    %dma_wait3A_257 = tpu.memref_slice %arg10[%dma_wait3A_247, %dma_wait3A_255, %dma_wait3A_256] : memref<5x40x128xf32, #tpu.memory_space<vmem>> -> memref<1x40x128xf32, #tpu.memory_space<vmem>>
    %dma_wait3A_258 = tpu.memref_squeeze %dma_wait3A_257 : memref<1x40x128xf32, #tpu.memory_space<vmem>> -> memref<40x128xf32, #tpu.memory_space<vmem>>
    %dma_wait3A_259 = arith.constant 0 : i32
    %dma_wait3A_260 = arith.constant 0 : i32
    %dma_wait3A_261 = tpu.memref_slice %dma_wait3A_258[%dma_wait3A_259, %dma_wait3A_260] : memref<40x128xf32, #tpu.memory_space<vmem>> -> memref<40x128xf32, #tpu.memory_space<vmem>>
    tpu.wait_dma2 semaphore(%arg20 : memref<!tpu.dma_semaphore, #tpu.memory_space<semaphore_mem>>) src(%arg5 : memref<40x128xf32, #tpu.memory_space<hbm>>) dst(%dma_wait3A_261 : memref<40x128xf32, #tpu.memory_space<vmem>>)
    %add3A_262 = arith.constant 250 : i32
    %add3A_263 = arith.addi %mul3A_126, %add3A_262 : i32
    %dma_wait3A_264 = arith.constant 0 : i32
    %dma_wait3A_265 = arith.constant 0 : i32
    %dma_wait3A_266 = arith.constant 0 : i32
    %dma_wait3A_267 = tpu.memref_slice %arg8[%dma_wait3A_264, %dma_wait3A_265, %dma_wait3A_266] : memref<2x5x40xi32, #tpu.memory_space<vmem>> -> memref<1x5x40xi32, #tpu.memory_space<vmem>>
    %dma_wait3A_268 = tpu.memref_squeeze %dma_wait3A_267 : memref<1x5x40xi32, #tpu.memory_space<vmem>> -> memref<5x40xi32, #tpu.memory_space<vmem>>
    %dma_wait3A_269 = arith.constant 0 : i32
    %dma_wait3A_270 = tpu.memref_slice %arg3[%add3A_263, %dma_wait3A_269] : memref<8010x40xi32, #tpu.memory_space<hbm>> -> memref<5x40xi32, #tpu.memory_space<hbm>>
    %dma_wait3A_271 = arith.constant 0 : i32
    %dma_wait3A_272 = arith.constant 0 : i32
    %dma_wait3A_273 = tpu.memref_slice %arg8[%dma_wait3A_264, %dma_wait3A_271, %dma_wait3A_272] : memref<2x5x40xi32, #tpu.memory_space<vmem>> -> memref<1x5x40xi32, #tpu.memory_space<vmem>>
    %dma_wait3A_274 = tpu.memref_squeeze %dma_wait3A_273 : memref<1x5x40xi32, #tpu.memory_space<vmem>> -> memref<5x40xi32, #tpu.memory_space<vmem>>
    %dma_wait3A_275 = arith.constant 0 : i32
    %dma_wait3A_276 = tpu.memref_slice %arg3[%add3A_263, %dma_wait3A_275] : memref<8010x40xi32, #tpu.memory_space<hbm>> -> memref<5x40xi32, #tpu.memory_space<hbm>>
    tpu.wait_dma2 semaphore(%arg21 : memref<!tpu.dma_semaphore, #tpu.memory_space<semaphore_mem>>) src(%dma_wait3A_276 : memref<5x40xi32, #tpu.memory_space<hbm>>) dst(%dma_wait3A_274 : memref<5x40xi32, #tpu.memory_space<vmem>>)
    %dma_wait3A_277 = arith.constant 0 : i32
    %dma_wait3A_278 = arith.constant 0 : i32
    %dma_wait3A_279 = arith.constant 0 : i32
    %dma_wait3A_280 = tpu.memref_slice %arg9[%dma_wait3A_277, %dma_wait3A_278, %dma_wait3A_279] : memref<2x5x40xi32, #tpu.memory_space<vmem>> -> memref<1x5x40xi32, #tpu.memory_space<vmem>>
    %dma_wait3A_281 = tpu.memref_squeeze %dma_wait3A_280 : memref<1x5x40xi32, #tpu.memory_space<vmem>> -> memref<5x40xi32, #tpu.memory_space<vmem>>
    %dma_wait3A_282 = arith.constant 0 : i32
    %dma_wait3A_283 = tpu.memref_slice %arg4[%add3A_263, %dma_wait3A_282] : memref<8010x40xi32, #tpu.memory_space<hbm>> -> memref<5x40xi32, #tpu.memory_space<hbm>>
    %dma_wait3A_284 = arith.constant 0 : i32
    %dma_wait3A_285 = arith.constant 0 : i32
    %dma_wait3A_286 = tpu.memref_slice %arg9[%dma_wait3A_277, %dma_wait3A_284, %dma_wait3A_285] : memref<2x5x40xi32, #tpu.memory_space<vmem>> -> memref<1x5x40xi32, #tpu.memory_space<vmem>>
    %dma_wait3A_287 = tpu.memref_squeeze %dma_wait3A_286 : memref<1x5x40xi32, #tpu.memory_space<vmem>> -> memref<5x40xi32, #tpu.memory_space<vmem>>
    %dma_wait3A_288 = arith.constant 0 : i32
    %dma_wait3A_289 = tpu.memref_slice %arg4[%add3A_263, %dma_wait3A_288] : memref<8010x40xi32, #tpu.memory_space<hbm>> -> memref<5x40xi32, #tpu.memory_space<hbm>>
    tpu.wait_dma2 semaphore(%arg21 : memref<!tpu.dma_semaphore, #tpu.memory_space<semaphore_mem>>) src(%dma_wait3A_289 : memref<5x40xi32, #tpu.memory_space<hbm>>) dst(%dma_wait3A_287 : memref<5x40xi32, #tpu.memory_space<vmem>>)
    %add3A_290 = arith.constant 255 : i32
    %add3A_291 = arith.addi %mul3A_126, %add3A_290 : i32
    %dma_wait3A_292 = arith.constant 1 : i32
    %dma_wait3A_293 = arith.constant 0 : i32
    %dma_wait3A_294 = arith.constant 0 : i32
    %dma_wait3A_295 = tpu.memref_slice %arg8[%dma_wait3A_292, %dma_wait3A_293, %dma_wait3A_294] : memref<2x5x40xi32, #tpu.memory_space<vmem>> -> memref<1x5x40xi32, #tpu.memory_space<vmem>>
    %dma_wait3A_296 = tpu.memref_squeeze %dma_wait3A_295 : memref<1x5x40xi32, #tpu.memory_space<vmem>> -> memref<5x40xi32, #tpu.memory_space<vmem>>
    %dma_wait3A_297 = arith.constant 0 : i32
    %dma_wait3A_298 = tpu.memref_slice %arg3[%add3A_291, %dma_wait3A_297] : memref<8010x40xi32, #tpu.memory_space<hbm>> -> memref<5x40xi32, #tpu.memory_space<hbm>>
    %dma_wait3A_299 = arith.constant 0 : i32
    %dma_wait3A_300 = arith.constant 0 : i32
    %dma_wait3A_301 = tpu.memref_slice %arg8[%dma_wait3A_292, %dma_wait3A_299, %dma_wait3A_300] : memref<2x5x40xi32, #tpu.memory_space<vmem>> -> memref<1x5x40xi32, #tpu.memory_space<vmem>>
    %dma_wait3A_302 = tpu.memref_squeeze %dma_wait3A_301 : memref<1x5x40xi32, #tpu.memory_space<vmem>> -> memref<5x40xi32, #tpu.memory_space<vmem>>
    %dma_wait3A_303 = arith.constant 0 : i32
    %dma_wait3A_304 = tpu.memref_slice %arg3[%add3A_291, %dma_wait3A_303] : memref<8010x40xi32, #tpu.memory_space<hbm>> -> memref<5x40xi32, #tpu.memory_space<hbm>>
    tpu.wait_dma2 semaphore(%arg22 : memref<!tpu.dma_semaphore, #tpu.memory_space<semaphore_mem>>) src(%dma_wait3A_304 : memref<5x40xi32, #tpu.memory_space<hbm>>) dst(%dma_wait3A_302 : memref<5x40xi32, #tpu.memory_space<vmem>>)
    %dma_wait3A_305 = arith.constant 1 : i32
    %dma_wait3A_306 = arith.constant 0 : i32
    %dma_wait3A_307 = arith.constant 0 : i32
    %dma_wait3A_308 = tpu.memref_slice %arg9[%dma_wait3A_305, %dma_wait3A_306, %dma_wait3A_307] : memref<2x5x40xi32, #tpu.memory_space<vmem>> -> memref<1x5x40xi32, #tpu.memory_space<vmem>>
    %dma_wait3A_309 = tpu.memref_squeeze %dma_wait3A_308 : memref<1x5x40xi32, #tpu.memory_space<vmem>> -> memref<5x40xi32, #tpu.memory_space<vmem>>
    %dma_wait3A_310 = arith.constant 0 : i32
    %dma_wait3A_311 = tpu.memref_slice %arg4[%add3A_291, %dma_wait3A_310] : memref<8010x40xi32, #tpu.memory_space<hbm>> -> memref<5x40xi32, #tpu.memory_space<hbm>>
    %dma_wait3A_312 = arith.constant 0 : i32
    %dma_wait3A_313 = arith.constant 0 : i32
    %dma_wait3A_314 = tpu.memref_slice %arg9[%dma_wait3A_305, %dma_wait3A_312, %dma_wait3A_313] : memref<2x5x40xi32, #tpu.memory_space<vmem>> -> memref<1x5x40xi32, #tpu.memory_space<vmem>>
    %dma_wait3A_315 = tpu.memref_squeeze %dma_wait3A_314 : memref<1x5x40xi32, #tpu.memory_space<vmem>> -> memref<5x40xi32, #tpu.memory_space<vmem>>
    %dma_wait3A_316 = arith.constant 0 : i32
    %dma_wait3A_317 = tpu.memref_slice %arg4[%add3A_291, %dma_wait3A_316] : memref<8010x40xi32, #tpu.memory_space<hbm>> -> memref<5x40xi32, #tpu.memory_space<hbm>>
    tpu.wait_dma2 semaphore(%arg22 : memref<!tpu.dma_semaphore, #tpu.memory_space<semaphore_mem>>) src(%dma_wait3A_317 : memref<5x40xi32, #tpu.memory_space<hbm>>) dst(%dma_wait3A_315 : memref<5x40xi32, #tpu.memory_space<vmem>>)
    %barrier3A_318 = arith.constant 0 : index
    tpu.barrier barrier_id(%barrier3A_318)
    "tpu.region"() ({
      %run_scoped3A_319 = tpu.sem_alloc : memref<!tpu.dma_semaphore, #tpu.memory_space<semaphore_mem>>
      %dma_start3A_320 = arith.constant 0 : i32
      %dma_start3A_321 = tpu.memref_slice %arg6[%arg0, %mul3A_2, %dma_start3A_320] : memref<2x10240x128xf32, #tpu.memory_space<hbm>> -> memref<1x640x128xf32, #tpu.memory_space<hbm>>
      %dma_start3A_322 = tpu.memref_squeeze %dma_start3A_321 : memref<1x640x128xf32, #tpu.memory_space<hbm>> -> memref<640x128xf32, #tpu.memory_space<hbm>>
      %dma_start3A_323 = arith.constant 0 : i32
      %dma_start3A_324 = tpu.memref_slice %arg7[%mul3A_2, %dma_start3A_323] : memref<10240x128xf32, #tpu.memory_space<vmem_shared>> -> memref<640x128xf32, #tpu.memory_space<vmem_shared>>
      tpu.enqueue_dma source(%dma_start3A_324 : memref<640x128xf32, #tpu.memory_space<vmem_shared>>) target(%dma_start3A_322 : memref<640x128xf32, #tpu.memory_space<hbm>>) target_semaphore(%run_scoped3A_319 : memref<!tpu.dma_semaphore, #tpu.memory_space<semaphore_mem>>)
      %dma_wait3A_325 = arith.constant 0 : i32
      %dma_wait3A_326 = tpu.memref_slice %arg6[%arg0, %mul3A_2, %dma_wait3A_325] : memref<2x10240x128xf32, #tpu.memory_space<hbm>> -> memref<1x640x128xf32, #tpu.memory_space<hbm>>
      %dma_wait3A_327 = tpu.memref_squeeze %dma_wait3A_326 : memref<1x640x128xf32, #tpu.memory_space<hbm>> -> memref<640x128xf32, #tpu.memory_space<hbm>>
      %dma_wait3A_328 = arith.constant 0 : i32
      %dma_wait3A_329 = tpu.memref_slice %arg7[%mul3A_2, %dma_wait3A_328] : memref<10240x128xf32, #tpu.memory_space<vmem_shared>> -> memref<640x128xf32, #tpu.memory_space<vmem_shared>>
      tpu.wait_dma2 semaphore(%run_scoped3A_319 : memref<!tpu.dma_semaphore, #tpu.memory_space<semaphore_mem>>) src(%dma_wait3A_329 : memref<640x128xf32, #tpu.memory_space<vmem_shared>>) dst(%dma_wait3A_327 : memref<640x128xf32, #tpu.memory_space<hbm>>)
      tpu.yield
    }) : () -> ()
    return
  }
}

module attributes {stable_mosaic.version = 14 : i64} {
  func.func @_tc_pre_body(%arg0: i32, %arg1: memref<1000x128xf32, #tpu.memory_space<vmem>>, %arg2: memref<128x128xf32, #tpu.memory_space<vmem>>, %arg3: memref<1000x144xf32, #tpu.memory_space<vmem>>) attributes {dimension_semantics = [#tpu.dimension_semantics<arbitrary>], iteration_bounds = array<i64: 10>, scalar_prefetch = 0 : i64, scratch_operands = 0 : i64, tpu.core_type = #tpu.core_type<tc>, window_params = [{transform_indices = @transform_0, window_bounds = array<i64: 1000, 128>}, {pipeline_mode = #tpu.pipeline_mode<synchronous>, transform_indices = @transform_1, window_bounds = array<i64: 128, 128>}, {transform_indices = @transform_2, window_bounds = array<i64: 1000, 144>}]} {
    %get3A = arith.constant 0 : index
    %get3A_0 = arith.constant 0 : index
    %get3A_1 = vector.load %arg1[%get3A, %get3A_0] : memref<1000x128xf32, #tpu.memory_space<vmem>>, vector<1000x128xf32>
    %get3A_2 = arith.constant 0 : index
    %get3A_3 = arith.constant 0 : index
    %get3A_4 = vector.load %arg2[%get3A_2, %get3A_3] : memref<128x128xf32, #tpu.memory_space<vmem>>, vector<128x128xf32>
    %dot_general3A = arith.constant dense<0.000000e+00> : vector<1000x128xf32>
    %dot_general3A_5 = tpu.matmul %get3A_1, %get3A_4, %dot_general3A {dimension_numbers = #tpu.dot_dimension_numbers<[1], [0], [0], [1], [0, 0, 1, 1], [], []>, transpose_lhs_hint = false} : vector<1000x128xf32>, vector<128x128xf32>, vector<1000x128xf32> -> vector<1000x128xf32>
    %broadcast_in_dim3A = arith.constant 1.000000e+00 : f32
    %broadcast_in_dim3A_6 = vector.broadcast %broadcast_in_dim3A : f32 to vector<1000x16xf32>
    %concatenate3A = tpu.concatenate %dot_general3A_5, %broadcast_in_dim3A_6 in 1 : vector<1000x128xf32>, vector<1000x16xf32> -> vector<1000x144xf32>
    %swap3A = arith.constant 0 : index
    %swap3A_7 = arith.constant 0 : index
    %swap3A_8 = vector.load %arg3[%swap3A, %swap3A_7] : memref<1000x144xf32, #tpu.memory_space<vmem>>, vector<1000x144xf32>
    tpu.vector_store %arg3[%swap3A, %swap3A_7], %concatenate3A {strides = array<i32>} : memref<1000x144xf32, #tpu.memory_space<vmem>>, vector<1000x144xf32>,
    return
  }
  func.func @transform_0(%arg0: i32) -> (i32, i32) {
    %c0_i32 = arith.constant 0 : i32
    %c0_i32_0 = arith.constant 0 : i32
    return %arg0, %c0_i32 : i32, i32
  }
  func.func @transform_1(%arg0: i32) -> (i32, i32) {
    %c0_i32 = arith.constant 0 : i32
    %c0_i32_0 = arith.constant 0 : i32
    %c0_i32_1 = arith.constant 0 : i32
    return %c0_i32, %c0_i32_0 : i32, i32
  }
  func.func @transform_2(%arg0: i32) -> (i32, i32) {
    %c0_i32 = arith.constant 0 : i32
    %c0_i32_0 = arith.constant 0 : i32
    return %arg0, %c0_i32 : i32, i32
  }
}

module attributes {stable_mosaic.version = 14 : i64} {
  func.func @_tc_combine1_body(%arg0: i32, %arg1: memref<1000x128xf32, #tpu.memory_space<vmem>>, %arg2: memref<1x1000x144xf32, #tpu.memory_space<vmem>>, %arg3: memref<1x1000x144xf32, #tpu.memory_space<vmem>>, %arg4: memref<128x128xf32, #tpu.memory_space<vmem>>, %arg5: memref<1x128xf32, #tpu.memory_space<vmem>>, %arg6: memref<128x128xf32, #tpu.memory_space<vmem>>, %arg7: memref<1000x128xf32, #tpu.memory_space<vmem>>, %arg8: memref<1000x128xf32, #tpu.memory_space<vmem>>, %arg9: memref<1000x1xf32, #tpu.memory_space<vmem>>) attributes {dimension_semantics = [#tpu.dimension_semantics<arbitrary>], iteration_bounds = array<i64: 10>, scalar_prefetch = 0 : i64, scratch_operands = 0 : i64, tpu.core_type = #tpu.core_type<tc>, window_params = [{transform_indices = @transform_0, window_bounds = array<i64: 1000, 128>}, {transform_indices = @transform_1, window_bounds = array<i64: 1, 1000, 144>}, {transform_indices = @transform_2, window_bounds = array<i64: 1, 1000, 144>}, {pipeline_mode = #tpu.pipeline_mode<synchronous>, transform_indices = @transform_3, window_bounds = array<i64: 128, 128>}, {pipeline_mode = #tpu.pipeline_mode<synchronous>, transform_indices = @transform_4, window_bounds = array<i64: 1, 128>}, {pipeline_mode = #tpu.pipeline_mode<synchronous>, transform_indices = @transform_5, window_bounds = array<i64: 128, 128>}, {transform_indices = @transform_6, window_bounds = array<i64: 1000, 128>}, {transform_indices = @transform_7, window_bounds = array<i64: 1000, 128>}, {transform_indices = @transform_8, window_bounds = array<i64: 1000, 1>}]} {
    %get3A = arith.constant 0 : index
    %get3A_0 = arith.constant 0 : index
    %get3A_1 = arith.constant 0 : index
    %get3A_2 = vector.load %arg2[%get3A, %get3A_0, %get3A_1] : memref<1x1000x144xf32, #tpu.memory_space<vmem>>, vector<1x1000x144xf32>
    %get3A_3 = vector.shape_cast %get3A_2 : vector<1x1000x144xf32> to vector<1000x144xf32>
    %get3A_4 = arith.constant 0 : index
    %get3A_5 = arith.constant 0 : index
    %get3A_6 = arith.constant 0 : index
    %get3A_7 = vector.load %arg3[%get3A_4, %get3A_5, %get3A_6] : memref<1x1000x144xf32, #tpu.memory_space<vmem>>, vector<1x1000x144xf32>
    %get3A_8 = vector.shape_cast %get3A_7 : vector<1x1000x144xf32> to vector<1000x144xf32>
    %add3A = arith.addf %get3A_3, %get3A_8 : vector<1000x144xf32>
    %slice3A = vector.extract_strided_slice %add3A {offsets = [0, 128], sizes = [1000, 1], strides = [1, 1]} : vector<1000x144xf32> to vector<1000x1xf32>
    %max3A = arith.constant 1.000000e+00 : f32
    %max3A_9 = vector.broadcast %max3A : f32 to vector<1000x1xf32>
    %max3A_10 = arith.maximumf %slice3A, %max3A_9 : vector<1000x1xf32>
    %div3A = arith.constant 1.000000e+00 : f32
    %div3A_11 = vector.broadcast %div3A : f32 to vector<1000x1xf32>
    %div3A_12 = arith.divf %div3A_11, %max3A_10 : vector<1000x1xf32>
    %get3A_13 = arith.constant 0 : index
    %get3A_14 = arith.constant 0 : index
    %get3A_15 = vector.load %arg1[%get3A_13, %get3A_14] : memref<1000x128xf32, #tpu.memory_space<vmem>>, vector<1000x128xf32>
    %get3A_16 = arith.constant 0 : index
    %get3A_17 = arith.constant 0 : index
    %get3A_18 = vector.load %arg4[%get3A_16, %get3A_17] : memref<128x128xf32, #tpu.memory_space<vmem>>, vector<128x128xf32>
    %dot_general3A = arith.constant dense<0.000000e+00> : vector<1000x128xf32>
    %dot_general3A_19 = tpu.matmul %get3A_15, %get3A_18, %dot_general3A {dimension_numbers = #tpu.dot_dimension_numbers<[1], [0], [0], [1], [0, 0, 1, 1], [], []>, transpose_lhs_hint = false} : vector<1000x128xf32>, vector<128x128xf32>, vector<1000x128xf32> -> vector<1000x128xf32>
    %slice3A_20 = vector.extract_strided_slice %add3A {offsets = [0, 0], sizes = [1000, 128], strides = [1, 1]} : vector<1000x144xf32> to vector<1000x128xf32>
    %mul3A = vector.broadcast %div3A_12 : vector<1000x1xf32> to vector<1000x128xf32>
    %mul3A_21 = arith.mulf %slice3A_20, %mul3A : vector<1000x128xf32>
    %add3A_22 = arith.addf %dot_general3A_19, %mul3A_21 : vector<1000x128xf32>
    %get3A_23 = arith.constant 0 : index
    %get3A_24 = arith.constant 0 : index
    %get3A_25 = vector.load %arg5[%get3A_23, %get3A_24] : memref<1x128xf32, #tpu.memory_space<vmem>>, vector<1x128xf32>
    %add3A_26 = vector.broadcast %get3A_25 : vector<1x128xf32> to vector<1000x128xf32>
    %add3A_27 = arith.addf %add3A_22, %add3A_26 : vector<1000x128xf32>
    %max3A_28 = arith.constant 0.000000e+00 : f32
    %max3A_29 = vector.broadcast %max3A_28 : f32 to vector<1000x128xf32>
    %max3A_30 = arith.maximumf %add3A_27, %max3A_29 : vector<1000x128xf32>
    %swap3A = arith.constant 0 : index
    %swap3A_31 = arith.constant 0 : index
    %swap3A_32 = vector.load %arg7[%swap3A, %swap3A_31] : memref<1000x128xf32, #tpu.memory_space<vmem>>, vector<1000x128xf32>
    tpu.vector_store %arg7[%swap3A, %swap3A_31], %max3A_30 {strides = array<i32>} : memref<1000x128xf32, #tpu.memory_space<vmem>>, vector<1000x128xf32>,
    %get3A_33 = arith.constant 0 : index
    %get3A_34 = arith.constant 0 : index
    %get3A_35 = vector.load %arg6[%get3A_33, %get3A_34] : memref<128x128xf32, #tpu.memory_space<vmem>>, vector<128x128xf32>
    %dot_general3A_36 = arith.constant dense<0.000000e+00> : vector<1000x128xf32>
    %dot_general3A_37 = tpu.matmul %max3A_30, %get3A_35, %dot_general3A_36 {dimension_numbers = #tpu.dot_dimension_numbers<[1], [0], [0], [1], [0, 0, 1, 1], [], []>, transpose_lhs_hint = false} : vector<1000x128xf32>, vector<128x128xf32>, vector<1000x128xf32> -> vector<1000x128xf32>
    %swap3A_38 = arith.constant 0 : index
    %swap3A_39 = arith.constant 0 : index
    %swap3A_40 = vector.load %arg8[%swap3A_38, %swap3A_39] : memref<1000x128xf32, #tpu.memory_space<vmem>>, vector<1000x128xf32>
    tpu.vector_store %arg8[%swap3A_38, %swap3A_39], %dot_general3A_37 {strides = array<i32>} : memref<1000x128xf32, #tpu.memory_space<vmem>>, vector<1000x128xf32>,
    %swap3A_41 = arith.constant 0 : index
    %swap3A_42 = arith.constant 0 : index
    %swap3A_43 = vector.load %arg9[%swap3A_41, %swap3A_42] : memref<1000x1xf32, #tpu.memory_space<vmem>>, vector<1000x1xf32>
    tpu.vector_store %arg9[%swap3A_41, %swap3A_42], %slice3A {strides = array<i32>} : memref<1000x1xf32, #tpu.memory_space<vmem>>, vector<1000x1xf32>,
    return
  }
  func.func @transform_0(%arg0: i32) -> (i32, i32) {
    %c0_i32 = arith.constant 0 : i32
    %c0_i32_0 = arith.constant 0 : i32
    return %arg0, %c0_i32 : i32, i32
  }
  func.func @transform_1(%arg0: i32) -> (i32, i32, i32) {
    %c0_i32 = arith.constant 0 : i32
    %c0_i32_0 = arith.constant 0 : i32
    %c0_i32_1 = arith.constant 0 : i32
    return %c0_i32, %arg0, %c0_i32_0 : i32, i32, i32
  }
  func.func @transform_2(%arg0: i32) -> (i32, i32, i32) {
    %c1_i32 = arith.constant 1 : i32
    %c0_i32 = arith.constant 0 : i32
    %c0_i32_0 = arith.constant 0 : i32
    return %c1_i32, %arg0, %c0_i32 : i32, i32, i32
  }
  func.func @transform_3(%arg0: i32) -> (i32, i32) {
    %c0_i32 = arith.constant 0 : i32
    %c0_i32_0 = arith.constant 0 : i32
    %c0_i32_1 = arith.constant 0 : i32
    return %c0_i32, %c0_i32_0 : i32, i32
  }
  func.func @transform_4(%arg0: i32) -> (i32, i32) {
    %c0_i32 = arith.constant 0 : i32
    %c0_i32_0 = arith.constant 0 : i32
    %c0_i32_1 = arith.constant 0 : i32
    return %c0_i32, %c0_i32_0 : i32, i32
  }
  func.func @transform_5(%arg0: i32) -> (i32, i32) {
    %c0_i32 = arith.constant 0 : i32
    %c0_i32_0 = arith.constant 0 : i32
    %c0_i32_1 = arith.constant 0 : i32
    return %c0_i32, %c0_i32_0 : i32, i32
  }
  func.func @transform_6(%arg0: i32) -> (i32, i32) {
    %c0_i32 = arith.constant 0 : i32
    %c0_i32_0 = arith.constant 0 : i32
    return %arg0, %c0_i32 : i32, i32
  }
  func.func @transform_7(%arg0: i32) -> (i32, i32) {
    %c0_i32 = arith.constant 0 : i32
    %c0_i32_0 = arith.constant 0 : i32
    return %arg0, %c0_i32 : i32, i32
  }
  func.func @transform_8(%arg0: i32) -> (i32, i32) {
    %c0_i32 = arith.constant 0 : i32
    %c0_i32_0 = arith.constant 0 : i32
    return %arg0, %c0_i32 : i32, i32
  }
}

module attributes {stable_mosaic.version = 14 : i64} {
  func.func @_tc_combine2_body(%arg0: i32, %arg1: memref<1000x128xf32, #tpu.memory_space<vmem>>, %arg2: memref<1x1000x128xf32, #tpu.memory_space<vmem>>, %arg3: memref<1x1000x128xf32, #tpu.memory_space<vmem>>, %arg4: memref<1000x1xf32, #tpu.memory_space<vmem>>, %arg5: memref<128x128xf32, #tpu.memory_space<vmem>>, %arg6: memref<1x128xf32, #tpu.memory_space<vmem>>, %arg7: memref<1000x128xf32, #tpu.memory_space<vmem>>) attributes {dimension_semantics = [#tpu.dimension_semantics<arbitrary>], iteration_bounds = array<i64: 10>, scalar_prefetch = 0 : i64, scratch_operands = 0 : i64, tpu.core_type = #tpu.core_type<tc>, window_params = [{transform_indices = @transform_0, window_bounds = array<i64: 1000, 128>}, {transform_indices = @transform_1, window_bounds = array<i64: 1, 1000, 128>}, {transform_indices = @transform_2, window_bounds = array<i64: 1, 1000, 128>}, {transform_indices = @transform_3, window_bounds = array<i64: 1000, 1>}, {pipeline_mode = #tpu.pipeline_mode<synchronous>, transform_indices = @transform_4, window_bounds = array<i64: 128, 128>}, {pipeline_mode = #tpu.pipeline_mode<synchronous>, transform_indices = @transform_5, window_bounds = array<i64: 1, 128>}, {transform_indices = @transform_6, window_bounds = array<i64: 1000, 128>}]} {
    %get3A = arith.constant 0 : index
    %get3A_0 = arith.constant 0 : index
    %get3A_1 = vector.load %arg4[%get3A, %get3A_0] : memref<1000x1xf32, #tpu.memory_space<vmem>>, vector<1000x1xf32>
    %max3A = arith.constant 1.000000e+00 : f32
    %max3A_2 = vector.broadcast %max3A : f32 to vector<1000x1xf32>
    %max3A_3 = arith.maximumf %get3A_1, %max3A_2 : vector<1000x1xf32>
    %div3A = arith.constant 1.000000e+00 : f32
    %div3A_4 = vector.broadcast %div3A : f32 to vector<1000x1xf32>
    %div3A_5 = arith.divf %div3A_4, %max3A_3 : vector<1000x1xf32>
    %get3A_6 = arith.constant 0 : index
    %get3A_7 = arith.constant 0 : index
    %get3A_8 = vector.load %arg1[%get3A_6, %get3A_7] : memref<1000x128xf32, #tpu.memory_space<vmem>>, vector<1000x128xf32>
    %get3A_9 = arith.constant 0 : index
    %get3A_10 = arith.constant 0 : index
    %get3A_11 = vector.load %arg5[%get3A_9, %get3A_10] : memref<128x128xf32, #tpu.memory_space<vmem>>, vector<128x128xf32>
    %dot_general3A = arith.constant dense<0.000000e+00> : vector<1000x128xf32>
    %dot_general3A_12 = tpu.matmul %get3A_8, %get3A_11, %dot_general3A {dimension_numbers = #tpu.dot_dimension_numbers<[1], [0], [0], [1], [0, 0, 1, 1], [], []>, transpose_lhs_hint = false} : vector<1000x128xf32>, vector<128x128xf32>, vector<1000x128xf32> -> vector<1000x128xf32>
    %get3A_13 = arith.constant 0 : index
    %get3A_14 = arith.constant 0 : index
    %get3A_15 = arith.constant 0 : index
    %get3A_16 = vector.load %arg2[%get3A_13, %get3A_14, %get3A_15] : memref<1x1000x128xf32, #tpu.memory_space<vmem>>, vector<1x1000x128xf32>
    %get3A_17 = vector.shape_cast %get3A_16 : vector<1x1000x128xf32> to vector<1000x128xf32>
    %get3A_18 = arith.constant 0 : index
    %get3A_19 = arith.constant 0 : index
    %get3A_20 = arith.constant 0 : index
    %get3A_21 = vector.load %arg3[%get3A_18, %get3A_19, %get3A_20] : memref<1x1000x128xf32, #tpu.memory_space<vmem>>, vector<1x1000x128xf32>
    %get3A_22 = vector.shape_cast %get3A_21 : vector<1x1000x128xf32> to vector<1000x128xf32>
    %add3A = arith.addf %get3A_17, %get3A_22 : vector<1000x128xf32>
    %mul3A = vector.broadcast %div3A_5 : vector<1000x1xf32> to vector<1000x128xf32>
    %mul3A_23 = arith.mulf %add3A, %mul3A : vector<1000x128xf32>
    %add3A_24 = arith.addf %dot_general3A_12, %mul3A_23 : vector<1000x128xf32>
    %get3A_25 = arith.constant 0 : index
    %get3A_26 = arith.constant 0 : index
    %get3A_27 = vector.load %arg6[%get3A_25, %get3A_26] : memref<1x128xf32, #tpu.memory_space<vmem>>, vector<1x128xf32>
    %add3A_28 = vector.broadcast %get3A_27 : vector<1x128xf32> to vector<1000x128xf32>
    %add3A_29 = arith.addf %add3A_24, %add3A_28 : vector<1000x128xf32>
    %max3A_30 = arith.constant 0.000000e+00 : f32
    %max3A_31 = vector.broadcast %max3A_30 : f32 to vector<1000x128xf32>
    %max3A_32 = arith.maximumf %add3A_29, %max3A_31 : vector<1000x128xf32>
    %swap3A = arith.constant 0 : index
    %swap3A_33 = arith.constant 0 : index
    %swap3A_34 = vector.load %arg7[%swap3A, %swap3A_33] : memref<1000x128xf32, #tpu.memory_space<vmem>>, vector<1000x128xf32>
    tpu.vector_store %arg7[%swap3A, %swap3A_33], %max3A_32 {strides = array<i32>} : memref<1000x128xf32, #tpu.memory_space<vmem>>, vector<1000x128xf32>,
    return
  }
  func.func @transform_0(%arg0: i32) -> (i32, i32) {
    %c0_i32 = arith.constant 0 : i32
    %c0_i32_0 = arith.constant 0 : i32
    return %arg0, %c0_i32 : i32, i32
  }
  func.func @transform_1(%arg0: i32) -> (i32, i32, i32) {
    %c0_i32 = arith.constant 0 : i32
    %c0_i32_0 = arith.constant 0 : i32
    %c0_i32_1 = arith.constant 0 : i32
    return %c0_i32, %arg0, %c0_i32_0 : i32, i32, i32
  }
  func.func @transform_2(%arg0: i32) -> (i32, i32, i32) {
    %c1_i32 = arith.constant 1 : i32
    %c0_i32 = arith.constant 0 : i32
    %c0_i32_0 = arith.constant 0 : i32
    return %c1_i32, %arg0, %c0_i32 : i32, i32, i32
  }
  func.func @transform_3(%arg0: i32) -> (i32, i32) {
    %c0_i32 = arith.constant 0 : i32
    %c0_i32_0 = arith.constant 0 : i32
    return %arg0, %c0_i32 : i32, i32
  }
  func.func @transform_4(%arg0: i32) -> (i32, i32) {
    %c0_i32 = arith.constant 0 : i32
    %c0_i32_0 = arith.constant 0 : i32
    %c0_i32_1 = arith.constant 0 : i32
    return %c0_i32, %c0_i32_0 : i32, i32
  }
  func.func @transform_5(%arg0: i32) -> (i32, i32) {
    %c0_i32 = arith.constant 0 : i32
    %c0_i32_0 = arith.constant 0 : i32
    %c0_i32_1 = arith.constant 0 : i32
    return %c0_i32, %c0_i32_0 : i32, i32
  }
  func.func @transform_6(%arg0: i32) -> (i32, i32) {
    %c0_i32 = arith.constant 0 : i32
    %c0_i32_0 = arith.constant 0 : i32
    return %arg0, %c0_i32 : i32, i32
  }
}

</mosaic_0001>

<sc_bundles>
// kernel: kernel.10.cloned.1.call-start
scs
__scs_entry_jumppad:
0x0: {  	(pc) =	sbr.rel $0x88, $3  }
0x1: {  	(tag) =	ssettag $0x0;
	lr =	simm.s32 $0x1  }
0x2: {  	[smem:$0x3F99] =	sst lr;
	_ =	strace $0xD0000000  }
0x3: {  	_ = 	snop  }
0x4: {  	_ = 	snop  }
0x5: {  	_ = 	snop  }
0x6: {  	_ = 	snop  }
0x7: {  	_ = 	snop  }
__scs_overlays_trampoline_lowered:
0x8: {  	[smem:$0x3FA8] =	sst s0  }
0x9: {  	[smem:$0x3FA9] =	sst s1  }
0xa: {  	[smem:$0x3FAA] =	sst s2  }
0xb: {  	[smem:$0x3FAB] =	sst s3  }
0xc: {  	[smem:$0x3FAC] =	sst s4  }
0xd: {  	[smem:$0x3FAD] =	sst s5  }
0xe: {  	[smem:$0x3FAE] =	sst s6  }
0xf: {  	[smem:$0x3FAF] =	sst s7  }
0x10: {  	[smem:$0x3FB0] =	sst s8  }
0x11: {  	[smem:$0x3FB1] =	sst s9;
	s0 =	simm.s32 @!p0 $0x0  }
0x12: {  	s1 =	sld [smem:$0x3F97];
	s0 =	simm.s32 @p0 $0x1  }
0x13: {  	[smem:$0x3FB2] =	sst s0;
	s0 =	simm.s32 @!p1 $0x0  }
0x14: {  	s2 =	sld [smem:$0x3F96];
	s0 =	simm.s32 @p1 $0x1  }
0x15: {  	[smem:$0x3FB3] =	sst s0;
	s0 =	simm.s32 @!p2 $0x0  }
0x16: {  	s3 =	sld [smem:$0x3FDB];
	s0 =	simm.s32 @p2 $0x1  }
0x17: {  	s4 =	simm.s32 $0x1BF5;
	[smem:$0x3FB5] =	sst s0  }
0x18: {  	s0 =	sld [smem:$0x3F98];
	_ =	swait.ge [sflag:s4], $0x0  }
0x19: {  	s7 =	sld [smem:$0x3F99]  }
0x1a: {  	s8 =	sadd.s32 $0xFFFFE003, lr  }
0x1b: {  	s9 =	sadd.s32 $0xFFFFFEF7, lr;
	s5 =	simm.s32 $0xFFFFFFFF;
	p2 =	slt.u32 s8, $0xFFFFF086  }
0x1c: {  	p1 =	slt.u32 s9, $0xF7A;
	s5 =	simm.s32 @!p2 $0x0  }
0x1d: {  	s5 =	simm.s32 @p1 $0x1;
	p0 =	seq.s32 s7, s2  }
0x1e: {  	s7 =	smul.u32 @!p0 $0xF7A, s2;
	p2 =	seq.s32 @!p0 s5, $0x0  }
0x1f: {  	s9 =	smul.u32 $0xF7A, s1;
	s8 =	simm.s32 @!p0 $0x1BF5;
	p2 =	por !p2, p0  }
0x20: {  	[sflag:s8] =	ssyncset.s32 @!p0 $0xFFFFF086;
	s6 =	sadd.s32 @!p0 s3, s7;
	s7 =	simm.s32 @!p0 $0x108  }
0x21: {  	s3 =	sadd.s32 s3, s9;
	s6 =	sadd.s32 @!p0 $0x88, s6;
	s7 =	simm.s32 @p2 $0x1082  }
0x22: {  	[simem:s7], [sflag:s8] =	dma.local @!p0 [hbm:s6], $0xF7A  }
0x23: {  	s9 =	sor.u32 $0xD0000000, s2;
	s6 =	simm.s32 $0x108;
	_ =	swait.ge @!p0 [sflag:s8], $0x0  }
0x24: {  	s3 =	sadd.s32 $0x88, s3;
	s6 =	simm.s32 @!p1 $0x1082;
	[sflag:s4] =	ssyncset.s32 $0xFFFFF086  }
0x25: {  	[simem:s6], [sflag:s4] =	dma.local [hbm:s3], $0xF7A  }
0x26: {  	[smem:$0x3F99] =	sst s1;
	(tag) =	ssettag s2;
	_ =	strace s9  }
0x27: {  	s1 =	sld [smem:$0x3FA9]  }
0x28: {  	s2 =	sld [smem:$0x3FAA]  }
0x29: {  	s4 =	sld [smem:$0x3FAC]  }
0x2a: {  	p0 =	seq.s32 s5, $0x0;
	s5 =	sld [smem:$0x3FAD]  }
0x2b: {  	s6 =	sld [smem:$0x3FAE]  }
0x2c: {  	s7 =	sld [smem:$0x3FAF]  }
0x2d: {  	s3 =	simm.s32 $0x108;
	s8 =	sld [smem:$0x3FB0]  }
0x2e: {  	s3 =	simm.s32 @!p0 $0x1082;
	s9 =	sld [smem:$0x3FB1]  }
0x2f: {  	lr =	sadd.s32 s0, s3;
	s0 =	sld [smem:$0x3FA8]  }
0x30: {  	s3 =	sld [smem:$0x3FAB]  }
0x31: {  	[smem:$0x3FB4] =	sst s10  }
0x32: {  	s10 =	sld [smem:$0x3FB2];
	_ =	sdelay $0x3  }
0x33: {  	p0 =	seq.s32 s10, $0x1;
	s10 =	sld [smem:$0x3FB4];
	_ =	sdelay $0x3  }
0x34: {  	[smem:$0x3FB4] =	sst s10  }
0x35: {  	s10 =	sld [smem:$0x3FB3];
	_ =	sdelay $0x3  }
0x36: {  	p1 =	seq.s32 s10, $0x1;
	s10 =	sld [smem:$0x3FB4];
	_ =	sdelay $0x3  }
0x37: {  	[smem:$0x3FB4] =	sst s10  }
0x38: {  	s10 =	sld [smem:$0x3FB5]  }
0x39: {  	_ = 	snop;
	(pc) =	sbr.ind lr, $3  }
0x3a: {  	_ = 	snop  }
0x3b: {  	_ = 	snop  }
0x3c: {  	p2 =	seq.s32 s10, $0x1;
	s10 =	sld [smem:$0x3FB4]  }
0x3d: {  	_ =	shalt  }
0x3e: {  	_ =	shalt  }
0x3f: {  	_ =	shalt  }
0x40: {  	_ =	shalt  }
0x41: {  	_ =	shalt  }
0x42: {  	_ =	shalt  }
0x43: {  	_ =	shalt  }
0x44: {  	_ =	shalt  }
0x45: {  	_ =	shalt  }
0x46: {  	_ =	shalt  }
0x47: {  	_ =	shalt  }
0x48: {  	_ =	shalt  }
0x49: {  	_ =	shalt  }
0x4a: {  	_ =	shalt  }
0x4b: {  	_ =	shalt  }
0x4c: {  	_ =	shalt  }
0x4d: {  	_ =	shalt  }
0x4e: {  	_ =	shalt  }
0x4f: {  	_ =	shalt  }
0x50: {  	_ =	shalt  }
0x51: {  	_ =	shalt  }
0x52: {  	_ =	shalt  }
0x53: {  	_ =	shalt  }
0x54: {  	_ =	shalt  }
0x55: {  	_ =	shalt  }
0x56: {  	_ =	shalt  }
0x57: {  	_ =	shalt  }
0x58: {  	_ =	shalt  }
0x59: {  	_ =	shalt  }
0x5a: {  	_ =	shalt  }
0x5b: {  	_ =	shalt  }
0x5c: {  	_ =	shalt  }
0x5d: {  	_ =	shalt  }
0x5e: {  	_ =	shalt  }
0x5f: {  	_ =	shalt  }
0x60: {  	_ =	shalt  }
0x61: {  	_ =	shalt  }
0x62: {  	_ =	shalt  }
0x63: {  	_ =	shalt  }
0x64: {  	_ =	shalt  }
0x65: {  	_ =	shalt  }
0x66: {  	_ =	shalt  }
0x67: {  	_ =	shalt  }
0x68: {  	_ =	shalt  }
0x69: {  	_ =	shalt  }
0x6a: {  	_ =	shalt  }
0x6b: {  	_ =	shalt  }
0x6c: {  	_ =	shalt  }
0x6d: {  	_ =	shalt  }
0x6e: {  	_ =	shalt  }
0x6f: {  	_ =	shalt  }
0x70: {  	_ =	shalt  }
0x71: {  	_ =	shalt  }
0x72: {  	_ =	shalt  }
0x73: {  	_ =	shalt  }
0x74: {  	_ =	shalt  }
0x75: {  	_ =	shalt  }
0x76: {  	_ =	shalt  }
0x77: {  	_ =	shalt  }
0x78: {  	_ =	shalt  }
0x79: {  	_ =	shalt  }
0x7a: {  	_ =	shalt  }
0x7b: {  	_ =	shalt  }
0x7c: {  	_ =	shalt  }
0x7d: {  	_ =	shalt  }
0x7e: {  	_ =	shalt  }
0x7f: {  	_ =	shalt  }
0x80: {  	_ =	shalt  }
0x81: {  	_ =	shalt  }
0x82: {  	_ =	shalt  }
0x83: {  	_ =	shalt  }
0x84: {  	_ =	shalt  }
0x85: {  	_ =	shalt  }
0x86: {  	_ =	shalt  }
0x87: {  	_ =	shalt  }
.Lfunc_end0:
.L_simem_size_0:
called_computation.1_lowered:
.L_overlay_start_0:
0x88: {  	s2 =	sld [smem:$0x3FD9]  }
0x89: {  	s3 =	sld [smem:$0x3FFE];
	_ =	sdelay $0x1  }
0x8a: {  	s1 =	srdreg.scid  }
0x8b: {  	s0 =	sand.u32 $0x1, s1  }
0x8c: {  	s17 =	sshll.u32 s0, $0xA;
	s2 =	sadd.s32 s3, s2  }
0x8d: {  	s2 =	sadd.s32 s2, s17  }
0x8e: {  	[smem:$0x3FC0] =	sst s2  }
0x8f: {  	_ = 	snop  }
0x90: {  	s2 =	sld [smem:$0x3FD0];
	(tm) =	ssettm $0x1  }
0x91: {  	s18 =	sld [smem:$0x3FFB];
	_ =	sdelay $0x3  }
0x92: {  	_ =	strace s18  }
0x93: {  	s3 =	sld [smem:$0x3FFC];
	_ =	sdelay $0x3  }
0x94: {  	_ =	strace s3  }
0x95: {  	s3 =	sld [smem:$0x3FFD];
	_ =	sdelay $0x3  }
0x96: {  	_ =	strace s3  }
0x97: {  	_ =	strace $0x8FFFFFFF  }
0x98: {  	s19 =	sld [smem:$0x3FDB];
	_ =	sdelay $0x1  }
0x99: {  	s4 =	simm.s32 $_scs_section_size  }
0x9a: {  	s5 =	simm.s32 $_size__tile_overlayer_lowered;
	s6 =	simm.s32 $_tile_overlayer_lowered  }
0x9b: {  	s22 =	simm.s32 $0x1BFF;
	s21 =	sshll.u32 s6, $0x1;
	s3 =	sadd.s32 s4, s19  }
0x9c: {  	s7 =	simm.s32 $0x0;
	s20 =	sshll.u32 s5, $0x1;
	s5 =	sadd.s32 s21, s3  }
0x9d: {  	[timem:s7], [sflag:s22] =	dma.local [hbm:s5], s20  }
0x9e: {  	_ =	swait.ge [sflag:s22], s20  }
0x9f: {  	s4 =	ssub.s32 $0x0, s20;
	[sflag:s22] =	ssyncset.done $0x0  }
0xa0: {  	[sflag:s22] =	ssyncadd.s32 s4;
	_ =	sdelay $0x1  }
0xa1: {  	s23 =	simm.s32 $0x1B8B  }
0xa2: {  	_ =	swait.ge [sflag:s23], $0x1  }
0xa3: {  	[sflag:s23] =	ssyncset.done $0x0  }
0xa4: {  	s25 =	simm.s32 $0x1B8E;
	s24 =	sld [smem:$0x3FFE];
	[sflag:s23] =	ssyncadd.s32 $0xFFFFFFFF  }
0xa5: {  	s26 =	simm.s32 $execute0_lowered;
	[smem:$0x3FD2] =	sst s25  }
0xa6: {  	s5 =	sshll.u32 s26, $0x1;
	_ =	strace $0x80000049;
	[dreg:$0x1] =	wrdreg $0xFFFFFFFF  }
0xa7: {  	s28 =	simm.s32 $_size_execute0_lowered;
	s3 =	sadd.s32 s3, s5;
	[dreg:$0x0] =	wrdreg $0x0  }
0xa8: {  	s5 =	sshll.u32 s28, $0x1;
	[dreg:$0x2] =	wrdreg s3  }
0xa9: {  	[dreg:$0x3] =	wrdreg s5  }
0xaa: {  	[dreg:$0x4] =	wrdreg $0xC0  }
0xab: {  	_ =	task [dreg:s7], $0x5FFFF  }
0xac: {  	[dreg:$0x1] =	wrdreg $0xFFFFFFFF  }
0xad: {  	[dreg:$0x0] =	wrdreg $0x60  }
0xae: {  	[dreg:$0x2] =	wrdreg s2  }
0xaf: {  	[dreg:$0x3] =	wrdreg s24  }
0xb0: {  	[dreg:$0x4] =	wrdreg $0x0  }
0xb1: {  	[dreg:$0x5] =	wrdreg $0x9  }
0xb2: {  	_ =	task.clear_ibuf [dreg:s7], $0x6FFFF;
	_ =	strace $0x90000049  }
0xb3: {  	s29 =	simm.s32 $0x9;
	_ =	strace $0x8000004B  }
0xb4: {  	_ =	swait.ge [sflag:s29], $0x1  }
0xb5: {  	[sflag:s29] =	ssyncadd.s32 $0xFFFFFFFF  }
0xb6: {  	_ =	strace $0x9000004B  }
0xb7: {  	_ =	sfence  }
0xb8: {  	s30 =	sld [smem:$0x0];
	_ =	sdelay $0x2  }
0xb9: {  	s31 =	sshll.u32 s1, $0xD;
	s1 =	sshrl.u32 s1, $0x2  }
0xba: {  	s3 =	sand.u32 $0x4000, s31;
	s1 =	sadd.s32 s1, s30  }
0xbb: {  	s0 =	sor.u32 s3, s0;
	s1 =	sshll.u32 s1, $0x11  }
0xbc: {  	s0 =	sor.u32 s1, s0  }
0xbd: {  	s0 =	sadd.s32 $0x8F2B, s0  }
0xbe: {  	[sflag:s0] =	ssyncadd.remote.s32 $0x1  }
0xbf: {  	_ =	sfence.sel $0xFFFF  }
0xc0: {  	[dreg:$0x0] =	wrdreg $0xFFFFFFFF;
	(pc) =	sbr.abs _section_cstart, $3  }
0xc1: {  	[dreg:$0x1] =	wrdreg $0xFFFFFFFF  }
0xc2: {  	_ =	task.clear_ibuf [dreg:s7], $0x2FFFF;
	_ =	strace $0x9FFFFFFF  }
0xc3: {  	(tm) =	ssettm $0x7FFFFFFF  }
tec
execute0_lowered:
.L_overlay_start_1:
0x0: {  	(tag) =	ssettag $0x1  }
0x1: {  	s1 =	rddreg [dreg:$0x0]  }
0x2: {  	s0 =	rddreg [dreg:$0x1]  }
0x3: {  	s2 =	srdreg.scid;
	s5 =	stileid.u32  }
0x4: {  	s3 =	rddreg [dreg:$0x2];
	s4 =	simm.s32 $0x0;
	s24 =	simm.s32 $0x14028  }
0x5: {  	s28 =	simm.s32 $0x14050;
	[smem:$0x7FF] =	sst s4;
	s10 =	sadd.s32 $0x15600, s0  }
0x6: {  	s14 =	simm.s32 $0x140A0;
	_ =	strace $0x8000004A;
	[dreg:$0x16] =	wrdreg s10  }
0x7: {  	s7 =	sand.u32 $0x1, s2;
	s8 =	smul.u32 $0x14000, s5;
	[dreg:$0x6] =	wrdreg s24  }
0x8: {  	s6 =	sadd.s32 $0x1A00, s0;
	s16 =	smul.u32 $0x50000, s5;
	[dreg:$0x7] =	wrdreg s28  }
0x9: {  	s17 =	smul.u32 $0x4E2, s5;
	[dreg:$0x9] =	wrdreg s14;
	s24 =	simm.s32 $0x140F0  }
0xa: {  	s2 =	smul.u32 $0x140000, s7;
	s28 =	simm.s32 $0x14118;
	[dreg:$0xe] =	wrdreg s24  }
0xb: {  	s13 =	smul.u32 $0x4E20, s7;
	s14 =	simm.s32 $0x14168;
	[dreg:$0xf] =	wrdreg s28  }
0xc: {  	s18 =	sshrl.u32 s16, $0x2;
	s16 =	simm.s32 $0x141B8;
	[dreg:$0x11] =	wrdreg s14  }
0xd: {  	s25 =	sadd.s32 s8, s3;
	s9 =	sadd.s32 s8, s2;
	[dreg:$0xa] =	wrdreg s16  }
0xe: {  	s8 =	sadd.s32 s18, s3;
	s18 =	simm.s32 $0x141E0;
	[dreg:$0x17] =	wrdreg s25  }
0xf: {  	s15 =	ssub.s32 $0x2, s7;
	s16 =	simm.s32 $0x14280;
	[dreg:$0xb] =	wrdreg s18  }
0x10: {  	s19 =	sadd.s32 s13, s6;
	s21 =	sadd.s32 $0x1400, s8;
	[dreg:$0x12] =	wrdreg s16  }
0x11: {  	s12 =	sshll.u32 s7, $0x4;
	s10 =	sadd.s32 s17, s19;
	[dreg:$0x18] =	wrdreg s21  }
0x12: {  	s11 =	sshrl.u32 s15, $0x1;
	s23 =	sadd.s32 $0x2800, s8;
	[dreg:$0x4] =	wrdreg s10  }
0x13: {  	s2 =	sadd.s32 $0xB800, s0;
	s26 =	sadd.s32 $0x3C00, s8;
	[dreg:$0x19] =	wrdreg s23  }
0x14: {  	s7 =	ssub.s32 s15, s11;
	s11 =	sadd.s32 $0x5000, s8;
	[dreg:$0x1a] =	wrdreg s26  }
0x15: {  	s20 =	sadd.s32 s13, s2;
	s13 =	sadd.s32 $0x6400, s8;
	[dreg:$0x1b] =	wrdreg s11  }
0x16: {  	s15 =	sadd.s32 $0x7800, s8;
	[dreg:$0x1c] =	wrdreg s13  }
0x17: {  	s29 =	simm.s32 $0x14320;
	s19 =	sadd.s32 $0xA000, s8;
	[dreg:$0x1d] =	wrdreg s15  }
0x18: {  	s30 =	simm.s32 $0xD;
	s18 =	simm.s32 $0x142D0;
	[dreg:$0x1f] =	wrdreg s19  }
0x19: {  	s31 =	simm.s32 $0x15720;
	s24 =	sadd.s32 $0x11800, s8;
	[dreg:$0x14] =	wrdreg s18  }
0x1a: {  	s9 =	sshrl.u32 s9, $0x3;
	s28 =	smax.u32 s7, $0x1;
	[smem:$0x7FA] =	sst s24  }
0x1b: {  	s0 =	sadd.s32 s9, s0;
	s22 =	sadd.s32 s17, s20;
	[smem:$0x7FD] =	sst s28  }
0x1c: {  	s9 =	sor.u32 s5, s12;
	s12 =	simm.s32 $0x14078;
	[dreg:$0x5] =	wrdreg s22  }
0x1d: {  	s14 =	simm.s32 $0x28;
	s17 =	sadd.s32 $0x8C00, s8;
	[dreg:$0x8] =	wrdreg s12  }
0x1e: {  	s7 =	simm.s32 $0x19320;
	s21 =	sadd.s32 $0xB400, s8;
	[dreg:$0x1e] =	wrdreg s17  }
0x1f: {  	s16 =	simm.s32 $0x8;
	s20 =	simm.s32 $0x14208;
	[smem:$0x7F1] =	sst s21  }
0x20: {  	s26 =	sadd.s32 $0xC800, s8;
	s13 =	simm.s32 $0x14140;
	[dreg:$0xc] =	wrdreg s20  }
0x21: {  	s10 =	simm.s32 $0x140C8;
	s11 =	simm.s32 $0x14258;
	[smem:$0x7F2] =	sst s26  }
0x22: {  	s18 =	simm.s32 $0xA;
	s22 =	simm.s32 $0x14230;
	[dreg:$0x10] =	wrdreg s13  }
0x23: {  	s24 =	simm.s32 $0xC;
	s17 =	simm.s32 $0x142A8;
	[dreg:$0xd] =	wrdreg s22  }
0x24: {  	s23 =	smul.u32 $0x4E2, s9;
	s21 =	sadd.s32 $0xDC00, s8;
	[dreg:$0x13] =	wrdreg s17  }
0x25: {  	s9 =	smul.u32 $0x2710, s9;
	s20 =	simm.s32 $0x142F8;
	[smem:$0x7F7] =	sst s21  }
0x26: {  	s26 =	sadd.s32 $0x12C00, s8;
	s0 =	sadd.s32 $0x15A00, s0;
	[dreg:$0x15] =	wrdreg s20  }
0x27: {  	s13 =	simm.s32 $0x6;
	s22 =	sadd.s32 $0xF000, s8;
	[smem:$0x7FB] =	sst s26  }
0x28: {  	[smem:$0x7FC] =	sst s0;
	s0 =	simm.s32 $0x17F20;
	s17 =	simm.s32 $0x9  }
0x29: {  	s20 =	simm.s32 $0x2;
	s21 =	simm.s32 $0x3;
	s12 =	sadd.s32 s6, s23  }
0x2a: {  	s15 =	sadd.s32 s2, s23;
	s9 =	sadd.s32 $0xC8, s9;
	[smem:$0x7F8] =	sst s22  }
0x2b: {  	s23 =	sadd.s32 $0x10400, s8;
	s8 =	simm.s32 $0x14000;
	[smem:$0x7F3] =	sst s12  }
0x2c: {  	s22 =	simm.s32 $0x4;
	[smem:$0x7F4] =	sst s15;
	s9 =	sshrl.u32 s9, $0x3  }
0x2d: {  	[smem:$0x7F9] =	sst s23;
	s12 =	simm.s32 $0xB;
	s15 =	simm.s32 $0x7  }
0x2e: {  	s23 =	simm.s32 $0x5;
	s19 =	sadd.s32 s6, s9;
	s2 =	sadd.s32 s2, s9  }
0x2f: {  	s9 =	simm.s32 $0x14190;
	s6 =	simm.s32 $0x0;
	[smem:$0x7F5] =	sst s19  }
0x30: {  	[smem:$0x7F6] =	sst s2;
	s2 =	simm.s32 $0x16B20;
	s19 =	simm.s32 $0x1  }
.LBB2_1:
0x31: {  	[smem:$0x7F0] =	sst s6  }
0x32: {  	s5 =	rddreg [dreg:$0x16]  }
0x33: {  	[tilespmem:s29], [sflag:$0xD] =	stream.linear.gather [hbm4b:s5+s4], $0x1400, $0x38;
	[tilespmem:$0x1A720] =	vst v63  }
0x34: {  	_ =	swait.ge [sflag:s30], $0x1400  }
0x35: {  	[sflag:s30] =	ssyncset.done $0x0  }
0x36: {  	[sflag:s30] =	ssyncadd.s32 $0xFFFFEC00  }
0x37: {  	[spmem:s25] =	stream.linear.scatter [tilespmem:s29], [sflag:$0xD], $0x1400, $0x38;
	[tilespmem:$0x1A720] =	vst v63  }
0x38: {  	_ =	swait.ge [sflag:s30], $0x1400  }
0x39: {  	[sflag:s30] =	ssyncset.done $0x0  }
0x3a: {  	s25 =	rddreg [dreg:$0x18];
	[sflag:s30] =	ssyncadd.s32 $0xFFFFEC00  }
0x3b: {  	[spmem:s25] =	stream.linear.scatter [tilespmem:s29], [sflag:$0xD], $0x1400, $0x38;
	[tilespmem:$0x1A720] =	vst v63  }
0x3c: {  	_ =	swait.ge [sflag:s30], $0x1400  }
0x3d: {  	[sflag:s30] =	ssyncset.done $0x0  }
0x3e: {  	s26 =	rddreg [dreg:$0x19];
	[sflag:s30] =	ssyncadd.s32 $0xFFFFEC00  }
0x3f: {  	[spmem:s26] =	stream.linear.scatter [tilespmem:s29], [sflag:$0xD], $0x1400, $0x38;
	[tilespmem:$0x1A720] =	vst v63  }
0x40: {  	_ =	swait.ge [sflag:s30], $0x1400  }
0x41: {  	[sflag:s30] =	ssyncset.done $0x0  }
0x42: {  	s28 =	rddreg [dreg:$0x1a];
	[sflag:s30] =	ssyncadd.s32 $0xFFFFEC00  }
0x43: {  	[spmem:s28] =	stream.linear.scatter [tilespmem:s29], [sflag:$0xD], $0x1400, $0x38;
	[tilespmem:$0x1A720] =	vst v63  }
0x44: {  	_ =	swait.ge [sflag:s30], $0x1400  }
0x45: {  	[sflag:s30] =	ssyncset.done $0x0  }
0x46: {  	s25 =	rddreg [dreg:$0x1b];
	[sflag:s30] =	ssyncadd.s32 $0xFFFFEC00  }
0x47: {  	[spmem:s25] =	stream.linear.scatter [tilespmem:s29], [sflag:$0xD], $0x1400, $0x38;
	[tilespmem:$0x1A720] =	vst v63  }
0x48: {  	_ =	swait.ge [sflag:s30], $0x1400  }
0x49: {  	[sflag:s30] =	ssyncset.done $0x0  }
0x4a: {  	s26 =	rddreg [dreg:$0x1c];
	[sflag:s30] =	ssyncadd.s32 $0xFFFFEC00  }
0x4b: {  	[spmem:s26] =	stream.linear.scatter [tilespmem:s29], [sflag:$0xD], $0x1400, $0x38;
	[tilespmem:$0x1A720] =	vst v63  }
0x4c: {  	_ =	swait.ge [sflag:s30], $0x1400  }
0x4d: {  	[sflag:s30] =	ssyncset.done $0x0  }
0x4e: {  	s28 =	rddreg [dreg:$0x1d];
	[sflag:s30] =	ssyncadd.s32 $0xFFFFEC00  }
0x4f: {  	[spmem:s28] =	stream.linear.scatter [tilespmem:s29], [sflag:$0xD], $0x1400, $0x38;
	[tilespmem:$0x1A720] =	vst v63  }
0x50: {  	_ =	swait.ge [sflag:s30], $0x1400  }
0x51: {  	[sflag:s30] =	ssyncset.done $0x0  }
0x52: {  	s25 =	rddreg [dreg:$0x1e];
	[sflag:s30] =	ssyncadd.s32 $0xFFFFEC00  }
0x53: {  	[spmem:s25] =	stream.linear.scatter [tilespmem:s29], [sflag:$0xD], $0x1400, $0x38;
	[tilespmem:$0x1A720] =	vst v63  }
0x54: {  	_ =	swait.ge [sflag:s30], $0x1400  }
0x55: {  	[sflag:s30] =	ssyncset.done $0x0  }
0x56: {  	s26 =	rddreg [dreg:$0x1f];
	[sflag:s30] =	ssyncadd.s32 $0xFFFFEC00  }
0x57: {  	[spmem:s26] =	stream.linear.scatter [tilespmem:s29], [sflag:$0xD], $0x1400, $0x38;
	[tilespmem:$0x1A720] =	vst v63  }
0x58: {  	_ =	swait.ge [sflag:s30], $0x1400  }
0x59: {  	s28 =	sld [smem:$0x7F1]  }
0x5a: {  	[sflag:s30] =	ssyncset.done $0x0  }
0x5b: {  	[sflag:s30] =	ssyncadd.s32 $0xFFFFEC00  }
0x5c: {  	[spmem:s28] =	stream.linear.scatter [tilespmem:s29], [sflag:$0xD], $0x1400, $0x38;
	[tilespmem:$0x1A720] =	vst v63  }
0x5d: {  	_ =	swait.ge [sflag:s30], $0x1400  }
0x5e: {  	s25 =	sld [smem:$0x7F2]  }
0x5f: {  	[sflag:s30] =	ssyncset.done $0x0  }
0x60: {  	[sflag:s30] =	ssyncadd.s32 $0xFFFFEC00  }
0x61: {  	[spmem:s25] =	stream.linear.scatter [tilespmem:s29], [sflag:$0xD], $0x1400, $0x38;
	[tilespmem:$0x1A720] =	vst v63  }
0x62: {  	_ =	swait.ge [sflag:s30], $0x1400  }
0x63: {  	s26 =	sld [smem:$0x7F7]  }
0x64: {  	[sflag:s30] =	ssyncset.done $0x0  }
0x65: {  	[sflag:s30] =	ssyncadd.s32 $0xFFFFEC00  }
0x66: {  	[spmem:s26] =	stream.linear.scatter [tilespmem:s29], [sflag:$0xD], $0x1400, $0x38;
	[tilespmem:$0x1A720] =	vst v63  }
0x67: {  	_ =	swait.ge [sflag:s30], $0x1400  }
0x68: {  	s28 =	sld [smem:$0x7F8]  }
0x69: {  	[sflag:s30] =	ssyncset.done $0x0  }
0x6a: {  	[sflag:s30] =	ssyncadd.s32 $0xFFFFEC00  }
0x6b: {  	[spmem:s28] =	stream.linear.scatter [tilespmem:s29], [sflag:$0xD], $0x1400, $0x38;
	[tilespmem:$0x1A720] =	vst v63  }
0x6c: {  	_ =	swait.ge [sflag:s30], $0x1400  }
0x6d: {  	s25 =	sld [smem:$0x7F9]  }
0x6e: {  	[sflag:s30] =	ssyncset.done $0x0  }
0x6f: {  	[sflag:s30] =	ssyncadd.s32 $0xFFFFEC00  }
0x70: {  	[spmem:s25] =	stream.linear.scatter [tilespmem:s29], [sflag:$0xD], $0x1400, $0x38;
	[tilespmem:$0x1A720] =	vst v63  }
0x71: {  	_ =	swait.ge [sflag:s30], $0x1400  }
0x72: {  	s26 =	sld [smem:$0x7FA]  }
0x73: {  	[sflag:s30] =	ssyncset.done $0x0  }
0x74: {  	[sflag:s30] =	ssyncadd.s32 $0xFFFFEC00  }
0x75: {  	[spmem:s26] =	stream.linear.scatter [tilespmem:s29], [sflag:$0xD], $0x1400, $0x38;
	[tilespmem:$0x1A720] =	vst v63  }
0x76: {  	_ =	swait.ge [sflag:s30], $0x1400  }
0x77: {  	s28 =	sld [smem:$0x7FB]  }
0x78: {  	[sflag:s30] =	ssyncset.done $0x0  }
0x79: {  	[sflag:s30] =	ssyncadd.s32 $0xFFFFEC00  }
0x7a: {  	[spmem:s28] =	stream.linear.scatter [tilespmem:s29], [sflag:$0xD], $0x1400, $0x38;
	[tilespmem:$0x1A720] =	vst v63  }
0x7b: {  	_ =	swait.ge [sflag:s30], $0x1400  }
0x7c: {  	[sflag:s30] =	ssyncset.done $0x0  }
0x7d: {  	[sflag:s30] =	ssyncadd.s32 $0xFFFFEC00  }
0x7e: {  	[tilespmem:s29], [sflag:$0x6] =	stream.linear.gather [hbm4b:s5+s4], $0x1400, $0x38;
	[tilespmem:$0x1A720] =	vst v63  }
0x7f: {  	_ = 	snop  }
0x80: {  	[tilespmem:s31], [sflag:$0x7] =	stream.linear.gather [hbm4b:s5+s4], $0x1400, $0x38;
	[tilespmem:$0x1A720] =	vst v63  }
0x81: {  	_ = 	snop  }
0x82: {  	[tilespmem:s2], [sflag:$0x8] =	stream.linear.gather [hbm4b:s5+s4], $0x1400, $0x38;
	[tilespmem:$0x1A720] =	vst v63  }
0x83: {  	_ = 	snop  }
0x84: {  	[tilespmem:s0], [sflag:$0x9] =	stream.linear.gather [hbm4b:s5+s4], $0x1400, $0x38;
	[tilespmem:$0x1A720] =	vst v63  }
0x85: {  	_ = 	snop  }
0x86: {  	[tilespmem:s7], [sflag:$0xA] =	stream.linear.gather [hbm4b:s5+s4], $0x1400, $0x38;
	[tilespmem:$0x1A720] =	vst v63  }
0x87: {  	[bflag:$0x0] =	sbarrier.arrive $0xFFFF  }
0x88: {  	s25 =	sld [smem:$0x7F3];
	_ =	sdelay $0x1  }
0x89: {  	s26 =	sld [smem:$0x7F4]  }
0x8a: {  	[tilespmem:s8], [sflag:$0xB] =	stream.linear.gather [hbm4b:s25+s4], $0xC8, $0x38;
	[tilespmem:$0x1A720] =	vst v63  }
0x8b: {  	s28 =	sld [smem:$0x7F5]  }
0x8c: {  	[tilespmem:s9], [sflag:$0xB] =	stream.linear.gather [hbm4b:s26+s4], $0xC8, $0x38;
	[tilespmem:$0x1A720] =	vst v63  }
0x8d: {  	s6 =	sld [smem:$0x7F6]  }
0x8e: {  	[tilespmem:s10], [sflag:$0xC] =	stream.linear.gather [hbm4b:s28+s4], $0xC8, $0x38;
	[tilespmem:$0x1A720] =	vst v63  }
0x8f: {  	_ = 	snop  }
0x90: {  	[tilespmem:s11], [sflag:$0xC] =	stream.linear.gather [hbm4b:s6+s4], $0xC8, $0x38;
	[tilespmem:$0x1A720] =	vst v63  }
0x91: {  	_ =	swait.ge [sflag:s12], $0xC8  }
0x92: {  	[sflag:s12] =	ssyncset.done $0x0  }
0x93: {  	[sflag:s12] =	ssyncadd.s32 $0xFFFFFF38  }
0x94: {  	_ =	swait.ge [sflag:s12], $0xC8  }
0x95: {  	[sflag:s12] =	ssyncset.done $0x0  }
0x96: {  	[sflag:s12] =	ssyncadd.s32 $0xFFFFFF38  }
0x97: {  	_ =	swait.ge [sflag:s13], $0x1400  }
0x98: {  	[sflag:s13] =	ssyncset.done $0x0  }
0x99: {  	[sflag:s13] =	ssyncadd.s32 $0xFFFFEC00  }
0x9a: {  	[tilespmem:s29], [sflag:$0x1] =	stream.indirect.gather [hbm4b:s1+s14], $0x80, s8, s14, $0xb8;
	[tilespmem:$0x1A720] =	vst v63  }
0x9b: {  	_ =	swait.ge [sflag:s15], $0x1400  }
0x9c: {  	[sflag:s15] =	ssyncset.done $0x0  }
0x9d: {  	s25 =	rddreg [dreg:$0x6];
	[sflag:s15] =	ssyncadd.s32 $0xFFFFEC00  }
0x9e: {  	[tilespmem:s31], [sflag:$0x2] =	stream.indirect.gather [hbm4b:s1+s14], $0x80, s25, s14, $0xb8;
	[tilespmem:$0x1A720] =	vst v63  }
0x9f: {  	_ =	swait.ge [sflag:s16], $0x1400  }
0xa0: {  	[sflag:s16] =	ssyncset.done $0x0  }
0xa1: {  	s26 =	rddreg [dreg:$0x7];
	[sflag:s16] =	ssyncadd.s32 $0xFFFFEC00  }
0xa2: {  	[tilespmem:s2], [sflag:$0x3] =	stream.indirect.gather [hbm4b:s1+s14], $0x80, s26, s14, $0xb8;
	[tilespmem:$0x1A720] =	vst v63  }
0xa3: {  	_ =	swait.ge [sflag:s17], $0x1400  }
0xa4: {  	[sflag:s17] =	ssyncset.done $0x0  }
0xa5: {  	s28 =	rddreg [dreg:$0x8];
	[sflag:s17] =	ssyncadd.s32 $0xFFFFEC00  }
0xa6: {  	[tilespmem:s0], [sflag:$0x4] =	stream.indirect.gather [hbm4b:s1+s14], $0x80, s28, s14, $0xb8;
	[tilespmem:$0x1A720] =	vst v63  }
0xa7: {  	_ =	swait.ge [sflag:s18], $0x1400  }
0xa8: {  	[sflag:s18] =	ssyncset.done $0x0  }
0xa9: {  	s5 =	rddreg [dreg:$0x9];
	[sflag:s18] =	ssyncadd.s32 $0xFFFFEC00  }
0xaa: {  	[tilespmem:s7], [sflag:$0x5] =	stream.indirect.gather [hbm4b:s1+s14], $0x80, s5, s14, $0xb8;
	[tilespmem:$0x1A720] =	vst v63  }
0xab: {  	_ =	swait.ge [sflag:s19], $0x1400  }
0xac: {  	[sflag:s19] =	ssyncset.done $0x0  }
0xad: {  	[sflag:s19] =	ssyncadd.s32 $0xFFFFEC00  }
0xae: {  	[spmem:s3] =	stream.indirect.scatter.add.f32 [tilespmem:s29], [sflag:$0x6], $0x80, s9, s14, $0xb8;
	[tilespmem:$0x1A720] =	vst v63  }
0xaf: {  	_ =	swait.ge [sflag:s20], $0x1400  }
0xb0: {  	[sflag:s20] =	ssyncset.done $0x0  }
0xb1: {  	s25 =	rddreg [dreg:$0xa];
	[sflag:s20] =	ssyncadd.s32 $0xFFFFEC00  }
0xb2: {  	[spmem:s3] =	stream.indirect.scatter.add.f32 [tilespmem:s31], [sflag:$0x7], $0x80, s25, s14, $0xb8;
	[tilespmem:$0x1A720] =	vst v63  }
0xb3: {  	_ =	swait.ge [sflag:s21], $0x1400  }
0xb4: {  	[sflag:s21] =	ssyncset.done $0x0  }
0xb5: {  	s26 =	rddreg [dreg:$0xb];
	[sflag:s21] =	ssyncadd.s32 $0xFFFFEC00  }
0xb6: {  	[spmem:s3] =	stream.indirect.scatter.add.f32 [tilespmem:s2], [sflag:$0x8], $0x80, s26, s14, $0xb8;
	[tilespmem:$0x1A720] =	vst v63  }
0xb7: {  	_ =	swait.ge [sflag:s22], $0x1400  }
0xb8: {  	[sflag:s22] =	ssyncset.done $0x0  }
0xb9: {  	s28 =	rddreg [dreg:$0xc];
	[sflag:s22] =	ssyncadd.s32 $0xFFFFEC00  }
0xba: {  	[spmem:s3] =	stream.indirect.scatter.add.f32 [tilespmem:s0], [sflag:$0x9], $0x80, s28, s14, $0xb8;
	[tilespmem:$0x1A720] =	vst v63  }
0xbb: {  	_ =	swait.ge [sflag:s23], $0x1400  }
0xbc: {  	s5 =	rddreg [dreg:$0xd]  }
0xbd: {  	[sflag:s23] =	ssyncset.done $0x0;
	s26 =	rddreg [dreg:$0x4]  }
0xbe: {  	s28 =	rddreg [dreg:$0x5];
	[sflag:s23] =	ssyncadd.s32 $0xFFFFEC00;
	s6 =	sadd.s32 $0x0, s26  }
0xbf: {  	[spmem:s3] =	stream.indirect.scatter.add.f32 [tilespmem:s7], [sflag:$0xA], $0x80, s5, s14, $0xb8;
	[tilespmem:$0x1A720] =	vst v63  }
0xc0: {  	s28 =	sadd.s32 $0x0, s28;
	s26 =	sadd.s32 $0x32, s6  }
0xc1: {  	[tilespmem:s8], [sflag:$0xB] =	stream.linear.gather [hbm4b:s26+s4], $0xC8, $0x38;
	[tilespmem:$0x1A720] =	vst v63  }
0xc2: {  	s25 =	sadd.s32 $0x32, s28  }
0xc3: {  	[tilespmem:s9], [sflag:$0xB] =	stream.linear.gather [hbm4b:s25+s4], $0xC8, $0x38;
	[tilespmem:$0x1A720] =	vst v63  }
0xc4: {  	_ =	swait.ge [sflag:s24], $0xC8  }
0xc5: {  	[sflag:s24] =	ssyncset.done $0x0  }
0xc6: {  	[sflag:s24] =	ssyncadd.s32 $0xFFFFFF38  }
0xc7: {  	_ =	swait.ge [sflag:s24], $0xC8  }
0xc8: {  	[sflag:s24] =	ssyncset.done $0x0  }
0xc9: {  	[sflag:s24] =	ssyncadd.s32 $0xFFFFFF38  }
0xca: {  	_ =	swait.ge [sflag:s13], $0x1400  }
0xcb: {  	[sflag:s13] =	ssyncset.done $0x0  }
0xcc: {  	[sflag:s13] =	ssyncadd.s32 $0xFFFFEC00  }
0xcd: {  	[tilespmem:s29], [sflag:$0x1] =	stream.indirect.gather [hbm4b:s1+s14], $0x80, s10, s14, $0xb8;
	[tilespmem:$0x1A720] =	vst v63  }
0xce: {  	_ =	swait.ge [sflag:s15], $0x1400  }
0xcf: {  	[sflag:s15] =	ssyncset.done $0x0  }
0xd0: {  	s5 =	rddreg [dreg:$0xe];
	[sflag:s15] =	ssyncadd.s32 $0xFFFFEC00  }
0xd1: {  	[tilespmem:s31], [sflag:$0x2] =	stream.indirect.gather [hbm4b:s1+s14], $0x80, s5, s14, $0xb8;
	[tilespmem:$0x1A720] =	vst v63  }
0xd2: {  	_ =	swait.ge [sflag:s16], $0x1400  }
0xd3: {  	[sflag:s16] =	ssyncset.done $0x0  }
0xd4: {  	s25 =	rddreg [dreg:$0xf];
	[sflag:s16] =	ssyncadd.s32 $0xFFFFEC00  }
0xd5: {  	[tilespmem:s2], [sflag:$0x3] =	stream.indirect.gather [hbm4b:s1+s14], $0x80, s25, s14, $0xb8;
	[tilespmem:$0x1A720] =	vst v63  }
0xd6: {  	_ =	swait.ge [sflag:s17], $0x1400  }
0xd7: {  	[sflag:s17] =	ssyncset.done $0x0  }
0xd8: {  	s5 =	rddreg [dreg:$0x10];
	[sflag:s17] =	ssyncadd.s32 $0xFFFFEC00  }
0xd9: {  	[tilespmem:s0], [sflag:$0x4] =	stream.indirect.gather [hbm4b:s1+s14], $0x80, s5, s14, $0xb8;
	[tilespmem:$0x1A720] =	vst v63  }
0xda: {  	_ =	swait.ge [sflag:s18], $0x1400  }
0xdb: {  	[sflag:s18] =	ssyncset.done $0x0  }
0xdc: {  	s25 =	rddreg [dreg:$0x11];
	[sflag:s18] =	ssyncadd.s32 $0xFFFFEC00  }
0xdd: {  	[tilespmem:s7], [sflag:$0x5] =	stream.indirect.gather [hbm4b:s1+s14], $0x80, s25, s14, $0xb8;
	[tilespmem:$0x1A720] =	vst v63  }
0xde: {  	_ =	swait.ge [sflag:s19], $0x1400  }
0xdf: {  	[sflag:s19] =	ssyncset.done $0x0  }
0xe0: {  	[sflag:s19] =	ssyncadd.s32 $0xFFFFEC00  }
0xe1: {  	[spmem:s3] =	stream.indirect.scatter.add.f32 [tilespmem:s29], [sflag:$0x6], $0x80, s11, s14, $0xb8;
	[tilespmem:$0x1A720] =	vst v63  }
0xe2: {  	_ =	swait.ge [sflag:s20], $0x1400  }
0xe3: {  	[sflag:s20] =	ssyncset.done $0x0  }
0xe4: {  	s5 =	rddreg [dreg:$0x12];
	[sflag:s20] =	ssyncadd.s32 $0xFFFFEC00  }
0xe5: {  	[spmem:s3] =	stream.indirect.scatter.add.f32 [tilespmem:s31], [sflag:$0x7], $0x80, s5, s14, $0xb8;
	[tilespmem:$0x1A720] =	vst v63  }
0xe6: {  	_ =	swait.ge [sflag:s21], $0x1400  }
0xe7: {  	[sflag:s21] =	ssyncset.done $0x0  }
0xe8: {  	s25 =	rddreg [dreg:$0x13];
	[sflag:s21] =	ssyncadd.s32 $0xFFFFEC00  }
0xe9: {  	[spmem:s3] =	stream.indirect.scatter.add.f32 [tilespmem:s2], [sflag:$0x8], $0x80, s25, s14, $0xb8;
	[tilespmem:$0x1A720] =	vst v63  }
0xea: {  	_ =	swait.ge [sflag:s22], $0x1400  }
0xeb: {  	[sflag:s22] =	ssyncset.done $0x0  }
0xec: {  	s5 =	rddreg [dreg:$0x14];
	[sflag:s22] =	ssyncadd.s32 $0xFFFFEC00  }
0xed: {  	[spmem:s3] =	stream.indirect.scatter.add.f32 [tilespmem:s0], [sflag:$0x9], $0x80, s5, s14, $0xb8;
	[tilespmem:$0x1A720] =	vst v63  }
0xee: {  	_ =	swait.ge [sflag:s23], $0x1400  }
0xef: {  	[sflag:s23] =	ssyncset.done $0x0  }
0xf0: {  	s25 =	rddreg [dreg:$0x15];
	[sflag:s23] =	ssyncadd.s32 $0xFFFFEC00  }
0xf1: {  	[spmem:s3] =	stream.indirect.scatter.add.f32 [tilespmem:s7], [sflag:$0xA], $0x80, s25, s14, $0xb8;
	[tilespmem:$0x1A720] =	vst v63  }
0xf2: {  	s6 =	sadd.s32 $0x4B, s6  }
0xf3: {  	[tilespmem:s10], [sflag:$0xC] =	stream.linear.gather [hbm4b:s6+s4], $0xC8, $0x38;
	[tilespmem:$0x1A720] =	vst v63  }
0xf4: {  	s26 =	simm.s32 $0x32;
	s6 =	sadd.s32 $0x4B, s28  }
.LBB2_2:
0xf5: {  	[tilespmem:s11], [sflag:$0xC] =	stream.linear.gather [hbm4b:s6+s4], $0xC8, $0x38;
	[tilespmem:$0x1A720] =	vst v63  }
0xf6: {  	_ =	swait.ge [sflag:s12], $0xC8  }
0xf7: {  	[sflag:s12] =	ssyncset.done $0x0  }
0xf8: {  	[sflag:s12] =	ssyncadd.s32 $0xFFFFFF38  }
0xf9: {  	_ =	swait.ge [sflag:s12], $0xC8  }
0xfa: {  	[sflag:s12] =	ssyncset.done $0x0  }
0xfb: {  	[sflag:s12] =	ssyncadd.s32 $0xFFFFFF38  }
0xfc: {  	_ =	swait.ge [sflag:s13], $0x1400  }
0xfd: {  	[sflag:s13] =	ssyncset.done $0x0  }
0xfe: {  	[sflag:s13] =	ssyncadd.s32 $0xFFFFEC00  }
0xff: {  	[tilespmem:s29], [sflag:$0x1] =	stream.indirect.gather [hbm4b:s1+s14], $0x80, s8, s14, $0xb8;
	[tilespmem:$0x1A720] =	vst v63  }
0x100: {  	_ =	swait.ge [sflag:s15], $0x1400  }
0x101: {  	[sflag:s15] =	ssyncset.done $0x0  }
0x102: {  	s5 =	rddreg [dreg:$0x6];
	[sflag:s15] =	ssyncadd.s32 $0xFFFFEC00  }
0x103: {  	[tilespmem:s31], [sflag:$0x2] =	stream.indirect.gather [hbm4b:s1+s14], $0x80, s5, s14, $0xb8;
	[tilespmem:$0x1A720] =	vst v63  }
0x104: {  	_ =	swait.ge [sflag:s16], $0x1400  }
0x105: {  	[sflag:s16] =	ssyncset.done $0x0  }
0x106: {  	s25 =	rddreg [dreg:$0x7];
	[sflag:s16] =	ssyncadd.s32 $0xFFFFEC00  }
0x107: {  	[tilespmem:s2], [sflag:$0x3] =	stream.indirect.gather [hbm4b:s1+s14], $0x80, s25, s14, $0xb8;
	[tilespmem:$0x1A720] =	vst v63  }
0x108: {  	_ =	swait.ge [sflag:s17], $0x1400  }
0x109: {  	[sflag:s17] =	ssyncset.done $0x0  }
0x10a: {  	s5 =	rddreg [dreg:$0x8];
	[sflag:s17] =	ssyncadd.s32 $0xFFFFEC00  }
0x10b: {  	[tilespmem:s0], [sflag:$0x4] =	stream.indirect.gather [hbm4b:s1+s14], $0x80, s5, s14, $0xb8;
	[tilespmem:$0x1A720] =	vst v63  }
0x10c: {  	_ =	swait.ge [sflag:s18], $0x1400  }
0x10d: {  	[sflag:s18] =	ssyncset.done $0x0  }
0x10e: {  	s25 =	rddreg [dreg:$0x9];
	[sflag:s18] =	ssyncadd.s32 $0xFFFFEC00  }
0x10f: {  	[tilespmem:s7], [sflag:$0x5] =	stream.indirect.gather [hbm4b:s1+s14], $0x80, s25, s14, $0xb8;
	[tilespmem:$0x1A720] =	vst v63  }
0x110: {  	_ =	swait.ge [sflag:s19], $0x1400  }
0x111: {  	[sflag:s19] =	ssyncset.done $0x0  }
0x112: {  	[sflag:s19] =	ssyncadd.s32 $0xFFFFEC00  }
0x113: {  	[spmem:s3] =	stream.indirect.scatter.add.f32 [tilespmem:s29], [sflag:$0x6], $0x80, s9, s14, $0xb8;
	[tilespmem:$0x1A720] =	vst v63  }
0x114: {  	_ =	swait.ge [sflag:s20], $0x1400  }
0x115: {  	[sflag:s20] =	ssyncset.done $0x0  }
0x116: {  	s5 =	rddreg [dreg:$0xa];
	[sflag:s20] =	ssyncadd.s32 $0xFFFFEC00  }
0x117: {  	[spmem:s3] =	stream.indirect.scatter.add.f32 [tilespmem:s31], [sflag:$0x7], $0x80, s5, s14, $0xb8;
	[tilespmem:$0x1A720] =	vst v63  }
0x118: {  	_ =	swait.ge [sflag:s21], $0x1400  }
0x119: {  	[sflag:s21] =	ssyncset.done $0x0  }
0x11a: {  	s25 =	rddreg [dreg:$0xb];
	[sflag:s21] =	ssyncadd.s32 $0xFFFFEC00  }
0x11b: {  	[spmem:s3] =	stream.indirect.scatter.add.f32 [tilespmem:s2], [sflag:$0x8], $0x80, s25, s14, $0xb8;
	[tilespmem:$0x1A720] =	vst v63  }
0x11c: {  	_ =	swait.ge [sflag:s22], $0x1400  }
0x11d: {  	[sflag:s22] =	ssyncset.done $0x0  }
0x11e: {  	s5 =	rddreg [dreg:$0xc];
	[sflag:s22] =	ssyncadd.s32 $0xFFFFEC00  }
0x11f: {  	[spmem:s3] =	stream.indirect.scatter.add.f32 [tilespmem:s0], [sflag:$0x9], $0x80, s5, s14, $0xb8;
	[tilespmem:$0x1A720] =	vst v63  }
0x120: {  	_ =	swait.ge [sflag:s23], $0x1400  }
0x121: {  	s6 =	rddreg [dreg:$0xd];
	[sflag:s23] =	ssyncset.done $0x0  }
0x122: {  	s28 =	smov.u32 s26;
	s5 =	rddreg [dreg:$0x4];
	[sflag:s23] =	ssyncadd.s32 $0xFFFFEC00  }
0x123: {  	[spmem:s3] =	stream.indirect.scatter.add.f32 [tilespmem:s7], [sflag:$0xA], $0x80, s6, s14, $0xb8;
	[tilespmem:$0x1A720] =	vst v63  }
0x124: {  	s25 =	rddreg [dreg:$0x5];
	s6 =	sadd.s32 s28, s5  }
0x125: {  	s28 =	sadd.s32 s28, s25;
	s5 =	sadd.s32 $0x32, s6  }
0x126: {  	[tilespmem:s8], [sflag:$0xB] =	stream.linear.gather [hbm4b:s5+s4], $0xC8, $0x38;
	[tilespmem:$0x1A720] =	vst v63  }
0x127: {  	s25 =	sadd.s32 $0x32, s28  }
0x128: {  	[tilespmem:s9], [sflag:$0xB] =	stream.linear.gather [hbm4b:s25+s4], $0xC8, $0x38;
	[tilespmem:$0x1A720] =	vst v63  }
0x129: {  	_ =	swait.ge [sflag:s24], $0xC8  }
0x12a: {  	[sflag:s24] =	ssyncset.done $0x0  }
0x12b: {  	[sflag:s24] =	ssyncadd.s32 $0xFFFFFF38  }
0x12c: {  	_ =	swait.ge [sflag:s24], $0xC8  }
0x12d: {  	[sflag:s24] =	ssyncset.done $0x0  }
0x12e: {  	[sflag:s24] =	ssyncadd.s32 $0xFFFFFF38  }
0x12f: {  	_ =	swait.ge [sflag:s13], $0x1400  }
0x130: {  	[sflag:s13] =	ssyncset.done $0x0  }
0x131: {  	[sflag:s13] =	ssyncadd.s32 $0xFFFFEC00  }
0x132: {  	[tilespmem:s29], [sflag:$0x1] =	stream.indirect.gather [hbm4b:s1+s14], $0x80, s10, s14, $0xb8;
	[tilespmem:$0x1A720] =	vst v63  }
0x133: {  	_ =	swait.ge [sflag:s15], $0x1400  }
0x134: {  	[sflag:s15] =	ssyncset.done $0x0  }
0x135: {  	s25 =	rddreg [dreg:$0xe];
	[sflag:s15] =	ssyncadd.s32 $0xFFFFEC00  }
0x136: {  	[tilespmem:s31], [sflag:$0x2] =	stream.indirect.gather [hbm4b:s1+s14], $0x80, s25, s14, $0xb8;
	[tilespmem:$0x1A720] =	vst v63  }
0x137: {  	_ =	swait.ge [sflag:s16], $0x1400  }
0x138: {  	[sflag:s16] =	ssyncset.done $0x0  }
0x139: {  	s25 =	rddreg [dreg:$0xf];
	[sflag:s16] =	ssyncadd.s32 $0xFFFFEC00  }
0x13a: {  	[tilespmem:s2], [sflag:$0x3] =	stream.indirect.gather [hbm4b:s1+s14], $0x80, s25, s14, $0xb8;
	[tilespmem:$0x1A720] =	vst v63  }
0x13b: {  	_ =	swait.ge [sflag:s17], $0x1400  }
0x13c: {  	[sflag:s17] =	ssyncset.done $0x0  }
0x13d: {  	s25 =	rddreg [dreg:$0x10];
	[sflag:s17] =	ssyncadd.s32 $0xFFFFEC00  }
0x13e: {  	[tilespmem:s0], [sflag:$0x4] =	stream.indirect.gather [hbm4b:s1+s14], $0x80, s25, s14, $0xb8;
	[tilespmem:$0x1A720] =	vst v63  }
0x13f: {  	_ =	swait.ge [sflag:s18], $0x1400  }
0x140: {  	[sflag:s18] =	ssyncset.done $0x0  }
0x141: {  	s25 =	rddreg [dreg:$0x11];
	[sflag:s18] =	ssyncadd.s32 $0xFFFFEC00  }
0x142: {  	[tilespmem:s7], [sflag:$0x5] =	stream.indirect.gather [hbm4b:s1+s14], $0x80, s25, s14, $0xb8;
	[tilespmem:$0x1A720] =	vst v63  }
0x143: {  	_ =	swait.ge [sflag:s19], $0x1400  }
0x144: {  	[sflag:s19] =	ssyncset.done $0x0  }
0x145: {  	[sflag:s19] =	ssyncadd.s32 $0xFFFFEC00  }
0x146: {  	[spmem:s3] =	stream.indirect.scatter.add.f32 [tilespmem:s29], [sflag:$0x6], $0x80, s11, s14, $0xb8;
	[tilespmem:$0x1A720] =	vst v63  }
0x147: {  	_ =	swait.ge [sflag:s20], $0x1400  }
0x148: {  	[sflag:s20] =	ssyncset.done $0x0  }
0x149: {  	s25 =	rddreg [dreg:$0x12];
	[sflag:s20] =	ssyncadd.s32 $0xFFFFEC00  }
0x14a: {  	[spmem:s3] =	stream.indirect.scatter.add.f32 [tilespmem:s31], [sflag:$0x7], $0x80, s25, s14, $0xb8;
	[tilespmem:$0x1A720] =	vst v63  }
0x14b: {  	_ =	swait.ge [sflag:s21], $0x1400  }
0x14c: {  	[sflag:s21] =	ssyncset.done $0x0  }
0x14d: {  	s25 =	rddreg [dreg:$0x13];
	[sflag:s21] =	ssyncadd.s32 $0xFFFFEC00  }
0x14e: {  	[spmem:s3] =	stream.indirect.scatter.add.f32 [tilespmem:s2], [sflag:$0x8], $0x80, s25, s14, $0xb8;
	[tilespmem:$0x1A720] =	vst v63  }
0x14f: {  	_ =	swait.ge [sflag:s22], $0x1400  }
0x150: {  	[sflag:s22] =	ssyncset.done $0x0  }
0x151: {  	s25 =	rddreg [dreg:$0x14];
	[sflag:s22] =	ssyncadd.s32 $0xFFFFEC00  }
0x152: {  	[spmem:s3] =	stream.indirect.scatter.add.f32 [tilespmem:s0], [sflag:$0x9], $0x80, s25, s14, $0xb8;
	[tilespmem:$0x1A720] =	vst v63  }
0x153: {  	p0 =	sne.s32 s26, $0x4B0;
	_ =	swait.ge [sflag:s23], $0x1400  }
.Ltmp0:
0x154: {  	[sflag:s23] =	ssyncset.done $0x0;
	(pc) =	sbr.rel @p0 .LBB2_2-.Ltmp0, $4  }
0x155: {  	s5 =	rddreg [dreg:$0x15];
	[sflag:s23] =	ssyncadd.s32 $0xFFFFEC00  }
0x156: {  	[spmem:s3] =	stream.indirect.scatter.add.f32 [tilespmem:s7], [sflag:$0xA], $0x80, s5, s14, $0xb8;
	[tilespmem:$0x1A720] =	vst v63  }
0x157: {  	s26 =	sadd.s32 $0x32, s26;
	s25 =	sadd.s32 $0x4B, s6;
	s6 =	sadd.s32 $0x4B, s28  }
0x158: {  	[tilespmem:s10], [sflag:$0xC] =	stream.linear.gather [hbm4b:s25+s4], $0xC8, $0x38;
	[tilespmem:$0x1A720] =	vst v63  }
0x159: {  	[tilespmem:s11], [sflag:$0xC] =	stream.linear.gather [hbm4b:s6+s4], $0xC8, $0x38;
	[tilespmem:$0x1A720] =	vst v63  }
0x15a: {  	_ =	swait.ge [sflag:s13], $0x1400  }
0x15b: {  	[sflag:s13] =	ssyncset.done $0x0  }
0x15c: {  	[sflag:s13] =	ssyncadd.s32 $0xFFFFEC00  }
0x15d: {  	_ =	swait.ge [sflag:s15], $0x1400  }
0x15e: {  	[sflag:s15] =	ssyncset.done $0x0  }
0x15f: {  	[sflag:s15] =	ssyncadd.s32 $0xFFFFEC00  }
0x160: {  	_ =	swait.ge [sflag:s16], $0x1400  }
0x161: {  	[sflag:s16] =	ssyncset.done $0x0  }
0x162: {  	[sflag:s16] =	ssyncadd.s32 $0xFFFFEC00  }
0x163: {  	_ =	swait.ge [sflag:s17], $0x1400  }
0x164: {  	[sflag:s17] =	ssyncset.done $0x0  }
0x165: {  	[sflag:s17] =	ssyncadd.s32 $0xFFFFEC00  }
0x166: {  	_ =	swait.ge [sflag:s18], $0x1400  }
0x167: {  	[sflag:s18] =	ssyncset.done $0x0  }
0x168: {  	[sflag:s18] =	ssyncadd.s32 $0xFFFFEC00  }
0x169: {  	_ =	swait.ge [sflag:s12], $0xC8  }
0x16a: {  	[sflag:s12] =	ssyncset.done $0x0  }
0x16b: {  	[sflag:s12] =	ssyncadd.s32 $0xFFFFFF38  }
0x16c: {  	_ =	swait.ge [sflag:s12], $0xC8  }
0x16d: {  	[sflag:s12] =	ssyncset.done $0x0  }
0x16e: {  	[sflag:s12] =	ssyncadd.s32 $0xFFFFFF38  }
0x16f: {  	_ =	swait.ge [sflag:s24], $0xC8  }
0x170: {  	[sflag:s24] =	ssyncset.done $0x0  }
0x171: {  	[sflag:s24] =	ssyncadd.s32 $0xFFFFFF38  }
0x172: {  	_ =	swait.ge [sflag:s24], $0xC8  }
0x173: {  	[sflag:s24] =	ssyncset.done $0x0  }
0x174: {  	[sflag:s24] =	ssyncadd.s32 $0xFFFFFF38  }
0x175: {  	[bflag:$0x0] =	sbarrier.arrive $0xFFFF  }
0x176: {  	s5 =	stileid.u32;
	s26 =	sld [smem:$0x7FC]  }
0x177: {  	s5 =	sshll.u32 s5, $0x6;
	s25 =	rddreg [dreg:$0x17]  }
0x178: {  	s5 =	sor.u32 $0x1C0D, s5;
	s28 =	sshrl.u32 s25, $0x3  }
0x179: {  	[hbm:s26], [sflag:s5] =	dma.local [spmem:s28], $0x2800  }
0x17a: {  	_ =	swait.ge [sflag:s30], $0x2800  }
0x17b: {  	s26 =	sld [smem:$0x7F0]  }
0x17c: {  	s28 =	sld [smem:$0x7FD];
	_ =	sdelay $0x1  }
0x17d: {  	s6 =	sadd.s32 $0x1, s26  }
0x17e: {  	p0 =	sne.s32 s6, s28  }
.Ltmp1:
0x17f: {  	_ = 	snop;
	(pc) =	sbr.rel @p0 .LBB2_1-.Ltmp1, $3  }
0x180: {  	_ =	sdelay $0x1  }
0x181: {  	[sflag:s30] =	ssyncset.done $0x0  }
0x182: {  	[sflag:s30] =	ssyncadd.s32 $0xFFFFD800  }
0x183: {  	_ =	sfence.sel $0x180000  }
0x184: {  	[bflag:$0x0] =	sbarrier.arrive $0xFFFF  }
0x185: {  	_ =	strace $0x9000004A  }
0x186: {  	s0 =	stileid.u32;
	[bflag:$0x2] =	sbarrier.arrive $0xFFFF  }
0x187: {  	p0 =	sne.s32 s0, $0x0;
	s0 =	rddreg [dreg:$0x3]  }
0x188: {  	s0 =	sadd.s32 @!p0 $0x100000, s0  }
0x189: {  	[sflag:s0] =	ssyncadd.tile.s32 @!p0 $0x1;
	_ =	shalt  }
.Lfunc_end2:
_tile_overlayer_lowered:
.L_overlay_start_2:
0x18a: {  	(tag) =	ssettag $0x2  }
0x18b: {  	s0 =	rddreg [dreg:$0x0];
	s2 =	stileid.u32  }
0x18c: {  	s1 =	rddreg [dreg:$0x1];
	p0 =	sne.s32 s2, $0x0  }
0x18d: {  	s3 =	rddreg [dreg:$0x2];
	[bflag:$0x3] =	sbarrier.arrive $0xFFFF;
	s2 =	simm.s32 @!p0 $0x1C0D  }
0x18e: {  	[timem:s3], [sflag:s2] =	dma.local @!p0 [hbm:s0], s1  }
0x18f: {  	s0 =	simm.s32 @!p0 $0xD  }
0x190: {  	_ =	swait.ge @!p0 [sflag:s0], s1  }
0x191: {  	s1 =	ssub.s32 @!p0 $0x0, s1;
	[sflag:s0] =	ssyncset.done @!p0 $0x0  }
0x192: {  	[sflag:s0] =	ssyncadd.s32 @!p0 s1  }
0x193: {  	[bflag:$0x3] =	sbarrier.arrive $0xFFFF  }
0x194: {  	_ =	shalt  }

// kernel: kernel.7.cloned.1.call-start
scs
__scs_entry_jumppad:
0x0: {  	(pc) =	sbr.rel $0x88, $3  }
0x1: {  	(tag) =	ssettag $0x0;
	lr =	simm.s32 $0x1  }
0x2: {  	[smem:$0x3F99] =	sst lr;
	_ =	strace $0xD0000000  }
0x3: {  	_ = 	snop  }
0x4: {  	_ = 	snop  }
0x5: {  	_ = 	snop  }
0x6: {  	_ = 	snop  }
0x7: {  	_ = 	snop  }
__scs_overlays_trampoline_lowered:
0x8: {  	[smem:$0x3FA8] =	sst s0  }
0x9: {  	[smem:$0x3FA9] =	sst s1  }
0xa: {  	[smem:$0x3FAA] =	sst s2  }
0xb: {  	[smem:$0x3FAB] =	sst s3  }
0xc: {  	[smem:$0x3FAC] =	sst s4  }
0xd: {  	[smem:$0x3FAD] =	sst s5  }
0xe: {  	[smem:$0x3FAE] =	sst s6  }
0xf: {  	[smem:$0x3FAF] =	sst s7  }
0x10: {  	[smem:$0x3FB0] =	sst s8  }
0x11: {  	[smem:$0x3FB1] =	sst s9;
	s0 =	simm.s32 @!p0 $0x0  }
0x12: {  	s1 =	sld [smem:$0x3F97];
	s0 =	simm.s32 @p0 $0x1  }
0x13: {  	[smem:$0x3FB2] =	sst s0;
	s0 =	simm.s32 @!p1 $0x0  }
0x14: {  	s2 =	sld [smem:$0x3F96];
	s0 =	simm.s32 @p1 $0x1  }
0x15: {  	[smem:$0x3FB3] =	sst s0;
	s0 =	simm.s32 @!p2 $0x0  }
0x16: {  	s3 =	sld [smem:$0x3FDB];
	s0 =	simm.s32 @p2 $0x1  }
0x17: {  	s4 =	simm.s32 $0x1BF5;
	[smem:$0x3FB5] =	sst s0  }
0x18: {  	s0 =	sld [smem:$0x3F98];
	_ =	swait.ge [sflag:s4], $0x0  }
0x19: {  	s7 =	sld [smem:$0x3F99]  }
0x1a: {  	s8 =	sadd.s32 $0xFFFFE003, lr  }
0x1b: {  	s9 =	sadd.s32 $0xFFFFFEF7, lr;
	s5 =	simm.s32 $0xFFFFFFFF;
	p2 =	slt.u32 s8, $0xFFFFF086  }
0x1c: {  	p1 =	slt.u32 s9, $0xF7A;
	s5 =	simm.s32 @!p2 $0x0  }
0x1d: {  	s5 =	simm.s32 @p1 $0x1;
	p0 =	seq.s32 s7, s2  }
0x1e: {  	s7 =	smul.u32 @!p0 $0xF7A, s2;
	p2 =	seq.s32 @!p0 s5, $0x0  }
0x1f: {  	s9 =	smul.u32 $0xF7A, s1;
	s8 =	simm.s32 @!p0 $0x1BF5;
	p2 =	por !p2, p0  }
0x20: {  	[sflag:s8] =	ssyncset.s32 @!p0 $0xFFFFF086;
	s6 =	sadd.s32 @!p0 s3, s7;
	s7 =	simm.s32 @!p0 $0x108  }
0x21: {  	s3 =	sadd.s32 s3, s9;
	s6 =	sadd.s32 @!p0 $0x88, s6;
	s7 =	simm.s32 @p2 $0x1082  }
0x22: {  	[simem:s7], [sflag:s8] =	dma.local @!p0 [hbm:s6], $0xF7A  }
0x23: {  	s9 =	sor.u32 $0xD0000000, s2;
	s6 =	simm.s32 $0x108;
	_ =	swait.ge @!p0 [sflag:s8], $0x0  }
0x24: {  	s3 =	sadd.s32 $0x88, s3;
	s6 =	simm.s32 @!p1 $0x1082;
	[sflag:s4] =	ssyncset.s32 $0xFFFFF086  }
0x25: {  	[simem:s6], [sflag:s4] =	dma.local [hbm:s3], $0xF7A  }
0x26: {  	[smem:$0x3F99] =	sst s1;
	(tag) =	ssettag s2;
	_ =	strace s9  }
0x27: {  	s1 =	sld [smem:$0x3FA9]  }
0x28: {  	s2 =	sld [smem:$0x3FAA]  }
0x29: {  	s4 =	sld [smem:$0x3FAC]  }
0x2a: {  	p0 =	seq.s32 s5, $0x0;
	s5 =	sld [smem:$0x3FAD]  }
0x2b: {  	s6 =	sld [smem:$0x3FAE]  }
0x2c: {  	s7 =	sld [smem:$0x3FAF]  }
0x2d: {  	s3 =	simm.s32 $0x108;
	s8 =	sld [smem:$0x3FB0]  }
0x2e: {  	s3 =	simm.s32 @!p0 $0x1082;
	s9 =	sld [smem:$0x3FB1]  }
0x2f: {  	lr =	sadd.s32 s0, s3;
	s0 =	sld [smem:$0x3FA8]  }
0x30: {  	s3 =	sld [smem:$0x3FAB]  }
0x31: {  	[smem:$0x3FB4] =	sst s10  }
0x32: {  	s10 =	sld [smem:$0x3FB2];
	_ =	sdelay $0x3  }
0x33: {  	p0 =	seq.s32 s10, $0x1;
	s10 =	sld [smem:$0x3FB4];
	_ =	sdelay $0x3  }
0x34: {  	[smem:$0x3FB4] =	sst s10  }
0x35: {  	s10 =	sld [smem:$0x3FB3];
	_ =	sdelay $0x3  }
0x36: {  	p1 =	seq.s32 s10, $0x1;
	s10 =	sld [smem:$0x3FB4];
	_ =	sdelay $0x3  }
0x37: {  	[smem:$0x3FB4] =	sst s10  }
0x38: {  	s10 =	sld [smem:$0x3FB5]  }
0x39: {  	_ = 	snop;
	(pc) =	sbr.ind lr, $3  }
0x3a: {  	_ = 	snop  }
0x3b: {  	_ = 	snop  }
0x3c: {  	p2 =	seq.s32 s10, $0x1;
	s10 =	sld [smem:$0x3FB4]  }
0x3d: {  	_ =	shalt  }
0x3e: {  	_ =	shalt  }
0x3f: {  	_ =	shalt  }
0x40: {  	_ =	shalt  }
0x41: {  	_ =	shalt  }
0x42: {  	_ =	shalt  }
0x43: {  	_ =	shalt  }
0x44: {  	_ =	shalt  }
0x45: {  	_ =	shalt  }
0x46: {  	_ =	shalt  }
0x47: {  	_ =	shalt  }
0x48: {  	_ =	shalt  }
0x49: {  	_ =	shalt  }
0x4a: {  	_ =	shalt  }
0x4b: {  	_ =	shalt  }
0x4c: {  	_ =	shalt  }
0x4d: {  	_ =	shalt  }
0x4e: {  	_ =	shalt  }
0x4f: {  	_ =	shalt  }
0x50: {  	_ =	shalt  }
0x51: {  	_ =	shalt  }
0x52: {  	_ =	shalt  }
0x53: {  	_ =	shalt  }
0x54: {  	_ =	shalt  }
0x55: {  	_ =	shalt  }
0x56: {  	_ =	shalt  }
0x57: {  	_ =	shalt  }
0x58: {  	_ =	shalt  }
0x59: {  	_ =	shalt  }
0x5a: {  	_ =	shalt  }
0x5b: {  	_ =	shalt  }
0x5c: {  	_ =	shalt  }
0x5d: {  	_ =	shalt  }
0x5e: {  	_ =	shalt  }
0x5f: {  	_ =	shalt  }
0x60: {  	_ =	shalt  }
0x61: {  	_ =	shalt  }
0x62: {  	_ =	shalt  }
0x63: {  	_ =	shalt  }
0x64: {  	_ =	shalt  }
0x65: {  	_ =	shalt  }
0x66: {  	_ =	shalt  }
0x67: {  	_ =	shalt  }
0x68: {  	_ =	shalt  }
0x69: {  	_ =	shalt  }
0x6a: {  	_ =	shalt  }
0x6b: {  	_ =	shalt  }
0x6c: {  	_ =	shalt  }
0x6d: {  	_ =	shalt  }
0x6e: {  	_ =	shalt  }
0x6f: {  	_ =	shalt  }
0x70: {  	_ =	shalt  }
0x71: {  	_ =	shalt  }
0x72: {  	_ =	shalt  }
0x73: {  	_ =	shalt  }
0x74: {  	_ =	shalt  }
0x75: {  	_ =	shalt  }
0x76: {  	_ =	shalt  }
0x77: {  	_ =	shalt  }
0x78: {  	_ =	shalt  }
0x79: {  	_ =	shalt  }
0x7a: {  	_ =	shalt  }
0x7b: {  	_ =	shalt  }
0x7c: {  	_ =	shalt  }
0x7d: {  	_ =	shalt  }
0x7e: {  	_ =	shalt  }
0x7f: {  	_ =	shalt  }
0x80: {  	_ =	shalt  }
0x81: {  	_ =	shalt  }
0x82: {  	_ =	shalt  }
0x83: {  	_ =	shalt  }
0x84: {  	_ =	shalt  }
0x85: {  	_ =	shalt  }
0x86: {  	_ =	shalt  }
0x87: {  	_ =	shalt  }
.Lfunc_end0:
.L_simem_size_0:
called_computation_lowered:
.L_overlay_start_0:
0x88: {  	s2 =	sld [smem:$0x3FD9]  }
0x89: {  	s3 =	sld [smem:$0x3FFE];
	_ =	sdelay $0x1  }
0x8a: {  	s1 =	srdreg.scid  }
0x8b: {  	s0 =	sand.u32 $0x1, s1  }
0x8c: {  	s17 =	sshll.u32 s0, $0xA;
	s2 =	sadd.s32 s3, s2  }
0x8d: {  	s2 =	sadd.s32 s2, s17  }
0x8e: {  	[smem:$0x3FC0] =	sst s2  }
0x8f: {  	_ = 	snop  }
0x90: {  	s2 =	sld [smem:$0x3FD0];
	(tm) =	ssettm $0x1  }
0x91: {  	s18 =	sld [smem:$0x3FFB];
	_ =	sdelay $0x3  }
0x92: {  	_ =	strace s18  }
0x93: {  	s3 =	sld [smem:$0x3FFC];
	_ =	sdelay $0x3  }
0x94: {  	_ =	strace s3  }
0x95: {  	s3 =	sld [smem:$0x3FFD];
	_ =	sdelay $0x3  }
0x96: {  	_ =	strace s3  }
0x97: {  	_ =	strace $0x8FFFFFFF  }
0x98: {  	s19 =	sld [smem:$0x3FDB];
	_ =	sdelay $0x1  }
0x99: {  	s4 =	simm.s32 $_scs_section_size  }
0x9a: {  	s5 =	simm.s32 $_size__tile_overlayer_lowered;
	s6 =	simm.s32 $_tile_overlayer_lowered  }
0x9b: {  	s22 =	simm.s32 $0x1BFF;
	s21 =	sshll.u32 s6, $0x1;
	s3 =	sadd.s32 s4, s19  }
0x9c: {  	s7 =	simm.s32 $0x0;
	s20 =	sshll.u32 s5, $0x1;
	s5 =	sadd.s32 s21, s3  }
0x9d: {  	[timem:s7], [sflag:s22] =	dma.local [hbm:s5], s20  }
0x9e: {  	_ =	swait.ge [sflag:s22], s20  }
0x9f: {  	s4 =	ssub.s32 $0x0, s20;
	[sflag:s22] =	ssyncset.done $0x0  }
0xa0: {  	[sflag:s22] =	ssyncadd.s32 s4;
	_ =	sdelay $0x1  }
0xa1: {  	s23 =	simm.s32 $0x1B8B  }
0xa2: {  	_ =	swait.ge [sflag:s23], $0x1  }
0xa3: {  	[sflag:s23] =	ssyncset.done $0x0  }
0xa4: {  	s25 =	simm.s32 $0x1B8E;
	s24 =	sld [smem:$0x3FFE];
	[sflag:s23] =	ssyncadd.s32 $0xFFFFFFFF  }
0xa5: {  	s26 =	simm.s32 $execute0_lowered;
	[smem:$0x3FD2] =	sst s25  }
0xa6: {  	s5 =	sshll.u32 s26, $0x1;
	_ =	strace $0x80000046;
	[dreg:$0x1] =	wrdreg $0xFFFFFFFF  }
0xa7: {  	s28 =	simm.s32 $_size_execute0_lowered;
	s3 =	sadd.s32 s3, s5;
	[dreg:$0x0] =	wrdreg $0x0  }
0xa8: {  	s5 =	sshll.u32 s28, $0x1;
	[dreg:$0x2] =	wrdreg s3  }
0xa9: {  	[dreg:$0x3] =	wrdreg s5  }
0xaa: {  	[dreg:$0x4] =	wrdreg $0xC0  }
0xab: {  	_ =	task [dreg:s7], $0x5FFFF  }
0xac: {  	[dreg:$0x1] =	wrdreg $0xFFFFFFFF  }
0xad: {  	[dreg:$0x0] =	wrdreg $0x60  }
0xae: {  	[dreg:$0x2] =	wrdreg s24  }
0xaf: {  	[dreg:$0x3] =	wrdreg s2  }
0xb0: {  	[dreg:$0x4] =	wrdreg $0x0  }
0xb1: {  	[dreg:$0x5] =	wrdreg $0x9  }
0xb2: {  	_ =	task.clear_ibuf [dreg:s7], $0x6FFFF;
	_ =	strace $0x90000046  }
0xb3: {  	s29 =	simm.s32 $0x9;
	_ =	strace $0x80000048  }
0xb4: {  	_ =	swait.ge [sflag:s29], $0x1  }
0xb5: {  	[sflag:s29] =	ssyncadd.s32 $0xFFFFFFFF  }
0xb6: {  	_ =	strace $0x90000048  }
0xb7: {  	_ =	sfence  }
0xb8: {  	s30 =	sld [smem:$0x0];
	_ =	sdelay $0x2  }
0xb9: {  	s31 =	sshll.u32 s1, $0xD;
	s1 =	sshrl.u32 s1, $0x2  }
0xba: {  	s3 =	sand.u32 $0x4000, s31;
	s1 =	sadd.s32 s1, s30  }
0xbb: {  	s0 =	sor.u32 s3, s0;
	s1 =	sshll.u32 s1, $0x11  }
0xbc: {  	s0 =	sor.u32 s1, s0  }
0xbd: {  	s0 =	sadd.s32 $0x8F2B, s0  }
0xbe: {  	[sflag:s0] =	ssyncadd.remote.s32 $0x1  }
0xbf: {  	_ =	sfence.sel $0xFFFF  }
0xc0: {  	[dreg:$0x0] =	wrdreg $0xFFFFFFFF;
	(pc) =	sbr.abs _section_cstart, $3  }
0xc1: {  	[dreg:$0x1] =	wrdreg $0xFFFFFFFF  }
0xc2: {  	_ =	task.clear_ibuf [dreg:s7], $0x2FFFF;
	_ =	strace $0x9FFFFFFF  }
0xc3: {  	(tm) =	ssettm $0x7FFFFFFF  }
tec
execute0_lowered:
.L_overlay_start_1:
0x0: {  	(tag) =	ssettag $0x1  }
0x1: {  	s0 =	rddreg [dreg:$0x0];
	s1 =	srdreg.scid  }
0x2: {  	s2 =	stileid.u32;
	s3 =	rddreg [dreg:$0x2];
	s4 =	simm.s32 $0x0  }
0x3: {  	s24 =	simm.s32 $0x16828;
	s28 =	simm.s32 $0x16850;
	s8 =	smul.u32 $0x16800, s2  }
0x4: {  	s14 =	simm.s32 $0x168A0;
	s6 =	sand.u32 $0x1, s1;
	s10 =	smul.u32 $0x5A000, s2  }
0x5: {  	[smem:$0x7FF] =	sst s4;
	s7 =	sadd.s32 $0x1A00, s0;
	s17 =	smul.u32 $0x4E2, s2  }
0x6: {  	s1 =	smul.u32 $0x168000, s6;
	_ =	strace $0x80000047;
	[dreg:$0x6] =	wrdreg s24  }
0x7: {  	s16 =	ssub.s32 $0x2, s6;
	s12 =	sshll.u32 s6, $0x4;
	[dreg:$0x7] =	wrdreg s28  }
0x8: {  	s13 =	smul.u32 $0x4E20, s6;
	[dreg:$0x9] =	wrdreg s14;
	s24 =	simm.s32 $0x168F0  }
0x9: {  	s28 =	simm.s32 $0x16918;
	s14 =	simm.s32 $0x16968;
	[dreg:$0xe] =	wrdreg s24  }
0xa: {  	s11 =	sshrl.u32 s16, $0x1;
	s25 =	sadd.s32 s8, s3;
	[dreg:$0xf] =	wrdreg s28  }
0xb: {  	s18 =	sshrl.u32 s10, $0x2;
	[dreg:$0x11] =	wrdreg s14;
	s9 =	sadd.s32 s8, s1  }
0xc: {  	s6 =	ssub.s32 s16, s11;
	s16 =	simm.s32 $0x169B8;
	[dreg:$0x16] =	wrdreg s25  }
0xd: {  	s8 =	sadd.s32 s18, s3;
	s18 =	simm.s32 $0x169E0;
	[dreg:$0xa] =	wrdreg s16  }
0xe: {  	s19 =	sadd.s32 s13, s7;
	s21 =	sadd.s32 $0x1680, s8;
	[dreg:$0xb] =	wrdreg s18  }
0xf: {  	s10 =	sadd.s32 s17, s19;
	[dreg:$0x17] =	wrdreg s21  }
0x10: {  	s23 =	sadd.s32 $0x2D00, s8;
	[dreg:$0x4] =	wrdreg s10  }
0x11: {  	s26 =	sadd.s32 $0x4380, s8;
	[dreg:$0x18] =	wrdreg s23  }
0x12: {  	s1 =	sadd.s32 $0xB800, s0;
	s11 =	sadd.s32 $0x5A00, s8;
	[dreg:$0x19] =	wrdreg s26  }
0x13: {  	s20 =	sadd.s32 s13, s1;
	s13 =	sadd.s32 $0x7080, s8;
	[dreg:$0x1a] =	wrdreg s11  }
0x14: {  	s15 =	sadd.s32 $0x8700, s8;
	[dreg:$0x1b] =	wrdreg s13  }
0x15: {  	s29 =	simm.s32 $0x16B20;
	s19 =	sadd.s32 $0xB400, s8;
	[dreg:$0x1c] =	wrdreg s15  }
0x16: {  	s30 =	simm.s32 $0xD;
	s16 =	simm.s32 $0x16A80;
	[dreg:$0x1e] =	wrdreg s19  }
0x17: {  	s31 =	simm.s32 $0x181A0;
	s18 =	simm.s32 $0x16AD0;
	[dreg:$0x12] =	wrdreg s16  }
0x18: {  	s5 =	sadd.s32 $0x15600, s0;
	s24 =	sadd.s32 $0x13B00, s8;
	[dreg:$0x14] =	wrdreg s18  }
0x19: {  	s9 =	sshrl.u32 s9, $0x3;
	s28 =	smax.u32 s6, $0x1;
	[smem:$0x7FA] =	sst s24  }
0x1a: {  	s0 =	sadd.s32 s9, s0;
	s22 =	sadd.s32 s17, s20;
	[smem:$0x7FD] =	sst s28  }
0x1b: {  	s9 =	sor.u32 s2, s12;
	s12 =	simm.s32 $0x16878;
	[dreg:$0x5] =	wrdreg s22  }
0x1c: {  	s14 =	simm.s32 $0x28;
	s17 =	sadd.s32 $0x9D80, s8;
	[dreg:$0x8] =	wrdreg s12  }
0x1d: {  	s6 =	simm.s32 $0x0;
	s21 =	sadd.s32 $0xCA80, s8;
	[dreg:$0x1d] =	wrdreg s17  }
0x1e: {  	s20 =	simm.s32 $0x16A08;
	s26 =	sadd.s32 $0xE100, s8;
	[dreg:$0x1f] =	wrdreg s21  }
0x1f: {  	s13 =	simm.s32 $0x16940;
	s10 =	simm.s32 $0x168C8;
	[dreg:$0xc] =	wrdreg s20  }
0x20: {  	s11 =	simm.s32 $0x16A58;
	s16 =	simm.s32 $0x8;
	[smem:$0x7F2] =	sst s26  }
0x21: {  	s18 =	simm.s32 $0xA;
	s22 =	simm.s32 $0x16A30;
	[dreg:$0x10] =	wrdreg s13  }
0x22: {  	s24 =	simm.s32 $0xC;
	s17 =	simm.s32 $0x16AA8;
	[dreg:$0xd] =	wrdreg s22  }
0x23: {  	s23 =	smul.u32 $0x4E2, s9;
	s21 =	sadd.s32 $0xF780, s8;
	[dreg:$0x13] =	wrdreg s17  }
0x24: {  	s9 =	smul.u32 $0x2710, s9;
	s20 =	simm.s32 $0x16AF8;
	[smem:$0x7F7] =	sst s21  }
0x25: {  	s26 =	sadd.s32 $0x15180, s8;
	s0 =	sadd.s32 $0x41600, s0;
	[dreg:$0x15] =	wrdreg s20  }
0x26: {  	s13 =	simm.s32 $0x6;
	s22 =	sadd.s32 $0x10E00, s8;
	[smem:$0x7FB] =	sst s26  }
0x27: {  	[smem:$0x7FC] =	sst s0;
	s0 =	simm.s32 $0x1AEA0;
	s17 =	simm.s32 $0x9  }
0x28: {  	s20 =	simm.s32 $0x2;
	s21 =	simm.s32 $0x3;
	s12 =	sadd.s32 s7, s23  }
0x29: {  	s15 =	sadd.s32 s1, s23;
	s9 =	sadd.s32 $0xC8, s9;
	[smem:$0x7F8] =	sst s22  }
0x2a: {  	s23 =	sadd.s32 $0x12480, s8;
	s8 =	simm.s32 $0x16800;
	[smem:$0x7F3] =	sst s12  }
0x2b: {  	s22 =	simm.s32 $0x4;
	[smem:$0x7F4] =	sst s15;
	s9 =	sshrl.u32 s9, $0x3  }
0x2c: {  	[smem:$0x7F9] =	sst s23;
	s12 =	simm.s32 $0xB;
	s15 =	simm.s32 $0x7  }
0x2d: {  	s23 =	simm.s32 $0x5;
	s19 =	sadd.s32 s7, s9;
	s1 =	sadd.s32 s1, s9  }
0x2e: {  	s7 =	simm.s32 $0x1C520;
	s9 =	simm.s32 $0x16990;
	[smem:$0x7F5] =	sst s19  }
0x2f: {  	[smem:$0x7F6] =	sst s1;
	s1 =	simm.s32 $0x19820;
	s19 =	simm.s32 $0x1  }
.LBB2_1:
0x30: {  	[smem:$0x7F1] =	sst s6  }
0x31: {  	s2 =	rddreg [dreg:$0x1]  }
0x32: {  	[tilespmem:s29], [sflag:$0xD] =	stream.linear.gather [hbm4b:s2+s4], $0x1680, $0x38;
	[tilespmem:$0x1DBA0] =	vst v63  }
0x33: {  	_ =	swait.ge [sflag:s30], $0x1680  }
0x34: {  	[sflag:s30] =	ssyncset.done $0x0  }
0x35: {  	[sflag:s30] =	ssyncadd.s32 $0xFFFFE980  }
0x36: {  	[spmem:s25] =	stream.linear.scatter [tilespmem:s29], [sflag:$0xD], $0x1680, $0x38;
	[tilespmem:$0x1DBA0] =	vst v63  }
0x37: {  	_ =	swait.ge [sflag:s30], $0x1680  }
0x38: {  	[sflag:s30] =	ssyncset.done $0x0  }
0x39: {  	s25 =	rddreg [dreg:$0x17];
	[sflag:s30] =	ssyncadd.s32 $0xFFFFE980  }
0x3a: {  	[spmem:s25] =	stream.linear.scatter [tilespmem:s29], [sflag:$0xD], $0x1680, $0x38;
	[tilespmem:$0x1DBA0] =	vst v63  }
0x3b: {  	_ =	swait.ge [sflag:s30], $0x1680  }
0x3c: {  	[sflag:s30] =	ssyncset.done $0x0  }
0x3d: {  	s26 =	rddreg [dreg:$0x18];
	[sflag:s30] =	ssyncadd.s32 $0xFFFFE980  }
0x3e: {  	[spmem:s26] =	stream.linear.scatter [tilespmem:s29], [sflag:$0xD], $0x1680, $0x38;
	[tilespmem:$0x1DBA0] =	vst v63  }
0x3f: {  	_ =	swait.ge [sflag:s30], $0x1680  }
0x40: {  	[sflag:s30] =	ssyncset.done $0x0  }
0x41: {  	s28 =	rddreg [dreg:$0x19];
	[sflag:s30] =	ssyncadd.s32 $0xFFFFE980  }
0x42: {  	[spmem:s28] =	stream.linear.scatter [tilespmem:s29], [sflag:$0xD], $0x1680, $0x38;
	[tilespmem:$0x1DBA0] =	vst v63  }
0x43: {  	_ =	swait.ge [sflag:s30], $0x1680  }
0x44: {  	[sflag:s30] =	ssyncset.done $0x0  }
0x45: {  	s25 =	rddreg [dreg:$0x1a];
	[sflag:s30] =	ssyncadd.s32 $0xFFFFE980  }
0x46: {  	[spmem:s25] =	stream.linear.scatter [tilespmem:s29], [sflag:$0xD], $0x1680, $0x38;
	[tilespmem:$0x1DBA0] =	vst v63  }
0x47: {  	_ =	swait.ge [sflag:s30], $0x1680  }
0x48: {  	[sflag:s30] =	ssyncset.done $0x0  }
0x49: {  	s26 =	rddreg [dreg:$0x1b];
	[sflag:s30] =	ssyncadd.s32 $0xFFFFE980  }
0x4a: {  	[spmem:s26] =	stream.linear.scatter [tilespmem:s29], [sflag:$0xD], $0x1680, $0x38;
	[tilespmem:$0x1DBA0] =	vst v63  }
0x4b: {  	_ =	swait.ge [sflag:s30], $0x1680  }
0x4c: {  	[sflag:s30] =	ssyncset.done $0x0  }
0x4d: {  	s28 =	rddreg [dreg:$0x1c];
	[sflag:s30] =	ssyncadd.s32 $0xFFFFE980  }
0x4e: {  	[spmem:s28] =	stream.linear.scatter [tilespmem:s29], [sflag:$0xD], $0x1680, $0x38;
	[tilespmem:$0x1DBA0] =	vst v63  }
0x4f: {  	_ =	swait.ge [sflag:s30], $0x1680  }
0x50: {  	[sflag:s30] =	ssyncset.done $0x0  }
0x51: {  	s25 =	rddreg [dreg:$0x1d];
	[sflag:s30] =	ssyncadd.s32 $0xFFFFE980  }
0x52: {  	[spmem:s25] =	stream.linear.scatter [tilespmem:s29], [sflag:$0xD], $0x1680, $0x38;
	[tilespmem:$0x1DBA0] =	vst v63  }
0x53: {  	_ =	swait.ge [sflag:s30], $0x1680  }
0x54: {  	[sflag:s30] =	ssyncset.done $0x0  }
0x55: {  	s26 =	rddreg [dreg:$0x1e];
	[sflag:s30] =	ssyncadd.s32 $0xFFFFE980  }
0x56: {  	[spmem:s26] =	stream.linear.scatter [tilespmem:s29], [sflag:$0xD], $0x1680, $0x38;
	[tilespmem:$0x1DBA0] =	vst v63  }
0x57: {  	_ =	swait.ge [sflag:s30], $0x1680  }
0x58: {  	[sflag:s30] =	ssyncset.done $0x0  }
0x59: {  	s28 =	rddreg [dreg:$0x1f];
	[sflag:s30] =	ssyncadd.s32 $0xFFFFE980  }
0x5a: {  	[spmem:s28] =	stream.linear.scatter [tilespmem:s29], [sflag:$0xD], $0x1680, $0x38;
	[tilespmem:$0x1DBA0] =	vst v63  }
0x5b: {  	_ =	swait.ge [sflag:s30], $0x1680  }
0x5c: {  	s25 =	sld [smem:$0x7F2]  }
0x5d: {  	[sflag:s30] =	ssyncset.done $0x0  }
0x5e: {  	[sflag:s30] =	ssyncadd.s32 $0xFFFFE980  }
0x5f: {  	[spmem:s25] =	stream.linear.scatter [tilespmem:s29], [sflag:$0xD], $0x1680, $0x38;
	[tilespmem:$0x1DBA0] =	vst v63  }
0x60: {  	_ =	swait.ge [sflag:s30], $0x1680  }
0x61: {  	s26 =	sld [smem:$0x7F7]  }
0x62: {  	[sflag:s30] =	ssyncset.done $0x0  }
0x63: {  	[sflag:s30] =	ssyncadd.s32 $0xFFFFE980  }
0x64: {  	[spmem:s26] =	stream.linear.scatter [tilespmem:s29], [sflag:$0xD], $0x1680, $0x38;
	[tilespmem:$0x1DBA0] =	vst v63  }
0x65: {  	_ =	swait.ge [sflag:s30], $0x1680  }
0x66: {  	s28 =	sld [smem:$0x7F8]  }
0x67: {  	[sflag:s30] =	ssyncset.done $0x0  }
0x68: {  	[sflag:s30] =	ssyncadd.s32 $0xFFFFE980  }
0x69: {  	[spmem:s28] =	stream.linear.scatter [tilespmem:s29], [sflag:$0xD], $0x1680, $0x38;
	[tilespmem:$0x1DBA0] =	vst v63  }
0x6a: {  	_ =	swait.ge [sflag:s30], $0x1680  }
0x6b: {  	s25 =	sld [smem:$0x7F9]  }
0x6c: {  	[sflag:s30] =	ssyncset.done $0x0  }
0x6d: {  	[sflag:s30] =	ssyncadd.s32 $0xFFFFE980  }
0x6e: {  	[spmem:s25] =	stream.linear.scatter [tilespmem:s29], [sflag:$0xD], $0x1680, $0x38;
	[tilespmem:$0x1DBA0] =	vst v63  }
0x6f: {  	_ =	swait.ge [sflag:s30], $0x1680  }
0x70: {  	s26 =	sld [smem:$0x7FA]  }
0x71: {  	[sflag:s30] =	ssyncset.done $0x0  }
0x72: {  	[sflag:s30] =	ssyncadd.s32 $0xFFFFE980  }
0x73: {  	[spmem:s26] =	stream.linear.scatter [tilespmem:s29], [sflag:$0xD], $0x1680, $0x38;
	[tilespmem:$0x1DBA0] =	vst v63  }
0x74: {  	_ =	swait.ge [sflag:s30], $0x1680  }
0x75: {  	s28 =	sld [smem:$0x7FB]  }
0x76: {  	[sflag:s30] =	ssyncset.done $0x0  }
0x77: {  	[sflag:s30] =	ssyncadd.s32 $0xFFFFE980  }
0x78: {  	[spmem:s28] =	stream.linear.scatter [tilespmem:s29], [sflag:$0xD], $0x1680, $0x38;
	[tilespmem:$0x1DBA0] =	vst v63  }
0x79: {  	_ =	swait.ge [sflag:s30], $0x1680  }
0x7a: {  	[sflag:s30] =	ssyncset.done $0x0  }
0x7b: {  	[sflag:s30] =	ssyncadd.s32 $0xFFFFE980  }
0x7c: {  	[tilespmem:s29], [sflag:$0x6] =	stream.linear.gather [hbm4b:s2+s4], $0x1680, $0x38;
	[tilespmem:$0x1DBA0] =	vst v63  }
0x7d: {  	_ = 	snop  }
0x7e: {  	[tilespmem:s31], [sflag:$0x7] =	stream.linear.gather [hbm4b:s2+s4], $0x1680, $0x38;
	[tilespmem:$0x1DBA0] =	vst v63  }
0x7f: {  	_ = 	snop  }
0x80: {  	[tilespmem:s1], [sflag:$0x8] =	stream.linear.gather [hbm4b:s2+s4], $0x1680, $0x38;
	[tilespmem:$0x1DBA0] =	vst v63  }
0x81: {  	_ = 	snop  }
0x82: {  	[tilespmem:s0], [sflag:$0x9] =	stream.linear.gather [hbm4b:s2+s4], $0x1680, $0x38;
	[tilespmem:$0x1DBA0] =	vst v63  }
0x83: {  	_ = 	snop  }
0x84: {  	[tilespmem:s7], [sflag:$0xA] =	stream.linear.gather [hbm4b:s2+s4], $0x1680, $0x38;
	[tilespmem:$0x1DBA0] =	vst v63  }
0x85: {  	[bflag:$0x0] =	sbarrier.arrive $0xFFFF  }
0x86: {  	s25 =	sld [smem:$0x7F3];
	_ =	sdelay $0x1  }
0x87: {  	s26 =	sld [smem:$0x7F4]  }
0x88: {  	[tilespmem:s8], [sflag:$0xB] =	stream.linear.gather [hbm4b:s25+s4], $0xC8, $0x38;
	[tilespmem:$0x1DBA0] =	vst v63  }
0x89: {  	s28 =	sld [smem:$0x7F5]  }
0x8a: {  	[tilespmem:s9], [sflag:$0xB] =	stream.linear.gather [hbm4b:s26+s4], $0xC8, $0x38;
	[tilespmem:$0x1DBA0] =	vst v63  }
0x8b: {  	s6 =	sld [smem:$0x7F6]  }
0x8c: {  	[tilespmem:s10], [sflag:$0xC] =	stream.linear.gather [hbm4b:s28+s4], $0xC8, $0x38;
	[tilespmem:$0x1DBA0] =	vst v63  }
0x8d: {  	_ = 	snop  }
0x8e: {  	[tilespmem:s11], [sflag:$0xC] =	stream.linear.gather [hbm4b:s6+s4], $0xC8, $0x38;
	[tilespmem:$0x1DBA0] =	vst v63  }
0x8f: {  	_ =	swait.ge [sflag:s12], $0xC8  }
0x90: {  	[sflag:s12] =	ssyncset.done $0x0  }
0x91: {  	[sflag:s12] =	ssyncadd.s32 $0xFFFFFF38  }
0x92: {  	_ =	swait.ge [sflag:s12], $0xC8  }
0x93: {  	[sflag:s12] =	ssyncset.done $0x0  }
0x94: {  	[sflag:s12] =	ssyncadd.s32 $0xFFFFFF38  }
0x95: {  	_ =	swait.ge [sflag:s13], $0x1680  }
0x96: {  	[sflag:s13] =	ssyncset.done $0x0  }
0x97: {  	[sflag:s13] =	ssyncadd.s32 $0xFFFFE980  }
0x98: {  	[tilespmem:s29], [sflag:$0x1] =	stream.indirect.gather [hbm4b:s5+s14], $0x90, s8, s14, $0xb8;
	[tilespmem:$0x1DBA0] =	vst v63  }
0x99: {  	_ =	swait.ge [sflag:s15], $0x1680  }
0x9a: {  	[sflag:s15] =	ssyncset.done $0x0  }
0x9b: {  	s25 =	rddreg [dreg:$0x6];
	[sflag:s15] =	ssyncadd.s32 $0xFFFFE980  }
0x9c: {  	[tilespmem:s31], [sflag:$0x2] =	stream.indirect.gather [hbm4b:s5+s14], $0x90, s25, s14, $0xb8;
	[tilespmem:$0x1DBA0] =	vst v63  }
0x9d: {  	_ =	swait.ge [sflag:s16], $0x1680  }
0x9e: {  	[sflag:s16] =	ssyncset.done $0x0  }
0x9f: {  	s26 =	rddreg [dreg:$0x7];
	[sflag:s16] =	ssyncadd.s32 $0xFFFFE980  }
0xa0: {  	[tilespmem:s1], [sflag:$0x3] =	stream.indirect.gather [hbm4b:s5+s14], $0x90, s26, s14, $0xb8;
	[tilespmem:$0x1DBA0] =	vst v63  }
0xa1: {  	_ =	swait.ge [sflag:s17], $0x1680  }
0xa2: {  	[sflag:s17] =	ssyncset.done $0x0  }
0xa3: {  	s28 =	rddreg [dreg:$0x8];
	[sflag:s17] =	ssyncadd.s32 $0xFFFFE980  }
0xa4: {  	[tilespmem:s0], [sflag:$0x4] =	stream.indirect.gather [hbm4b:s5+s14], $0x90, s28, s14, $0xb8;
	[tilespmem:$0x1DBA0] =	vst v63  }
0xa5: {  	_ =	swait.ge [sflag:s18], $0x1680  }
0xa6: {  	[sflag:s18] =	ssyncset.done $0x0  }
0xa7: {  	s2 =	rddreg [dreg:$0x9];
	[sflag:s18] =	ssyncadd.s32 $0xFFFFE980  }
0xa8: {  	[tilespmem:s7], [sflag:$0x5] =	stream.indirect.gather [hbm4b:s5+s14], $0x90, s2, s14, $0xb8;
	[tilespmem:$0x1DBA0] =	vst v63  }
0xa9: {  	_ =	swait.ge [sflag:s19], $0x1680  }
0xaa: {  	[sflag:s19] =	ssyncset.done $0x0  }
0xab: {  	[sflag:s19] =	ssyncadd.s32 $0xFFFFE980  }
0xac: {  	[spmem:s3] =	stream.indirect.scatter.add.f32 [tilespmem:s29], [sflag:$0x6], $0x90, s9, s14, $0xb8;
	[tilespmem:$0x1DBA0] =	vst v63  }
0xad: {  	_ =	swait.ge [sflag:s20], $0x1680  }
0xae: {  	[sflag:s20] =	ssyncset.done $0x0  }
0xaf: {  	s25 =	rddreg [dreg:$0xa];
	[sflag:s20] =	ssyncadd.s32 $0xFFFFE980  }
0xb0: {  	[spmem:s3] =	stream.indirect.scatter.add.f32 [tilespmem:s31], [sflag:$0x7], $0x90, s25, s14, $0xb8;
	[tilespmem:$0x1DBA0] =	vst v63  }
0xb1: {  	_ =	swait.ge [sflag:s21], $0x1680  }
0xb2: {  	[sflag:s21] =	ssyncset.done $0x0  }
0xb3: {  	s26 =	rddreg [dreg:$0xb];
	[sflag:s21] =	ssyncadd.s32 $0xFFFFE980  }
0xb4: {  	[spmem:s3] =	stream.indirect.scatter.add.f32 [tilespmem:s1], [sflag:$0x8], $0x90, s26, s14, $0xb8;
	[tilespmem:$0x1DBA0] =	vst v63  }
0xb5: {  	_ =	swait.ge [sflag:s22], $0x1680  }
0xb6: {  	[sflag:s22] =	ssyncset.done $0x0  }
0xb7: {  	s28 =	rddreg [dreg:$0xc];
	[sflag:s22] =	ssyncadd.s32 $0xFFFFE980  }
0xb8: {  	[spmem:s3] =	stream.indirect.scatter.add.f32 [tilespmem:s0], [sflag:$0x9], $0x90, s28, s14, $0xb8;
	[tilespmem:$0x1DBA0] =	vst v63  }
0xb9: {  	_ =	swait.ge [sflag:s23], $0x1680  }
0xba: {  	s2 =	rddreg [dreg:$0xd]  }
0xbb: {  	[sflag:s23] =	ssyncset.done $0x0;
	s26 =	rddreg [dreg:$0x4]  }
0xbc: {  	s28 =	rddreg [dreg:$0x5];
	[sflag:s23] =	ssyncadd.s32 $0xFFFFE980;
	s6 =	sadd.s32 $0x0, s26  }
0xbd: {  	[spmem:s3] =	stream.indirect.scatter.add.f32 [tilespmem:s7], [sflag:$0xA], $0x90, s2, s14, $0xb8;
	[tilespmem:$0x1DBA0] =	vst v63  }
0xbe: {  	s28 =	sadd.s32 $0x0, s28;
	s26 =	sadd.s32 $0x32, s6  }
0xbf: {  	[tilespmem:s8], [sflag:$0xB] =	stream.linear.gather [hbm4b:s26+s4], $0xC8, $0x38;
	[tilespmem:$0x1DBA0] =	vst v63  }
0xc0: {  	s25 =	sadd.s32 $0x32, s28  }
0xc1: {  	[tilespmem:s9], [sflag:$0xB] =	stream.linear.gather [hbm4b:s25+s4], $0xC8, $0x38;
	[tilespmem:$0x1DBA0] =	vst v63  }
0xc2: {  	_ =	swait.ge [sflag:s24], $0xC8  }
0xc3: {  	[sflag:s24] =	ssyncset.done $0x0  }
0xc4: {  	[sflag:s24] =	ssyncadd.s32 $0xFFFFFF38  }
0xc5: {  	_ =	swait.ge [sflag:s24], $0xC8  }
0xc6: {  	[sflag:s24] =	ssyncset.done $0x0  }
0xc7: {  	[sflag:s24] =	ssyncadd.s32 $0xFFFFFF38  }
0xc8: {  	_ =	swait.ge [sflag:s13], $0x1680  }
0xc9: {  	[sflag:s13] =	ssyncset.done $0x0  }
0xca: {  	[sflag:s13] =	ssyncadd.s32 $0xFFFFE980  }
0xcb: {  	[tilespmem:s29], [sflag:$0x1] =	stream.indirect.gather [hbm4b:s5+s14], $0x90, s10, s14, $0xb8;
	[tilespmem:$0x1DBA0] =	vst v63  }
0xcc: {  	_ =	swait.ge [sflag:s15], $0x1680  }
0xcd: {  	[sflag:s15] =	ssyncset.done $0x0  }
0xce: {  	s2 =	rddreg [dreg:$0xe];
	[sflag:s15] =	ssyncadd.s32 $0xFFFFE980  }
0xcf: {  	[tilespmem:s31], [sflag:$0x2] =	stream.indirect.gather [hbm4b:s5+s14], $0x90, s2, s14, $0xb8;
	[tilespmem:$0x1DBA0] =	vst v63  }
0xd0: {  	_ =	swait.ge [sflag:s16], $0x1680  }
0xd1: {  	[sflag:s16] =	ssyncset.done $0x0  }
0xd2: {  	s25 =	rddreg [dreg:$0xf];
	[sflag:s16] =	ssyncadd.s32 $0xFFFFE980  }
0xd3: {  	[tilespmem:s1], [sflag:$0x3] =	stream.indirect.gather [hbm4b:s5+s14], $0x90, s25, s14, $0xb8;
	[tilespmem:$0x1DBA0] =	vst v63  }
0xd4: {  	_ =	swait.ge [sflag:s17], $0x1680  }
0xd5: {  	[sflag:s17] =	ssyncset.done $0x0  }
0xd6: {  	s2 =	rddreg [dreg:$0x10];
	[sflag:s17] =	ssyncadd.s32 $0xFFFFE980  }
0xd7: {  	[tilespmem:s0], [sflag:$0x4] =	stream.indirect.gather [hbm4b:s5+s14], $0x90, s2, s14, $0xb8;
	[tilespmem:$0x1DBA0] =	vst v63  }
0xd8: {  	_ =	swait.ge [sflag:s18], $0x1680  }
0xd9: {  	[sflag:s18] =	ssyncset.done $0x0  }
0xda: {  	s25 =	rddreg [dreg:$0x11];
	[sflag:s18] =	ssyncadd.s32 $0xFFFFE980  }
0xdb: {  	[tilespmem:s7], [sflag:$0x5] =	stream.indirect.gather [hbm4b:s5+s14], $0x90, s25, s14, $0xb8;
	[tilespmem:$0x1DBA0] =	vst v63  }
0xdc: {  	_ =	swait.ge [sflag:s19], $0x1680  }
0xdd: {  	[sflag:s19] =	ssyncset.done $0x0  }
0xde: {  	[sflag:s19] =	ssyncadd.s32 $0xFFFFE980  }
0xdf: {  	[spmem:s3] =	stream.indirect.scatter.add.f32 [tilespmem:s29], [sflag:$0x6], $0x90, s11, s14, $0xb8;
	[tilespmem:$0x1DBA0] =	vst v63  }
0xe0: {  	_ =	swait.ge [sflag:s20], $0x1680  }
0xe1: {  	[sflag:s20] =	ssyncset.done $0x0  }
0xe2: {  	s2 =	rddreg [dreg:$0x12];
	[sflag:s20] =	ssyncadd.s32 $0xFFFFE980  }
0xe3: {  	[spmem:s3] =	stream.indirect.scatter.add.f32 [tilespmem:s31], [sflag:$0x7], $0x90, s2, s14, $0xb8;
	[tilespmem:$0x1DBA0] =	vst v63  }
0xe4: {  	_ =	swait.ge [sflag:s21], $0x1680  }
0xe5: {  	[sflag:s21] =	ssyncset.done $0x0  }
0xe6: {  	s25 =	rddreg [dreg:$0x13];
	[sflag:s21] =	ssyncadd.s32 $0xFFFFE980  }
0xe7: {  	[spmem:s3] =	stream.indirect.scatter.add.f32 [tilespmem:s1], [sflag:$0x8], $0x90, s25, s14, $0xb8;
	[tilespmem:$0x1DBA0] =	vst v63  }
0xe8: {  	_ =	swait.ge [sflag:s22], $0x1680  }
0xe9: {  	[sflag:s22] =	ssyncset.done $0x0  }
0xea: {  	s2 =	rddreg [dreg:$0x14];
	[sflag:s22] =	ssyncadd.s32 $0xFFFFE980  }
0xeb: {  	[spmem:s3] =	stream.indirect.scatter.add.f32 [tilespmem:s0], [sflag:$0x9], $0x90, s2, s14, $0xb8;
	[tilespmem:$0x1DBA0] =	vst v63  }
0xec: {  	_ =	swait.ge [sflag:s23], $0x1680  }
0xed: {  	[sflag:s23] =	ssyncset.done $0x0  }
0xee: {  	s25 =	rddreg [dreg:$0x15];
	[sflag:s23] =	ssyncadd.s32 $0xFFFFE980  }
0xef: {  	[spmem:s3] =	stream.indirect.scatter.add.f32 [tilespmem:s7], [sflag:$0xA], $0x90, s25, s14, $0xb8;
	[tilespmem:$0x1DBA0] =	vst v63  }
0xf0: {  	s6 =	sadd.s32 $0x4B, s6  }
0xf1: {  	[tilespmem:s10], [sflag:$0xC] =	stream.linear.gather [hbm4b:s6+s4], $0xC8, $0x38;
	[tilespmem:$0x1DBA0] =	vst v63  }
0xf2: {  	s26 =	simm.s32 $0x32;
	s6 =	sadd.s32 $0x4B, s28  }
.LBB2_2:
0xf3: {  	[tilespmem:s11], [sflag:$0xC] =	stream.linear.gather [hbm4b:s6+s4], $0xC8, $0x38;
	[tilespmem:$0x1DBA0] =	vst v63  }
0xf4: {  	_ =	swait.ge [sflag:s12], $0xC8  }
0xf5: {  	[sflag:s12] =	ssyncset.done $0x0  }
0xf6: {  	[sflag:s12] =	ssyncadd.s32 $0xFFFFFF38  }
0xf7: {  	_ =	swait.ge [sflag:s12], $0xC8  }
0xf8: {  	[sflag:s12] =	ssyncset.done $0x0  }
0xf9: {  	[sflag:s12] =	ssyncadd.s32 $0xFFFFFF38  }
0xfa: {  	_ =	swait.ge [sflag:s13], $0x1680  }
0xfb: {  	[sflag:s13] =	ssyncset.done $0x0  }
0xfc: {  	[sflag:s13] =	ssyncadd.s32 $0xFFFFE980  }
0xfd: {  	[tilespmem:s29], [sflag:$0x1] =	stream.indirect.gather [hbm4b:s5+s14], $0x90, s8, s14, $0xb8;
	[tilespmem:$0x1DBA0] =	vst v63  }
0xfe: {  	_ =	swait.ge [sflag:s15], $0x1680  }
0xff: {  	[sflag:s15] =	ssyncset.done $0x0  }
0x100: {  	s2 =	rddreg [dreg:$0x6];
	[sflag:s15] =	ssyncadd.s32 $0xFFFFE980  }
0x101: {  	[tilespmem:s31], [sflag:$0x2] =	stream.indirect.gather [hbm4b:s5+s14], $0x90, s2, s14, $0xb8;
	[tilespmem:$0x1DBA0] =	vst v63  }
0x102: {  	_ =	swait.ge [sflag:s16], $0x1680  }
0x103: {  	[sflag:s16] =	ssyncset.done $0x0  }
0x104: {  	s25 =	rddreg [dreg:$0x7];
	[sflag:s16] =	ssyncadd.s32 $0xFFFFE980  }
0x105: {  	[tilespmem:s1], [sflag:$0x3] =	stream.indirect.gather [hbm4b:s5+s14], $0x90, s25, s14, $0xb8;
	[tilespmem:$0x1DBA0] =	vst v63  }
0x106: {  	_ =	swait.ge [sflag:s17], $0x1680  }
0x107: {  	[sflag:s17] =	ssyncset.done $0x0  }
0x108: {  	s2 =	rddreg [dreg:$0x8];
	[sflag:s17] =	ssyncadd.s32 $0xFFFFE980  }
0x109: {  	[tilespmem:s0], [sflag:$0x4] =	stream.indirect.gather [hbm4b:s5+s14], $0x90, s2, s14, $0xb8;
	[tilespmem:$0x1DBA0] =	vst v63  }
0x10a: {  	_ =	swait.ge [sflag:s18], $0x1680  }
0x10b: {  	[sflag:s18] =	ssyncset.done $0x0  }
0x10c: {  	s25 =	rddreg [dreg:$0x9];
	[sflag:s18] =	ssyncadd.s32 $0xFFFFE980  }
0x10d: {  	[tilespmem:s7], [sflag:$0x5] =	stream.indirect.gather [hbm4b:s5+s14], $0x90, s25, s14, $0xb8;
	[tilespmem:$0x1DBA0] =	vst v63  }
0x10e: {  	_ =	swait.ge [sflag:s19], $0x1680  }
0x10f: {  	[sflag:s19] =	ssyncset.done $0x0  }
0x110: {  	[sflag:s19] =	ssyncadd.s32 $0xFFFFE980  }
0x111: {  	[spmem:s3] =	stream.indirect.scatter.add.f32 [tilespmem:s29], [sflag:$0x6], $0x90, s9, s14, $0xb8;
	[tilespmem:$0x1DBA0] =	vst v63  }
0x112: {  	_ =	swait.ge [sflag:s20], $0x1680  }
0x113: {  	[sflag:s20] =	ssyncset.done $0x0  }
0x114: {  	s2 =	rddreg [dreg:$0xa];
	[sflag:s20] =	ssyncadd.s32 $0xFFFFE980  }
0x115: {  	[spmem:s3] =	stream.indirect.scatter.add.f32 [tilespmem:s31], [sflag:$0x7], $0x90, s2, s14, $0xb8;
	[tilespmem:$0x1DBA0] =	vst v63  }
0x116: {  	_ =	swait.ge [sflag:s21], $0x1680  }
0x117: {  	[sflag:s21] =	ssyncset.done $0x0  }
0x118: {  	s25 =	rddreg [dreg:$0xb];
	[sflag:s21] =	ssyncadd.s32 $0xFFFFE980  }
0x119: {  	[spmem:s3] =	stream.indirect.scatter.add.f32 [tilespmem:s1], [sflag:$0x8], $0x90, s25, s14, $0xb8;
	[tilespmem:$0x1DBA0] =	vst v63  }
0x11a: {  	_ =	swait.ge [sflag:s22], $0x1680  }
0x11b: {  	[sflag:s22] =	ssyncset.done $0x0  }
0x11c: {  	s2 =	rddreg [dreg:$0xc];
	[sflag:s22] =	ssyncadd.s32 $0xFFFFE980  }
0x11d: {  	[spmem:s3] =	stream.indirect.scatter.add.f32 [tilespmem:s0], [sflag:$0x9], $0x90, s2, s14, $0xb8;
	[tilespmem:$0x1DBA0] =	vst v63  }
0x11e: {  	_ =	swait.ge [sflag:s23], $0x1680  }
0x11f: {  	s6 =	rddreg [dreg:$0xd];
	[sflag:s23] =	ssyncset.done $0x0  }
0x120: {  	s28 =	smov.u32 s26;
	s2 =	rddreg [dreg:$0x4];
	[sflag:s23] =	ssyncadd.s32 $0xFFFFE980  }
0x121: {  	[spmem:s3] =	stream.indirect.scatter.add.f32 [tilespmem:s7], [sflag:$0xA], $0x90, s6, s14, $0xb8;
	[tilespmem:$0x1DBA0] =	vst v63  }
0x122: {  	s25 =	rddreg [dreg:$0x5];
	s6 =	sadd.s32 s28, s2  }
0x123: {  	s28 =	sadd.s32 s28, s25;
	s2 =	sadd.s32 $0x32, s6  }
0x124: {  	[tilespmem:s8], [sflag:$0xB] =	stream.linear.gather [hbm4b:s2+s4], $0xC8, $0x38;
	[tilespmem:$0x1DBA0] =	vst v63  }
0x125: {  	s25 =	sadd.s32 $0x32, s28  }
0x126: {  	[tilespmem:s9], [sflag:$0xB] =	stream.linear.gather [hbm4b:s25+s4], $0xC8, $0x38;
	[tilespmem:$0x1DBA0] =	vst v63  }
0x127: {  	_ =	swait.ge [sflag:s24], $0xC8  }
0x128: {  	[sflag:s24] =	ssyncset.done $0x0  }
0x129: {  	[sflag:s24] =	ssyncadd.s32 $0xFFFFFF38  }
0x12a: {  	_ =	swait.ge [sflag:s24], $0xC8  }
0x12b: {  	[sflag:s24] =	ssyncset.done $0x0  }
0x12c: {  	[sflag:s24] =	ssyncadd.s32 $0xFFFFFF38  }
0x12d: {  	_ =	swait.ge [sflag:s13], $0x1680  }
0x12e: {  	[sflag:s13] =	ssyncset.done $0x0  }
0x12f: {  	[sflag:s13] =	ssyncadd.s32 $0xFFFFE980  }
0x130: {  	[tilespmem:s29], [sflag:$0x1] =	stream.indirect.gather [hbm4b:s5+s14], $0x90, s10, s14, $0xb8;
	[tilespmem:$0x1DBA0] =	vst v63  }
0x131: {  	_ =	swait.ge [sflag:s15], $0x1680  }
0x132: {  	[sflag:s15] =	ssyncset.done $0x0  }
0x133: {  	s25 =	rddreg [dreg:$0xe];
	[sflag:s15] =	ssyncadd.s32 $0xFFFFE980  }
0x134: {  	[tilespmem:s31], [sflag:$0x2] =	stream.indirect.gather [hbm4b:s5+s14], $0x90, s25, s14, $0xb8;
	[tilespmem:$0x1DBA0] =	vst v63  }
0x135: {  	_ =	swait.ge [sflag:s16], $0x1680  }
0x136: {  	[sflag:s16] =	ssyncset.done $0x0  }
0x137: {  	s25 =	rddreg [dreg:$0xf];
	[sflag:s16] =	ssyncadd.s32 $0xFFFFE980  }
0x138: {  	[tilespmem:s1], [sflag:$0x3] =	stream.indirect.gather [hbm4b:s5+s14], $0x90, s25, s14, $0xb8;
	[tilespmem:$0x1DBA0] =	vst v63  }
0x139: {  	_ =	swait.ge [sflag:s17], $0x1680  }
0x13a: {  	[sflag:s17] =	ssyncset.done $0x0  }
0x13b: {  	s25 =	rddreg [dreg:$0x10];
	[sflag:s17] =	ssyncadd.s32 $0xFFFFE980  }
0x13c: {  	[tilespmem:s0], [sflag:$0x4] =	stream.indirect.gather [hbm4b:s5+s14], $0x90, s25, s14, $0xb8;
	[tilespmem:$0x1DBA0] =	vst v63  }
0x13d: {  	_ =	swait.ge [sflag:s18], $0x1680  }
0x13e: {  	[sflag:s18] =	ssyncset.done $0x0  }
0x13f: {  	s25 =	rddreg [dreg:$0x11];
	[sflag:s18] =	ssyncadd.s32 $0xFFFFE980  }
0x140: {  	[tilespmem:s7], [sflag:$0x5] =	stream.indirect.gather [hbm4b:s5+s14], $0x90, s25, s14, $0xb8;
	[tilespmem:$0x1DBA0] =	vst v63  }
0x141: {  	_ =	swait.ge [sflag:s19], $0x1680  }
0x142: {  	[sflag:s19] =	ssyncset.done $0x0  }
0x143: {  	[sflag:s19] =	ssyncadd.s32 $0xFFFFE980  }
0x144: {  	[spmem:s3] =	stream.indirect.scatter.add.f32 [tilespmem:s29], [sflag:$0x6], $0x90, s11, s14, $0xb8;
	[tilespmem:$0x1DBA0] =	vst v63  }
0x145: {  	_ =	swait.ge [sflag:s20], $0x1680  }
0x146: {  	[sflag:s20] =	ssyncset.done $0x0  }
0x147: {  	s25 =	rddreg [dreg:$0x12];
	[sflag:s20] =	ssyncadd.s32 $0xFFFFE980  }
0x148: {  	[spmem:s3] =	stream.indirect.scatter.add.f32 [tilespmem:s31], [sflag:$0x7], $0x90, s25, s14, $0xb8;
	[tilespmem:$0x1DBA0] =	vst v63  }
0x149: {  	_ =	swait.ge [sflag:s21], $0x1680  }
0x14a: {  	[sflag:s21] =	ssyncset.done $0x0  }
0x14b: {  	s25 =	rddreg [dreg:$0x13];
	[sflag:s21] =	ssyncadd.s32 $0xFFFFE980  }
0x14c: {  	[spmem:s3] =	stream.indirect.scatter.add.f32 [tilespmem:s1], [sflag:$0x8], $0x90, s25, s14, $0xb8;
	[tilespmem:$0x1DBA0] =	vst v63  }
0x14d: {  	_ =	swait.ge [sflag:s22], $0x1680  }
0x14e: {  	[sflag:s22] =	ssyncset.done $0x0  }
0x14f: {  	s25 =	rddreg [dreg:$0x14];
	[sflag:s22] =	ssyncadd.s32 $0xFFFFE980  }
0x150: {  	[spmem:s3] =	stream.indirect.scatter.add.f32 [tilespmem:s0], [sflag:$0x9], $0x90, s25, s14, $0xb8;
	[tilespmem:$0x1DBA0] =	vst v63  }
0x151: {  	p0 =	sne.s32 s26, $0x4B0;
	_ =	swait.ge [sflag:s23], $0x1680  }
.Ltmp0:
0x152: {  	[sflag:s23] =	ssyncset.done $0x0;
	(pc) =	sbr.rel @p0 .LBB2_2-.Ltmp0, $4  }
0x153: {  	s2 =	rddreg [dreg:$0x15];
	[sflag:s23] =	ssyncadd.s32 $0xFFFFE980  }
0x154: {  	[spmem:s3] =	stream.indirect.scatter.add.f32 [tilespmem:s7], [sflag:$0xA], $0x90, s2, s14, $0xb8;
	[tilespmem:$0x1DBA0] =	vst v63  }
0x155: {  	s26 =	sadd.s32 $0x32, s26;
	s25 =	sadd.s32 $0x4B, s6;
	s6 =	sadd.s32 $0x4B, s28  }
0x156: {  	[tilespmem:s10], [sflag:$0xC] =	stream.linear.gather [hbm4b:s25+s4], $0xC8, $0x38;
	[tilespmem:$0x1DBA0] =	vst v63  }
0x157: {  	[tilespmem:s11], [sflag:$0xC] =	stream.linear.gather [hbm4b:s6+s4], $0xC8, $0x38;
	[tilespmem:$0x1DBA0] =	vst v63  }
0x158: {  	_ =	swait.ge [sflag:s13], $0x1680  }
0x159: {  	[sflag:s13] =	ssyncset.done $0x0  }
0x15a: {  	[sflag:s13] =	ssyncadd.s32 $0xFFFFE980  }
0x15b: {  	_ =	swait.ge [sflag:s15], $0x1680  }
0x15c: {  	[sflag:s15] =	ssyncset.done $0x0  }
0x15d: {  	[sflag:s15] =	ssyncadd.s32 $0xFFFFE980  }
0x15e: {  	_ =	swait.ge [sflag:s16], $0x1680  }
0x15f: {  	[sflag:s16] =	ssyncset.done $0x0  }
0x160: {  	[sflag:s16] =	ssyncadd.s32 $0xFFFFE980  }
0x161: {  	_ =	swait.ge [sflag:s17], $0x1680  }
0x162: {  	[sflag:s17] =	ssyncset.done $0x0  }
0x163: {  	[sflag:s17] =	ssyncadd.s32 $0xFFFFE980  }
0x164: {  	_ =	swait.ge [sflag:s18], $0x1680  }
0x165: {  	[sflag:s18] =	ssyncset.done $0x0  }
0x166: {  	[sflag:s18] =	ssyncadd.s32 $0xFFFFE980  }
0x167: {  	_ =	swait.ge [sflag:s12], $0xC8  }
0x168: {  	[sflag:s12] =	ssyncset.done $0x0  }
0x169: {  	[sflag:s12] =	ssyncadd.s32 $0xFFFFFF38  }
0x16a: {  	_ =	swait.ge [sflag:s12], $0xC8  }
0x16b: {  	[sflag:s12] =	ssyncset.done $0x0  }
0x16c: {  	[sflag:s12] =	ssyncadd.s32 $0xFFFFFF38  }
0x16d: {  	_ =	swait.ge [sflag:s24], $0xC8  }
0x16e: {  	[sflag:s24] =	ssyncset.done $0x0  }
0x16f: {  	[sflag:s24] =	ssyncadd.s32 $0xFFFFFF38  }
0x170: {  	_ =	swait.ge [sflag:s24], $0xC8  }
0x171: {  	[sflag:s24] =	ssyncset.done $0x0  }
0x172: {  	[sflag:s24] =	ssyncadd.s32 $0xFFFFFF38  }
0x173: {  	[bflag:$0x0] =	sbarrier.arrive $0xFFFF  }
0x174: {  	s2 =	stileid.u32;
	s26 =	sld [smem:$0x7FC]  }
0x175: {  	s2 =	sshll.u32 s2, $0x6;
	s25 =	rddreg [dreg:$0x16]  }
0x176: {  	s2 =	sor.u32 $0x1C0D, s2;
	s28 =	sshrl.u32 s25, $0x3  }
0x177: {  	[hbm:s26], [sflag:s2] =	dma.local [spmem:s28], $0x2D00  }
0x178: {  	_ =	swait.ge [sflag:s30], $0x2D00  }
0x179: {  	s26 =	sld [smem:$0x7F1]  }
0x17a: {  	s28 =	sld [smem:$0x7FD];
	_ =	sdelay $0x1  }
0x17b: {  	s6 =	sadd.s32 $0x1, s26  }
0x17c: {  	p0 =	sne.s32 s6, s28  }
.Ltmp1:
0x17d: {  	_ = 	snop;
	(pc) =	sbr.rel @p0 .LBB2_1-.Ltmp1, $3  }
0x17e: {  	_ =	sdelay $0x1  }
0x17f: {  	[sflag:s30] =	ssyncset.done $0x0  }
0x180: {  	[sflag:s30] =	ssyncadd.s32 $0xFFFFD300  }
0x181: {  	_ =	sfence.sel $0x180000  }
0x182: {  	[bflag:$0x0] =	sbarrier.arrive $0xFFFF  }
0x183: {  	_ =	strace $0x90000047  }
0x184: {  	s0 =	stileid.u32;
	[bflag:$0x2] =	sbarrier.arrive $0xFFFF  }
0x185: {  	p0 =	sne.s32 s0, $0x0;
	s0 =	rddreg [dreg:$0x3]  }
0x186: {  	s0 =	sadd.s32 @!p0 $0x100000, s0  }
0x187: {  	[sflag:s0] =	ssyncadd.tile.s32 @!p0 $0x1;
	_ =	shalt  }
.Lfunc_end2:
_tile_overlayer_lowered:
.L_overlay_start_2:
0x188: {  	(tag) =	ssettag $0x2  }
0x189: {  	s0 =	rddreg [dreg:$0x0];
	s2 =	stileid.u32  }
0x18a: {  	s1 =	rddreg [dreg:$0x1];
	p0 =	sne.s32 s2, $0x0  }
0x18b: {  	s3 =	rddreg [dreg:$0x2];
	[bflag:$0x3] =	sbarrier.arrive $0xFFFF;
	s2 =	simm.s32 @!p0 $0x1C0D  }
0x18c: {  	[timem:s3], [sflag:s2] =	dma.local @!p0 [hbm:s0], s1  }
0x18d: {  	s0 =	simm.s32 @!p0 $0xD  }
0x18e: {  	_ =	swait.ge @!p0 [sflag:s0], s1  }
0x18f: {  	s1 =	ssub.s32 @!p0 $0x0, s1;
	[sflag:s0] =	ssyncset.done @!p0 $0x0  }
0x190: {  	[sflag:s0] =	ssyncadd.s32 @!p0 s1  }
0x191: {  	[bflag:$0x3] =	sbarrier.arrive $0xFFFF  }
0x192: {  	_ =	shalt  }

</sc_bundles>
